<compile_context>
chip_gen: v7x
topology: tpu7x:2x2x1
jax: 0.10.2.dev20260603
libtpu: 0.0.44.dev20260713+nightly
codegen_flags: <defaults>
</compile_context>

<pallas_src>
import jax
import jax.numpy as jnp
from jax import lax
from jax.experimental import pallas as pl
from jax.experimental.pallas import tpu as pltpu
from jax.experimental.pallas import tpu_sc as plsc

N = 10000
E = 320000
H = 128
G = 64
C = 10

NC = 2
NS = 16
NW = NC * NS

NP = 10240
EPAD = 327680
CH = 80
TCHUNK = EPAD // CH // NS
K0 = 192
K1 = TCHUNK - K0
NSTAGE = 8
QMAX = max(K0, K1) // NSTAGE
RP = NP // NS

BR = 1024
NB = NP // BR


def _sc_agg_body(h_hbm, src_flat_hbm, dst_hbm, zero_hbm, out_hbm, src2, dst2,
                 rows, sems_g, sems_s, agg_sh):
    c = lax.axis_index("c")
    s = lax.axis_index("s")
    row0 = pl.multiple_of(s * RP, RP)

    @pl.when(c == 0)
    def _():
        pltpu.sync_copy(h_hbm.at[pl.ds(row0, RP)], agg_sh.at[pl.ds(row0, RP)])

    @pl.when(c != 0)
    def _():
        pltpu.sync_copy(zero_hbm.at[pl.ds(row0, RP)], agg_sh.at[pl.ds(row0, RP)])

    plsc.subcore_barrier()

    def g_start(i, t):
        pltpu.async_copy(h_hbm.at[src2.at[pl.ds(i * CH, CH)]], rows[t],
                         sems_g[t])

    def g_wait(i, t):
        pltpu.make_async_copy(h_hbm.at[src2.at[pl.ds(i * CH, CH)]], rows[t],
                              sems_g[t]).wait()

    def s_start(i, t):
        pltpu.async_copy(rows[t], agg_sh.at[dst2.at[i]], sems_s[t], add=True)

    def s_wait(i, t):
        pltpu.make_async_copy(rows[t], agg_sh.at[dst2.at[i]], sems_s[t]).wait()

    def run_edges(base_chunk, k):
        if k == 0:
            return
        q = k // NSTAGE
        m = q // 4

        def body(j, carry):
            for t in range(4):
                i = 4 * j + t
                g_wait(i, t)
                s_start(i, t)
                tp = (t + 3) % 4
                if t == 0:
                    @pl.when(j > 0)
                    def _():
                        s_wait(i - 1, tp)

                    g_start(i + 3, tp)
                else:
                    s_wait(i - 1, tp)

                    @pl.when(j < m - 1)
                    def _():
                        g_start(i + 3, tp)
            return carry

        def quarter_body(quarter, carry):
            crow = pl.multiple_of(base_chunk + quarter * q, 8)
            pltpu.sync_copy(src_flat_hbm.at[pl.ds(crow * CH, q * CH)],
                            src2.at[pl.ds(0, q * CH)])
            pltpu.sync_copy(dst_hbm.at[pl.ds(crow, q)], dst2.at[pl.ds(0, q)])
            g_start(0, 0)
            g_start(1, 1)
            g_start(2, 2)
            lax.fori_loop(0, m, body, 0)
            s_wait(q - 1, (q - 1) % 4)
            return carry

        lax.fori_loop(0, NSTAGE, quarter_body, 0)

    @pl.when(c == 0)
    def _():
        run_edges(s * TCHUNK, K0)

    @pl.when(c != 0)
    def _():
        run_edges(s * TCHUNK + K0, K1)

    plsc.subcore_barrier()
    out0 = pl.multiple_of(c * NP + s * RP, RP)
    pltpu.sync_copy(agg_sh.at[pl.ds(row0, RP)], out_hbm.at[pl.ds(out0, RP)])


def _edge_agg(h, src_arr, dst_arr, zeros_tab):
    mesh = plsc.VectorSubcoreMesh(core_axis_name="c", subcore_axis_name="s")
    fn = pl.kernel(
        _sc_agg_body,
        out_type=jax.ShapeDtypeStruct((NC * NP, H), jnp.float32),
        mesh=mesh,
        scratch_types=[
            pltpu.VMEM((QMAX * CH,), jnp.int32),
            pltpu.VMEM((QMAX, CH), jnp.int32),
            [pltpu.VMEM((CH, H), jnp.float32) for _ in range(4)],
            [pltpu.SemaphoreType.DMA for _ in range(4)],
            [pltpu.SemaphoreType.DMA for _ in range(4)],
            pltpu.VMEM_SHARED((NP, H), jnp.float32),
        ],
    )
    return fn(h, src_arr, dst_arr, zeros_tab).reshape(NC, NP, H)


def _tc_mlp_body(parts_ref, w1_ref, c1_ref, w2_ref, c2_ref, batch_ref,
                 h_ref, pooled_ref):
    i = pl.program_id(0)
    s = parts_ref[0] + parts_ref[1]
    t = jnp.maximum(
        jnp.dot(s, w1_ref[...], preferred_element_type=jnp.float32) + c1_ref[...],
        0.0)
    u = jnp.maximum(
        jnp.dot(t, w2_ref[...], preferred_element_type=jnp.float32) + c2_ref[...],
        0.0)
    rowid = lax.broadcasted_iota(jnp.int32, (BR, 1), 0) + i * BR
    u = jnp.where(rowid < N, u, 0.0)
    h_ref[...] = u
    onehot = (batch_ref[0] == lax.broadcasted_iota(jnp.int32, (G, BR), 0)
              ).astype(jnp.float32)
    contrib = jnp.dot(onehot, u, preferred_element_type=jnp.float32)

    @pl.when(i == 0)
    def _():
        pooled_ref[...] = contrib

    @pl.when(i != 0)
    def _():
        pooled_ref[...] += contrib


def _mlp_and_pool(parts, w1e, c1, w2e, c2, batch_r):
    return pl.pallas_call(
        _tc_mlp_body,
        grid=(NB,),
        in_specs=[
            pl.BlockSpec((NC, BR, H), lambda i: (0, i, 0)),
            pl.BlockSpec((H, H), lambda i: (0, 0)),
            pl.BlockSpec((1, H), lambda i: (0, 0)),
            pl.BlockSpec((H, H), lambda i: (0, 0)),
            pl.BlockSpec((1, H), lambda i: (0, 0)),
            pl.BlockSpec((1, 1, BR), lambda i: (i, 0, 0)),
        ],
        out_specs=[
            pl.BlockSpec((BR, H), lambda i: (i, 0)),
            pl.BlockSpec((G, H), lambda i: (0, 0)),
        ],
        out_shape=[
            jax.ShapeDtypeStruct((NP, H), jnp.float32),
            jax.ShapeDtypeStruct((G, H), jnp.float32),
        ],
    )(parts, w1e, c1, w2e, c2, batch_r)


def _tc_head_body(p_ref, w1_ref, b1_ref, w2_ref, b2_ref, out_ref):
    hh = jnp.maximum(
        jnp.dot(p_ref[...], w1_ref[...], preferred_element_type=jnp.float32)
        + b1_ref[...], 0.0)
    out_ref[...] = (jnp.dot(hh, w2_ref[...], preferred_element_type=jnp.float32)
                    + b2_ref[...])


def _head(pooled_cat, w1, b1, w2p, b2p):
    return pl.pallas_call(
        _tc_head_body,
        out_shape=jax.ShapeDtypeStruct((G, H), jnp.float32),
    )(pooled_cat, w1, b1, w2p, b2p)


def _fold_bn(p):
    scale = 1.0 / jnp.sqrt(1.0 + 1e-5)
    a1 = p['g1'] * scale
    a2 = p['g2'] * scale
    w1e = p['W1'] * a1[None, :]
    c1 = (p['b1'] * a1 + p['be1']).reshape(1, H)
    w2e = p['W2'] * a2[None, :]
    c2 = (p['b2'] * a2 + p['be2']).reshape(1, H)
    return w1e, c1, w2e, c2


def kernel(x, edge_index, batch, params):
    zeros_tab = jnp.zeros((NP, H), jnp.float32)
    x_pad = jnp.concatenate([x, jnp.zeros((NP - N, H), jnp.float32)], axis=0)
    pad_idx = jnp.full((EPAD - E,), N, jnp.int32)
    src_arr = jnp.concatenate([edge_index[0], pad_idx])
    dst_arr = jnp.concatenate([edge_index[1], pad_idx]).reshape(EPAD // CH, CH)
    batch_r = jnp.concatenate([batch, jnp.full((NP - N,), G, jnp.int32)]
                              ).reshape(NB, 1, BR)

    h = x_pad
    pooled_list = []
    for name in ('conv0', 'conv1', 'conv2'):
        w1e, c1, w2e, c2 = _fold_bn(params[name])
        parts = _edge_agg(h, src_arr, dst_arr, zeros_tab)
        h, pooled = _mlp_and_pool(parts, w1e, c1, w2e, c2, batch_r)
        pooled_list.append(pooled)

    pooled_cat = jnp.concatenate(pooled_list, axis=1)
    lin1_b = params['lin1_b'].reshape(1, H)
    w2p = jnp.zeros((H, H), jnp.float32).at[:, :C].set(params['lin2_W'])
    b2p = jnp.zeros((1, H), jnp.float32).at[0, :C].set(params['lin2_b'])
    out_pad = _head(pooled_cat, params['lin1_W'], lin1_b, w2p, b2p)
    return out_pad[:, :C]

# --- scband reference (transcript-rebuilt; emitter-appended) ---
"""Pipeline reference for scband-gin-5222680232278 (READ-ONLY COPY).

The authoritative reference and input builder live on the scoring server;
editing this copy changes nothing except your own understanding.
"""

import jax, jax.numpy as jnp
import numpy as np

N = 10000
E = 320000
F_IN = 128
H = 128
C = 10
G = 64


def _mlp_params(key, din, dh):
    k1, k2 = jax.random.split(key)
    return {
        'W1': jax.random.normal(k1, (din, dh), dtype=jnp.float32) * 0.05,
        'b1': jnp.zeros((dh,), dtype=jnp.float32),
        'g1': jnp.ones((dh,), dtype=jnp.float32),
        'be1': jnp.zeros((dh,), dtype=jnp.float32),
        'W2': jax.random.normal(k2, (dh, dh), dtype=jnp.float32) * 0.05,
        'b2': jnp.zeros((dh,), dtype=jnp.float32),
        'g2': jnp.ones((dh,), dtype=jnp.float32),
        'be2': jnp.zeros((dh,), dtype=jnp.float32),
    }


def setup_inputs(seed: int = 0) -> dict:
    key = jax.random.key(seed)
    ks = jax.random.split(key, 8)
    x = jax.random.normal(ks[0], (N, F_IN), dtype=jnp.float32)
    edge_index = jax.random.randint(ks[1], (2, E), 0, N, dtype=jnp.int32)
    batch = jnp.sort(jax.random.randint(ks[2], (N,), 0, G, dtype=jnp.int32))
    params = {
        'conv0': _mlp_params(ks[3], F_IN, H),
        'conv1': _mlp_params(ks[4], H, H),
        'conv2': _mlp_params(ks[5], H, H),
        'lin1_W': jax.random.normal(ks[6], (3 * H, H), dtype=jnp.float32) * 0.05,
        'lin1_b': jnp.zeros((H,), dtype=jnp.float32),
        'lin2_W': jax.random.normal(ks[7], (H, C), dtype=jnp.float32) * 0.05,
        'lin2_b': jnp.zeros((C,), dtype=jnp.float32),
    }
    return {'x': x, 'edge_index': edge_index, 'batch': batch, 'params': params}


def _bn_eval(h, g, b):
    # BatchNorm1d in eval mode with initial running stats (mean=0, var=1)
    return h / jnp.sqrt(1.0 + 1e-5) * g + b


def _mlp(h, p):
    h = h @ p['W1'] + p['b1']
    h = jax.nn.relu(_bn_eval(h, p['g1'], p['be1']))
    h = h @ p['W2'] + p['b2']
    h = jax.nn.relu(_bn_eval(h, p['g2'], p['be2']))
    return h


def reference(x, edge_index, batch, params):
    src = edge_index[0]
    dst = edge_index[1]
    h = x
    xs = []
    for name in ['conv0', 'conv1', 'conv2']:
        # GINConv with eps=0 (train_eps=False): MLP((1+eps)*x + sum_{j in N(i)} x_j)
        agg = jax.ops.segment_sum(h[src], dst, num_segments=N)
        h = _mlp(h + agg, params[name])
        xs.append(h)
    # JumpingKnowledge mode='cat'
    hcat = jnp.concatenate(xs, axis=1)
    # global sum pooling per graph
    pooled = jax.ops.segment_sum(hcat, batch, num_segments=G)
    hh = jax.nn.relu(pooled @ params['lin1_W'] + params['lin1_b'])
    # dropout is identity in eval mode
    out = hh @ params['lin2_W'] + params['lin2_b']
    return out

if __name__ == "__main__":
    import jax
    _d = setup_inputs()
    print(jax.jit(kernel)(*tuple(_d.values())))

</pallas_src>

<mosaic_0001>
#map = affine_map<(d0, d1) -> (0, 0)>
#map1 = affine_map<(d0, d1) -> (0)>
module attributes {stable_mosaic.version = 14 : i64} {
  func.func @_sc_agg_body(%arg0: i32, %arg1: i32, %arg2: memref<10240x128xf32, #tpu.memory_space<hbm>>, %arg3: memref<327680xi32, #tpu.memory_space<hbm>>, %arg4: memref<4096x80xi32, #tpu.memory_space<hbm>>, %arg5: memref<10240x128xf32, #tpu.memory_space<hbm>>, %arg6: memref<20480x128xf32, #tpu.memory_space<hbm>>, %arg7: memref<1920xi32, #tpu.memory_space<vmem>>, %arg8: memref<24x80xi32, #tpu.memory_space<vmem>>, %arg9: memref<80x128xf32, #tpu.memory_space<vmem>>, %arg10: memref<80x128xf32, #tpu.memory_space<vmem>>, %arg11: memref<80x128xf32, #tpu.memory_space<vmem>>, %arg12: memref<80x128xf32, #tpu.memory_space<vmem>>, %arg13: memref<!tpu.dma_semaphore, #tpu.memory_space<semaphore_mem>>, %arg14: memref<!tpu.dma_semaphore, #tpu.memory_space<semaphore_mem>>, %arg15: memref<!tpu.dma_semaphore, #tpu.memory_space<semaphore_mem>>, %arg16: memref<!tpu.dma_semaphore, #tpu.memory_space<semaphore_mem>>, %arg17: memref<!tpu.dma_semaphore, #tpu.memory_space<semaphore_mem>>, %arg18: memref<!tpu.dma_semaphore, #tpu.memory_space<semaphore_mem>>, %arg19: memref<!tpu.dma_semaphore, #tpu.memory_space<semaphore_mem>>, %arg20: memref<!tpu.dma_semaphore, #tpu.memory_space<semaphore_mem>>, %arg21: memref<10240x128xf32, #tpu.memory_space<vmem_shared>>) attributes {dimension_semantics = [#tpu.dimension_semantics<core_parallel>, #tpu.dimension_semantics<subcore_parallel>], iteration_bounds = array<i64: 2, 16>, scalar_prefetch = 0 : i64, scratch_operands = 15 : i64, tpu.core_type = #tpu.core_type<sc_vector_subcore>, window_params = [{transform_indices = #map}, {transform_indices = #map1}, {transform_indices = #map}, {transform_indices = #map}, {transform_indices = #map}]} {
    %mul3A = arith.constant 640 : i32
    %mul3A_0 = arith.muli %arg1, %mul3A : i32
    %multiple_of3A = tpu.assume_multiple %mul3A_0, 640 : i32
    %eq3A = arith.constant 0 : i32
    %eq3A_1 = arith.cmpi eq, %arg0, %eq3A : i32
    %convert_element_type3A = arith.extui %eq3A_1 : i1 to i32
    %cond3A = arith.constant 0 : i32
    %cond3A_2 = arith.cmpi ne, %convert_element_type3A, %cond3A : i32
    scf.if %cond3A_2 {
      "tpu.region"() ({
        %run_scoped3A = tpu.sem_alloc : memref<!tpu.dma_semaphore, #tpu.memory_space<semaphore_mem>>
        %dma_start3A = arith.constant 0 : i32
        %dma_start3A_23 = tpu.memref_slice %arg21[%multiple_of3A, %dma_start3A] : memref<10240x128xf32, #tpu.memory_space<vmem_shared>> -> memref<640x128xf32, #tpu.memory_space<vmem_shared>>
        %dma_start3A_24 = arith.constant 0 : i32
        %dma_start3A_25 = tpu.memref_slice %arg2[%multiple_of3A, %dma_start3A_24] : memref<10240x128xf32, #tpu.memory_space<hbm>> -> memref<640x128xf32, #tpu.memory_space<hbm>>
        tpu.enqueue_dma source(%dma_start3A_25 : memref<640x128xf32, #tpu.memory_space<hbm>>) target(%dma_start3A_23 : memref<640x128xf32, #tpu.memory_space<vmem_shared>>) target_semaphore(%run_scoped3A : memref<!tpu.dma_semaphore, #tpu.memory_space<semaphore_mem>>)
        %dma_wait3A = arith.constant 0 : i32
        %dma_wait3A_26 = tpu.memref_slice %arg21[%multiple_of3A, %dma_wait3A] : memref<10240x128xf32, #tpu.memory_space<vmem_shared>> -> memref<640x128xf32, #tpu.memory_space<vmem_shared>>
        %dma_wait3A_27 = arith.constant 0 : i32
        %dma_wait3A_28 = tpu.memref_slice %arg2[%multiple_of3A, %dma_wait3A_27] : memref<10240x128xf32, #tpu.memory_space<hbm>> -> memref<640x128xf32, #tpu.memory_space<hbm>>
        tpu.wait_dma2 semaphore(%run_scoped3A : memref<!tpu.dma_semaphore, #tpu.memory_space<semaphore_mem>>) src(%dma_wait3A_28 : memref<640x128xf32, #tpu.memory_space<hbm>>) dst(%dma_wait3A_26 : memref<640x128xf32, #tpu.memory_space<vmem_shared>>)
        tpu.yield
      }) : () -> ()
    } else {
    }
    %ne3A = arith.constant 0 : i32
    %ne3A_3 = arith.cmpi ne, %arg0, %ne3A : i32
    %convert_element_type3A_4 = arith.extui %ne3A_3 : i1 to i32
    %cond3A_5 = arith.constant 0 : i32
    %cond3A_6 = arith.cmpi ne, %convert_element_type3A_4, %cond3A_5 : i32
    scf.if %cond3A_6 {
      "tpu.region"() ({
        %run_scoped3A = tpu.sem_alloc : memref<!tpu.dma_semaphore, #tpu.memory_space<semaphore_mem>>
        %dma_start3A = arith.constant 0 : i32
        %dma_start3A_23 = tpu.memref_slice %arg21[%multiple_of3A, %dma_start3A] : memref<10240x128xf32, #tpu.memory_space<vmem_shared>> -> memref<640x128xf32, #tpu.memory_space<vmem_shared>>
        %dma_start3A_24 = arith.constant 0 : i32
        %dma_start3A_25 = tpu.memref_slice %arg5[%multiple_of3A, %dma_start3A_24] : memref<10240x128xf32, #tpu.memory_space<hbm>> -> memref<640x128xf32, #tpu.memory_space<hbm>>
        tpu.enqueue_dma source(%dma_start3A_25 : memref<640x128xf32, #tpu.memory_space<hbm>>) target(%dma_start3A_23 : memref<640x128xf32, #tpu.memory_space<vmem_shared>>) target_semaphore(%run_scoped3A : memref<!tpu.dma_semaphore, #tpu.memory_space<semaphore_mem>>)
        %dma_wait3A = arith.constant 0 : i32
        %dma_wait3A_26 = tpu.memref_slice %arg21[%multiple_of3A, %dma_wait3A] : memref<10240x128xf32, #tpu.memory_space<vmem_shared>> -> memref<640x128xf32, #tpu.memory_space<vmem_shared>>
        %dma_wait3A_27 = arith.constant 0 : i32
        %dma_wait3A_28 = tpu.memref_slice %arg5[%multiple_of3A, %dma_wait3A_27] : memref<10240x128xf32, #tpu.memory_space<hbm>> -> memref<640x128xf32, #tpu.memory_space<hbm>>
        tpu.wait_dma2 semaphore(%run_scoped3A : memref<!tpu.dma_semaphore, #tpu.memory_space<semaphore_mem>>) src(%dma_wait3A_28 : memref<640x128xf32, #tpu.memory_space<hbm>>) dst(%dma_wait3A_26 : memref<640x128xf32, #tpu.memory_space<vmem_shared>>)
        tpu.yield
      }) : () -> ()
    } else {
    }
    %barrier3A = arith.constant 0 : index
    tpu.barrier barrier_id(%barrier3A)
    %eq3A_7 = arith.constant 0 : i32
    %eq3A_8 = arith.cmpi eq, %arg0, %eq3A_7 : i32
    %convert_element_type3A_9 = arith.extui %eq3A_8 : i1 to i32
    %cond3A_10 = arith.constant 0 : i32
    %cond3A_11 = arith.cmpi ne, %convert_element_type3A_9, %cond3A_10 : i32
    scf.if %cond3A_11 {
      %mul3A_23 = arith.constant 256 : i32
      %mul3A_24 = arith.muli %arg1, %mul3A_23 : i32
      %scan3A = arith.constant 0 : i32
      %scan3A_25 = arith.constant 0 : i32
      %scan3A_26 = arith.constant 8 : i32
      %scan3A_27 = arith.addi %scan3A_25, %scan3A_26 : i32
      %scan3A_28 = arith.constant 1 : i32
      scf.for %scan3A_30 = %scan3A_25 to %scan3A_27 step %scan3A_28  : i32 {
        %mul3A_31 = arith.constant 24 : i32
        %mul3A_32 = arith.muli %scan3A_30, %mul3A_31 : i32
        %add3A_33 = arith.addi %mul3A_24, %mul3A_32 : i32
        %multiple_of3A_34 = tpu.assume_multiple %add3A_33, 8 : i32
        %mul3A_35 = arith.constant 80 : i32
        %mul3A_36 = arith.muli %multiple_of3A_34, %mul3A_35 : i32
        "tpu.region"() ({
          %run_scoped3A = tpu.sem_alloc : memref<!tpu.dma_semaphore, #tpu.memory_space<semaphore_mem>>
          %dma_start3A_63 = arith.constant 0 : i32
          %dma_start3A_64 = tpu.memref_slice %arg7[%dma_start3A_63] : memref<1920xi32, #tpu.memory_space<vmem>> -> memref<1920xi32, #tpu.memory_space<vmem>>
          %dma_start3A_65 = tpu.memref_slice %arg3[%mul3A_36] : memref<327680xi32, #tpu.memory_space<hbm>> -> memref<1920xi32, #tpu.memory_space<hbm>>
          %dma_start3A_66 = arith.constant 0 : i32
          %dma_start3A_67 = tpu.memref_slice %arg7[%dma_start3A_66] : memref<1920xi32, #tpu.memory_space<vmem>> -> memref<1920xi32, #tpu.memory_space<vmem>>
          %dma_start3A_68 = tpu.memref_slice %arg3[%mul3A_36] : memref<327680xi32, #tpu.memory_space<hbm>> -> memref<1920xi32, #tpu.memory_space<hbm>>
          tpu.enqueue_dma source(%dma_start3A_68 : memref<1920xi32, #tpu.memory_space<hbm>>) target(%dma_start3A_67 : memref<1920xi32, #tpu.memory_space<vmem>>) target_semaphore(%run_scoped3A : memref<!tpu.dma_semaphore, #tpu.memory_space<semaphore_mem>>)
          %dma_wait3A_69 = arith.constant 0 : i32
          %dma_wait3A_70 = tpu.memref_slice %arg7[%dma_wait3A_69] : memref<1920xi32, #tpu.memory_space<vmem>> -> memref<1920xi32, #tpu.memory_space<vmem>>
          %dma_wait3A_71 = tpu.memref_slice %arg3[%mul3A_36] : memref<327680xi32, #tpu.memory_space<hbm>> -> memref<1920xi32, #tpu.memory_space<hbm>>
          %dma_wait3A_72 = arith.constant 0 : i32
          %dma_wait3A_73 = tpu.memref_slice %arg7[%dma_wait3A_72] : memref<1920xi32, #tpu.memory_space<vmem>> -> memref<1920xi32, #tpu.memory_space<vmem>>
          %dma_wait3A_74 = tpu.memref_slice %arg3[%mul3A_36] : memref<327680xi32, #tpu.memory_space<hbm>> -> memref<1920xi32, #tpu.memory_space<hbm>>
          tpu.wait_dma2 semaphore(%run_scoped3A : memref<!tpu.dma_semaphore, #tpu.memory_space<semaphore_mem>>) src(%dma_wait3A_74 : memref<1920xi32, #tpu.memory_space<hbm>>) dst(%dma_wait3A_73 : memref<1920xi32, #tpu.memory_space<vmem>>)
          tpu.yield
        }) : () -> ()
        "tpu.region"() ({
          %run_scoped3A = tpu.sem_alloc : memref<!tpu.dma_semaphore, #tpu.memory_space<semaphore_mem>>
          %dma_start3A_63 = arith.constant 0 : i32
          %dma_start3A_64 = arith.constant 0 : i32
          %dma_start3A_65 = tpu.memref_slice %arg8[%dma_start3A_63, %dma_start3A_64] : memref<24x80xi32, #tpu.memory_space<vmem>> -> memref<24x80xi32, #tpu.memory_space<vmem>>
          %dma_start3A_66 = arith.constant 0 : i32
          %dma_start3A_67 = tpu.memref_slice %arg4[%multiple_of3A_34, %dma_start3A_66] : memref<4096x80xi32, #tpu.memory_space<hbm>> -> memref<24x80xi32, #tpu.memory_space<hbm>>
          %dma_start3A_68 = arith.constant 0 : i32
          %dma_start3A_69 = arith.constant 0 : i32
          %dma_start3A_70 = tpu.memref_slice %arg8[%dma_start3A_68, %dma_start3A_69] : memref<24x80xi32, #tpu.memory_space<vmem>> -> memref<24x80xi32, #tpu.memory_space<vmem>>
          %dma_start3A_71 = arith.constant 0 : i32
          %dma_start3A_72 = tpu.memref_slice %arg4[%multiple_of3A_34, %dma_start3A_71] : memref<4096x80xi32, #tpu.memory_space<hbm>> -> memref<24x80xi32, #tpu.memory_space<hbm>>
          tpu.enqueue_dma source(%dma_start3A_72 : memref<24x80xi32, #tpu.memory_space<hbm>>) target(%dma_start3A_70 : memref<24x80xi32, #tpu.memory_space<vmem>>) target_semaphore(%run_scoped3A : memref<!tpu.dma_semaphore, #tpu.memory_space<semaphore_mem>>)
          %dma_wait3A_73 = arith.constant 0 : i32
          %dma_wait3A_74 = arith.constant 0 : i32
          %dma_wait3A_75 = tpu.memref_slice %arg8[%dma_wait3A_73, %dma_wait3A_74] : memref<24x80xi32, #tpu.memory_space<vmem>> -> memref<24x80xi32, #tpu.memory_space<vmem>>
          %dma_wait3A_76 = arith.constant 0 : i32
          %dma_wait3A_77 = tpu.memref_slice %arg4[%multiple_of3A_34, %dma_wait3A_76] : memref<4096x80xi32, #tpu.memory_space<hbm>> -> memref<24x80xi32, #tpu.memory_space<hbm>>
          %dma_wait3A_78 = arith.constant 0 : i32
          %dma_wait3A_79 = arith.constant 0 : i32
          %dma_wait3A_80 = tpu.memref_slice %arg8[%dma_wait3A_78, %dma_wait3A_79] : memref<24x80xi32, #tpu.memory_space<vmem>> -> memref<24x80xi32, #tpu.memory_space<vmem>>
          %dma_wait3A_81 = arith.constant 0 : i32
          %dma_wait3A_82 = tpu.memref_slice %arg4[%multiple_of3A_34, %dma_wait3A_81] : memref<4096x80xi32, #tpu.memory_space<hbm>> -> memref<24x80xi32, #tpu.memory_space<hbm>>
          tpu.wait_dma2 semaphore(%run_scoped3A : memref<!tpu.dma_semaphore, #tpu.memory_space<semaphore_mem>>) src(%dma_wait3A_82 : memref<24x80xi32, #tpu.memory_space<hbm>>) dst(%dma_wait3A_80 : memref<24x80xi32, #tpu.memory_space<vmem>>)
          tpu.yield
        }) : () -> ()
        %dma_start3A = arith.constant 0 : i32
        %dma_start3A_37 = tpu.memref_slice %arg7[%dma_start3A] : memref<1920xi32, #tpu.memory_space<vmem>> -> memref<80xi32, #tpu.memory_space<vmem>>
        %dma_start3A_38 = arith.constant 0 : i32
        %dma_start3A_39 = arith.constant 0 : i32
        %dma_start3A_40 = tpu.memref_slice %arg2[%dma_start3A_38, %dma_start3A_39] : memref<10240x128xf32, #tpu.memory_space<hbm>> -> memref<10240x128xf32, #tpu.memory_space<hbm>>
        tpu.enqueue_indirect_dma source(%dma_start3A_40 : memref<10240x128xf32, #tpu.memory_space<hbm>>) target(%arg9 : memref<80x128xf32, #tpu.memory_space<vmem>>) offsets(%dma_start3A_37 : memref<80xi32, #tpu.memory_space<vmem>>) semaphore(%arg13 : memref<!tpu.dma_semaphore, #tpu.memory_space<semaphore_mem>>)
        %dma_start3A_41 = arith.constant 80 : i32
        %dma_start3A_42 = tpu.memref_slice %arg7[%dma_start3A_41] : memref<1920xi32, #tpu.memory_space<vmem>> -> memref<80xi32, #tpu.memory_space<vmem>>
        %dma_start3A_43 = arith.constant 0 : i32
        %dma_start3A_44 = arith.constant 0 : i32
        %dma_start3A_45 = tpu.memref_slice %arg2[%dma_start3A_43, %dma_start3A_44] : memref<10240x128xf32, #tpu.memory_space<hbm>> -> memref<10240x128xf32, #tpu.memory_space<hbm>>
        tpu.enqueue_indirect_dma source(%dma_start3A_45 : memref<10240x128xf32, #tpu.memory_space<hbm>>) target(%arg10 : memref<80x128xf32, #tpu.memory_space<vmem>>) offsets(%dma_start3A_42 : memref<80xi32, #tpu.memory_space<vmem>>) semaphore(%arg14 : memref<!tpu.dma_semaphore, #tpu.memory_space<semaphore_mem>>)
        %dma_start3A_46 = arith.constant 160 : i32
        %dma_start3A_47 = tpu.memref_slice %arg7[%dma_start3A_46] : memref<1920xi32, #tpu.memory_space<vmem>> -> memref<80xi32, #tpu.memory_space<vmem>>
        %dma_start3A_48 = arith.constant 0 : i32
        %dma_start3A_49 = arith.constant 0 : i32
        %dma_start3A_50 = tpu.memref_slice %arg2[%dma_start3A_48, %dma_start3A_49] : memref<10240x128xf32, #tpu.memory_space<hbm>> -> memref<10240x128xf32, #tpu.memory_space<hbm>>
        tpu.enqueue_indirect_dma source(%dma_start3A_50 : memref<10240x128xf32, #tpu.memory_space<hbm>>) target(%arg11 : memref<80x128xf32, #tpu.memory_space<vmem>>) offsets(%dma_start3A_47 : memref<80xi32, #tpu.memory_space<vmem>>) semaphore(%arg15 : memref<!tpu.dma_semaphore, #tpu.memory_space<semaphore_mem>>)
        %scan3A_51 = arith.constant 0 : i32
        %scan3A_52 = arith.constant 0 : i32
        %scan3A_53 = arith.constant 6 : i32
        %scan3A_54 = arith.addi %scan3A_52, %scan3A_53 : i32
        %scan3A_55 = arith.constant 1 : i32
        scf.for %scan3A_63 = %scan3A_52 to %scan3A_54 step %scan3A_55  : i32 {
          %mul3A_64 = arith.constant 4 : i32
          %mul3A_65 = arith.muli %mul3A_64, %scan3A_63 : i32
          %add3A_66 = arith.constant 0 : i32
          %add3A_67 = arith.addi %mul3A_65, %add3A_66 : i32
          %mul3A_68 = arith.constant 80 : i32
          %mul3A_69 = arith.muli %add3A_67, %mul3A_68 : i32
          %dma_wait3A_70 = tpu.memref_slice %arg7[%mul3A_69] : memref<1920xi32, #tpu.memory_space<vmem>> -> memref<80xi32, #tpu.memory_space<vmem>>
          %dma_wait3A_71 = arith.constant 0 : i32
          %dma_wait3A_72 = arith.constant 0 : i32
          %dma_wait3A_73 = tpu.memref_slice %arg2[%dma_wait3A_71, %dma_wait3A_72] : memref<10240x128xf32, #tpu.memory_space<hbm>> -> memref<10240x128xf32, #tpu.memory_space<hbm>>
          tpu.wait_indirect_dma semaphore(%arg13 : memref<!tpu.dma_semaphore, #tpu.memory_space<semaphore_mem>>) src(%dma_wait3A_73 : memref<10240x128xf32, #tpu.memory_space<hbm>>) dst(%arg9 : memref<80x128xf32, #tpu.memory_space<vmem>>)
          %dma_start3A_74 = arith.constant 0 : i32
          %dma_start3A_75 = tpu.memref_slice %arg8[%add3A_67, %dma_start3A_74] : memref<24x80xi32, #tpu.memory_space<vmem>> -> memref<1x80xi32, #tpu.memory_space<vmem>>
          %dma_start3A_76 = tpu.memref_squeeze %dma_start3A_75 : memref<1x80xi32, #tpu.memory_space<vmem>> -> memref<80xi32, #tpu.memory_space<vmem>>
          %dma_start3A_77 = arith.constant 0 : i32
          %dma_start3A_78 = arith.constant 0 : i32
          %dma_start3A_79 = tpu.memref_slice %arg21[%dma_start3A_77, %dma_start3A_78] : memref<10240x128xf32, #tpu.memory_space<vmem_shared>> -> memref<10240x128xf32, #tpu.memory_space<vmem_shared>>
          tpu.enqueue_indirect_dma source(%arg9 : memref<80x128xf32, #tpu.memory_space<vmem>>) target(%dma_start3A_79 : memref<10240x128xf32, #tpu.memory_space<vmem_shared>>) offsets(%dma_start3A_76 : memref<80xi32, #tpu.memory_space<vmem>>) semaphore(%arg17 : memref<!tpu.dma_semaphore, #tpu.memory_space<semaphore_mem>>) {add = true}
          %gt3A = arith.constant 0 : i32
          %gt3A_80 = arith.cmpi sgt, %scan3A_63, %gt3A : i32
          %convert_element_type3A_81 = arith.extui %gt3A_80 : i1 to i32
          %cond3A_82 = arith.constant 0 : i32
          %cond3A_83 = arith.cmpi ne, %convert_element_type3A_81, %cond3A_82 : i32
          scf.if %cond3A_83 {
            %sub3A_177 = arith.constant 1 : i32
            %sub3A_178 = arith.subi %add3A_67, %sub3A_177 : i32
            %dma_wait3A_179 = arith.constant 0 : i32
            %dma_wait3A_180 = tpu.memref_slice %arg8[%sub3A_178, %dma_wait3A_179] : memref<24x80xi32, #tpu.memory_space<vmem>> -> memref<1x80xi32, #tpu.memory_space<vmem>>
            %dma_wait3A_181 = tpu.memref_squeeze %dma_wait3A_180 : memref<1x80xi32, #tpu.memory_space<vmem>> -> memref<80xi32, #tpu.memory_space<vmem>>
            %dma_wait3A_182 = arith.constant 0 : i32
            %dma_wait3A_183 = arith.constant 0 : i32
            %dma_wait3A_184 = tpu.memref_slice %arg21[%dma_wait3A_182, %dma_wait3A_183] : memref<10240x128xf32, #tpu.memory_space<vmem_shared>> -> memref<10240x128xf32, #tpu.memory_space<vmem_shared>>
            tpu.wait_indirect_dma semaphore(%arg20 : memref<!tpu.dma_semaphore, #tpu.memory_space<semaphore_mem>>) src(%arg12 : memref<80x128xf32, #tpu.memory_space<vmem>>) dst(%dma_wait3A_184 : memref<10240x128xf32, #tpu.memory_space<vmem_shared>>)
          } else {
          }
          %add3A_84 = arith.constant 3 : i32
          %add3A_85 = arith.addi %add3A_67, %add3A_84 : i32
          %mul3A_86 = arith.constant 80 : i32
          %mul3A_87 = arith.muli %add3A_85, %mul3A_86 : i32
          %dma_start3A_88 = tpu.memref_slice %arg7[%mul3A_87] : memref<1920xi32, #tpu.memory_space<vmem>> -> memref<80xi32, #tpu.memory_space<vmem>>
          %dma_start3A_89 = arith.constant 0 : i32
          %dma_start3A_90 = arith.constant 0 : i32
          %dma_start3A_91 = tpu.memref_slice %arg2[%dma_start3A_89, %dma_start3A_90] : memref<10240x128xf32, #tpu.memory_space<hbm>> -> memref<10240x128xf32, #tpu.memory_space<hbm>>
          tpu.enqueue_indirect_dma source(%dma_start3A_91 : memref<10240x128xf32, #tpu.memory_space<hbm>>) target(%arg12 : memref<80x128xf32, #tpu.memory_space<vmem>>) offsets(%dma_start3A_88 : memref<80xi32, #tpu.memory_space<vmem>>) semaphore(%arg16 : memref<!tpu.dma_semaphore, #tpu.memory_space<semaphore_mem>>)
          %mul3A_92 = arith.constant 4 : i32
          %mul3A_93 = arith.muli %mul3A_92, %scan3A_63 : i32
          %add3A_94 = arith.constant 1 : i32
          %add3A_95 = arith.addi %mul3A_93, %add3A_94 : i32
          %mul3A_96 = arith.constant 80 : i32
          %mul3A_97 = arith.muli %add3A_95, %mul3A_96 : i32
          %dma_wait3A_98 = tpu.memref_slice %arg7[%mul3A_97] : memref<1920xi32, #tpu.memory_space<vmem>> -> memref<80xi32, #tpu.memory_space<vmem>>
          %dma_wait3A_99 = arith.constant 0 : i32
          %dma_wait3A_100 = arith.constant 0 : i32
          %dma_wait3A_101 = tpu.memref_slice %arg2[%dma_wait3A_99, %dma_wait3A_100] : memref<10240x128xf32, #tpu.memory_space<hbm>> -> memref<10240x128xf32, #tpu.memory_space<hbm>>
          tpu.wait_indirect_dma semaphore(%arg14 : memref<!tpu.dma_semaphore, #tpu.memory_space<semaphore_mem>>) src(%dma_wait3A_101 : memref<10240x128xf32, #tpu.memory_space<hbm>>) dst(%arg10 : memref<80x128xf32, #tpu.memory_space<vmem>>)
          %dma_start3A_102 = arith.constant 0 : i32
          %dma_start3A_103 = tpu.memref_slice %arg8[%add3A_95, %dma_start3A_102] : memref<24x80xi32, #tpu.memory_space<vmem>> -> memref<1x80xi32, #tpu.memory_space<vmem>>
          %dma_start3A_104 = tpu.memref_squeeze %dma_start3A_103 : memref<1x80xi32, #tpu.memory_space<vmem>> -> memref<80xi32, #tpu.memory_space<vmem>>
          %dma_start3A_105 = arith.constant 0 : i32
          %dma_start3A_106 = arith.constant 0 : i32
          %dma_start3A_107 = tpu.memref_slice %arg21[%dma_start3A_105, %dma_start3A_106] : memref<10240x128xf32, #tpu.memory_space<vmem_shared>> -> memref<10240x128xf32, #tpu.memory_space<vmem_shared>>
          tpu.enqueue_indirect_dma source(%arg10 : memref<80x128xf32, #tpu.memory_space<vmem>>) target(%dma_start3A_107 : memref<10240x128xf32, #tpu.memory_space<vmem_shared>>) offsets(%dma_start3A_104 : memref<80xi32, #tpu.memory_space<vmem>>) semaphore(%arg18 : memref<!tpu.dma_semaphore, #tpu.memory_space<semaphore_mem>>) {add = true}
          %sub3A = arith.constant 1 : i32
          %sub3A_108 = arith.subi %add3A_95, %sub3A : i32
          %dma_wait3A_109 = arith.constant 0 : i32
          %dma_wait3A_110 = tpu.memref_slice %arg8[%sub3A_108, %dma_wait3A_109] : memref<24x80xi32, #tpu.memory_space<vmem>> -> memref<1x80xi32, #tpu.memory_space<vmem>>
          %dma_wait3A_111 = tpu.memref_squeeze %dma_wait3A_110 : memref<1x80xi32, #tpu.memory_space<vmem>> -> memref<80xi32, #tpu.memory_space<vmem>>
          %dma_wait3A_112 = arith.constant 0 : i32
          %dma_wait3A_113 = arith.constant 0 : i32
          %dma_wait3A_114 = tpu.memref_slice %arg21[%dma_wait3A_112, %dma_wait3A_113] : memref<10240x128xf32, #tpu.memory_space<vmem_shared>> -> memref<10240x128xf32, #tpu.memory_space<vmem_shared>>
          tpu.wait_indirect_dma semaphore(%arg17 : memref<!tpu.dma_semaphore, #tpu.memory_space<semaphore_mem>>) src(%arg9 : memref<80x128xf32, #tpu.memory_space<vmem>>) dst(%dma_wait3A_114 : memref<10240x128xf32, #tpu.memory_space<vmem_shared>>)
          %lt3A = arith.constant 5 : i32
          %lt3A_115 = arith.cmpi slt, %scan3A_63, %lt3A : i32
          %convert_element_type3A_116 = arith.extui %lt3A_115 : i1 to i32
          %cond3A_117 = arith.constant 0 : i32
          %cond3A_118 = arith.cmpi ne, %convert_element_type3A_116, %cond3A_117 : i32
          scf.if %cond3A_118 {
            %add3A_177 = arith.constant 3 : i32
            %add3A_178 = arith.addi %add3A_95, %add3A_177 : i32
            %mul3A_179 = arith.constant 80 : i32
            %mul3A_180 = arith.muli %add3A_178, %mul3A_179 : i32
            %dma_start3A_181 = tpu.memref_slice %arg7[%mul3A_180] : memref<1920xi32, #tpu.memory_space<vmem>> -> memref<80xi32, #tpu.memory_space<vmem>>
            %dma_start3A_182 = arith.constant 0 : i32
            %dma_start3A_183 = arith.constant 0 : i32
            %dma_start3A_184 = tpu.memref_slice %arg2[%dma_start3A_182, %dma_start3A_183] : memref<10240x128xf32, #tpu.memory_space<hbm>> -> memref<10240x128xf32, #tpu.memory_space<hbm>>
            tpu.enqueue_indirect_dma source(%dma_start3A_184 : memref<10240x128xf32, #tpu.memory_space<hbm>>) target(%arg9 : memref<80x128xf32, #tpu.memory_space<vmem>>) offsets(%dma_start3A_181 : memref<80xi32, #tpu.memory_space<vmem>>) semaphore(%arg13 : memref<!tpu.dma_semaphore, #tpu.memory_space<semaphore_mem>>)
          } else {
          }
          %mul3A_119 = arith.constant 4 : i32
          %mul3A_120 = arith.muli %mul3A_119, %scan3A_63 : i32
          %add3A_121 = arith.constant 2 : i32
          %add3A_122 = arith.addi %mul3A_120, %add3A_121 : i32
          %mul3A_123 = arith.constant 80 : i32
          %mul3A_124 = arith.muli %add3A_122, %mul3A_123 : i32
          %dma_wait3A_125 = tpu.memref_slice %arg7[%mul3A_124] : memref<1920xi32, #tpu.memory_space<vmem>> -> memref<80xi32, #tpu.memory_space<vmem>>
          %dma_wait3A_126 = arith.constant 0 : i32
          %dma_wait3A_127 = arith.constant 0 : i32
          %dma_wait3A_128 = tpu.memref_slice %arg2[%dma_wait3A_126, %dma_wait3A_127] : memref<10240x128xf32, #tpu.memory_space<hbm>> -> memref<10240x128xf32, #tpu.memory_space<hbm>>
          tpu.wait_indirect_dma semaphore(%arg15 : memref<!tpu.dma_semaphore, #tpu.memory_space<semaphore_mem>>) src(%dma_wait3A_128 : memref<10240x128xf32, #tpu.memory_space<hbm>>) dst(%arg11 : memref<80x128xf32, #tpu.memory_space<vmem>>)
          %dma_start3A_129 = arith.constant 0 : i32
          %dma_start3A_130 = tpu.memref_slice %arg8[%add3A_122, %dma_start3A_129] : memref<24x80xi32, #tpu.memory_space<vmem>> -> memref<1x80xi32, #tpu.memory_space<vmem>>
          %dma_start3A_131 = tpu.memref_squeeze %dma_start3A_130 : memref<1x80xi32, #tpu.memory_space<vmem>> -> memref<80xi32, #tpu.memory_space<vmem>>
          %dma_start3A_132 = arith.constant 0 : i32
          %dma_start3A_133 = arith.constant 0 : i32
          %dma_start3A_134 = tpu.memref_slice %arg21[%dma_start3A_132, %dma_start3A_133] : memref<10240x128xf32, #tpu.memory_space<vmem_shared>> -> memref<10240x128xf32, #tpu.memory_space<vmem_shared>>
          tpu.enqueue_indirect_dma source(%arg11 : memref<80x128xf32, #tpu.memory_space<vmem>>) target(%dma_start3A_134 : memref<10240x128xf32, #tpu.memory_space<vmem_shared>>) offsets(%dma_start3A_131 : memref<80xi32, #tpu.memory_space<vmem>>) semaphore(%arg19 : memref<!tpu.dma_semaphore, #tpu.memory_space<semaphore_mem>>) {add = true}
          %sub3A_135 = arith.constant 1 : i32
          %sub3A_136 = arith.subi %add3A_122, %sub3A_135 : i32
          %dma_wait3A_137 = arith.constant 0 : i32
          %dma_wait3A_138 = tpu.memref_slice %arg8[%sub3A_136, %dma_wait3A_137] : memref<24x80xi32, #tpu.memory_space<vmem>> -> memref<1x80xi32, #tpu.memory_space<vmem>>
          %dma_wait3A_139 = tpu.memref_squeeze %dma_wait3A_138 : memref<1x80xi32, #tpu.memory_space<vmem>> -> memref<80xi32, #tpu.memory_space<vmem>>
          %dma_wait3A_140 = arith.constant 0 : i32
          %dma_wait3A_141 = arith.constant 0 : i32
          %dma_wait3A_142 = tpu.memref_slice %arg21[%dma_wait3A_140, %dma_wait3A_141] : memref<10240x128xf32, #tpu.memory_space<vmem_shared>> -> memref<10240x128xf32, #tpu.memory_space<vmem_shared>>
          tpu.wait_indirect_dma semaphore(%arg18 : memref<!tpu.dma_semaphore, #tpu.memory_space<semaphore_mem>>) src(%arg10 : memref<80x128xf32, #tpu.memory_space<vmem>>) dst(%dma_wait3A_142 : memref<10240x128xf32, #tpu.memory_space<vmem_shared>>)
          %lt3A_143 = arith.constant 5 : i32
          %lt3A_144 = arith.cmpi slt, %scan3A_63, %lt3A_143 : i32
          %convert_element_type3A_145 = arith.extui %lt3A_144 : i1 to i32
          %cond3A_146 = arith.constant 0 : i32
          %cond3A_147 = arith.cmpi ne, %convert_element_type3A_145, %cond3A_146 : i32
          scf.if %cond3A_147 {
            %add3A_177 = arith.constant 3 : i32
            %add3A_178 = arith.addi %add3A_122, %add3A_177 : i32
            %mul3A_179 = arith.constant 80 : i32
            %mul3A_180 = arith.muli %add3A_178, %mul3A_179 : i32
            %dma_start3A_181 = tpu.memref_slice %arg7[%mul3A_180] : memref<1920xi32, #tpu.memory_space<vmem>> -> memref<80xi32, #tpu.memory_space<vmem>>
            %dma_start3A_182 = arith.constant 0 : i32
            %dma_start3A_183 = arith.constant 0 : i32
            %dma_start3A_184 = tpu.memref_slice %arg2[%dma_start3A_182, %dma_start3A_183] : memref<10240x128xf32, #tpu.memory_space<hbm>> -> memref<10240x128xf32, #tpu.memory_space<hbm>>
            tpu.enqueue_indirect_dma source(%dma_start3A_184 : memref<10240x128xf32, #tpu.memory_space<hbm>>) target(%arg10 : memref<80x128xf32, #tpu.memory_space<vmem>>) offsets(%dma_start3A_181 : memref<80xi32, #tpu.memory_space<vmem>>) semaphore(%arg14 : memref<!tpu.dma_semaphore, #tpu.memory_space<semaphore_mem>>)
          } else {
          }
          %mul3A_148 = arith.constant 4 : i32
          %mul3A_149 = arith.muli %mul3A_148, %scan3A_63 : i32
          %add3A_150 = arith.constant 3 : i32
          %add3A_151 = arith.addi %mul3A_149, %add3A_150 : i32
          %mul3A_152 = arith.constant 80 : i32
          %mul3A_153 = arith.muli %add3A_151, %mul3A_152 : i32
          %dma_wait3A_154 = tpu.memref_slice %arg7[%mul3A_153] : memref<1920xi32, #tpu.memory_space<vmem>> -> memref<80xi32, #tpu.memory_space<vmem>>
          %dma_wait3A_155 = arith.constant 0 : i32
          %dma_wait3A_156 = arith.constant 0 : i32
          %dma_wait3A_157 = tpu.memref_slice %arg2[%dma_wait3A_155, %dma_wait3A_156] : memref<10240x128xf32, #tpu.memory_space<hbm>> -> memref<10240x128xf32, #tpu.memory_space<hbm>>
          tpu.wait_indirect_dma semaphore(%arg16 : memref<!tpu.dma_semaphore, #tpu.memory_space<semaphore_mem>>) src(%dma_wait3A_157 : memref<10240x128xf32, #tpu.memory_space<hbm>>) dst(%arg12 : memref<80x128xf32, #tpu.memory_space<vmem>>)
          %dma_start3A_158 = arith.constant 0 : i32
          %dma_start3A_159 = tpu.memref_slice %arg8[%add3A_151, %dma_start3A_158] : memref<24x80xi32, #tpu.memory_space<vmem>> -> memref<1x80xi32, #tpu.memory_space<vmem>>
          %dma_start3A_160 = tpu.memref_squeeze %dma_start3A_159 : memref<1x80xi32, #tpu.memory_space<vmem>> -> memref<80xi32, #tpu.memory_space<vmem>>
          %dma_start3A_161 = arith.constant 0 : i32
          %dma_start3A_162 = arith.constant 0 : i32
          %dma_start3A_163 = tpu.memref_slice %arg21[%dma_start3A_161, %dma_start3A_162] : memref<10240x128xf32, #tpu.memory_space<vmem_shared>> -> memref<10240x128xf32, #tpu.memory_space<vmem_shared>>
          tpu.enqueue_indirect_dma source(%arg12 : memref<80x128xf32, #tpu.memory_space<vmem>>) target(%dma_start3A_163 : memref<10240x128xf32, #tpu.memory_space<vmem_shared>>) offsets(%dma_start3A_160 : memref<80xi32, #tpu.memory_space<vmem>>) semaphore(%arg20 : memref<!tpu.dma_semaphore, #tpu.memory_space<semaphore_mem>>) {add = true}
          %sub3A_164 = arith.constant 1 : i32
          %sub3A_165 = arith.subi %add3A_151, %sub3A_164 : i32
          %dma_wait3A_166 = arith.constant 0 : i32
          %dma_wait3A_167 = tpu.memref_slice %arg8[%sub3A_165, %dma_wait3A_166] : memref<24x80xi32, #tpu.memory_space<vmem>> -> memref<1x80xi32, #tpu.memory_space<vmem>>
          %dma_wait3A_168 = tpu.memref_squeeze %dma_wait3A_167 : memref<1x80xi32, #tpu.memory_space<vmem>> -> memref<80xi32, #tpu.memory_space<vmem>>
          %dma_wait3A_169 = arith.constant 0 : i32
          %dma_wait3A_170 = arith.constant 0 : i32
          %dma_wait3A_171 = tpu.memref_slice %arg21[%dma_wait3A_169, %dma_wait3A_170] : memref<10240x128xf32, #tpu.memory_space<vmem_shared>> -> memref<10240x128xf32, #tpu.memory_space<vmem_shared>>
          tpu.wait_indirect_dma semaphore(%arg19 : memref<!tpu.dma_semaphore, #tpu.memory_space<semaphore_mem>>) src(%arg11 : memref<80x128xf32, #tpu.memory_space<vmem>>) dst(%dma_wait3A_171 : memref<10240x128xf32, #tpu.memory_space<vmem_shared>>)
          %lt3A_172 = arith.constant 5 : i32
          %lt3A_173 = arith.cmpi slt, %scan3A_63, %lt3A_172 : i32
          %convert_element_type3A_174 = arith.extui %lt3A_173 : i1 to i32
          %cond3A_175 = arith.constant 0 : i32
          %cond3A_176 = arith.cmpi ne, %convert_element_type3A_174, %cond3A_175 : i32
          scf.if %cond3A_176 {
            %add3A_177 = arith.constant 3 : i32
            %add3A_178 = arith.addi %add3A_151, %add3A_177 : i32
            %mul3A_179 = arith.constant 80 : i32
            %mul3A_180 = arith.muli %add3A_178, %mul3A_179 : i32
            %dma_start3A_181 = tpu.memref_slice %arg7[%mul3A_180] : memref<1920xi32, #tpu.memory_space<vmem>> -> memref<80xi32, #tpu.memory_space<vmem>>
            %dma_start3A_182 = arith.constant 0 : i32
            %dma_start3A_183 = arith.constant 0 : i32
            %dma_start3A_184 = tpu.memref_slice %arg2[%dma_start3A_182, %dma_start3A_183] : memref<10240x128xf32, #tpu.memory_space<hbm>> -> memref<10240x128xf32, #tpu.memory_space<hbm>>
            tpu.enqueue_indirect_dma source(%dma_start3A_184 : memref<10240x128xf32, #tpu.memory_space<hbm>>) target(%arg11 : memref<80x128xf32, #tpu.memory_space<vmem>>) offsets(%dma_start3A_181 : memref<80xi32, #tpu.memory_space<vmem>>) semaphore(%arg15 : memref<!tpu.dma_semaphore, #tpu.memory_space<semaphore_mem>>)
          } else {
          }
        }
        %scan3A_56 = arith.constant 6 : i32
        %dma_wait3A = arith.constant 23 : i32
        %dma_wait3A_57 = arith.constant 0 : i32
        %dma_wait3A_58 = tpu.memref_slice %arg8[%dma_wait3A, %dma_wait3A_57] : memref<24x80xi32, #tpu.memory_space<vmem>> -> memref<1x80xi32, #tpu.memory_space<vmem>>
        %dma_wait3A_59 = tpu.memref_squeeze %dma_wait3A_58 : memref<1x80xi32, #tpu.memory_space<vmem>> -> memref<80xi32, #tpu.memory_space<vmem>>
        %dma_wait3A_60 = arith.constant 0 : i32
        %dma_wait3A_61 = arith.constant 0 : i32
        %dma_wait3A_62 = tpu.memref_slice %arg21[%dma_wait3A_60, %dma_wait3A_61] : memref<10240x128xf32, #tpu.memory_space<vmem_shared>> -> memref<10240x128xf32, #tpu.memory_space<vmem_shared>>
        tpu.wait_indirect_dma semaphore(%arg20 : memref<!tpu.dma_semaphore, #tpu.memory_space<semaphore_mem>>) src(%arg12 : memref<80x128xf32, #tpu.memory_space<vmem>>) dst(%dma_wait3A_62 : memref<10240x128xf32, #tpu.memory_space<vmem_shared>>)
      }
      %scan3A_29 = arith.constant 8 : i32
    } else {
    }
    %ne3A_12 = arith.constant 0 : i32
    %ne3A_13 = arith.cmpi ne, %arg0, %ne3A_12 : i32
    %convert_element_type3A_14 = arith.extui %ne3A_13 : i1 to i32
    %cond3A_15 = arith.constant 0 : i32
    %cond3A_16 = arith.cmpi ne, %convert_element_type3A_14, %cond3A_15 : i32
    scf.if %cond3A_16 {
      %mul3A_23 = arith.constant 256 : i32
      %mul3A_24 = arith.muli %arg1, %mul3A_23 : i32
      %add3A_25 = arith.constant 192 : i32
      %add3A_26 = arith.addi %mul3A_24, %add3A_25 : i32
      %scan3A = arith.constant 0 : i32
      %scan3A_27 = arith.constant 0 : i32
      %scan3A_28 = arith.constant 8 : i32
      %scan3A_29 = arith.addi %scan3A_27, %scan3A_28 : i32
      %scan3A_30 = arith.constant 1 : i32
      scf.for %scan3A_32 = %scan3A_27 to %scan3A_29 step %scan3A_30  : i32 {
        %mul3A_33 = arith.constant 8 : i32
        %mul3A_34 = arith.muli %scan3A_32, %mul3A_33 : i32
        %add3A_35 = arith.addi %add3A_26, %mul3A_34 : i32
        %multiple_of3A_36 = tpu.assume_multiple %add3A_35, 8 : i32
        %mul3A_37 = arith.constant 80 : i32
        %mul3A_38 = arith.muli %multiple_of3A_36, %mul3A_37 : i32
        "tpu.region"() ({
          %run_scoped3A = tpu.sem_alloc : memref<!tpu.dma_semaphore, #tpu.memory_space<semaphore_mem>>
          %dma_start3A_65 = arith.constant 0 : i32
          %dma_start3A_66 = tpu.memref_slice %arg7[%dma_start3A_65] : memref<1920xi32, #tpu.memory_space<vmem>> -> memref<640xi32, #tpu.memory_space<vmem>>
          %dma_start3A_67 = tpu.memref_slice %arg3[%mul3A_38] : memref<327680xi32, #tpu.memory_space<hbm>> -> memref<640xi32, #tpu.memory_space<hbm>>
          %dma_start3A_68 = arith.constant 0 : i32
          %dma_start3A_69 = tpu.memref_slice %arg7[%dma_start3A_68] : memref<1920xi32, #tpu.memory_space<vmem>> -> memref<640xi32, #tpu.memory_space<vmem>>
          %dma_start3A_70 = tpu.memref_slice %arg3[%mul3A_38] : memref<327680xi32, #tpu.memory_space<hbm>> -> memref<640xi32, #tpu.memory_space<hbm>>
          tpu.enqueue_dma source(%dma_start3A_70 : memref<640xi32, #tpu.memory_space<hbm>>) target(%dma_start3A_69 : memref<640xi32, #tpu.memory_space<vmem>>) target_semaphore(%run_scoped3A : memref<!tpu.dma_semaphore, #tpu.memory_space<semaphore_mem>>)
          %dma_wait3A_71 = arith.constant 0 : i32
          %dma_wait3A_72 = tpu.memref_slice %arg7[%dma_wait3A_71] : memref<1920xi32, #tpu.memory_space<vmem>> -> memref<640xi32, #tpu.memory_space<vmem>>
          %dma_wait3A_73 = tpu.memref_slice %arg3[%mul3A_38] : memref<327680xi32, #tpu.memory_space<hbm>> -> memref<640xi32, #tpu.memory_space<hbm>>
          %dma_wait3A_74 = arith.constant 0 : i32
          %dma_wait3A_75 = tpu.memref_slice %arg7[%dma_wait3A_74] : memref<1920xi32, #tpu.memory_space<vmem>> -> memref<640xi32, #tpu.memory_space<vmem>>
          %dma_wait3A_76 = tpu.memref_slice %arg3[%mul3A_38] : memref<327680xi32, #tpu.memory_space<hbm>> -> memref<640xi32, #tpu.memory_space<hbm>>
          tpu.wait_dma2 semaphore(%run_scoped3A : memref<!tpu.dma_semaphore, #tpu.memory_space<semaphore_mem>>) src(%dma_wait3A_76 : memref<640xi32, #tpu.memory_space<hbm>>) dst(%dma_wait3A_75 : memref<640xi32, #tpu.memory_space<vmem>>)
          tpu.yield
        }) : () -> ()
        "tpu.region"() ({
          %run_scoped3A = tpu.sem_alloc : memref<!tpu.dma_semaphore, #tpu.memory_space<semaphore_mem>>
          %dma_start3A_65 = arith.constant 0 : i32
          %dma_start3A_66 = arith.constant 0 : i32
          %dma_start3A_67 = tpu.memref_slice %arg8[%dma_start3A_65, %dma_start3A_66] : memref<24x80xi32, #tpu.memory_space<vmem>> -> memref<8x80xi32, #tpu.memory_space<vmem>>
          %dma_start3A_68 = arith.constant 0 : i32
          %dma_start3A_69 = tpu.memref_slice %arg4[%multiple_of3A_36, %dma_start3A_68] : memref<4096x80xi32, #tpu.memory_space<hbm>> -> memref<8x80xi32, #tpu.memory_space<hbm>>
          %dma_start3A_70 = arith.constant 0 : i32
          %dma_start3A_71 = arith.constant 0 : i32
          %dma_start3A_72 = tpu.memref_slice %arg8[%dma_start3A_70, %dma_start3A_71] : memref<24x80xi32, #tpu.memory_space<vmem>> -> memref<8x80xi32, #tpu.memory_space<vmem>>
          %dma_start3A_73 = arith.constant 0 : i32
          %dma_start3A_74 = tpu.memref_slice %arg4[%multiple_of3A_36, %dma_start3A_73] : memref<4096x80xi32, #tpu.memory_space<hbm>> -> memref<8x80xi32, #tpu.memory_space<hbm>>
          tpu.enqueue_dma source(%dma_start3A_74 : memref<8x80xi32, #tpu.memory_space<hbm>>) target(%dma_start3A_72 : memref<8x80xi32, #tpu.memory_space<vmem>>) target_semaphore(%run_scoped3A : memref<!tpu.dma_semaphore, #tpu.memory_space<semaphore_mem>>)
          %dma_wait3A_75 = arith.constant 0 : i32
          %dma_wait3A_76 = arith.constant 0 : i32
          %dma_wait3A_77 = tpu.memref_slice %arg8[%dma_wait3A_75, %dma_wait3A_76] : memref<24x80xi32, #tpu.memory_space<vmem>> -> memref<8x80xi32, #tpu.memory_space<vmem>>
          %dma_wait3A_78 = arith.constant 0 : i32
          %dma_wait3A_79 = tpu.memref_slice %arg4[%multiple_of3A_36, %dma_wait3A_78] : memref<4096x80xi32, #tpu.memory_space<hbm>> -> memref<8x80xi32, #tpu.memory_space<hbm>>
          %dma_wait3A_80 = arith.constant 0 : i32
          %dma_wait3A_81 = arith.constant 0 : i32
          %dma_wait3A_82 = tpu.memref_slice %arg8[%dma_wait3A_80, %dma_wait3A_81] : memref<24x80xi32, #tpu.memory_space<vmem>> -> memref<8x80xi32, #tpu.memory_space<vmem>>
          %dma_wait3A_83 = arith.constant 0 : i32
          %dma_wait3A_84 = tpu.memref_slice %arg4[%multiple_of3A_36, %dma_wait3A_83] : memref<4096x80xi32, #tpu.memory_space<hbm>> -> memref<8x80xi32, #tpu.memory_space<hbm>>
          tpu.wait_dma2 semaphore(%run_scoped3A : memref<!tpu.dma_semaphore, #tpu.memory_space<semaphore_mem>>) src(%dma_wait3A_84 : memref<8x80xi32, #tpu.memory_space<hbm>>) dst(%dma_wait3A_82 : memref<8x80xi32, #tpu.memory_space<vmem>>)
          tpu.yield
        }) : () -> ()
        %dma_start3A = arith.constant 0 : i32
        %dma_start3A_39 = tpu.memref_slice %arg7[%dma_start3A] : memref<1920xi32, #tpu.memory_space<vmem>> -> memref<80xi32, #tpu.memory_space<vmem>>
        %dma_start3A_40 = arith.constant 0 : i32
        %dma_start3A_41 = arith.constant 0 : i32
        %dma_start3A_42 = tpu.memref_slice %arg2[%dma_start3A_40, %dma_start3A_41] : memref<10240x128xf32, #tpu.memory_space<hbm>> -> memref<10240x128xf32, #tpu.memory_space<hbm>>
        tpu.enqueue_indirect_dma source(%dma_start3A_42 : memref<10240x128xf32, #tpu.memory_space<hbm>>) target(%arg9 : memref<80x128xf32, #tpu.memory_space<vmem>>) offsets(%dma_start3A_39 : memref<80xi32, #tpu.memory_space<vmem>>) semaphore(%arg13 : memref<!tpu.dma_semaphore, #tpu.memory_space<semaphore_mem>>)
        %dma_start3A_43 = arith.constant 80 : i32
        %dma_start3A_44 = tpu.memref_slice %arg7[%dma_start3A_43] : memref<1920xi32, #tpu.memory_space<vmem>> -> memref<80xi32, #tpu.memory_space<vmem>>
        %dma_start3A_45 = arith.constant 0 : i32
        %dma_start3A_46 = arith.constant 0 : i32
        %dma_start3A_47 = tpu.memref_slice %arg2[%dma_start3A_45, %dma_start3A_46] : memref<10240x128xf32, #tpu.memory_space<hbm>> -> memref<10240x128xf32, #tpu.memory_space<hbm>>
        tpu.enqueue_indirect_dma source(%dma_start3A_47 : memref<10240x128xf32, #tpu.memory_space<hbm>>) target(%arg10 : memref<80x128xf32, #tpu.memory_space<vmem>>) offsets(%dma_start3A_44 : memref<80xi32, #tpu.memory_space<vmem>>) semaphore(%arg14 : memref<!tpu.dma_semaphore, #tpu.memory_space<semaphore_mem>>)
        %dma_start3A_48 = arith.constant 160 : i32
        %dma_start3A_49 = tpu.memref_slice %arg7[%dma_start3A_48] : memref<1920xi32, #tpu.memory_space<vmem>> -> memref<80xi32, #tpu.memory_space<vmem>>
        %dma_start3A_50 = arith.constant 0 : i32
        %dma_start3A_51 = arith.constant 0 : i32
        %dma_start3A_52 = tpu.memref_slice %arg2[%dma_start3A_50, %dma_start3A_51] : memref<10240x128xf32, #tpu.memory_space<hbm>> -> memref<10240x128xf32, #tpu.memory_space<hbm>>
        tpu.enqueue_indirect_dma source(%dma_start3A_52 : memref<10240x128xf32, #tpu.memory_space<hbm>>) target(%arg11 : memref<80x128xf32, #tpu.memory_space<vmem>>) offsets(%dma_start3A_49 : memref<80xi32, #tpu.memory_space<vmem>>) semaphore(%arg15 : memref<!tpu.dma_semaphore, #tpu.memory_space<semaphore_mem>>)
        %scan3A_53 = arith.constant 0 : i32
        %scan3A_54 = arith.constant 0 : i32
        %scan3A_55 = arith.constant 2 : i32
        %scan3A_56 = arith.addi %scan3A_54, %scan3A_55 : i32
        %scan3A_57 = arith.constant 1 : i32
        scf.for %scan3A_65 = %scan3A_54 to %scan3A_56 step %scan3A_57  : i32 {
          %mul3A_66 = arith.constant 4 : i32
          %mul3A_67 = arith.muli %mul3A_66, %scan3A_65 : i32
          %add3A_68 = arith.constant 0 : i32
          %add3A_69 = arith.addi %mul3A_67, %add3A_68 : i32
          %mul3A_70 = arith.constant 80 : i32
          %mul3A_71 = arith.muli %add3A_69, %mul3A_70 : i32
          %dma_wait3A_72 = tpu.memref_slice %arg7[%mul3A_71] : memref<1920xi32, #tpu.memory_space<vmem>> -> memref<80xi32, #tpu.memory_space<vmem>>
          %dma_wait3A_73 = arith.constant 0 : i32
          %dma_wait3A_74 = arith.constant 0 : i32
          %dma_wait3A_75 = tpu.memref_slice %arg2[%dma_wait3A_73, %dma_wait3A_74] : memref<10240x128xf32, #tpu.memory_space<hbm>> -> memref<10240x128xf32, #tpu.memory_space<hbm>>
          tpu.wait_indirect_dma semaphore(%arg13 : memref<!tpu.dma_semaphore, #tpu.memory_space<semaphore_mem>>) src(%dma_wait3A_75 : memref<10240x128xf32, #tpu.memory_space<hbm>>) dst(%arg9 : memref<80x128xf32, #tpu.memory_space<vmem>>)
          %dma_start3A_76 = arith.constant 0 : i32
          %dma_start3A_77 = tpu.memref_slice %arg8[%add3A_69, %dma_start3A_76] : memref<24x80xi32, #tpu.memory_space<vmem>> -> memref<1x80xi32, #tpu.memory_space<vmem>>
          %dma_start3A_78 = tpu.memref_squeeze %dma_start3A_77 : memref<1x80xi32, #tpu.memory_space<vmem>> -> memref<80xi32, #tpu.memory_space<vmem>>
          %dma_start3A_79 = arith.constant 0 : i32
          %dma_start3A_80 = arith.constant 0 : i32
          %dma_start3A_81 = tpu.memref_slice %arg21[%dma_start3A_79, %dma_start3A_80] : memref<10240x128xf32, #tpu.memory_space<vmem_shared>> -> memref<10240x128xf32, #tpu.memory_space<vmem_shared>>
          tpu.enqueue_indirect_dma source(%arg9 : memref<80x128xf32, #tpu.memory_space<vmem>>) target(%dma_start3A_81 : memref<10240x128xf32, #tpu.memory_space<vmem_shared>>) offsets(%dma_start3A_78 : memref<80xi32, #tpu.memory_space<vmem>>) semaphore(%arg17 : memref<!tpu.dma_semaphore, #tpu.memory_space<semaphore_mem>>) {add = true}
          %gt3A = arith.constant 0 : i32
          %gt3A_82 = arith.cmpi sgt, %scan3A_65, %gt3A : i32
          %convert_element_type3A_83 = arith.extui %gt3A_82 : i1 to i32
          %cond3A_84 = arith.constant 0 : i32
          %cond3A_85 = arith.cmpi ne, %convert_element_type3A_83, %cond3A_84 : i32
          scf.if %cond3A_85 {
            %sub3A_179 = arith.constant 1 : i32
            %sub3A_180 = arith.subi %add3A_69, %sub3A_179 : i32
            %dma_wait3A_181 = arith.constant 0 : i32
            %dma_wait3A_182 = tpu.memref_slice %arg8[%sub3A_180, %dma_wait3A_181] : memref<24x80xi32, #tpu.memory_space<vmem>> -> memref<1x80xi32, #tpu.memory_space<vmem>>
            %dma_wait3A_183 = tpu.memref_squeeze %dma_wait3A_182 : memref<1x80xi32, #tpu.memory_space<vmem>> -> memref<80xi32, #tpu.memory_space<vmem>>
            %dma_wait3A_184 = arith.constant 0 : i32
            %dma_wait3A_185 = arith.constant 0 : i32
            %dma_wait3A_186 = tpu.memref_slice %arg21[%dma_wait3A_184, %dma_wait3A_185] : memref<10240x128xf32, #tpu.memory_space<vmem_shared>> -> memref<10240x128xf32, #tpu.memory_space<vmem_shared>>
            tpu.wait_indirect_dma semaphore(%arg20 : memref<!tpu.dma_semaphore, #tpu.memory_space<semaphore_mem>>) src(%arg12 : memref<80x128xf32, #tpu.memory_space<vmem>>) dst(%dma_wait3A_186 : memref<10240x128xf32, #tpu.memory_space<vmem_shared>>)
          } else {
          }
          %add3A_86 = arith.constant 3 : i32
          %add3A_87 = arith.addi %add3A_69, %add3A_86 : i32
          %mul3A_88 = arith.constant 80 : i32
          %mul3A_89 = arith.muli %add3A_87, %mul3A_88 : i32
          %dma_start3A_90 = tpu.memref_slice %arg7[%mul3A_89] : memref<1920xi32, #tpu.memory_space<vmem>> -> memref<80xi32, #tpu.memory_space<vmem>>
          %dma_start3A_91 = arith.constant 0 : i32
          %dma_start3A_92 = arith.constant 0 : i32
          %dma_start3A_93 = tpu.memref_slice %arg2[%dma_start3A_91, %dma_start3A_92] : memref<10240x128xf32, #tpu.memory_space<hbm>> -> memref<10240x128xf32, #tpu.memory_space<hbm>>
          tpu.enqueue_indirect_dma source(%dma_start3A_93 : memref<10240x128xf32, #tpu.memory_space<hbm>>) target(%arg12 : memref<80x128xf32, #tpu.memory_space<vmem>>) offsets(%dma_start3A_90 : memref<80xi32, #tpu.memory_space<vmem>>) semaphore(%arg16 : memref<!tpu.dma_semaphore, #tpu.memory_space<semaphore_mem>>)
          %mul3A_94 = arith.constant 4 : i32
          %mul3A_95 = arith.muli %mul3A_94, %scan3A_65 : i32
          %add3A_96 = arith.constant 1 : i32
          %add3A_97 = arith.addi %mul3A_95, %add3A_96 : i32
          %mul3A_98 = arith.constant 80 : i32
          %mul3A_99 = arith.muli %add3A_97, %mul3A_98 : i32
          %dma_wait3A_100 = tpu.memref_slice %arg7[%mul3A_99] : memref<1920xi32, #tpu.memory_space<vmem>> -> memref<80xi32, #tpu.memory_space<vmem>>
          %dma_wait3A_101 = arith.constant 0 : i32
          %dma_wait3A_102 = arith.constant 0 : i32
          %dma_wait3A_103 = tpu.memref_slice %arg2[%dma_wait3A_101, %dma_wait3A_102] : memref<10240x128xf32, #tpu.memory_space<hbm>> -> memref<10240x128xf32, #tpu.memory_space<hbm>>
          tpu.wait_indirect_dma semaphore(%arg14 : memref<!tpu.dma_semaphore, #tpu.memory_space<semaphore_mem>>) src(%dma_wait3A_103 : memref<10240x128xf32, #tpu.memory_space<hbm>>) dst(%arg10 : memref<80x128xf32, #tpu.memory_space<vmem>>)
          %dma_start3A_104 = arith.constant 0 : i32
          %dma_start3A_105 = tpu.memref_slice %arg8[%add3A_97, %dma_start3A_104] : memref<24x80xi32, #tpu.memory_space<vmem>> -> memref<1x80xi32, #tpu.memory_space<vmem>>
          %dma_start3A_106 = tpu.memref_squeeze %dma_start3A_105 : memref<1x80xi32, #tpu.memory_space<vmem>> -> memref<80xi32, #tpu.memory_space<vmem>>
          %dma_start3A_107 = arith.constant 0 : i32
          %dma_start3A_108 = arith.constant 0 : i32
          %dma_start3A_109 = tpu.memref_slice %arg21[%dma_start3A_107, %dma_start3A_108] : memref<10240x128xf32, #tpu.memory_space<vmem_shared>> -> memref<10240x128xf32, #tpu.memory_space<vmem_shared>>
          tpu.enqueue_indirect_dma source(%arg10 : memref<80x128xf32, #tpu.memory_space<vmem>>) target(%dma_start3A_109 : memref<10240x128xf32, #tpu.memory_space<vmem_shared>>) offsets(%dma_start3A_106 : memref<80xi32, #tpu.memory_space<vmem>>) semaphore(%arg18 : memref<!tpu.dma_semaphore, #tpu.memory_space<semaphore_mem>>) {add = true}
          %sub3A = arith.constant 1 : i32
          %sub3A_110 = arith.subi %add3A_97, %sub3A : i32
          %dma_wait3A_111 = arith.constant 0 : i32
          %dma_wait3A_112 = tpu.memref_slice %arg8[%sub3A_110, %dma_wait3A_111] : memref<24x80xi32, #tpu.memory_space<vmem>> -> memref<1x80xi32, #tpu.memory_space<vmem>>
          %dma_wait3A_113 = tpu.memref_squeeze %dma_wait3A_112 : memref<1x80xi32, #tpu.memory_space<vmem>> -> memref<80xi32, #tpu.memory_space<vmem>>
          %dma_wait3A_114 = arith.constant 0 : i32
          %dma_wait3A_115 = arith.constant 0 : i32
          %dma_wait3A_116 = tpu.memref_slice %arg21[%dma_wait3A_114, %dma_wait3A_115] : memref<10240x128xf32, #tpu.memory_space<vmem_shared>> -> memref<10240x128xf32, #tpu.memory_space<vmem_shared>>
          tpu.wait_indirect_dma semaphore(%arg17 : memref<!tpu.dma_semaphore, #tpu.memory_space<semaphore_mem>>) src(%arg9 : memref<80x128xf32, #tpu.memory_space<vmem>>) dst(%dma_wait3A_116 : memref<10240x128xf32, #tpu.memory_space<vmem_shared>>)
          %lt3A = arith.constant 1 : i32
          %lt3A_117 = arith.cmpi slt, %scan3A_65, %lt3A : i32
          %convert_element_type3A_118 = arith.extui %lt3A_117 : i1 to i32
          %cond3A_119 = arith.constant 0 : i32
          %cond3A_120 = arith.cmpi ne, %convert_element_type3A_118, %cond3A_119 : i32
          scf.if %cond3A_120 {
            %add3A_179 = arith.constant 3 : i32
            %add3A_180 = arith.addi %add3A_97, %add3A_179 : i32
            %mul3A_181 = arith.constant 80 : i32
            %mul3A_182 = arith.muli %add3A_180, %mul3A_181 : i32
            %dma_start3A_183 = tpu.memref_slice %arg7[%mul3A_182] : memref<1920xi32, #tpu.memory_space<vmem>> -> memref<80xi32, #tpu.memory_space<vmem>>
            %dma_start3A_184 = arith.constant 0 : i32
            %dma_start3A_185 = arith.constant 0 : i32
            %dma_start3A_186 = tpu.memref_slice %arg2[%dma_start3A_184, %dma_start3A_185] : memref<10240x128xf32, #tpu.memory_space<hbm>> -> memref<10240x128xf32, #tpu.memory_space<hbm>>
            tpu.enqueue_indirect_dma source(%dma_start3A_186 : memref<10240x128xf32, #tpu.memory_space<hbm>>) target(%arg9 : memref<80x128xf32, #tpu.memory_space<vmem>>) offsets(%dma_start3A_183 : memref<80xi32, #tpu.memory_space<vmem>>) semaphore(%arg13 : memref<!tpu.dma_semaphore, #tpu.memory_space<semaphore_mem>>)
          } else {
          }
          %mul3A_121 = arith.constant 4 : i32
          %mul3A_122 = arith.muli %mul3A_121, %scan3A_65 : i32
          %add3A_123 = arith.constant 2 : i32
          %add3A_124 = arith.addi %mul3A_122, %add3A_123 : i32
          %mul3A_125 = arith.constant 80 : i32
          %mul3A_126 = arith.muli %add3A_124, %mul3A_125 : i32
          %dma_wait3A_127 = tpu.memref_slice %arg7[%mul3A_126] : memref<1920xi32, #tpu.memory_space<vmem>> -> memref<80xi32, #tpu.memory_space<vmem>>
          %dma_wait3A_128 = arith.constant 0 : i32
          %dma_wait3A_129 = arith.constant 0 : i32
          %dma_wait3A_130 = tpu.memref_slice %arg2[%dma_wait3A_128, %dma_wait3A_129] : memref<10240x128xf32, #tpu.memory_space<hbm>> -> memref<10240x128xf32, #tpu.memory_space<hbm>>
          tpu.wait_indirect_dma semaphore(%arg15 : memref<!tpu.dma_semaphore, #tpu.memory_space<semaphore_mem>>) src(%dma_wait3A_130 : memref<10240x128xf32, #tpu.memory_space<hbm>>) dst(%arg11 : memref<80x128xf32, #tpu.memory_space<vmem>>)
          %dma_start3A_131 = arith.constant 0 : i32
          %dma_start3A_132 = tpu.memref_slice %arg8[%add3A_124, %dma_start3A_131] : memref<24x80xi32, #tpu.memory_space<vmem>> -> memref<1x80xi32, #tpu.memory_space<vmem>>
          %dma_start3A_133 = tpu.memref_squeeze %dma_start3A_132 : memref<1x80xi32, #tpu.memory_space<vmem>> -> memref<80xi32, #tpu.memory_space<vmem>>
          %dma_start3A_134 = arith.constant 0 : i32
          %dma_start3A_135 = arith.constant 0 : i32
          %dma_start3A_136 = tpu.memref_slice %arg21[%dma_start3A_134, %dma_start3A_135] : memref<10240x128xf32, #tpu.memory_space<vmem_shared>> -> memref<10240x128xf32, #tpu.memory_space<vmem_shared>>
          tpu.enqueue_indirect_dma source(%arg11 : memref<80x128xf32, #tpu.memory_space<vmem>>) target(%dma_start3A_136 : memref<10240x128xf32, #tpu.memory_space<vmem_shared>>) offsets(%dma_start3A_133 : memref<80xi32, #tpu.memory_space<vmem>>) semaphore(%arg19 : memref<!tpu.dma_semaphore, #tpu.memory_space<semaphore_mem>>) {add = true}
          %sub3A_137 = arith.constant 1 : i32
          %sub3A_138 = arith.subi %add3A_124, %sub3A_137 : i32
          %dma_wait3A_139 = arith.constant 0 : i32
          %dma_wait3A_140 = tpu.memref_slice %arg8[%sub3A_138, %dma_wait3A_139] : memref<24x80xi32, #tpu.memory_space<vmem>> -> memref<1x80xi32, #tpu.memory_space<vmem>>
          %dma_wait3A_141 = tpu.memref_squeeze %dma_wait3A_140 : memref<1x80xi32, #tpu.memory_space<vmem>> -> memref<80xi32, #tpu.memory_space<vmem>>
          %dma_wait3A_142 = arith.constant 0 : i32
          %dma_wait3A_143 = arith.constant 0 : i32
          %dma_wait3A_144 = tpu.memref_slice %arg21[%dma_wait3A_142, %dma_wait3A_143] : memref<10240x128xf32, #tpu.memory_space<vmem_shared>> -> memref<10240x128xf32, #tpu.memory_space<vmem_shared>>
          tpu.wait_indirect_dma semaphore(%arg18 : memref<!tpu.dma_semaphore, #tpu.memory_space<semaphore_mem>>) src(%arg10 : memref<80x128xf32, #tpu.memory_space<vmem>>) dst(%dma_wait3A_144 : memref<10240x128xf32, #tpu.memory_space<vmem_shared>>)
          %lt3A_145 = arith.constant 1 : i32
          %lt3A_146 = arith.cmpi slt, %scan3A_65, %lt3A_145 : i32
          %convert_element_type3A_147 = arith.extui %lt3A_146 : i1 to i32
          %cond3A_148 = arith.constant 0 : i32
          %cond3A_149 = arith.cmpi ne, %convert_element_type3A_147, %cond3A_148 : i32
          scf.if %cond3A_149 {
            %add3A_179 = arith.constant 3 : i32
            %add3A_180 = arith.addi %add3A_124, %add3A_179 : i32
            %mul3A_181 = arith.constant 80 : i32
            %mul3A_182 = arith.muli %add3A_180, %mul3A_181 : i32
            %dma_start3A_183 = tpu.memref_slice %arg7[%mul3A_182] : memref<1920xi32, #tpu.memory_space<vmem>> -> memref<80xi32, #tpu.memory_space<vmem>>
            %dma_start3A_184 = arith.constant 0 : i32
            %dma_start3A_185 = arith.constant 0 : i32
            %dma_start3A_186 = tpu.memref_slice %arg2[%dma_start3A_184, %dma_start3A_185] : memref<10240x128xf32, #tpu.memory_space<hbm>> -> memref<10240x128xf32, #tpu.memory_space<hbm>>
            tpu.enqueue_indirect_dma source(%dma_start3A_186 : memref<10240x128xf32, #tpu.memory_space<hbm>>) target(%arg10 : memref<80x128xf32, #tpu.memory_space<vmem>>) offsets(%dma_start3A_183 : memref<80xi32, #tpu.memory_space<vmem>>) semaphore(%arg14 : memref<!tpu.dma_semaphore, #tpu.memory_space<semaphore_mem>>)
          } else {
          }
          %mul3A_150 = arith.constant 4 : i32
          %mul3A_151 = arith.muli %mul3A_150, %scan3A_65 : i32
          %add3A_152 = arith.constant 3 : i32
          %add3A_153 = arith.addi %mul3A_151, %add3A_152 : i32
          %mul3A_154 = arith.constant 80 : i32
          %mul3A_155 = arith.muli %add3A_153, %mul3A_154 : i32
          %dma_wait3A_156 = tpu.memref_slice %arg7[%mul3A_155] : memref<1920xi32, #tpu.memory_space<vmem>> -> memref<80xi32, #tpu.memory_space<vmem>>
          %dma_wait3A_157 = arith.constant 0 : i32
          %dma_wait3A_158 = arith.constant 0 : i32
          %dma_wait3A_159 = tpu.memref_slice %arg2[%dma_wait3A_157, %dma_wait3A_158] : memref<10240x128xf32, #tpu.memory_space<hbm>> -> memref<10240x128xf32, #tpu.memory_space<hbm>>
          tpu.wait_indirect_dma semaphore(%arg16 : memref<!tpu.dma_semaphore, #tpu.memory_space<semaphore_mem>>) src(%dma_wait3A_159 : memref<10240x128xf32, #tpu.memory_space<hbm>>) dst(%arg12 : memref<80x128xf32, #tpu.memory_space<vmem>>)
          %dma_start3A_160 = arith.constant 0 : i32
          %dma_start3A_161 = tpu.memref_slice %arg8[%add3A_153, %dma_start3A_160] : memref<24x80xi32, #tpu.memory_space<vmem>> -> memref<1x80xi32, #tpu.memory_space<vmem>>
          %dma_start3A_162 = tpu.memref_squeeze %dma_start3A_161 : memref<1x80xi32, #tpu.memory_space<vmem>> -> memref<80xi32, #tpu.memory_space<vmem>>
          %dma_start3A_163 = arith.constant 0 : i32
          %dma_start3A_164 = arith.constant 0 : i32
          %dma_start3A_165 = tpu.memref_slice %arg21[%dma_start3A_163, %dma_start3A_164] : memref<10240x128xf32, #tpu.memory_space<vmem_shared>> -> memref<10240x128xf32, #tpu.memory_space<vmem_shared>>
          tpu.enqueue_indirect_dma source(%arg12 : memref<80x128xf32, #tpu.memory_space<vmem>>) target(%dma_start3A_165 : memref<10240x128xf32, #tpu.memory_space<vmem_shared>>) offsets(%dma_start3A_162 : memref<80xi32, #tpu.memory_space<vmem>>) semaphore(%arg20 : memref<!tpu.dma_semaphore, #tpu.memory_space<semaphore_mem>>) {add = true}
          %sub3A_166 = arith.constant 1 : i32
          %sub3A_167 = arith.subi %add3A_153, %sub3A_166 : i32
          %dma_wait3A_168 = arith.constant 0 : i32
          %dma_wait3A_169 = tpu.memref_slice %arg8[%sub3A_167, %dma_wait3A_168] : memref<24x80xi32, #tpu.memory_space<vmem>> -> memref<1x80xi32, #tpu.memory_space<vmem>>
          %dma_wait3A_170 = tpu.memref_squeeze %dma_wait3A_169 : memref<1x80xi32, #tpu.memory_space<vmem>> -> memref<80xi32, #tpu.memory_space<vmem>>
          %dma_wait3A_171 = arith.constant 0 : i32
          %dma_wait3A_172 = arith.constant 0 : i32
          %dma_wait3A_173 = tpu.memref_slice %arg21[%dma_wait3A_171, %dma_wait3A_172] : memref<10240x128xf32, #tpu.memory_space<vmem_shared>> -> memref<10240x128xf32, #tpu.memory_space<vmem_shared>>
          tpu.wait_indirect_dma semaphore(%arg19 : memref<!tpu.dma_semaphore, #tpu.memory_space<semaphore_mem>>) src(%arg11 : memref<80x128xf32, #tpu.memory_space<vmem>>) dst(%dma_wait3A_173 : memref<10240x128xf32, #tpu.memory_space<vmem_shared>>)
          %lt3A_174 = arith.constant 1 : i32
          %lt3A_175 = arith.cmpi slt, %scan3A_65, %lt3A_174 : i32
          %convert_element_type3A_176 = arith.extui %lt3A_175 : i1 to i32
          %cond3A_177 = arith.constant 0 : i32
          %cond3A_178 = arith.cmpi ne, %convert_element_type3A_176, %cond3A_177 : i32
          scf.if %cond3A_178 {
            %add3A_179 = arith.constant 3 : i32
            %add3A_180 = arith.addi %add3A_153, %add3A_179 : i32
            %mul3A_181 = arith.constant 80 : i32
            %mul3A_182 = arith.muli %add3A_180, %mul3A_181 : i32
            %dma_start3A_183 = tpu.memref_slice %arg7[%mul3A_182] : memref<1920xi32, #tpu.memory_space<vmem>> -> memref<80xi32, #tpu.memory_space<vmem>>
            %dma_start3A_184 = arith.constant 0 : i32
            %dma_start3A_185 = arith.constant 0 : i32
            %dma_start3A_186 = tpu.memref_slice %arg2[%dma_start3A_184, %dma_start3A_185] : memref<10240x128xf32, #tpu.memory_space<hbm>> -> memref<10240x128xf32, #tpu.memory_space<hbm>>
            tpu.enqueue_indirect_dma source(%dma_start3A_186 : memref<10240x128xf32, #tpu.memory_space<hbm>>) target(%arg11 : memref<80x128xf32, #tpu.memory_space<vmem>>) offsets(%dma_start3A_183 : memref<80xi32, #tpu.memory_space<vmem>>) semaphore(%arg15 : memref<!tpu.dma_semaphore, #tpu.memory_space<semaphore_mem>>)
          } else {
          }
        }
        %scan3A_58 = arith.constant 2 : i32
        %dma_wait3A = arith.constant 7 : i32
        %dma_wait3A_59 = arith.constant 0 : i32
        %dma_wait3A_60 = tpu.memref_slice %arg8[%dma_wait3A, %dma_wait3A_59] : memref<24x80xi32, #tpu.memory_space<vmem>> -> memref<1x80xi32, #tpu.memory_space<vmem>>
        %dma_wait3A_61 = tpu.memref_squeeze %dma_wait3A_60 : memref<1x80xi32, #tpu.memory_space<vmem>> -> memref<80xi32, #tpu.memory_space<vmem>>
        %dma_wait3A_62 = arith.constant 0 : i32
        %dma_wait3A_63 = arith.constant 0 : i32
        %dma_wait3A_64 = tpu.memref_slice %arg21[%dma_wait3A_62, %dma_wait3A_63] : memref<10240x128xf32, #tpu.memory_space<vmem_shared>> -> memref<10240x128xf32, #tpu.memory_space<vmem_shared>>
        tpu.wait_indirect_dma semaphore(%arg20 : memref<!tpu.dma_semaphore, #tpu.memory_space<semaphore_mem>>) src(%arg12 : memref<80x128xf32, #tpu.memory_space<vmem>>) dst(%dma_wait3A_64 : memref<10240x128xf32, #tpu.memory_space<vmem_shared>>)
      }
      %scan3A_31 = arith.constant 8 : i32
    } else {
    }
    %barrier3A_17 = arith.constant 0 : index
    tpu.barrier barrier_id(%barrier3A_17)
    %mul3A_18 = arith.constant 10240 : i32
    %mul3A_19 = arith.muli %arg0, %mul3A_18 : i32
    %mul3A_20 = arith.constant 640 : i32
    %mul3A_21 = arith.muli %arg1, %mul3A_20 : i32
    %add3A = arith.addi %mul3A_19, %mul3A_21 : i32
    %multiple_of3A_22 = tpu.assume_multiple %add3A, 640 : i32
    "tpu.region"() ({
      %run_scoped3A = tpu.sem_alloc : memref<!tpu.dma_semaphore, #tpu.memory_space<semaphore_mem>>
      %dma_start3A = arith.constant 0 : i32
      %dma_start3A_23 = tpu.memref_slice %arg6[%multiple_of3A_22, %dma_start3A] : memref<20480x128xf32, #tpu.memory_space<hbm>> -> memref<640x128xf32, #tpu.memory_space<hbm>>
      %dma_start3A_24 = arith.constant 0 : i32
      %dma_start3A_25 = tpu.memref_slice %arg21[%multiple_of3A, %dma_start3A_24] : memref<10240x128xf32, #tpu.memory_space<vmem_shared>> -> memref<640x128xf32, #tpu.memory_space<vmem_shared>>
      tpu.enqueue_dma source(%dma_start3A_25 : memref<640x128xf32, #tpu.memory_space<vmem_shared>>) target(%dma_start3A_23 : memref<640x128xf32, #tpu.memory_space<hbm>>) target_semaphore(%run_scoped3A : memref<!tpu.dma_semaphore, #tpu.memory_space<semaphore_mem>>)
      %dma_wait3A = arith.constant 0 : i32
      %dma_wait3A_26 = tpu.memref_slice %arg6[%multiple_of3A_22, %dma_wait3A] : memref<20480x128xf32, #tpu.memory_space<hbm>> -> memref<640x128xf32, #tpu.memory_space<hbm>>
      %dma_wait3A_27 = arith.constant 0 : i32
      %dma_wait3A_28 = tpu.memref_slice %arg21[%multiple_of3A, %dma_wait3A_27] : memref<10240x128xf32, #tpu.memory_space<vmem_shared>> -> memref<640x128xf32, #tpu.memory_space<vmem_shared>>
      tpu.wait_dma2 semaphore(%run_scoped3A : memref<!tpu.dma_semaphore, #tpu.memory_space<semaphore_mem>>) src(%dma_wait3A_28 : memref<640x128xf32, #tpu.memory_space<vmem_shared>>) dst(%dma_wait3A_26 : memref<640x128xf32, #tpu.memory_space<hbm>>)
      tpu.yield
    }) : () -> ()
    return
  }
}

#map = affine_map<(d0, d1) -> (0, 0)>
#map1 = affine_map<(d0, d1) -> (0)>
module attributes {stable_mosaic.version = 14 : i64} {
  func.func @_sc_agg_body(%arg0: i32, %arg1: i32, %arg2: memref<10240x128xf32, #tpu.memory_space<hbm>>, %arg3: memref<327680xi32, #tpu.memory_space<hbm>>, %arg4: memref<4096x80xi32, #tpu.memory_space<hbm>>, %arg5: memref<10240x128xf32, #tpu.memory_space<hbm>>, %arg6: memref<20480x128xf32, #tpu.memory_space<hbm>>, %arg7: memref<1920xi32, #tpu.memory_space<vmem>>, %arg8: memref<24x80xi32, #tpu.memory_space<vmem>>, %arg9: memref<80x128xf32, #tpu.memory_space<vmem>>, %arg10: memref<80x128xf32, #tpu.memory_space<vmem>>, %arg11: memref<80x128xf32, #tpu.memory_space<vmem>>, %arg12: memref<80x128xf32, #tpu.memory_space<vmem>>, %arg13: memref<!tpu.dma_semaphore, #tpu.memory_space<semaphore_mem>>, %arg14: memref<!tpu.dma_semaphore, #tpu.memory_space<semaphore_mem>>, %arg15: memref<!tpu.dma_semaphore, #tpu.memory_space<semaphore_mem>>, %arg16: memref<!tpu.dma_semaphore, #tpu.memory_space<semaphore_mem>>, %arg17: memref<!tpu.dma_semaphore, #tpu.memory_space<semaphore_mem>>, %arg18: memref<!tpu.dma_semaphore, #tpu.memory_space<semaphore_mem>>, %arg19: memref<!tpu.dma_semaphore, #tpu.memory_space<semaphore_mem>>, %arg20: memref<!tpu.dma_semaphore, #tpu.memory_space<semaphore_mem>>, %arg21: memref<10240x128xf32, #tpu.memory_space<vmem_shared>>) attributes {dimension_semantics = [#tpu.dimension_semantics<core_parallel>, #tpu.dimension_semantics<subcore_parallel>], iteration_bounds = array<i64: 2, 16>, scalar_prefetch = 0 : i64, scratch_operands = 15 : i64, tpu.core_type = #tpu.core_type<sc_vector_subcore>, window_params = [{transform_indices = #map}, {transform_indices = #map1}, {transform_indices = #map}, {transform_indices = #map}, {transform_indices = #map}]} {
    %mul3A = arith.constant 640 : i32
    %mul3A_0 = arith.muli %arg1, %mul3A : i32
    %multiple_of3A = tpu.assume_multiple %mul3A_0, 640 : i32
    %eq3A = arith.constant 0 : i32
    %eq3A_1 = arith.cmpi eq, %arg0, %eq3A : i32
    %convert_element_type3A = arith.extui %eq3A_1 : i1 to i32
    %cond3A = arith.constant 0 : i32
    %cond3A_2 = arith.cmpi ne, %convert_element_type3A, %cond3A : i32
    scf.if %cond3A_2 {
      "tpu.region"() ({
        %run_scoped3A = tpu.sem_alloc : memref<!tpu.dma_semaphore, #tpu.memory_space<semaphore_mem>>
        %dma_start3A = arith.constant 0 : i32
        %dma_start3A_23 = tpu.memref_slice %arg21[%multiple_of3A, %dma_start3A] : memref<10240x128xf32, #tpu.memory_space<vmem_shared>> -> memref<640x128xf32, #tpu.memory_space<vmem_shared>>
        %dma_start3A_24 = arith.constant 0 : i32
        %dma_start3A_25 = tpu.memref_slice %arg2[%multiple_of3A, %dma_start3A_24] : memref<10240x128xf32, #tpu.memory_space<hbm>> -> memref<640x128xf32, #tpu.memory_space<hbm>>
        tpu.enqueue_dma source(%dma_start3A_25 : memref<640x128xf32, #tpu.memory_space<hbm>>) target(%dma_start3A_23 : memref<640x128xf32, #tpu.memory_space<vmem_shared>>) target_semaphore(%run_scoped3A : memref<!tpu.dma_semaphore, #tpu.memory_space<semaphore_mem>>)
        %dma_wait3A = arith.constant 0 : i32
        %dma_wait3A_26 = tpu.memref_slice %arg21[%multiple_of3A, %dma_wait3A] : memref<10240x128xf32, #tpu.memory_space<vmem_shared>> -> memref<640x128xf32, #tpu.memory_space<vmem_shared>>
        %dma_wait3A_27 = arith.constant 0 : i32
        %dma_wait3A_28 = tpu.memref_slice %arg2[%multiple_of3A, %dma_wait3A_27] : memref<10240x128xf32, #tpu.memory_space<hbm>> -> memref<640x128xf32, #tpu.memory_space<hbm>>
        tpu.wait_dma2 semaphore(%run_scoped3A : memref<!tpu.dma_semaphore, #tpu.memory_space<semaphore_mem>>) src(%dma_wait3A_28 : memref<640x128xf32, #tpu.memory_space<hbm>>) dst(%dma_wait3A_26 : memref<640x128xf32, #tpu.memory_space<vmem_shared>>)
        tpu.yield
      }) : () -> ()
    } else {
    }
    %ne3A = arith.constant 0 : i32
    %ne3A_3 = arith.cmpi ne, %arg0, %ne3A : i32
    %convert_element_type3A_4 = arith.extui %ne3A_3 : i1 to i32
    %cond3A_5 = arith.constant 0 : i32
    %cond3A_6 = arith.cmpi ne, %convert_element_type3A_4, %cond3A_5 : i32
    scf.if %cond3A_6 {
      "tpu.region"() ({
        %run_scoped3A = tpu.sem_alloc : memref<!tpu.dma_semaphore, #tpu.memory_space<semaphore_mem>>
        %dma_start3A = arith.constant 0 : i32
        %dma_start3A_23 = tpu.memref_slice %arg21[%multiple_of3A, %dma_start3A] : memref<10240x128xf32, #tpu.memory_space<vmem_shared>> -> memref<640x128xf32, #tpu.memory_space<vmem_shared>>
        %dma_start3A_24 = arith.constant 0 : i32
        %dma_start3A_25 = tpu.memref_slice %arg5[%multiple_of3A, %dma_start3A_24] : memref<10240x128xf32, #tpu.memory_space<hbm>> -> memref<640x128xf32, #tpu.memory_space<hbm>>
        tpu.enqueue_dma source(%dma_start3A_25 : memref<640x128xf32, #tpu.memory_space<hbm>>) target(%dma_start3A_23 : memref<640x128xf32, #tpu.memory_space<vmem_shared>>) target_semaphore(%run_scoped3A : memref<!tpu.dma_semaphore, #tpu.memory_space<semaphore_mem>>)
        %dma_wait3A = arith.constant 0 : i32
        %dma_wait3A_26 = tpu.memref_slice %arg21[%multiple_of3A, %dma_wait3A] : memref<10240x128xf32, #tpu.memory_space<vmem_shared>> -> memref<640x128xf32, #tpu.memory_space<vmem_shared>>
        %dma_wait3A_27 = arith.constant 0 : i32
        %dma_wait3A_28 = tpu.memref_slice %arg5[%multiple_of3A, %dma_wait3A_27] : memref<10240x128xf32, #tpu.memory_space<hbm>> -> memref<640x128xf32, #tpu.memory_space<hbm>>
        tpu.wait_dma2 semaphore(%run_scoped3A : memref<!tpu.dma_semaphore, #tpu.memory_space<semaphore_mem>>) src(%dma_wait3A_28 : memref<640x128xf32, #tpu.memory_space<hbm>>) dst(%dma_wait3A_26 : memref<640x128xf32, #tpu.memory_space<vmem_shared>>)
        tpu.yield
      }) : () -> ()
    } else {
    }
    %barrier3A = arith.constant 0 : index
    tpu.barrier barrier_id(%barrier3A)
    %eq3A_7 = arith.constant 0 : i32
    %eq3A_8 = arith.cmpi eq, %arg0, %eq3A_7 : i32
    %convert_element_type3A_9 = arith.extui %eq3A_8 : i1 to i32
    %cond3A_10 = arith.constant 0 : i32
    %cond3A_11 = arith.cmpi ne, %convert_element_type3A_9, %cond3A_10 : i32
    scf.if %cond3A_11 {
      %mul3A_23 = arith.constant 256 : i32
      %mul3A_24 = arith.muli %arg1, %mul3A_23 : i32
      %scan3A = arith.constant 0 : i32
      %scan3A_25 = arith.constant 0 : i32
      %scan3A_26 = arith.constant 8 : i32
      %scan3A_27 = arith.addi %scan3A_25, %scan3A_26 : i32
      %scan3A_28 = arith.constant 1 : i32
      scf.for %scan3A_30 = %scan3A_25 to %scan3A_27 step %scan3A_28  : i32 {
        %mul3A_31 = arith.constant 24 : i32
        %mul3A_32 = arith.muli %scan3A_30, %mul3A_31 : i32
        %add3A_33 = arith.addi %mul3A_24, %mul3A_32 : i32
        %multiple_of3A_34 = tpu.assume_multiple %add3A_33, 8 : i32
        %mul3A_35 = arith.constant 80 : i32
        %mul3A_36 = arith.muli %multiple_of3A_34, %mul3A_35 : i32
        "tpu.region"() ({
          %run_scoped3A = tpu.sem_alloc : memref<!tpu.dma_semaphore, #tpu.memory_space<semaphore_mem>>
          %dma_start3A_63 = arith.constant 0 : i32
          %dma_start3A_64 = tpu.memref_slice %arg7[%dma_start3A_63] : memref<1920xi32, #tpu.memory_space<vmem>> -> memref<1920xi32, #tpu.memory_space<vmem>>
          %dma_start3A_65 = tpu.memref_slice %arg3[%mul3A_36] : memref<327680xi32, #tpu.memory_space<hbm>> -> memref<1920xi32, #tpu.memory_space<hbm>>
          %dma_start3A_66 = arith.constant 0 : i32
          %dma_start3A_67 = tpu.memref_slice %arg7[%dma_start3A_66] : memref<1920xi32, #tpu.memory_space<vmem>> -> memref<1920xi32, #tpu.memory_space<vmem>>
          %dma_start3A_68 = tpu.memref_slice %arg3[%mul3A_36] : memref<327680xi32, #tpu.memory_space<hbm>> -> memref<1920xi32, #tpu.memory_space<hbm>>
          tpu.enqueue_dma source(%dma_start3A_68 : memref<1920xi32, #tpu.memory_space<hbm>>) target(%dma_start3A_67 : memref<1920xi32, #tpu.memory_space<vmem>>) target_semaphore(%run_scoped3A : memref<!tpu.dma_semaphore, #tpu.memory_space<semaphore_mem>>)
          %dma_wait3A_69 = arith.constant 0 : i32
          %dma_wait3A_70 = tpu.memref_slice %arg7[%dma_wait3A_69] : memref<1920xi32, #tpu.memory_space<vmem>> -> memref<1920xi32, #tpu.memory_space<vmem>>
          %dma_wait3A_71 = tpu.memref_slice %arg3[%mul3A_36] : memref<327680xi32, #tpu.memory_space<hbm>> -> memref<1920xi32, #tpu.memory_space<hbm>>
          %dma_wait3A_72 = arith.constant 0 : i32
          %dma_wait3A_73 = tpu.memref_slice %arg7[%dma_wait3A_72] : memref<1920xi32, #tpu.memory_space<vmem>> -> memref<1920xi32, #tpu.memory_space<vmem>>
          %dma_wait3A_74 = tpu.memref_slice %arg3[%mul3A_36] : memref<327680xi32, #tpu.memory_space<hbm>> -> memref<1920xi32, #tpu.memory_space<hbm>>
          tpu.wait_dma2 semaphore(%run_scoped3A : memref<!tpu.dma_semaphore, #tpu.memory_space<semaphore_mem>>) src(%dma_wait3A_74 : memref<1920xi32, #tpu.memory_space<hbm>>) dst(%dma_wait3A_73 : memref<1920xi32, #tpu.memory_space<vmem>>)
          tpu.yield
        }) : () -> ()
        "tpu.region"() ({
          %run_scoped3A = tpu.sem_alloc : memref<!tpu.dma_semaphore, #tpu.memory_space<semaphore_mem>>
          %dma_start3A_63 = arith.constant 0 : i32
          %dma_start3A_64 = arith.constant 0 : i32
          %dma_start3A_65 = tpu.memref_slice %arg8[%dma_start3A_63, %dma_start3A_64] : memref<24x80xi32, #tpu.memory_space<vmem>> -> memref<24x80xi32, #tpu.memory_space<vmem>>
          %dma_start3A_66 = arith.constant 0 : i32
          %dma_start3A_67 = tpu.memref_slice %arg4[%multiple_of3A_34, %dma_start3A_66] : memref<4096x80xi32, #tpu.memory_space<hbm>> -> memref<24x80xi32, #tpu.memory_space<hbm>>
          %dma_start3A_68 = arith.constant 0 : i32
          %dma_start3A_69 = arith.constant 0 : i32
          %dma_start3A_70 = tpu.memref_slice %arg8[%dma_start3A_68, %dma_start3A_69] : memref<24x80xi32, #tpu.memory_space<vmem>> -> memref<24x80xi32, #tpu.memory_space<vmem>>
          %dma_start3A_71 = arith.constant 0 : i32
          %dma_start3A_72 = tpu.memref_slice %arg4[%multiple_of3A_34, %dma_start3A_71] : memref<4096x80xi32, #tpu.memory_space<hbm>> -> memref<24x80xi32, #tpu.memory_space<hbm>>
          tpu.enqueue_dma source(%dma_start3A_72 : memref<24x80xi32, #tpu.memory_space<hbm>>) target(%dma_start3A_70 : memref<24x80xi32, #tpu.memory_space<vmem>>) target_semaphore(%run_scoped3A : memref<!tpu.dma_semaphore, #tpu.memory_space<semaphore_mem>>)
          %dma_wait3A_73 = arith.constant 0 : i32
          %dma_wait3A_74 = arith.constant 0 : i32
          %dma_wait3A_75 = tpu.memref_slice %arg8[%dma_wait3A_73, %dma_wait3A_74] : memref<24x80xi32, #tpu.memory_space<vmem>> -> memref<24x80xi32, #tpu.memory_space<vmem>>
          %dma_wait3A_76 = arith.constant 0 : i32
          %dma_wait3A_77 = tpu.memref_slice %arg4[%multiple_of3A_34, %dma_wait3A_76] : memref<4096x80xi32, #tpu.memory_space<hbm>> -> memref<24x80xi32, #tpu.memory_space<hbm>>
          %dma_wait3A_78 = arith.constant 0 : i32
          %dma_wait3A_79 = arith.constant 0 : i32
          %dma_wait3A_80 = tpu.memref_slice %arg8[%dma_wait3A_78, %dma_wait3A_79] : memref<24x80xi32, #tpu.memory_space<vmem>> -> memref<24x80xi32, #tpu.memory_space<vmem>>
          %dma_wait3A_81 = arith.constant 0 : i32
          %dma_wait3A_82 = tpu.memref_slice %arg4[%multiple_of3A_34, %dma_wait3A_81] : memref<4096x80xi32, #tpu.memory_space<hbm>> -> memref<24x80xi32, #tpu.memory_space<hbm>>
          tpu.wait_dma2 semaphore(%run_scoped3A : memref<!tpu.dma_semaphore, #tpu.memory_space<semaphore_mem>>) src(%dma_wait3A_82 : memref<24x80xi32, #tpu.memory_space<hbm>>) dst(%dma_wait3A_80 : memref<24x80xi32, #tpu.memory_space<vmem>>)
          tpu.yield
        }) : () -> ()
        %dma_start3A = arith.constant 0 : i32
        %dma_start3A_37 = tpu.memref_slice %arg7[%dma_start3A] : memref<1920xi32, #tpu.memory_space<vmem>> -> memref<80xi32, #tpu.memory_space<vmem>>
        %dma_start3A_38 = arith.constant 0 : i32
        %dma_start3A_39 = arith.constant 0 : i32
        %dma_start3A_40 = tpu.memref_slice %arg2[%dma_start3A_38, %dma_start3A_39] : memref<10240x128xf32, #tpu.memory_space<hbm>> -> memref<10240x128xf32, #tpu.memory_space<hbm>>
        tpu.enqueue_indirect_dma source(%dma_start3A_40 : memref<10240x128xf32, #tpu.memory_space<hbm>>) target(%arg9 : memref<80x128xf32, #tpu.memory_space<vmem>>) offsets(%dma_start3A_37 : memref<80xi32, #tpu.memory_space<vmem>>) semaphore(%arg13 : memref<!tpu.dma_semaphore, #tpu.memory_space<semaphore_mem>>)
        %dma_start3A_41 = arith.constant 80 : i32
        %dma_start3A_42 = tpu.memref_slice %arg7[%dma_start3A_41] : memref<1920xi32, #tpu.memory_space<vmem>> -> memref<80xi32, #tpu.memory_space<vmem>>
        %dma_start3A_43 = arith.constant 0 : i32
        %dma_start3A_44 = arith.constant 0 : i32
        %dma_start3A_45 = tpu.memref_slice %arg2[%dma_start3A_43, %dma_start3A_44] : memref<10240x128xf32, #tpu.memory_space<hbm>> -> memref<10240x128xf32, #tpu.memory_space<hbm>>
        tpu.enqueue_indirect_dma source(%dma_start3A_45 : memref<10240x128xf32, #tpu.memory_space<hbm>>) target(%arg10 : memref<80x128xf32, #tpu.memory_space<vmem>>) offsets(%dma_start3A_42 : memref<80xi32, #tpu.memory_space<vmem>>) semaphore(%arg14 : memref<!tpu.dma_semaphore, #tpu.memory_space<semaphore_mem>>)
        %dma_start3A_46 = arith.constant 160 : i32
        %dma_start3A_47 = tpu.memref_slice %arg7[%dma_start3A_46] : memref<1920xi32, #tpu.memory_space<vmem>> -> memref<80xi32, #tpu.memory_space<vmem>>
        %dma_start3A_48 = arith.constant 0 : i32
        %dma_start3A_49 = arith.constant 0 : i32
        %dma_start3A_50 = tpu.memref_slice %arg2[%dma_start3A_48, %dma_start3A_49] : memref<10240x128xf32, #tpu.memory_space<hbm>> -> memref<10240x128xf32, #tpu.memory_space<hbm>>
        tpu.enqueue_indirect_dma source(%dma_start3A_50 : memref<10240x128xf32, #tpu.memory_space<hbm>>) target(%arg11 : memref<80x128xf32, #tpu.memory_space<vmem>>) offsets(%dma_start3A_47 : memref<80xi32, #tpu.memory_space<vmem>>) semaphore(%arg15 : memref<!tpu.dma_semaphore, #tpu.memory_space<semaphore_mem>>)
        %scan3A_51 = arith.constant 0 : i32
        %scan3A_52 = arith.constant 0 : i32
        %scan3A_53 = arith.constant 6 : i32
        %scan3A_54 = arith.addi %scan3A_52, %scan3A_53 : i32
        %scan3A_55 = arith.constant 1 : i32
        scf.for %scan3A_63 = %scan3A_52 to %scan3A_54 step %scan3A_55  : i32 {
          %mul3A_64 = arith.constant 4 : i32
          %mul3A_65 = arith.muli %mul3A_64, %scan3A_63 : i32
          %add3A_66 = arith.constant 0 : i32
          %add3A_67 = arith.addi %mul3A_65, %add3A_66 : i32
          %mul3A_68 = arith.constant 80 : i32
          %mul3A_69 = arith.muli %add3A_67, %mul3A_68 : i32
          %dma_wait3A_70 = tpu.memref_slice %arg7[%mul3A_69] : memref<1920xi32, #tpu.memory_space<vmem>> -> memref<80xi32, #tpu.memory_space<vmem>>
          %dma_wait3A_71 = arith.constant 0 : i32
          %dma_wait3A_72 = arith.constant 0 : i32
          %dma_wait3A_73 = tpu.memref_slice %arg2[%dma_wait3A_71, %dma_wait3A_72] : memref<10240x128xf32, #tpu.memory_space<hbm>> -> memref<10240x128xf32, #tpu.memory_space<hbm>>
          tpu.wait_indirect_dma semaphore(%arg13 : memref<!tpu.dma_semaphore, #tpu.memory_space<semaphore_mem>>) src(%dma_wait3A_73 : memref<10240x128xf32, #tpu.memory_space<hbm>>) dst(%arg9 : memref<80x128xf32, #tpu.memory_space<vmem>>)
          %dma_start3A_74 = arith.constant 0 : i32
          %dma_start3A_75 = tpu.memref_slice %arg8[%add3A_67, %dma_start3A_74] : memref<24x80xi32, #tpu.memory_space<vmem>> -> memref<1x80xi32, #tpu.memory_space<vmem>>
          %dma_start3A_76 = tpu.memref_squeeze %dma_start3A_75 : memref<1x80xi32, #tpu.memory_space<vmem>> -> memref<80xi32, #tpu.memory_space<vmem>>
          %dma_start3A_77 = arith.constant 0 : i32
          %dma_start3A_78 = arith.constant 0 : i32
          %dma_start3A_79 = tpu.memref_slice %arg21[%dma_start3A_77, %dma_start3A_78] : memref<10240x128xf32, #tpu.memory_space<vmem_shared>> -> memref<10240x128xf32, #tpu.memory_space<vmem_shared>>
          tpu.enqueue_indirect_dma source(%arg9 : memref<80x128xf32, #tpu.memory_space<vmem>>) target(%dma_start3A_79 : memref<10240x128xf32, #tpu.memory_space<vmem_shared>>) offsets(%dma_start3A_76 : memref<80xi32, #tpu.memory_space<vmem>>) semaphore(%arg17 : memref<!tpu.dma_semaphore, #tpu.memory_space<semaphore_mem>>) {add = true}
          %gt3A = arith.constant 0 : i32
          %gt3A_80 = arith.cmpi sgt, %scan3A_63, %gt3A : i32
          %convert_element_type3A_81 = arith.extui %gt3A_80 : i1 to i32
          %cond3A_82 = arith.constant 0 : i32
          %cond3A_83 = arith.cmpi ne, %convert_element_type3A_81, %cond3A_82 : i32
          scf.if %cond3A_83 {
            %sub3A_177 = arith.constant 1 : i32
            %sub3A_178 = arith.subi %add3A_67, %sub3A_177 : i32
            %dma_wait3A_179 = arith.constant 0 : i32
            %dma_wait3A_180 = tpu.memref_slice %arg8[%sub3A_178, %dma_wait3A_179] : memref<24x80xi32, #tpu.memory_space<vmem>> -> memref<1x80xi32, #tpu.memory_space<vmem>>
            %dma_wait3A_181 = tpu.memref_squeeze %dma_wait3A_180 : memref<1x80xi32, #tpu.memory_space<vmem>> -> memref<80xi32, #tpu.memory_space<vmem>>
            %dma_wait3A_182 = arith.constant 0 : i32
            %dma_wait3A_183 = arith.constant 0 : i32
            %dma_wait3A_184 = tpu.memref_slice %arg21[%dma_wait3A_182, %dma_wait3A_183] : memref<10240x128xf32, #tpu.memory_space<vmem_shared>> -> memref<10240x128xf32, #tpu.memory_space<vmem_shared>>
            tpu.wait_indirect_dma semaphore(%arg20 : memref<!tpu.dma_semaphore, #tpu.memory_space<semaphore_mem>>) src(%arg12 : memref<80x128xf32, #tpu.memory_space<vmem>>) dst(%dma_wait3A_184 : memref<10240x128xf32, #tpu.memory_space<vmem_shared>>)
          } else {
          }
          %add3A_84 = arith.constant 3 : i32
          %add3A_85 = arith.addi %add3A_67, %add3A_84 : i32
          %mul3A_86 = arith.constant 80 : i32
          %mul3A_87 = arith.muli %add3A_85, %mul3A_86 : i32
          %dma_start3A_88 = tpu.memref_slice %arg7[%mul3A_87] : memref<1920xi32, #tpu.memory_space<vmem>> -> memref<80xi32, #tpu.memory_space<vmem>>
          %dma_start3A_89 = arith.constant 0 : i32
          %dma_start3A_90 = arith.constant 0 : i32
          %dma_start3A_91 = tpu.memref_slice %arg2[%dma_start3A_89, %dma_start3A_90] : memref<10240x128xf32, #tpu.memory_space<hbm>> -> memref<10240x128xf32, #tpu.memory_space<hbm>>
          tpu.enqueue_indirect_dma source(%dma_start3A_91 : memref<10240x128xf32, #tpu.memory_space<hbm>>) target(%arg12 : memref<80x128xf32, #tpu.memory_space<vmem>>) offsets(%dma_start3A_88 : memref<80xi32, #tpu.memory_space<vmem>>) semaphore(%arg16 : memref<!tpu.dma_semaphore, #tpu.memory_space<semaphore_mem>>)
          %mul3A_92 = arith.constant 4 : i32
          %mul3A_93 = arith.muli %mul3A_92, %scan3A_63 : i32
          %add3A_94 = arith.constant 1 : i32
          %add3A_95 = arith.addi %mul3A_93, %add3A_94 : i32
          %mul3A_96 = arith.constant 80 : i32
          %mul3A_97 = arith.muli %add3A_95, %mul3A_96 : i32
          %dma_wait3A_98 = tpu.memref_slice %arg7[%mul3A_97] : memref<1920xi32, #tpu.memory_space<vmem>> -> memref<80xi32, #tpu.memory_space<vmem>>
          %dma_wait3A_99 = arith.constant 0 : i32
          %dma_wait3A_100 = arith.constant 0 : i32
          %dma_wait3A_101 = tpu.memref_slice %arg2[%dma_wait3A_99, %dma_wait3A_100] : memref<10240x128xf32, #tpu.memory_space<hbm>> -> memref<10240x128xf32, #tpu.memory_space<hbm>>
          tpu.wait_indirect_dma semaphore(%arg14 : memref<!tpu.dma_semaphore, #tpu.memory_space<semaphore_mem>>) src(%dma_wait3A_101 : memref<10240x128xf32, #tpu.memory_space<hbm>>) dst(%arg10 : memref<80x128xf32, #tpu.memory_space<vmem>>)
          %dma_start3A_102 = arith.constant 0 : i32
          %dma_start3A_103 = tpu.memref_slice %arg8[%add3A_95, %dma_start3A_102] : memref<24x80xi32, #tpu.memory_space<vmem>> -> memref<1x80xi32, #tpu.memory_space<vmem>>
          %dma_start3A_104 = tpu.memref_squeeze %dma_start3A_103 : memref<1x80xi32, #tpu.memory_space<vmem>> -> memref<80xi32, #tpu.memory_space<vmem>>
          %dma_start3A_105 = arith.constant 0 : i32
          %dma_start3A_106 = arith.constant 0 : i32
          %dma_start3A_107 = tpu.memref_slice %arg21[%dma_start3A_105, %dma_start3A_106] : memref<10240x128xf32, #tpu.memory_space<vmem_shared>> -> memref<10240x128xf32, #tpu.memory_space<vmem_shared>>
          tpu.enqueue_indirect_dma source(%arg10 : memref<80x128xf32, #tpu.memory_space<vmem>>) target(%dma_start3A_107 : memref<10240x128xf32, #tpu.memory_space<vmem_shared>>) offsets(%dma_start3A_104 : memref<80xi32, #tpu.memory_space<vmem>>) semaphore(%arg18 : memref<!tpu.dma_semaphore, #tpu.memory_space<semaphore_mem>>) {add = true}
          %sub3A = arith.constant 1 : i32
          %sub3A_108 = arith.subi %add3A_95, %sub3A : i32
          %dma_wait3A_109 = arith.constant 0 : i32
          %dma_wait3A_110 = tpu.memref_slice %arg8[%sub3A_108, %dma_wait3A_109] : memref<24x80xi32, #tpu.memory_space<vmem>> -> memref<1x80xi32, #tpu.memory_space<vmem>>
          %dma_wait3A_111 = tpu.memref_squeeze %dma_wait3A_110 : memref<1x80xi32, #tpu.memory_space<vmem>> -> memref<80xi32, #tpu.memory_space<vmem>>
          %dma_wait3A_112 = arith.constant 0 : i32
          %dma_wait3A_113 = arith.constant 0 : i32
          %dma_wait3A_114 = tpu.memref_slice %arg21[%dma_wait3A_112, %dma_wait3A_113] : memref<10240x128xf32, #tpu.memory_space<vmem_shared>> -> memref<10240x128xf32, #tpu.memory_space<vmem_shared>>
          tpu.wait_indirect_dma semaphore(%arg17 : memref<!tpu.dma_semaphore, #tpu.memory_space<semaphore_mem>>) src(%arg9 : memref<80x128xf32, #tpu.memory_space<vmem>>) dst(%dma_wait3A_114 : memref<10240x128xf32, #tpu.memory_space<vmem_shared>>)
          %lt3A = arith.constant 5 : i32
          %lt3A_115 = arith.cmpi slt, %scan3A_63, %lt3A : i32
          %convert_element_type3A_116 = arith.extui %lt3A_115 : i1 to i32
          %cond3A_117 = arith.constant 0 : i32
          %cond3A_118 = arith.cmpi ne, %convert_element_type3A_116, %cond3A_117 : i32
          scf.if %cond3A_118 {
            %add3A_177 = arith.constant 3 : i32
            %add3A_178 = arith.addi %add3A_95, %add3A_177 : i32
            %mul3A_179 = arith.constant 80 : i32
            %mul3A_180 = arith.muli %add3A_178, %mul3A_179 : i32
            %dma_start3A_181 = tpu.memref_slice %arg7[%mul3A_180] : memref<1920xi32, #tpu.memory_space<vmem>> -> memref<80xi32, #tpu.memory_space<vmem>>
            %dma_start3A_182 = arith.constant 0 : i32
            %dma_start3A_183 = arith.constant 0 : i32
            %dma_start3A_184 = tpu.memref_slice %arg2[%dma_start3A_182, %dma_start3A_183] : memref<10240x128xf32, #tpu.memory_space<hbm>> -> memref<10240x128xf32, #tpu.memory_space<hbm>>
            tpu.enqueue_indirect_dma source(%dma_start3A_184 : memref<10240x128xf32, #tpu.memory_space<hbm>>) target(%arg9 : memref<80x128xf32, #tpu.memory_space<vmem>>) offsets(%dma_start3A_181 : memref<80xi32, #tpu.memory_space<vmem>>) semaphore(%arg13 : memref<!tpu.dma_semaphore, #tpu.memory_space<semaphore_mem>>)
          } else {
          }
          %mul3A_119 = arith.constant 4 : i32
          %mul3A_120 = arith.muli %mul3A_119, %scan3A_63 : i32
          %add3A_121 = arith.constant 2 : i32
          %add3A_122 = arith.addi %mul3A_120, %add3A_121 : i32
          %mul3A_123 = arith.constant 80 : i32
          %mul3A_124 = arith.muli %add3A_122, %mul3A_123 : i32
          %dma_wait3A_125 = tpu.memref_slice %arg7[%mul3A_124] : memref<1920xi32, #tpu.memory_space<vmem>> -> memref<80xi32, #tpu.memory_space<vmem>>
          %dma_wait3A_126 = arith.constant 0 : i32
          %dma_wait3A_127 = arith.constant 0 : i32
          %dma_wait3A_128 = tpu.memref_slice %arg2[%dma_wait3A_126, %dma_wait3A_127] : memref<10240x128xf32, #tpu.memory_space<hbm>> -> memref<10240x128xf32, #tpu.memory_space<hbm>>
          tpu.wait_indirect_dma semaphore(%arg15 : memref<!tpu.dma_semaphore, #tpu.memory_space<semaphore_mem>>) src(%dma_wait3A_128 : memref<10240x128xf32, #tpu.memory_space<hbm>>) dst(%arg11 : memref<80x128xf32, #tpu.memory_space<vmem>>)
          %dma_start3A_129 = arith.constant 0 : i32
          %dma_start3A_130 = tpu.memref_slice %arg8[%add3A_122, %dma_start3A_129] : memref<24x80xi32, #tpu.memory_space<vmem>> -> memref<1x80xi32, #tpu.memory_space<vmem>>
          %dma_start3A_131 = tpu.memref_squeeze %dma_start3A_130 : memref<1x80xi32, #tpu.memory_space<vmem>> -> memref<80xi32, #tpu.memory_space<vmem>>
          %dma_start3A_132 = arith.constant 0 : i32
          %dma_start3A_133 = arith.constant 0 : i32
          %dma_start3A_134 = tpu.memref_slice %arg21[%dma_start3A_132, %dma_start3A_133] : memref<10240x128xf32, #tpu.memory_space<vmem_shared>> -> memref<10240x128xf32, #tpu.memory_space<vmem_shared>>
          tpu.enqueue_indirect_dma source(%arg11 : memref<80x128xf32, #tpu.memory_space<vmem>>) target(%dma_start3A_134 : memref<10240x128xf32, #tpu.memory_space<vmem_shared>>) offsets(%dma_start3A_131 : memref<80xi32, #tpu.memory_space<vmem>>) semaphore(%arg19 : memref<!tpu.dma_semaphore, #tpu.memory_space<semaphore_mem>>) {add = true}
          %sub3A_135 = arith.constant 1 : i32
          %sub3A_136 = arith.subi %add3A_122, %sub3A_135 : i32
          %dma_wait3A_137 = arith.constant 0 : i32
          %dma_wait3A_138 = tpu.memref_slice %arg8[%sub3A_136, %dma_wait3A_137] : memref<24x80xi32, #tpu.memory_space<vmem>> -> memref<1x80xi32, #tpu.memory_space<vmem>>
          %dma_wait3A_139 = tpu.memref_squeeze %dma_wait3A_138 : memref<1x80xi32, #tpu.memory_space<vmem>> -> memref<80xi32, #tpu.memory_space<vmem>>
          %dma_wait3A_140 = arith.constant 0 : i32
          %dma_wait3A_141 = arith.constant 0 : i32
          %dma_wait3A_142 = tpu.memref_slice %arg21[%dma_wait3A_140, %dma_wait3A_141] : memref<10240x128xf32, #tpu.memory_space<vmem_shared>> -> memref<10240x128xf32, #tpu.memory_space<vmem_shared>>
          tpu.wait_indirect_dma semaphore(%arg18 : memref<!tpu.dma_semaphore, #tpu.memory_space<semaphore_mem>>) src(%arg10 : memref<80x128xf32, #tpu.memory_space<vmem>>) dst(%dma_wait3A_142 : memref<10240x128xf32, #tpu.memory_space<vmem_shared>>)
          %lt3A_143 = arith.constant 5 : i32
          %lt3A_144 = arith.cmpi slt, %scan3A_63, %lt3A_143 : i32
          %convert_element_type3A_145 = arith.extui %lt3A_144 : i1 to i32
          %cond3A_146 = arith.constant 0 : i32
          %cond3A_147 = arith.cmpi ne, %convert_element_type3A_145, %cond3A_146 : i32
          scf.if %cond3A_147 {
            %add3A_177 = arith.constant 3 : i32
            %add3A_178 = arith.addi %add3A_122, %add3A_177 : i32
            %mul3A_179 = arith.constant 80 : i32
            %mul3A_180 = arith.muli %add3A_178, %mul3A_179 : i32
            %dma_start3A_181 = tpu.memref_slice %arg7[%mul3A_180] : memref<1920xi32, #tpu.memory_space<vmem>> -> memref<80xi32, #tpu.memory_space<vmem>>
            %dma_start3A_182 = arith.constant 0 : i32
            %dma_start3A_183 = arith.constant 0 : i32
            %dma_start3A_184 = tpu.memref_slice %arg2[%dma_start3A_182, %dma_start3A_183] : memref<10240x128xf32, #tpu.memory_space<hbm>> -> memref<10240x128xf32, #tpu.memory_space<hbm>>
            tpu.enqueue_indirect_dma source(%dma_start3A_184 : memref<10240x128xf32, #tpu.memory_space<hbm>>) target(%arg10 : memref<80x128xf32, #tpu.memory_space<vmem>>) offsets(%dma_start3A_181 : memref<80xi32, #tpu.memory_space<vmem>>) semaphore(%arg14 : memref<!tpu.dma_semaphore, #tpu.memory_space<semaphore_mem>>)
          } else {
          }
          %mul3A_148 = arith.constant 4 : i32
          %mul3A_149 = arith.muli %mul3A_148, %scan3A_63 : i32
          %add3A_150 = arith.constant 3 : i32
          %add3A_151 = arith.addi %mul3A_149, %add3A_150 : i32
          %mul3A_152 = arith.constant 80 : i32
          %mul3A_153 = arith.muli %add3A_151, %mul3A_152 : i32
          %dma_wait3A_154 = tpu.memref_slice %arg7[%mul3A_153] : memref<1920xi32, #tpu.memory_space<vmem>> -> memref<80xi32, #tpu.memory_space<vmem>>
          %dma_wait3A_155 = arith.constant 0 : i32
          %dma_wait3A_156 = arith.constant 0 : i32
          %dma_wait3A_157 = tpu.memref_slice %arg2[%dma_wait3A_155, %dma_wait3A_156] : memref<10240x128xf32, #tpu.memory_space<hbm>> -> memref<10240x128xf32, #tpu.memory_space<hbm>>
          tpu.wait_indirect_dma semaphore(%arg16 : memref<!tpu.dma_semaphore, #tpu.memory_space<semaphore_mem>>) src(%dma_wait3A_157 : memref<10240x128xf32, #tpu.memory_space<hbm>>) dst(%arg12 : memref<80x128xf32, #tpu.memory_space<vmem>>)
          %dma_start3A_158 = arith.constant 0 : i32
          %dma_start3A_159 = tpu.memref_slice %arg8[%add3A_151, %dma_start3A_158] : memref<24x80xi32, #tpu.memory_space<vmem>> -> memref<1x80xi32, #tpu.memory_space<vmem>>
          %dma_start3A_160 = tpu.memref_squeeze %dma_start3A_159 : memref<1x80xi32, #tpu.memory_space<vmem>> -> memref<80xi32, #tpu.memory_space<vmem>>
          %dma_start3A_161 = arith.constant 0 : i32
          %dma_start3A_162 = arith.constant 0 : i32
          %dma_start3A_163 = tpu.memref_slice %arg21[%dma_start3A_161, %dma_start3A_162] : memref<10240x128xf32, #tpu.memory_space<vmem_shared>> -> memref<10240x128xf32, #tpu.memory_space<vmem_shared>>
          tpu.enqueue_indirect_dma source(%arg12 : memref<80x128xf32, #tpu.memory_space<vmem>>) target(%dma_start3A_163 : memref<10240x128xf32, #tpu.memory_space<vmem_shared>>) offsets(%dma_start3A_160 : memref<80xi32, #tpu.memory_space<vmem>>) semaphore(%arg20 : memref<!tpu.dma_semaphore, #tpu.memory_space<semaphore_mem>>) {add = true}
          %sub3A_164 = arith.constant 1 : i32
          %sub3A_165 = arith.subi %add3A_151, %sub3A_164 : i32
          %dma_wait3A_166 = arith.constant 0 : i32
          %dma_wait3A_167 = tpu.memref_slice %arg8[%sub3A_165, %dma_wait3A_166] : memref<24x80xi32, #tpu.memory_space<vmem>> -> memref<1x80xi32, #tpu.memory_space<vmem>>
          %dma_wait3A_168 = tpu.memref_squeeze %dma_wait3A_167 : memref<1x80xi32, #tpu.memory_space<vmem>> -> memref<80xi32, #tpu.memory_space<vmem>>
          %dma_wait3A_169 = arith.constant 0 : i32
          %dma_wait3A_170 = arith.constant 0 : i32
          %dma_wait3A_171 = tpu.memref_slice %arg21[%dma_wait3A_169, %dma_wait3A_170] : memref<10240x128xf32, #tpu.memory_space<vmem_shared>> -> memref<10240x128xf32, #tpu.memory_space<vmem_shared>>
          tpu.wait_indirect_dma semaphore(%arg19 : memref<!tpu.dma_semaphore, #tpu.memory_space<semaphore_mem>>) src(%arg11 : memref<80x128xf32, #tpu.memory_space<vmem>>) dst(%dma_wait3A_171 : memref<10240x128xf32, #tpu.memory_space<vmem_shared>>)
          %lt3A_172 = arith.constant 5 : i32
          %lt3A_173 = arith.cmpi slt, %scan3A_63, %lt3A_172 : i32
          %convert_element_type3A_174 = arith.extui %lt3A_173 : i1 to i32
          %cond3A_175 = arith.constant 0 : i32
          %cond3A_176 = arith.cmpi ne, %convert_element_type3A_174, %cond3A_175 : i32
          scf.if %cond3A_176 {
            %add3A_177 = arith.constant 3 : i32
            %add3A_178 = arith.addi %add3A_151, %add3A_177 : i32
            %mul3A_179 = arith.constant 80 : i32
            %mul3A_180 = arith.muli %add3A_178, %mul3A_179 : i32
            %dma_start3A_181 = tpu.memref_slice %arg7[%mul3A_180] : memref<1920xi32, #tpu.memory_space<vmem>> -> memref<80xi32, #tpu.memory_space<vmem>>
            %dma_start3A_182 = arith.constant 0 : i32
            %dma_start3A_183 = arith.constant 0 : i32
            %dma_start3A_184 = tpu.memref_slice %arg2[%dma_start3A_182, %dma_start3A_183] : memref<10240x128xf32, #tpu.memory_space<hbm>> -> memref<10240x128xf32, #tpu.memory_space<hbm>>
            tpu.enqueue_indirect_dma source(%dma_start3A_184 : memref<10240x128xf32, #tpu.memory_space<hbm>>) target(%arg11 : memref<80x128xf32, #tpu.memory_space<vmem>>) offsets(%dma_start3A_181 : memref<80xi32, #tpu.memory_space<vmem>>) semaphore(%arg15 : memref<!tpu.dma_semaphore, #tpu.memory_space<semaphore_mem>>)
          } else {
          }
        }
        %scan3A_56 = arith.constant 6 : i32
        %dma_wait3A = arith.constant 23 : i32
        %dma_wait3A_57 = arith.constant 0 : i32
        %dma_wait3A_58 = tpu.memref_slice %arg8[%dma_wait3A, %dma_wait3A_57] : memref<24x80xi32, #tpu.memory_space<vmem>> -> memref<1x80xi32, #tpu.memory_space<vmem>>
        %dma_wait3A_59 = tpu.memref_squeeze %dma_wait3A_58 : memref<1x80xi32, #tpu.memory_space<vmem>> -> memref<80xi32, #tpu.memory_space<vmem>>
        %dma_wait3A_60 = arith.constant 0 : i32
        %dma_wait3A_61 = arith.constant 0 : i32
        %dma_wait3A_62 = tpu.memref_slice %arg21[%dma_wait3A_60, %dma_wait3A_61] : memref<10240x128xf32, #tpu.memory_space<vmem_shared>> -> memref<10240x128xf32, #tpu.memory_space<vmem_shared>>
        tpu.wait_indirect_dma semaphore(%arg20 : memref<!tpu.dma_semaphore, #tpu.memory_space<semaphore_mem>>) src(%arg12 : memref<80x128xf32, #tpu.memory_space<vmem>>) dst(%dma_wait3A_62 : memref<10240x128xf32, #tpu.memory_space<vmem_shared>>)
      }
      %scan3A_29 = arith.constant 8 : i32
    } else {
    }
    %ne3A_12 = arith.constant 0 : i32
    %ne3A_13 = arith.cmpi ne, %arg0, %ne3A_12 : i32
    %convert_element_type3A_14 = arith.extui %ne3A_13 : i1 to i32
    %cond3A_15 = arith.constant 0 : i32
    %cond3A_16 = arith.cmpi ne, %convert_element_type3A_14, %cond3A_15 : i32
    scf.if %cond3A_16 {
      %mul3A_23 = arith.constant 256 : i32
      %mul3A_24 = arith.muli %arg1, %mul3A_23 : i32
      %add3A_25 = arith.constant 192 : i32
      %add3A_26 = arith.addi %mul3A_24, %add3A_25 : i32
      %scan3A = arith.constant 0 : i32
      %scan3A_27 = arith.constant 0 : i32
      %scan3A_28 = arith.constant 8 : i32
      %scan3A_29 = arith.addi %scan3A_27, %scan3A_28 : i32
      %scan3A_30 = arith.constant 1 : i32
      scf.for %scan3A_32 = %scan3A_27 to %scan3A_29 step %scan3A_30  : i32 {
        %mul3A_33 = arith.constant 8 : i32
        %mul3A_34 = arith.muli %scan3A_32, %mul3A_33 : i32
        %add3A_35 = arith.addi %add3A_26, %mul3A_34 : i32
        %multiple_of3A_36 = tpu.assume_multiple %add3A_35, 8 : i32
        %mul3A_37 = arith.constant 80 : i32
        %mul3A_38 = arith.muli %multiple_of3A_36, %mul3A_37 : i32
        "tpu.region"() ({
          %run_scoped3A = tpu.sem_alloc : memref<!tpu.dma_semaphore, #tpu.memory_space<semaphore_mem>>
          %dma_start3A_65 = arith.constant 0 : i32
          %dma_start3A_66 = tpu.memref_slice %arg7[%dma_start3A_65] : memref<1920xi32, #tpu.memory_space<vmem>> -> memref<640xi32, #tpu.memory_space<vmem>>
          %dma_start3A_67 = tpu.memref_slice %arg3[%mul3A_38] : memref<327680xi32, #tpu.memory_space<hbm>> -> memref<640xi32, #tpu.memory_space<hbm>>
          %dma_start3A_68 = arith.constant 0 : i32
          %dma_start3A_69 = tpu.memref_slice %arg7[%dma_start3A_68] : memref<1920xi32, #tpu.memory_space<vmem>> -> memref<640xi32, #tpu.memory_space<vmem>>
          %dma_start3A_70 = tpu.memref_slice %arg3[%mul3A_38] : memref<327680xi32, #tpu.memory_space<hbm>> -> memref<640xi32, #tpu.memory_space<hbm>>
          tpu.enqueue_dma source(%dma_start3A_70 : memref<640xi32, #tpu.memory_space<hbm>>) target(%dma_start3A_69 : memref<640xi32, #tpu.memory_space<vmem>>) target_semaphore(%run_scoped3A : memref<!tpu.dma_semaphore, #tpu.memory_space<semaphore_mem>>)
          %dma_wait3A_71 = arith.constant 0 : i32
          %dma_wait3A_72 = tpu.memref_slice %arg7[%dma_wait3A_71] : memref<1920xi32, #tpu.memory_space<vmem>> -> memref<640xi32, #tpu.memory_space<vmem>>
          %dma_wait3A_73 = tpu.memref_slice %arg3[%mul3A_38] : memref<327680xi32, #tpu.memory_space<hbm>> -> memref<640xi32, #tpu.memory_space<hbm>>
          %dma_wait3A_74 = arith.constant 0 : i32
          %dma_wait3A_75 = tpu.memref_slice %arg7[%dma_wait3A_74] : memref<1920xi32, #tpu.memory_space<vmem>> -> memref<640xi32, #tpu.memory_space<vmem>>
          %dma_wait3A_76 = tpu.memref_slice %arg3[%mul3A_38] : memref<327680xi32, #tpu.memory_space<hbm>> -> memref<640xi32, #tpu.memory_space<hbm>>
          tpu.wait_dma2 semaphore(%run_scoped3A : memref<!tpu.dma_semaphore, #tpu.memory_space<semaphore_mem>>) src(%dma_wait3A_76 : memref<640xi32, #tpu.memory_space<hbm>>) dst(%dma_wait3A_75 : memref<640xi32, #tpu.memory_space<vmem>>)
          tpu.yield
        }) : () -> ()
        "tpu.region"() ({
          %run_scoped3A = tpu.sem_alloc : memref<!tpu.dma_semaphore, #tpu.memory_space<semaphore_mem>>
          %dma_start3A_65 = arith.constant 0 : i32
          %dma_start3A_66 = arith.constant 0 : i32
          %dma_start3A_67 = tpu.memref_slice %arg8[%dma_start3A_65, %dma_start3A_66] : memref<24x80xi32, #tpu.memory_space<vmem>> -> memref<8x80xi32, #tpu.memory_space<vmem>>
          %dma_start3A_68 = arith.constant 0 : i32
          %dma_start3A_69 = tpu.memref_slice %arg4[%multiple_of3A_36, %dma_start3A_68] : memref<4096x80xi32, #tpu.memory_space<hbm>> -> memref<8x80xi32, #tpu.memory_space<hbm>>
          %dma_start3A_70 = arith.constant 0 : i32
          %dma_start3A_71 = arith.constant 0 : i32
          %dma_start3A_72 = tpu.memref_slice %arg8[%dma_start3A_70, %dma_start3A_71] : memref<24x80xi32, #tpu.memory_space<vmem>> -> memref<8x80xi32, #tpu.memory_space<vmem>>
          %dma_start3A_73 = arith.constant 0 : i32
          %dma_start3A_74 = tpu.memref_slice %arg4[%multiple_of3A_36, %dma_start3A_73] : memref<4096x80xi32, #tpu.memory_space<hbm>> -> memref<8x80xi32, #tpu.memory_space<hbm>>
          tpu.enqueue_dma source(%dma_start3A_74 : memref<8x80xi32, #tpu.memory_space<hbm>>) target(%dma_start3A_72 : memref<8x80xi32, #tpu.memory_space<vmem>>) target_semaphore(%run_scoped3A : memref<!tpu.dma_semaphore, #tpu.memory_space<semaphore_mem>>)
          %dma_wait3A_75 = arith.constant 0 : i32
          %dma_wait3A_76 = arith.constant 0 : i32
          %dma_wait3A_77 = tpu.memref_slice %arg8[%dma_wait3A_75, %dma_wait3A_76] : memref<24x80xi32, #tpu.memory_space<vmem>> -> memref<8x80xi32, #tpu.memory_space<vmem>>
          %dma_wait3A_78 = arith.constant 0 : i32
          %dma_wait3A_79 = tpu.memref_slice %arg4[%multiple_of3A_36, %dma_wait3A_78] : memref<4096x80xi32, #tpu.memory_space<hbm>> -> memref<8x80xi32, #tpu.memory_space<hbm>>
          %dma_wait3A_80 = arith.constant 0 : i32
          %dma_wait3A_81 = arith.constant 0 : i32
          %dma_wait3A_82 = tpu.memref_slice %arg8[%dma_wait3A_80, %dma_wait3A_81] : memref<24x80xi32, #tpu.memory_space<vmem>> -> memref<8x80xi32, #tpu.memory_space<vmem>>
          %dma_wait3A_83 = arith.constant 0 : i32
          %dma_wait3A_84 = tpu.memref_slice %arg4[%multiple_of3A_36, %dma_wait3A_83] : memref<4096x80xi32, #tpu.memory_space<hbm>> -> memref<8x80xi32, #tpu.memory_space<hbm>>
          tpu.wait_dma2 semaphore(%run_scoped3A : memref<!tpu.dma_semaphore, #tpu.memory_space<semaphore_mem>>) src(%dma_wait3A_84 : memref<8x80xi32, #tpu.memory_space<hbm>>) dst(%dma_wait3A_82 : memref<8x80xi32, #tpu.memory_space<vmem>>)
          tpu.yield
        }) : () -> ()
        %dma_start3A = arith.constant 0 : i32
        %dma_start3A_39 = tpu.memref_slice %arg7[%dma_start3A] : memref<1920xi32, #tpu.memory_space<vmem>> -> memref<80xi32, #tpu.memory_space<vmem>>
        %dma_start3A_40 = arith.constant 0 : i32
        %dma_start3A_41 = arith.constant 0 : i32
        %dma_start3A_42 = tpu.memref_slice %arg2[%dma_start3A_40, %dma_start3A_41] : memref<10240x128xf32, #tpu.memory_space<hbm>> -> memref<10240x128xf32, #tpu.memory_space<hbm>>
        tpu.enqueue_indirect_dma source(%dma_start3A_42 : memref<10240x128xf32, #tpu.memory_space<hbm>>) target(%arg9 : memref<80x128xf32, #tpu.memory_space<vmem>>) offsets(%dma_start3A_39 : memref<80xi32, #tpu.memory_space<vmem>>) semaphore(%arg13 : memref<!tpu.dma_semaphore, #tpu.memory_space<semaphore_mem>>)
        %dma_start3A_43 = arith.constant 80 : i32
        %dma_start3A_44 = tpu.memref_slice %arg7[%dma_start3A_43] : memref<1920xi32, #tpu.memory_space<vmem>> -> memref<80xi32, #tpu.memory_space<vmem>>
        %dma_start3A_45 = arith.constant 0 : i32
        %dma_start3A_46 = arith.constant 0 : i32
        %dma_start3A_47 = tpu.memref_slice %arg2[%dma_start3A_45, %dma_start3A_46] : memref<10240x128xf32, #tpu.memory_space<hbm>> -> memref<10240x128xf32, #tpu.memory_space<hbm>>
        tpu.enqueue_indirect_dma source(%dma_start3A_47 : memref<10240x128xf32, #tpu.memory_space<hbm>>) target(%arg10 : memref<80x128xf32, #tpu.memory_space<vmem>>) offsets(%dma_start3A_44 : memref<80xi32, #tpu.memory_space<vmem>>) semaphore(%arg14 : memref<!tpu.dma_semaphore, #tpu.memory_space<semaphore_mem>>)
        %dma_start3A_48 = arith.constant 160 : i32
        %dma_start3A_49 = tpu.memref_slice %arg7[%dma_start3A_48] : memref<1920xi32, #tpu.memory_space<vmem>> -> memref<80xi32, #tpu.memory_space<vmem>>
        %dma_start3A_50 = arith.constant 0 : i32
        %dma_start3A_51 = arith.constant 0 : i32
        %dma_start3A_52 = tpu.memref_slice %arg2[%dma_start3A_50, %dma_start3A_51] : memref<10240x128xf32, #tpu.memory_space<hbm>> -> memref<10240x128xf32, #tpu.memory_space<hbm>>
        tpu.enqueue_indirect_dma source(%dma_start3A_52 : memref<10240x128xf32, #tpu.memory_space<hbm>>) target(%arg11 : memref<80x128xf32, #tpu.memory_space<vmem>>) offsets(%dma_start3A_49 : memref<80xi32, #tpu.memory_space<vmem>>) semaphore(%arg15 : memref<!tpu.dma_semaphore, #tpu.memory_space<semaphore_mem>>)
        %scan3A_53 = arith.constant 0 : i32
        %scan3A_54 = arith.constant 0 : i32
        %scan3A_55 = arith.constant 2 : i32
        %scan3A_56 = arith.addi %scan3A_54, %scan3A_55 : i32
        %scan3A_57 = arith.constant 1 : i32
        scf.for %scan3A_65 = %scan3A_54 to %scan3A_56 step %scan3A_57  : i32 {
          %mul3A_66 = arith.constant 4 : i32
          %mul3A_67 = arith.muli %mul3A_66, %scan3A_65 : i32
          %add3A_68 = arith.constant 0 : i32
          %add3A_69 = arith.addi %mul3A_67, %add3A_68 : i32
          %mul3A_70 = arith.constant 80 : i32
          %mul3A_71 = arith.muli %add3A_69, %mul3A_70 : i32
          %dma_wait3A_72 = tpu.memref_slice %arg7[%mul3A_71] : memref<1920xi32, #tpu.memory_space<vmem>> -> memref<80xi32, #tpu.memory_space<vmem>>
          %dma_wait3A_73 = arith.constant 0 : i32
          %dma_wait3A_74 = arith.constant 0 : i32
          %dma_wait3A_75 = tpu.memref_slice %arg2[%dma_wait3A_73, %dma_wait3A_74] : memref<10240x128xf32, #tpu.memory_space<hbm>> -> memref<10240x128xf32, #tpu.memory_space<hbm>>
          tpu.wait_indirect_dma semaphore(%arg13 : memref<!tpu.dma_semaphore, #tpu.memory_space<semaphore_mem>>) src(%dma_wait3A_75 : memref<10240x128xf32, #tpu.memory_space<hbm>>) dst(%arg9 : memref<80x128xf32, #tpu.memory_space<vmem>>)
          %dma_start3A_76 = arith.constant 0 : i32
          %dma_start3A_77 = tpu.memref_slice %arg8[%add3A_69, %dma_start3A_76] : memref<24x80xi32, #tpu.memory_space<vmem>> -> memref<1x80xi32, #tpu.memory_space<vmem>>
          %dma_start3A_78 = tpu.memref_squeeze %dma_start3A_77 : memref<1x80xi32, #tpu.memory_space<vmem>> -> memref<80xi32, #tpu.memory_space<vmem>>
          %dma_start3A_79 = arith.constant 0 : i32
          %dma_start3A_80 = arith.constant 0 : i32
          %dma_start3A_81 = tpu.memref_slice %arg21[%dma_start3A_79, %dma_start3A_80] : memref<10240x128xf32, #tpu.memory_space<vmem_shared>> -> memref<10240x128xf32, #tpu.memory_space<vmem_shared>>
          tpu.enqueue_indirect_dma source(%arg9 : memref<80x128xf32, #tpu.memory_space<vmem>>) target(%dma_start3A_81 : memref<10240x128xf32, #tpu.memory_space<vmem_shared>>) offsets(%dma_start3A_78 : memref<80xi32, #tpu.memory_space<vmem>>) semaphore(%arg17 : memref<!tpu.dma_semaphore, #tpu.memory_space<semaphore_mem>>) {add = true}
          %gt3A = arith.constant 0 : i32
          %gt3A_82 = arith.cmpi sgt, %scan3A_65, %gt3A : i32
          %convert_element_type3A_83 = arith.extui %gt3A_82 : i1 to i32
          %cond3A_84 = arith.constant 0 : i32
          %cond3A_85 = arith.cmpi ne, %convert_element_type3A_83, %cond3A_84 : i32
          scf.if %cond3A_85 {
            %sub3A_179 = arith.constant 1 : i32
            %sub3A_180 = arith.subi %add3A_69, %sub3A_179 : i32
            %dma_wait3A_181 = arith.constant 0 : i32
            %dma_wait3A_182 = tpu.memref_slice %arg8[%sub3A_180, %dma_wait3A_181] : memref<24x80xi32, #tpu.memory_space<vmem>> -> memref<1x80xi32, #tpu.memory_space<vmem>>
            %dma_wait3A_183 = tpu.memref_squeeze %dma_wait3A_182 : memref<1x80xi32, #tpu.memory_space<vmem>> -> memref<80xi32, #tpu.memory_space<vmem>>
            %dma_wait3A_184 = arith.constant 0 : i32
            %dma_wait3A_185 = arith.constant 0 : i32
            %dma_wait3A_186 = tpu.memref_slice %arg21[%dma_wait3A_184, %dma_wait3A_185] : memref<10240x128xf32, #tpu.memory_space<vmem_shared>> -> memref<10240x128xf32, #tpu.memory_space<vmem_shared>>
            tpu.wait_indirect_dma semaphore(%arg20 : memref<!tpu.dma_semaphore, #tpu.memory_space<semaphore_mem>>) src(%arg12 : memref<80x128xf32, #tpu.memory_space<vmem>>) dst(%dma_wait3A_186 : memref<10240x128xf32, #tpu.memory_space<vmem_shared>>)
          } else {
          }
          %add3A_86 = arith.constant 3 : i32
          %add3A_87 = arith.addi %add3A_69, %add3A_86 : i32
          %mul3A_88 = arith.constant 80 : i32
          %mul3A_89 = arith.muli %add3A_87, %mul3A_88 : i32
          %dma_start3A_90 = tpu.memref_slice %arg7[%mul3A_89] : memref<1920xi32, #tpu.memory_space<vmem>> -> memref<80xi32, #tpu.memory_space<vmem>>
          %dma_start3A_91 = arith.constant 0 : i32
          %dma_start3A_92 = arith.constant 0 : i32
          %dma_start3A_93 = tpu.memref_slice %arg2[%dma_start3A_91, %dma_start3A_92] : memref<10240x128xf32, #tpu.memory_space<hbm>> -> memref<10240x128xf32, #tpu.memory_space<hbm>>
          tpu.enqueue_indirect_dma source(%dma_start3A_93 : memref<10240x128xf32, #tpu.memory_space<hbm>>) target(%arg12 : memref<80x128xf32, #tpu.memory_space<vmem>>) offsets(%dma_start3A_90 : memref<80xi32, #tpu.memory_space<vmem>>) semaphore(%arg16 : memref<!tpu.dma_semaphore, #tpu.memory_space<semaphore_mem>>)
          %mul3A_94 = arith.constant 4 : i32
          %mul3A_95 = arith.muli %mul3A_94, %scan3A_65 : i32
          %add3A_96 = arith.constant 1 : i32
          %add3A_97 = arith.addi %mul3A_95, %add3A_96 : i32
          %mul3A_98 = arith.constant 80 : i32
          %mul3A_99 = arith.muli %add3A_97, %mul3A_98 : i32
          %dma_wait3A_100 = tpu.memref_slice %arg7[%mul3A_99] : memref<1920xi32, #tpu.memory_space<vmem>> -> memref<80xi32, #tpu.memory_space<vmem>>
          %dma_wait3A_101 = arith.constant 0 : i32
          %dma_wait3A_102 = arith.constant 0 : i32
          %dma_wait3A_103 = tpu.memref_slice %arg2[%dma_wait3A_101, %dma_wait3A_102] : memref<10240x128xf32, #tpu.memory_space<hbm>> -> memref<10240x128xf32, #tpu.memory_space<hbm>>
          tpu.wait_indirect_dma semaphore(%arg14 : memref<!tpu.dma_semaphore, #tpu.memory_space<semaphore_mem>>) src(%dma_wait3A_103 : memref<10240x128xf32, #tpu.memory_space<hbm>>) dst(%arg10 : memref<80x128xf32, #tpu.memory_space<vmem>>)
          %dma_start3A_104 = arith.constant 0 : i32
          %dma_start3A_105 = tpu.memref_slice %arg8[%add3A_97, %dma_start3A_104] : memref<24x80xi32, #tpu.memory_space<vmem>> -> memref<1x80xi32, #tpu.memory_space<vmem>>
          %dma_start3A_106 = tpu.memref_squeeze %dma_start3A_105 : memref<1x80xi32, #tpu.memory_space<vmem>> -> memref<80xi32, #tpu.memory_space<vmem>>
          %dma_start3A_107 = arith.constant 0 : i32
          %dma_start3A_108 = arith.constant 0 : i32
          %dma_start3A_109 = tpu.memref_slice %arg21[%dma_start3A_107, %dma_start3A_108] : memref<10240x128xf32, #tpu.memory_space<vmem_shared>> -> memref<10240x128xf32, #tpu.memory_space<vmem_shared>>
          tpu.enqueue_indirect_dma source(%arg10 : memref<80x128xf32, #tpu.memory_space<vmem>>) target(%dma_start3A_109 : memref<10240x128xf32, #tpu.memory_space<vmem_shared>>) offsets(%dma_start3A_106 : memref<80xi32, #tpu.memory_space<vmem>>) semaphore(%arg18 : memref<!tpu.dma_semaphore, #tpu.memory_space<semaphore_mem>>) {add = true}
          %sub3A = arith.constant 1 : i32
          %sub3A_110 = arith.subi %add3A_97, %sub3A : i32
          %dma_wait3A_111 = arith.constant 0 : i32
          %dma_wait3A_112 = tpu.memref_slice %arg8[%sub3A_110, %dma_wait3A_111] : memref<24x80xi32, #tpu.memory_space<vmem>> -> memref<1x80xi32, #tpu.memory_space<vmem>>
          %dma_wait3A_113 = tpu.memref_squeeze %dma_wait3A_112 : memref<1x80xi32, #tpu.memory_space<vmem>> -> memref<80xi32, #tpu.memory_space<vmem>>
          %dma_wait3A_114 = arith.constant 0 : i32
          %dma_wait3A_115 = arith.constant 0 : i32
          %dma_wait3A_116 = tpu.memref_slice %arg21[%dma_wait3A_114, %dma_wait3A_115] : memref<10240x128xf32, #tpu.memory_space<vmem_shared>> -> memref<10240x128xf32, #tpu.memory_space<vmem_shared>>
          tpu.wait_indirect_dma semaphore(%arg17 : memref<!tpu.dma_semaphore, #tpu.memory_space<semaphore_mem>>) src(%arg9 : memref<80x128xf32, #tpu.memory_space<vmem>>) dst(%dma_wait3A_116 : memref<10240x128xf32, #tpu.memory_space<vmem_shared>>)
          %lt3A = arith.constant 1 : i32
          %lt3A_117 = arith.cmpi slt, %scan3A_65, %lt3A : i32
          %convert_element_type3A_118 = arith.extui %lt3A_117 : i1 to i32
          %cond3A_119 = arith.constant 0 : i32
          %cond3A_120 = arith.cmpi ne, %convert_element_type3A_118, %cond3A_119 : i32
          scf.if %cond3A_120 {
            %add3A_179 = arith.constant 3 : i32
            %add3A_180 = arith.addi %add3A_97, %add3A_179 : i32
            %mul3A_181 = arith.constant 80 : i32
            %mul3A_182 = arith.muli %add3A_180, %mul3A_181 : i32
            %dma_start3A_183 = tpu.memref_slice %arg7[%mul3A_182] : memref<1920xi32, #tpu.memory_space<vmem>> -> memref<80xi32, #tpu.memory_space<vmem>>
            %dma_start3A_184 = arith.constant 0 : i32
            %dma_start3A_185 = arith.constant 0 : i32
            %dma_start3A_186 = tpu.memref_slice %arg2[%dma_start3A_184, %dma_start3A_185] : memref<10240x128xf32, #tpu.memory_space<hbm>> -> memref<10240x128xf32, #tpu.memory_space<hbm>>
            tpu.enqueue_indirect_dma source(%dma_start3A_186 : memref<10240x128xf32, #tpu.memory_space<hbm>>) target(%arg9 : memref<80x128xf32, #tpu.memory_space<vmem>>) offsets(%dma_start3A_183 : memref<80xi32, #tpu.memory_space<vmem>>) semaphore(%arg13 : memref<!tpu.dma_semaphore, #tpu.memory_space<semaphore_mem>>)
          } else {
          }
          %mul3A_121 = arith.constant 4 : i32
          %mul3A_122 = arith.muli %mul3A_121, %scan3A_65 : i32
          %add3A_123 = arith.constant 2 : i32
          %add3A_124 = arith.addi %mul3A_122, %add3A_123 : i32
          %mul3A_125 = arith.constant 80 : i32
          %mul3A_126 = arith.muli %add3A_124, %mul3A_125 : i32
          %dma_wait3A_127 = tpu.memref_slice %arg7[%mul3A_126] : memref<1920xi32, #tpu.memory_space<vmem>> -> memref<80xi32, #tpu.memory_space<vmem>>
          %dma_wait3A_128 = arith.constant 0 : i32
          %dma_wait3A_129 = arith.constant 0 : i32
          %dma_wait3A_130 = tpu.memref_slice %arg2[%dma_wait3A_128, %dma_wait3A_129] : memref<10240x128xf32, #tpu.memory_space<hbm>> -> memref<10240x128xf32, #tpu.memory_space<hbm>>
          tpu.wait_indirect_dma semaphore(%arg15 : memref<!tpu.dma_semaphore, #tpu.memory_space<semaphore_mem>>) src(%dma_wait3A_130 : memref<10240x128xf32, #tpu.memory_space<hbm>>) dst(%arg11 : memref<80x128xf32, #tpu.memory_space<vmem>>)
          %dma_start3A_131 = arith.constant 0 : i32
          %dma_start3A_132 = tpu.memref_slice %arg8[%add3A_124, %dma_start3A_131] : memref<24x80xi32, #tpu.memory_space<vmem>> -> memref<1x80xi32, #tpu.memory_space<vmem>>
          %dma_start3A_133 = tpu.memref_squeeze %dma_start3A_132 : memref<1x80xi32, #tpu.memory_space<vmem>> -> memref<80xi32, #tpu.memory_space<vmem>>
          %dma_start3A_134 = arith.constant 0 : i32
          %dma_start3A_135 = arith.constant 0 : i32
          %dma_start3A_136 = tpu.memref_slice %arg21[%dma_start3A_134, %dma_start3A_135] : memref<10240x128xf32, #tpu.memory_space<vmem_shared>> -> memref<10240x128xf32, #tpu.memory_space<vmem_shared>>
          tpu.enqueue_indirect_dma source(%arg11 : memref<80x128xf32, #tpu.memory_space<vmem>>) target(%dma_start3A_136 : memref<10240x128xf32, #tpu.memory_space<vmem_shared>>) offsets(%dma_start3A_133 : memref<80xi32, #tpu.memory_space<vmem>>) semaphore(%arg19 : memref<!tpu.dma_semaphore, #tpu.memory_space<semaphore_mem>>) {add = true}
          %sub3A_137 = arith.constant 1 : i32
          %sub3A_138 = arith.subi %add3A_124, %sub3A_137 : i32
          %dma_wait3A_139 = arith.constant 0 : i32
          %dma_wait3A_140 = tpu.memref_slice %arg8[%sub3A_138, %dma_wait3A_139] : memref<24x80xi32, #tpu.memory_space<vmem>> -> memref<1x80xi32, #tpu.memory_space<vmem>>
          %dma_wait3A_141 = tpu.memref_squeeze %dma_wait3A_140 : memref<1x80xi32, #tpu.memory_space<vmem>> -> memref<80xi32, #tpu.memory_space<vmem>>
          %dma_wait3A_142 = arith.constant 0 : i32
          %dma_wait3A_143 = arith.constant 0 : i32
          %dma_wait3A_144 = tpu.memref_slice %arg21[%dma_wait3A_142, %dma_wait3A_143] : memref<10240x128xf32, #tpu.memory_space<vmem_shared>> -> memref<10240x128xf32, #tpu.memory_space<vmem_shared>>
          tpu.wait_indirect_dma semaphore(%arg18 : memref<!tpu.dma_semaphore, #tpu.memory_space<semaphore_mem>>) src(%arg10 : memref<80x128xf32, #tpu.memory_space<vmem>>) dst(%dma_wait3A_144 : memref<10240x128xf32, #tpu.memory_space<vmem_shared>>)
          %lt3A_145 = arith.constant 1 : i32
          %lt3A_146 = arith.cmpi slt, %scan3A_65, %lt3A_145 : i32
          %convert_element_type3A_147 = arith.extui %lt3A_146 : i1 to i32
          %cond3A_148 = arith.constant 0 : i32
          %cond3A_149 = arith.cmpi ne, %convert_element_type3A_147, %cond3A_148 : i32
          scf.if %cond3A_149 {
            %add3A_179 = arith.constant 3 : i32
            %add3A_180 = arith.addi %add3A_124, %add3A_179 : i32
            %mul3A_181 = arith.constant 80 : i32
            %mul3A_182 = arith.muli %add3A_180, %mul3A_181 : i32
            %dma_start3A_183 = tpu.memref_slice %arg7[%mul3A_182] : memref<1920xi32, #tpu.memory_space<vmem>> -> memref<80xi32, #tpu.memory_space<vmem>>
            %dma_start3A_184 = arith.constant 0 : i32
            %dma_start3A_185 = arith.constant 0 : i32
            %dma_start3A_186 = tpu.memref_slice %arg2[%dma_start3A_184, %dma_start3A_185] : memref<10240x128xf32, #tpu.memory_space<hbm>> -> memref<10240x128xf32, #tpu.memory_space<hbm>>
            tpu.enqueue_indirect_dma source(%dma_start3A_186 : memref<10240x128xf32, #tpu.memory_space<hbm>>) target(%arg10 : memref<80x128xf32, #tpu.memory_space<vmem>>) offsets(%dma_start3A_183 : memref<80xi32, #tpu.memory_space<vmem>>) semaphore(%arg14 : memref<!tpu.dma_semaphore, #tpu.memory_space<semaphore_mem>>)
          } else {
          }
          %mul3A_150 = arith.constant 4 : i32
          %mul3A_151 = arith.muli %mul3A_150, %scan3A_65 : i32
          %add3A_152 = arith.constant 3 : i32
          %add3A_153 = arith.addi %mul3A_151, %add3A_152 : i32
          %mul3A_154 = arith.constant 80 : i32
          %mul3A_155 = arith.muli %add3A_153, %mul3A_154 : i32
          %dma_wait3A_156 = tpu.memref_slice %arg7[%mul3A_155] : memref<1920xi32, #tpu.memory_space<vmem>> -> memref<80xi32, #tpu.memory_space<vmem>>
          %dma_wait3A_157 = arith.constant 0 : i32
          %dma_wait3A_158 = arith.constant 0 : i32
          %dma_wait3A_159 = tpu.memref_slice %arg2[%dma_wait3A_157, %dma_wait3A_158] : memref<10240x128xf32, #tpu.memory_space<hbm>> -> memref<10240x128xf32, #tpu.memory_space<hbm>>
          tpu.wait_indirect_dma semaphore(%arg16 : memref<!tpu.dma_semaphore, #tpu.memory_space<semaphore_mem>>) src(%dma_wait3A_159 : memref<10240x128xf32, #tpu.memory_space<hbm>>) dst(%arg12 : memref<80x128xf32, #tpu.memory_space<vmem>>)
          %dma_start3A_160 = arith.constant 0 : i32
          %dma_start3A_161 = tpu.memref_slice %arg8[%add3A_153, %dma_start3A_160] : memref<24x80xi32, #tpu.memory_space<vmem>> -> memref<1x80xi32, #tpu.memory_space<vmem>>
          %dma_start3A_162 = tpu.memref_squeeze %dma_start3A_161 : memref<1x80xi32, #tpu.memory_space<vmem>> -> memref<80xi32, #tpu.memory_space<vmem>>
          %dma_start3A_163 = arith.constant 0 : i32
          %dma_start3A_164 = arith.constant 0 : i32
          %dma_start3A_165 = tpu.memref_slice %arg21[%dma_start3A_163, %dma_start3A_164] : memref<10240x128xf32, #tpu.memory_space<vmem_shared>> -> memref<10240x128xf32, #tpu.memory_space<vmem_shared>>
          tpu.enqueue_indirect_dma source(%arg12 : memref<80x128xf32, #tpu.memory_space<vmem>>) target(%dma_start3A_165 : memref<10240x128xf32, #tpu.memory_space<vmem_shared>>) offsets(%dma_start3A_162 : memref<80xi32, #tpu.memory_space<vmem>>) semaphore(%arg20 : memref<!tpu.dma_semaphore, #tpu.memory_space<semaphore_mem>>) {add = true}
          %sub3A_166 = arith.constant 1 : i32
          %sub3A_167 = arith.subi %add3A_153, %sub3A_166 : i32
          %dma_wait3A_168 = arith.constant 0 : i32
          %dma_wait3A_169 = tpu.memref_slice %arg8[%sub3A_167, %dma_wait3A_168] : memref<24x80xi32, #tpu.memory_space<vmem>> -> memref<1x80xi32, #tpu.memory_space<vmem>>
          %dma_wait3A_170 = tpu.memref_squeeze %dma_wait3A_169 : memref<1x80xi32, #tpu.memory_space<vmem>> -> memref<80xi32, #tpu.memory_space<vmem>>
          %dma_wait3A_171 = arith.constant 0 : i32
          %dma_wait3A_172 = arith.constant 0 : i32
          %dma_wait3A_173 = tpu.memref_slice %arg21[%dma_wait3A_171, %dma_wait3A_172] : memref<10240x128xf32, #tpu.memory_space<vmem_shared>> -> memref<10240x128xf32, #tpu.memory_space<vmem_shared>>
          tpu.wait_indirect_dma semaphore(%arg19 : memref<!tpu.dma_semaphore, #tpu.memory_space<semaphore_mem>>) src(%arg11 : memref<80x128xf32, #tpu.memory_space<vmem>>) dst(%dma_wait3A_173 : memref<10240x128xf32, #tpu.memory_space<vmem_shared>>)
          %lt3A_174 = arith.constant 1 : i32
          %lt3A_175 = arith.cmpi slt, %scan3A_65, %lt3A_174 : i32
          %convert_element_type3A_176 = arith.extui %lt3A_175 : i1 to i32
          %cond3A_177 = arith.constant 0 : i32
          %cond3A_178 = arith.cmpi ne, %convert_element_type3A_176, %cond3A_177 : i32
          scf.if %cond3A_178 {
            %add3A_179 = arith.constant 3 : i32
            %add3A_180 = arith.addi %add3A_153, %add3A_179 : i32
            %mul3A_181 = arith.constant 80 : i32
            %mul3A_182 = arith.muli %add3A_180, %mul3A_181 : i32
            %dma_start3A_183 = tpu.memref_slice %arg7[%mul3A_182] : memref<1920xi32, #tpu.memory_space<vmem>> -> memref<80xi32, #tpu.memory_space<vmem>>
            %dma_start3A_184 = arith.constant 0 : i32
            %dma_start3A_185 = arith.constant 0 : i32
            %dma_start3A_186 = tpu.memref_slice %arg2[%dma_start3A_184, %dma_start3A_185] : memref<10240x128xf32, #tpu.memory_space<hbm>> -> memref<10240x128xf32, #tpu.memory_space<hbm>>
            tpu.enqueue_indirect_dma source(%dma_start3A_186 : memref<10240x128xf32, #tpu.memory_space<hbm>>) target(%arg11 : memref<80x128xf32, #tpu.memory_space<vmem>>) offsets(%dma_start3A_183 : memref<80xi32, #tpu.memory_space<vmem>>) semaphore(%arg15 : memref<!tpu.dma_semaphore, #tpu.memory_space<semaphore_mem>>)
          } else {
          }
        }
        %scan3A_58 = arith.constant 2 : i32
        %dma_wait3A = arith.constant 7 : i32
        %dma_wait3A_59 = arith.constant 0 : i32
        %dma_wait3A_60 = tpu.memref_slice %arg8[%dma_wait3A, %dma_wait3A_59] : memref<24x80xi32, #tpu.memory_space<vmem>> -> memref<1x80xi32, #tpu.memory_space<vmem>>
        %dma_wait3A_61 = tpu.memref_squeeze %dma_wait3A_60 : memref<1x80xi32, #tpu.memory_space<vmem>> -> memref<80xi32, #tpu.memory_space<vmem>>
        %dma_wait3A_62 = arith.constant 0 : i32
        %dma_wait3A_63 = arith.constant 0 : i32
        %dma_wait3A_64 = tpu.memref_slice %arg21[%dma_wait3A_62, %dma_wait3A_63] : memref<10240x128xf32, #tpu.memory_space<vmem_shared>> -> memref<10240x128xf32, #tpu.memory_space<vmem_shared>>
        tpu.wait_indirect_dma semaphore(%arg20 : memref<!tpu.dma_semaphore, #tpu.memory_space<semaphore_mem>>) src(%arg12 : memref<80x128xf32, #tpu.memory_space<vmem>>) dst(%dma_wait3A_64 : memref<10240x128xf32, #tpu.memory_space<vmem_shared>>)
      }
      %scan3A_31 = arith.constant 8 : i32
    } else {
    }
    %barrier3A_17 = arith.constant 0 : index
    tpu.barrier barrier_id(%barrier3A_17)
    %mul3A_18 = arith.constant 10240 : i32
    %mul3A_19 = arith.muli %arg0, %mul3A_18 : i32
    %mul3A_20 = arith.constant 640 : i32
    %mul3A_21 = arith.muli %arg1, %mul3A_20 : i32
    %add3A = arith.addi %mul3A_19, %mul3A_21 : i32
    %multiple_of3A_22 = tpu.assume_multiple %add3A, 640 : i32
    "tpu.region"() ({
      %run_scoped3A = tpu.sem_alloc : memref<!tpu.dma_semaphore, #tpu.memory_space<semaphore_mem>>
      %dma_start3A = arith.constant 0 : i32
      %dma_start3A_23 = tpu.memref_slice %arg6[%multiple_of3A_22, %dma_start3A] : memref<20480x128xf32, #tpu.memory_space<hbm>> -> memref<640x128xf32, #tpu.memory_space<hbm>>
      %dma_start3A_24 = arith.constant 0 : i32
      %dma_start3A_25 = tpu.memref_slice %arg21[%multiple_of3A, %dma_start3A_24] : memref<10240x128xf32, #tpu.memory_space<vmem_shared>> -> memref<640x128xf32, #tpu.memory_space<vmem_shared>>
      tpu.enqueue_dma source(%dma_start3A_25 : memref<640x128xf32, #tpu.memory_space<vmem_shared>>) target(%dma_start3A_23 : memref<640x128xf32, #tpu.memory_space<hbm>>) target_semaphore(%run_scoped3A : memref<!tpu.dma_semaphore, #tpu.memory_space<semaphore_mem>>)
      %dma_wait3A = arith.constant 0 : i32
      %dma_wait3A_26 = tpu.memref_slice %arg6[%multiple_of3A_22, %dma_wait3A] : memref<20480x128xf32, #tpu.memory_space<hbm>> -> memref<640x128xf32, #tpu.memory_space<hbm>>
      %dma_wait3A_27 = arith.constant 0 : i32
      %dma_wait3A_28 = tpu.memref_slice %arg21[%multiple_of3A, %dma_wait3A_27] : memref<10240x128xf32, #tpu.memory_space<vmem_shared>> -> memref<640x128xf32, #tpu.memory_space<vmem_shared>>
      tpu.wait_dma2 semaphore(%run_scoped3A : memref<!tpu.dma_semaphore, #tpu.memory_space<semaphore_mem>>) src(%dma_wait3A_28 : memref<640x128xf32, #tpu.memory_space<vmem_shared>>) dst(%dma_wait3A_26 : memref<640x128xf32, #tpu.memory_space<hbm>>)
      tpu.yield
    }) : () -> ()
    return
  }
}

#map = affine_map<(d0, d1) -> (0, 0)>
#map1 = affine_map<(d0, d1) -> (0)>
module attributes {stable_mosaic.version = 14 : i64} {
  func.func @_sc_agg_body(%arg0: i32, %arg1: i32, %arg2: memref<10240x128xf32, #tpu.memory_space<hbm>>, %arg3: memref<327680xi32, #tpu.memory_space<hbm>>, %arg4: memref<4096x80xi32, #tpu.memory_space<hbm>>, %arg5: memref<10240x128xf32, #tpu.memory_space<hbm>>, %arg6: memref<20480x128xf32, #tpu.memory_space<hbm>>, %arg7: memref<1920xi32, #tpu.memory_space<vmem>>, %arg8: memref<24x80xi32, #tpu.memory_space<vmem>>, %arg9: memref<80x128xf32, #tpu.memory_space<vmem>>, %arg10: memref<80x128xf32, #tpu.memory_space<vmem>>, %arg11: memref<80x128xf32, #tpu.memory_space<vmem>>, %arg12: memref<80x128xf32, #tpu.memory_space<vmem>>, %arg13: memref<!tpu.dma_semaphore, #tpu.memory_space<semaphore_mem>>, %arg14: memref<!tpu.dma_semaphore, #tpu.memory_space<semaphore_mem>>, %arg15: memref<!tpu.dma_semaphore, #tpu.memory_space<semaphore_mem>>, %arg16: memref<!tpu.dma_semaphore, #tpu.memory_space<semaphore_mem>>, %arg17: memref<!tpu.dma_semaphore, #tpu.memory_space<semaphore_mem>>, %arg18: memref<!tpu.dma_semaphore, #tpu.memory_space<semaphore_mem>>, %arg19: memref<!tpu.dma_semaphore, #tpu.memory_space<semaphore_mem>>, %arg20: memref<!tpu.dma_semaphore, #tpu.memory_space<semaphore_mem>>, %arg21: memref<10240x128xf32, #tpu.memory_space<vmem_shared>>) attributes {dimension_semantics = [#tpu.dimension_semantics<core_parallel>, #tpu.dimension_semantics<subcore_parallel>], iteration_bounds = array<i64: 2, 16>, scalar_prefetch = 0 : i64, scratch_operands = 15 : i64, tpu.core_type = #tpu.core_type<sc_vector_subcore>, window_params = [{transform_indices = #map}, {transform_indices = #map1}, {transform_indices = #map}, {transform_indices = #map}, {transform_indices = #map}]} {
    %mul3A = arith.constant 640 : i32
    %mul3A_0 = arith.muli %arg1, %mul3A : i32
    %multiple_of3A = tpu.assume_multiple %mul3A_0, 640 : i32
    %eq3A = arith.constant 0 : i32
    %eq3A_1 = arith.cmpi eq, %arg0, %eq3A : i32
    %convert_element_type3A = arith.extui %eq3A_1 : i1 to i32
    %cond3A = arith.constant 0 : i32
    %cond3A_2 = arith.cmpi ne, %convert_element_type3A, %cond3A : i32
    scf.if %cond3A_2 {
      "tpu.region"() ({
        %run_scoped3A = tpu.sem_alloc : memref<!tpu.dma_semaphore, #tpu.memory_space<semaphore_mem>>
        %dma_start3A = arith.constant 0 : i32
        %dma_start3A_23 = tpu.memref_slice %arg21[%multiple_of3A, %dma_start3A] : memref<10240x128xf32, #tpu.memory_space<vmem_shared>> -> memref<640x128xf32, #tpu.memory_space<vmem_shared>>
        %dma_start3A_24 = arith.constant 0 : i32
        %dma_start3A_25 = tpu.memref_slice %arg2[%multiple_of3A, %dma_start3A_24] : memref<10240x128xf32, #tpu.memory_space<hbm>> -> memref<640x128xf32, #tpu.memory_space<hbm>>
        tpu.enqueue_dma source(%dma_start3A_25 : memref<640x128xf32, #tpu.memory_space<hbm>>) target(%dma_start3A_23 : memref<640x128xf32, #tpu.memory_space<vmem_shared>>) target_semaphore(%run_scoped3A : memref<!tpu.dma_semaphore, #tpu.memory_space<semaphore_mem>>)
        %dma_wait3A = arith.constant 0 : i32
        %dma_wait3A_26 = tpu.memref_slice %arg21[%multiple_of3A, %dma_wait3A] : memref<10240x128xf32, #tpu.memory_space<vmem_shared>> -> memref<640x128xf32, #tpu.memory_space<vmem_shared>>
        %dma_wait3A_27 = arith.constant 0 : i32
        %dma_wait3A_28 = tpu.memref_slice %arg2[%multiple_of3A, %dma_wait3A_27] : memref<10240x128xf32, #tpu.memory_space<hbm>> -> memref<640x128xf32, #tpu.memory_space<hbm>>
        tpu.wait_dma2 semaphore(%run_scoped3A : memref<!tpu.dma_semaphore, #tpu.memory_space<semaphore_mem>>) src(%dma_wait3A_28 : memref<640x128xf32, #tpu.memory_space<hbm>>) dst(%dma_wait3A_26 : memref<640x128xf32, #tpu.memory_space<vmem_shared>>)
        tpu.yield
      }) : () -> ()
    } else {
    }
    %ne3A = arith.constant 0 : i32
    %ne3A_3 = arith.cmpi ne, %arg0, %ne3A : i32
    %convert_element_type3A_4 = arith.extui %ne3A_3 : i1 to i32
    %cond3A_5 = arith.constant 0 : i32
    %cond3A_6 = arith.cmpi ne, %convert_element_type3A_4, %cond3A_5 : i32
    scf.if %cond3A_6 {
      "tpu.region"() ({
        %run_scoped3A = tpu.sem_alloc : memref<!tpu.dma_semaphore, #tpu.memory_space<semaphore_mem>>
        %dma_start3A = arith.constant 0 : i32
        %dma_start3A_23 = tpu.memref_slice %arg21[%multiple_of3A, %dma_start3A] : memref<10240x128xf32, #tpu.memory_space<vmem_shared>> -> memref<640x128xf32, #tpu.memory_space<vmem_shared>>
        %dma_start3A_24 = arith.constant 0 : i32
        %dma_start3A_25 = tpu.memref_slice %arg5[%multiple_of3A, %dma_start3A_24] : memref<10240x128xf32, #tpu.memory_space<hbm>> -> memref<640x128xf32, #tpu.memory_space<hbm>>
        tpu.enqueue_dma source(%dma_start3A_25 : memref<640x128xf32, #tpu.memory_space<hbm>>) target(%dma_start3A_23 : memref<640x128xf32, #tpu.memory_space<vmem_shared>>) target_semaphore(%run_scoped3A : memref<!tpu.dma_semaphore, #tpu.memory_space<semaphore_mem>>)
        %dma_wait3A = arith.constant 0 : i32
        %dma_wait3A_26 = tpu.memref_slice %arg21[%multiple_of3A, %dma_wait3A] : memref<10240x128xf32, #tpu.memory_space<vmem_shared>> -> memref<640x128xf32, #tpu.memory_space<vmem_shared>>
        %dma_wait3A_27 = arith.constant 0 : i32
        %dma_wait3A_28 = tpu.memref_slice %arg5[%multiple_of3A, %dma_wait3A_27] : memref<10240x128xf32, #tpu.memory_space<hbm>> -> memref<640x128xf32, #tpu.memory_space<hbm>>
        tpu.wait_dma2 semaphore(%run_scoped3A : memref<!tpu.dma_semaphore, #tpu.memory_space<semaphore_mem>>) src(%dma_wait3A_28 : memref<640x128xf32, #tpu.memory_space<hbm>>) dst(%dma_wait3A_26 : memref<640x128xf32, #tpu.memory_space<vmem_shared>>)
        tpu.yield
      }) : () -> ()
    } else {
    }
    %barrier3A = arith.constant 0 : index
    tpu.barrier barrier_id(%barrier3A)
    %eq3A_7 = arith.constant 0 : i32
    %eq3A_8 = arith.cmpi eq, %arg0, %eq3A_7 : i32
    %convert_element_type3A_9 = arith.extui %eq3A_8 : i1 to i32
    %cond3A_10 = arith.constant 0 : i32
    %cond3A_11 = arith.cmpi ne, %convert_element_type3A_9, %cond3A_10 : i32
    scf.if %cond3A_11 {
      %mul3A_23 = arith.constant 256 : i32
      %mul3A_24 = arith.muli %arg1, %mul3A_23 : i32
      %scan3A = arith.constant 0 : i32
      %scan3A_25 = arith.constant 0 : i32
      %scan3A_26 = arith.constant 8 : i32
      %scan3A_27 = arith.addi %scan3A_25, %scan3A_26 : i32
      %scan3A_28 = arith.constant 1 : i32
      scf.for %scan3A_30 = %scan3A_25 to %scan3A_27 step %scan3A_28  : i32 {
        %mul3A_31 = arith.constant 24 : i32
        %mul3A_32 = arith.muli %scan3A_30, %mul3A_31 : i32
        %add3A_33 = arith.addi %mul3A_24, %mul3A_32 : i32
        %multiple_of3A_34 = tpu.assume_multiple %add3A_33, 8 : i32
        %mul3A_35 = arith.constant 80 : i32
        %mul3A_36 = arith.muli %multiple_of3A_34, %mul3A_35 : i32
        "tpu.region"() ({
          %run_scoped3A = tpu.sem_alloc : memref<!tpu.dma_semaphore, #tpu.memory_space<semaphore_mem>>
          %dma_start3A_63 = arith.constant 0 : i32
          %dma_start3A_64 = tpu.memref_slice %arg7[%dma_start3A_63] : memref<1920xi32, #tpu.memory_space<vmem>> -> memref<1920xi32, #tpu.memory_space<vmem>>
          %dma_start3A_65 = tpu.memref_slice %arg3[%mul3A_36] : memref<327680xi32, #tpu.memory_space<hbm>> -> memref<1920xi32, #tpu.memory_space<hbm>>
          %dma_start3A_66 = arith.constant 0 : i32
          %dma_start3A_67 = tpu.memref_slice %arg7[%dma_start3A_66] : memref<1920xi32, #tpu.memory_space<vmem>> -> memref<1920xi32, #tpu.memory_space<vmem>>
          %dma_start3A_68 = tpu.memref_slice %arg3[%mul3A_36] : memref<327680xi32, #tpu.memory_space<hbm>> -> memref<1920xi32, #tpu.memory_space<hbm>>
          tpu.enqueue_dma source(%dma_start3A_68 : memref<1920xi32, #tpu.memory_space<hbm>>) target(%dma_start3A_67 : memref<1920xi32, #tpu.memory_space<vmem>>) target_semaphore(%run_scoped3A : memref<!tpu.dma_semaphore, #tpu.memory_space<semaphore_mem>>)
          %dma_wait3A_69 = arith.constant 0 : i32
          %dma_wait3A_70 = tpu.memref_slice %arg7[%dma_wait3A_69] : memref<1920xi32, #tpu.memory_space<vmem>> -> memref<1920xi32, #tpu.memory_space<vmem>>
          %dma_wait3A_71 = tpu.memref_slice %arg3[%mul3A_36] : memref<327680xi32, #tpu.memory_space<hbm>> -> memref<1920xi32, #tpu.memory_space<hbm>>
          %dma_wait3A_72 = arith.constant 0 : i32
          %dma_wait3A_73 = tpu.memref_slice %arg7[%dma_wait3A_72] : memref<1920xi32, #tpu.memory_space<vmem>> -> memref<1920xi32, #tpu.memory_space<vmem>>
          %dma_wait3A_74 = tpu.memref_slice %arg3[%mul3A_36] : memref<327680xi32, #tpu.memory_space<hbm>> -> memref<1920xi32, #tpu.memory_space<hbm>>
          tpu.wait_dma2 semaphore(%run_scoped3A : memref<!tpu.dma_semaphore, #tpu.memory_space<semaphore_mem>>) src(%dma_wait3A_74 : memref<1920xi32, #tpu.memory_space<hbm>>) dst(%dma_wait3A_73 : memref<1920xi32, #tpu.memory_space<vmem>>)
          tpu.yield
        }) : () -> ()
        "tpu.region"() ({
          %run_scoped3A = tpu.sem_alloc : memref<!tpu.dma_semaphore, #tpu.memory_space<semaphore_mem>>
          %dma_start3A_63 = arith.constant 0 : i32
          %dma_start3A_64 = arith.constant 0 : i32
          %dma_start3A_65 = tpu.memref_slice %arg8[%dma_start3A_63, %dma_start3A_64] : memref<24x80xi32, #tpu.memory_space<vmem>> -> memref<24x80xi32, #tpu.memory_space<vmem>>
          %dma_start3A_66 = arith.constant 0 : i32
          %dma_start3A_67 = tpu.memref_slice %arg4[%multiple_of3A_34, %dma_start3A_66] : memref<4096x80xi32, #tpu.memory_space<hbm>> -> memref<24x80xi32, #tpu.memory_space<hbm>>
          %dma_start3A_68 = arith.constant 0 : i32
          %dma_start3A_69 = arith.constant 0 : i32
          %dma_start3A_70 = tpu.memref_slice %arg8[%dma_start3A_68, %dma_start3A_69] : memref<24x80xi32, #tpu.memory_space<vmem>> -> memref<24x80xi32, #tpu.memory_space<vmem>>
          %dma_start3A_71 = arith.constant 0 : i32
          %dma_start3A_72 = tpu.memref_slice %arg4[%multiple_of3A_34, %dma_start3A_71] : memref<4096x80xi32, #tpu.memory_space<hbm>> -> memref<24x80xi32, #tpu.memory_space<hbm>>
          tpu.enqueue_dma source(%dma_start3A_72 : memref<24x80xi32, #tpu.memory_space<hbm>>) target(%dma_start3A_70 : memref<24x80xi32, #tpu.memory_space<vmem>>) target_semaphore(%run_scoped3A : memref<!tpu.dma_semaphore, #tpu.memory_space<semaphore_mem>>)
          %dma_wait3A_73 = arith.constant 0 : i32
          %dma_wait3A_74 = arith.constant 0 : i32
          %dma_wait3A_75 = tpu.memref_slice %arg8[%dma_wait3A_73, %dma_wait3A_74] : memref<24x80xi32, #tpu.memory_space<vmem>> -> memref<24x80xi32, #tpu.memory_space<vmem>>
          %dma_wait3A_76 = arith.constant 0 : i32
          %dma_wait3A_77 = tpu.memref_slice %arg4[%multiple_of3A_34, %dma_wait3A_76] : memref<4096x80xi32, #tpu.memory_space<hbm>> -> memref<24x80xi32, #tpu.memory_space<hbm>>
          %dma_wait3A_78 = arith.constant 0 : i32
          %dma_wait3A_79 = arith.constant 0 : i32
          %dma_wait3A_80 = tpu.memref_slice %arg8[%dma_wait3A_78, %dma_wait3A_79] : memref<24x80xi32, #tpu.memory_space<vmem>> -> memref<24x80xi32, #tpu.memory_space<vmem>>
          %dma_wait3A_81 = arith.constant 0 : i32
          %dma_wait3A_82 = tpu.memref_slice %arg4[%multiple_of3A_34, %dma_wait3A_81] : memref<4096x80xi32, #tpu.memory_space<hbm>> -> memref<24x80xi32, #tpu.memory_space<hbm>>
          tpu.wait_dma2 semaphore(%run_scoped3A : memref<!tpu.dma_semaphore, #tpu.memory_space<semaphore_mem>>) src(%dma_wait3A_82 : memref<24x80xi32, #tpu.memory_space<hbm>>) dst(%dma_wait3A_80 : memref<24x80xi32, #tpu.memory_space<vmem>>)
          tpu.yield
        }) : () -> ()
        %dma_start3A = arith.constant 0 : i32
        %dma_start3A_37 = tpu.memref_slice %arg7[%dma_start3A] : memref<1920xi32, #tpu.memory_space<vmem>> -> memref<80xi32, #tpu.memory_space<vmem>>
        %dma_start3A_38 = arith.constant 0 : i32
        %dma_start3A_39 = arith.constant 0 : i32
        %dma_start3A_40 = tpu.memref_slice %arg2[%dma_start3A_38, %dma_start3A_39] : memref<10240x128xf32, #tpu.memory_space<hbm>> -> memref<10240x128xf32, #tpu.memory_space<hbm>>
        tpu.enqueue_indirect_dma source(%dma_start3A_40 : memref<10240x128xf32, #tpu.memory_space<hbm>>) target(%arg9 : memref<80x128xf32, #tpu.memory_space<vmem>>) offsets(%dma_start3A_37 : memref<80xi32, #tpu.memory_space<vmem>>) semaphore(%arg13 : memref<!tpu.dma_semaphore, #tpu.memory_space<semaphore_mem>>)
        %dma_start3A_41 = arith.constant 80 : i32
        %dma_start3A_42 = tpu.memref_slice %arg7[%dma_start3A_41] : memref<1920xi32, #tpu.memory_space<vmem>> -> memref<80xi32, #tpu.memory_space<vmem>>
        %dma_start3A_43 = arith.constant 0 : i32
        %dma_start3A_44 = arith.constant 0 : i32
        %dma_start3A_45 = tpu.memref_slice %arg2[%dma_start3A_43, %dma_start3A_44] : memref<10240x128xf32, #tpu.memory_space<hbm>> -> memref<10240x128xf32, #tpu.memory_space<hbm>>
        tpu.enqueue_indirect_dma source(%dma_start3A_45 : memref<10240x128xf32, #tpu.memory_space<hbm>>) target(%arg10 : memref<80x128xf32, #tpu.memory_space<vmem>>) offsets(%dma_start3A_42 : memref<80xi32, #tpu.memory_space<vmem>>) semaphore(%arg14 : memref<!tpu.dma_semaphore, #tpu.memory_space<semaphore_mem>>)
        %dma_start3A_46 = arith.constant 160 : i32
        %dma_start3A_47 = tpu.memref_slice %arg7[%dma_start3A_46] : memref<1920xi32, #tpu.memory_space<vmem>> -> memref<80xi32, #tpu.memory_space<vmem>>
        %dma_start3A_48 = arith.constant 0 : i32
        %dma_start3A_49 = arith.constant 0 : i32
        %dma_start3A_50 = tpu.memref_slice %arg2[%dma_start3A_48, %dma_start3A_49] : memref<10240x128xf32, #tpu.memory_space<hbm>> -> memref<10240x128xf32, #tpu.memory_space<hbm>>
        tpu.enqueue_indirect_dma source(%dma_start3A_50 : memref<10240x128xf32, #tpu.memory_space<hbm>>) target(%arg11 : memref<80x128xf32, #tpu.memory_space<vmem>>) offsets(%dma_start3A_47 : memref<80xi32, #tpu.memory_space<vmem>>) semaphore(%arg15 : memref<!tpu.dma_semaphore, #tpu.memory_space<semaphore_mem>>)
        %scan3A_51 = arith.constant 0 : i32
        %scan3A_52 = arith.constant 0 : i32
        %scan3A_53 = arith.constant 6 : i32
        %scan3A_54 = arith.addi %scan3A_52, %scan3A_53 : i32
        %scan3A_55 = arith.constant 1 : i32
        scf.for %scan3A_63 = %scan3A_52 to %scan3A_54 step %scan3A_55  : i32 {
          %mul3A_64 = arith.constant 4 : i32
          %mul3A_65 = arith.muli %mul3A_64, %scan3A_63 : i32
          %add3A_66 = arith.constant 0 : i32
          %add3A_67 = arith.addi %mul3A_65, %add3A_66 : i32
          %mul3A_68 = arith.constant 80 : i32
          %mul3A_69 = arith.muli %add3A_67, %mul3A_68 : i32
          %dma_wait3A_70 = tpu.memref_slice %arg7[%mul3A_69] : memref<1920xi32, #tpu.memory_space<vmem>> -> memref<80xi32, #tpu.memory_space<vmem>>
          %dma_wait3A_71 = arith.constant 0 : i32
          %dma_wait3A_72 = arith.constant 0 : i32
          %dma_wait3A_73 = tpu.memref_slice %arg2[%dma_wait3A_71, %dma_wait3A_72] : memref<10240x128xf32, #tpu.memory_space<hbm>> -> memref<10240x128xf32, #tpu.memory_space<hbm>>
          tpu.wait_indirect_dma semaphore(%arg13 : memref<!tpu.dma_semaphore, #tpu.memory_space<semaphore_mem>>) src(%dma_wait3A_73 : memref<10240x128xf32, #tpu.memory_space<hbm>>) dst(%arg9 : memref<80x128xf32, #tpu.memory_space<vmem>>)
          %dma_start3A_74 = arith.constant 0 : i32
          %dma_start3A_75 = tpu.memref_slice %arg8[%add3A_67, %dma_start3A_74] : memref<24x80xi32, #tpu.memory_space<vmem>> -> memref<1x80xi32, #tpu.memory_space<vmem>>
          %dma_start3A_76 = tpu.memref_squeeze %dma_start3A_75 : memref<1x80xi32, #tpu.memory_space<vmem>> -> memref<80xi32, #tpu.memory_space<vmem>>
          %dma_start3A_77 = arith.constant 0 : i32
          %dma_start3A_78 = arith.constant 0 : i32
          %dma_start3A_79 = tpu.memref_slice %arg21[%dma_start3A_77, %dma_start3A_78] : memref<10240x128xf32, #tpu.memory_space<vmem_shared>> -> memref<10240x128xf32, #tpu.memory_space<vmem_shared>>
          tpu.enqueue_indirect_dma source(%arg9 : memref<80x128xf32, #tpu.memory_space<vmem>>) target(%dma_start3A_79 : memref<10240x128xf32, #tpu.memory_space<vmem_shared>>) offsets(%dma_start3A_76 : memref<80xi32, #tpu.memory_space<vmem>>) semaphore(%arg17 : memref<!tpu.dma_semaphore, #tpu.memory_space<semaphore_mem>>) {add = true}
          %gt3A = arith.constant 0 : i32
          %gt3A_80 = arith.cmpi sgt, %scan3A_63, %gt3A : i32
          %convert_element_type3A_81 = arith.extui %gt3A_80 : i1 to i32
          %cond3A_82 = arith.constant 0 : i32
          %cond3A_83 = arith.cmpi ne, %convert_element_type3A_81, %cond3A_82 : i32
          scf.if %cond3A_83 {
            %sub3A_177 = arith.constant 1 : i32
            %sub3A_178 = arith.subi %add3A_67, %sub3A_177 : i32
            %dma_wait3A_179 = arith.constant 0 : i32
            %dma_wait3A_180 = tpu.memref_slice %arg8[%sub3A_178, %dma_wait3A_179] : memref<24x80xi32, #tpu.memory_space<vmem>> -> memref<1x80xi32, #tpu.memory_space<vmem>>
            %dma_wait3A_181 = tpu.memref_squeeze %dma_wait3A_180 : memref<1x80xi32, #tpu.memory_space<vmem>> -> memref<80xi32, #tpu.memory_space<vmem>>
            %dma_wait3A_182 = arith.constant 0 : i32
            %dma_wait3A_183 = arith.constant 0 : i32
            %dma_wait3A_184 = tpu.memref_slice %arg21[%dma_wait3A_182, %dma_wait3A_183] : memref<10240x128xf32, #tpu.memory_space<vmem_shared>> -> memref<10240x128xf32, #tpu.memory_space<vmem_shared>>
            tpu.wait_indirect_dma semaphore(%arg20 : memref<!tpu.dma_semaphore, #tpu.memory_space<semaphore_mem>>) src(%arg12 : memref<80x128xf32, #tpu.memory_space<vmem>>) dst(%dma_wait3A_184 : memref<10240x128xf32, #tpu.memory_space<vmem_shared>>)
          } else {
          }
          %add3A_84 = arith.constant 3 : i32
          %add3A_85 = arith.addi %add3A_67, %add3A_84 : i32
          %mul3A_86 = arith.constant 80 : i32
          %mul3A_87 = arith.muli %add3A_85, %mul3A_86 : i32
          %dma_start3A_88 = tpu.memref_slice %arg7[%mul3A_87] : memref<1920xi32, #tpu.memory_space<vmem>> -> memref<80xi32, #tpu.memory_space<vmem>>
          %dma_start3A_89 = arith.constant 0 : i32
          %dma_start3A_90 = arith.constant 0 : i32
          %dma_start3A_91 = tpu.memref_slice %arg2[%dma_start3A_89, %dma_start3A_90] : memref<10240x128xf32, #tpu.memory_space<hbm>> -> memref<10240x128xf32, #tpu.memory_space<hbm>>
          tpu.enqueue_indirect_dma source(%dma_start3A_91 : memref<10240x128xf32, #tpu.memory_space<hbm>>) target(%arg12 : memref<80x128xf32, #tpu.memory_space<vmem>>) offsets(%dma_start3A_88 : memref<80xi32, #tpu.memory_space<vmem>>) semaphore(%arg16 : memref<!tpu.dma_semaphore, #tpu.memory_space<semaphore_mem>>)
          %mul3A_92 = arith.constant 4 : i32
          %mul3A_93 = arith.muli %mul3A_92, %scan3A_63 : i32
          %add3A_94 = arith.constant 1 : i32
          %add3A_95 = arith.addi %mul3A_93, %add3A_94 : i32
          %mul3A_96 = arith.constant 80 : i32
          %mul3A_97 = arith.muli %add3A_95, %mul3A_96 : i32
          %dma_wait3A_98 = tpu.memref_slice %arg7[%mul3A_97] : memref<1920xi32, #tpu.memory_space<vmem>> -> memref<80xi32, #tpu.memory_space<vmem>>
          %dma_wait3A_99 = arith.constant 0 : i32
          %dma_wait3A_100 = arith.constant 0 : i32
          %dma_wait3A_101 = tpu.memref_slice %arg2[%dma_wait3A_99, %dma_wait3A_100] : memref<10240x128xf32, #tpu.memory_space<hbm>> -> memref<10240x128xf32, #tpu.memory_space<hbm>>
          tpu.wait_indirect_dma semaphore(%arg14 : memref<!tpu.dma_semaphore, #tpu.memory_space<semaphore_mem>>) src(%dma_wait3A_101 : memref<10240x128xf32, #tpu.memory_space<hbm>>) dst(%arg10 : memref<80x128xf32, #tpu.memory_space<vmem>>)
          %dma_start3A_102 = arith.constant 0 : i32
          %dma_start3A_103 = tpu.memref_slice %arg8[%add3A_95, %dma_start3A_102] : memref<24x80xi32, #tpu.memory_space<vmem>> -> memref<1x80xi32, #tpu.memory_space<vmem>>
          %dma_start3A_104 = tpu.memref_squeeze %dma_start3A_103 : memref<1x80xi32, #tpu.memory_space<vmem>> -> memref<80xi32, #tpu.memory_space<vmem>>
          %dma_start3A_105 = arith.constant 0 : i32
          %dma_start3A_106 = arith.constant 0 : i32
          %dma_start3A_107 = tpu.memref_slice %arg21[%dma_start3A_105, %dma_start3A_106] : memref<10240x128xf32, #tpu.memory_space<vmem_shared>> -> memref<10240x128xf32, #tpu.memory_space<vmem_shared>>
          tpu.enqueue_indirect_dma source(%arg10 : memref<80x128xf32, #tpu.memory_space<vmem>>) target(%dma_start3A_107 : memref<10240x128xf32, #tpu.memory_space<vmem_shared>>) offsets(%dma_start3A_104 : memref<80xi32, #tpu.memory_space<vmem>>) semaphore(%arg18 : memref<!tpu.dma_semaphore, #tpu.memory_space<semaphore_mem>>) {add = true}
          %sub3A = arith.constant 1 : i32
          %sub3A_108 = arith.subi %add3A_95, %sub3A : i32
          %dma_wait3A_109 = arith.constant 0 : i32
          %dma_wait3A_110 = tpu.memref_slice %arg8[%sub3A_108, %dma_wait3A_109] : memref<24x80xi32, #tpu.memory_space<vmem>> -> memref<1x80xi32, #tpu.memory_space<vmem>>
          %dma_wait3A_111 = tpu.memref_squeeze %dma_wait3A_110 : memref<1x80xi32, #tpu.memory_space<vmem>> -> memref<80xi32, #tpu.memory_space<vmem>>
          %dma_wait3A_112 = arith.constant 0 : i32
          %dma_wait3A_113 = arith.constant 0 : i32
          %dma_wait3A_114 = tpu.memref_slice %arg21[%dma_wait3A_112, %dma_wait3A_113] : memref<10240x128xf32, #tpu.memory_space<vmem_shared>> -> memref<10240x128xf32, #tpu.memory_space<vmem_shared>>
          tpu.wait_indirect_dma semaphore(%arg17 : memref<!tpu.dma_semaphore, #tpu.memory_space<semaphore_mem>>) src(%arg9 : memref<80x128xf32, #tpu.memory_space<vmem>>) dst(%dma_wait3A_114 : memref<10240x128xf32, #tpu.memory_space<vmem_shared>>)
          %lt3A = arith.constant 5 : i32
          %lt3A_115 = arith.cmpi slt, %scan3A_63, %lt3A : i32
          %convert_element_type3A_116 = arith.extui %lt3A_115 : i1 to i32
          %cond3A_117 = arith.constant 0 : i32
          %cond3A_118 = arith.cmpi ne, %convert_element_type3A_116, %cond3A_117 : i32
          scf.if %cond3A_118 {
            %add3A_177 = arith.constant 3 : i32
            %add3A_178 = arith.addi %add3A_95, %add3A_177 : i32
            %mul3A_179 = arith.constant 80 : i32
            %mul3A_180 = arith.muli %add3A_178, %mul3A_179 : i32
            %dma_start3A_181 = tpu.memref_slice %arg7[%mul3A_180] : memref<1920xi32, #tpu.memory_space<vmem>> -> memref<80xi32, #tpu.memory_space<vmem>>
            %dma_start3A_182 = arith.constant 0 : i32
            %dma_start3A_183 = arith.constant 0 : i32
            %dma_start3A_184 = tpu.memref_slice %arg2[%dma_start3A_182, %dma_start3A_183] : memref<10240x128xf32, #tpu.memory_space<hbm>> -> memref<10240x128xf32, #tpu.memory_space<hbm>>
            tpu.enqueue_indirect_dma source(%dma_start3A_184 : memref<10240x128xf32, #tpu.memory_space<hbm>>) target(%arg9 : memref<80x128xf32, #tpu.memory_space<vmem>>) offsets(%dma_start3A_181 : memref<80xi32, #tpu.memory_space<vmem>>) semaphore(%arg13 : memref<!tpu.dma_semaphore, #tpu.memory_space<semaphore_mem>>)
          } else {
          }
          %mul3A_119 = arith.constant 4 : i32
          %mul3A_120 = arith.muli %mul3A_119, %scan3A_63 : i32
          %add3A_121 = arith.constant 2 : i32
          %add3A_122 = arith.addi %mul3A_120, %add3A_121 : i32
          %mul3A_123 = arith.constant 80 : i32
          %mul3A_124 = arith.muli %add3A_122, %mul3A_123 : i32
          %dma_wait3A_125 = tpu.memref_slice %arg7[%mul3A_124] : memref<1920xi32, #tpu.memory_space<vmem>> -> memref<80xi32, #tpu.memory_space<vmem>>
          %dma_wait3A_126 = arith.constant 0 : i32
          %dma_wait3A_127 = arith.constant 0 : i32
          %dma_wait3A_128 = tpu.memref_slice %arg2[%dma_wait3A_126, %dma_wait3A_127] : memref<10240x128xf32, #tpu.memory_space<hbm>> -> memref<10240x128xf32, #tpu.memory_space<hbm>>
          tpu.wait_indirect_dma semaphore(%arg15 : memref<!tpu.dma_semaphore, #tpu.memory_space<semaphore_mem>>) src(%dma_wait3A_128 : memref<10240x128xf32, #tpu.memory_space<hbm>>) dst(%arg11 : memref<80x128xf32, #tpu.memory_space<vmem>>)
          %dma_start3A_129 = arith.constant 0 : i32
          %dma_start3A_130 = tpu.memref_slice %arg8[%add3A_122, %dma_start3A_129] : memref<24x80xi32, #tpu.memory_space<vmem>> -> memref<1x80xi32, #tpu.memory_space<vmem>>
          %dma_start3A_131 = tpu.memref_squeeze %dma_start3A_130 : memref<1x80xi32, #tpu.memory_space<vmem>> -> memref<80xi32, #tpu.memory_space<vmem>>
          %dma_start3A_132 = arith.constant 0 : i32
          %dma_start3A_133 = arith.constant 0 : i32
          %dma_start3A_134 = tpu.memref_slice %arg21[%dma_start3A_132, %dma_start3A_133] : memref<10240x128xf32, #tpu.memory_space<vmem_shared>> -> memref<10240x128xf32, #tpu.memory_space<vmem_shared>>
          tpu.enqueue_indirect_dma source(%arg11 : memref<80x128xf32, #tpu.memory_space<vmem>>) target(%dma_start3A_134 : memref<10240x128xf32, #tpu.memory_space<vmem_shared>>) offsets(%dma_start3A_131 : memref<80xi32, #tpu.memory_space<vmem>>) semaphore(%arg19 : memref<!tpu.dma_semaphore, #tpu.memory_space<semaphore_mem>>) {add = true}
          %sub3A_135 = arith.constant 1 : i32
          %sub3A_136 = arith.subi %add3A_122, %sub3A_135 : i32
          %dma_wait3A_137 = arith.constant 0 : i32
          %dma_wait3A_138 = tpu.memref_slice %arg8[%sub3A_136, %dma_wait3A_137] : memref<24x80xi32, #tpu.memory_space<vmem>> -> memref<1x80xi32, #tpu.memory_space<vmem>>
          %dma_wait3A_139 = tpu.memref_squeeze %dma_wait3A_138 : memref<1x80xi32, #tpu.memory_space<vmem>> -> memref<80xi32, #tpu.memory_space<vmem>>
          %dma_wait3A_140 = arith.constant 0 : i32
          %dma_wait3A_141 = arith.constant 0 : i32
          %dma_wait3A_142 = tpu.memref_slice %arg21[%dma_wait3A_140, %dma_wait3A_141] : memref<10240x128xf32, #tpu.memory_space<vmem_shared>> -> memref<10240x128xf32, #tpu.memory_space<vmem_shared>>
          tpu.wait_indirect_dma semaphore(%arg18 : memref<!tpu.dma_semaphore, #tpu.memory_space<semaphore_mem>>) src(%arg10 : memref<80x128xf32, #tpu.memory_space<vmem>>) dst(%dma_wait3A_142 : memref<10240x128xf32, #tpu.memory_space<vmem_shared>>)
          %lt3A_143 = arith.constant 5 : i32
          %lt3A_144 = arith.cmpi slt, %scan3A_63, %lt3A_143 : i32
          %convert_element_type3A_145 = arith.extui %lt3A_144 : i1 to i32
          %cond3A_146 = arith.constant 0 : i32
          %cond3A_147 = arith.cmpi ne, %convert_element_type3A_145, %cond3A_146 : i32
          scf.if %cond3A_147 {
            %add3A_177 = arith.constant 3 : i32
            %add3A_178 = arith.addi %add3A_122, %add3A_177 : i32
            %mul3A_179 = arith.constant 80 : i32
            %mul3A_180 = arith.muli %add3A_178, %mul3A_179 : i32
            %dma_start3A_181 = tpu.memref_slice %arg7[%mul3A_180] : memref<1920xi32, #tpu.memory_space<vmem>> -> memref<80xi32, #tpu.memory_space<vmem>>
            %dma_start3A_182 = arith.constant 0 : i32
            %dma_start3A_183 = arith.constant 0 : i32
            %dma_start3A_184 = tpu.memref_slice %arg2[%dma_start3A_182, %dma_start3A_183] : memref<10240x128xf32, #tpu.memory_space<hbm>> -> memref<10240x128xf32, #tpu.memory_space<hbm>>
            tpu.enqueue_indirect_dma source(%dma_start3A_184 : memref<10240x128xf32, #tpu.memory_space<hbm>>) target(%arg10 : memref<80x128xf32, #tpu.memory_space<vmem>>) offsets(%dma_start3A_181 : memref<80xi32, #tpu.memory_space<vmem>>) semaphore(%arg14 : memref<!tpu.dma_semaphore, #tpu.memory_space<semaphore_mem>>)
          } else {
          }
          %mul3A_148 = arith.constant 4 : i32
          %mul3A_149 = arith.muli %mul3A_148, %scan3A_63 : i32
          %add3A_150 = arith.constant 3 : i32
          %add3A_151 = arith.addi %mul3A_149, %add3A_150 : i32
          %mul3A_152 = arith.constant 80 : i32
          %mul3A_153 = arith.muli %add3A_151, %mul3A_152 : i32
          %dma_wait3A_154 = tpu.memref_slice %arg7[%mul3A_153] : memref<1920xi32, #tpu.memory_space<vmem>> -> memref<80xi32, #tpu.memory_space<vmem>>
          %dma_wait3A_155 = arith.constant 0 : i32
          %dma_wait3A_156 = arith.constant 0 : i32
          %dma_wait3A_157 = tpu.memref_slice %arg2[%dma_wait3A_155, %dma_wait3A_156] : memref<10240x128xf32, #tpu.memory_space<hbm>> -> memref<10240x128xf32, #tpu.memory_space<hbm>>
          tpu.wait_indirect_dma semaphore(%arg16 : memref<!tpu.dma_semaphore, #tpu.memory_space<semaphore_mem>>) src(%dma_wait3A_157 : memref<10240x128xf32, #tpu.memory_space<hbm>>) dst(%arg12 : memref<80x128xf32, #tpu.memory_space<vmem>>)
          %dma_start3A_158 = arith.constant 0 : i32
          %dma_start3A_159 = tpu.memref_slice %arg8[%add3A_151, %dma_start3A_158] : memref<24x80xi32, #tpu.memory_space<vmem>> -> memref<1x80xi32, #tpu.memory_space<vmem>>
          %dma_start3A_160 = tpu.memref_squeeze %dma_start3A_159 : memref<1x80xi32, #tpu.memory_space<vmem>> -> memref<80xi32, #tpu.memory_space<vmem>>
          %dma_start3A_161 = arith.constant 0 : i32
          %dma_start3A_162 = arith.constant 0 : i32
          %dma_start3A_163 = tpu.memref_slice %arg21[%dma_start3A_161, %dma_start3A_162] : memref<10240x128xf32, #tpu.memory_space<vmem_shared>> -> memref<10240x128xf32, #tpu.memory_space<vmem_shared>>
          tpu.enqueue_indirect_dma source(%arg12 : memref<80x128xf32, #tpu.memory_space<vmem>>) target(%dma_start3A_163 : memref<10240x128xf32, #tpu.memory_space<vmem_shared>>) offsets(%dma_start3A_160 : memref<80xi32, #tpu.memory_space<vmem>>) semaphore(%arg20 : memref<!tpu.dma_semaphore, #tpu.memory_space<semaphore_mem>>) {add = true}
          %sub3A_164 = arith.constant 1 : i32
          %sub3A_165 = arith.subi %add3A_151, %sub3A_164 : i32
          %dma_wait3A_166 = arith.constant 0 : i32
          %dma_wait3A_167 = tpu.memref_slice %arg8[%sub3A_165, %dma_wait3A_166] : memref<24x80xi32, #tpu.memory_space<vmem>> -> memref<1x80xi32, #tpu.memory_space<vmem>>
          %dma_wait3A_168 = tpu.memref_squeeze %dma_wait3A_167 : memref<1x80xi32, #tpu.memory_space<vmem>> -> memref<80xi32, #tpu.memory_space<vmem>>
          %dma_wait3A_169 = arith.constant 0 : i32
          %dma_wait3A_170 = arith.constant 0 : i32
          %dma_wait3A_171 = tpu.memref_slice %arg21[%dma_wait3A_169, %dma_wait3A_170] : memref<10240x128xf32, #tpu.memory_space<vmem_shared>> -> memref<10240x128xf32, #tpu.memory_space<vmem_shared>>
          tpu.wait_indirect_dma semaphore(%arg19 : memref<!tpu.dma_semaphore, #tpu.memory_space<semaphore_mem>>) src(%arg11 : memref<80x128xf32, #tpu.memory_space<vmem>>) dst(%dma_wait3A_171 : memref<10240x128xf32, #tpu.memory_space<vmem_shared>>)
          %lt3A_172 = arith.constant 5 : i32
          %lt3A_173 = arith.cmpi slt, %scan3A_63, %lt3A_172 : i32
          %convert_element_type3A_174 = arith.extui %lt3A_173 : i1 to i32
          %cond3A_175 = arith.constant 0 : i32
          %cond3A_176 = arith.cmpi ne, %convert_element_type3A_174, %cond3A_175 : i32
          scf.if %cond3A_176 {
            %add3A_177 = arith.constant 3 : i32
            %add3A_178 = arith.addi %add3A_151, %add3A_177 : i32
            %mul3A_179 = arith.constant 80 : i32
            %mul3A_180 = arith.muli %add3A_178, %mul3A_179 : i32
            %dma_start3A_181 = tpu.memref_slice %arg7[%mul3A_180] : memref<1920xi32, #tpu.memory_space<vmem>> -> memref<80xi32, #tpu.memory_space<vmem>>
            %dma_start3A_182 = arith.constant 0 : i32
            %dma_start3A_183 = arith.constant 0 : i32
            %dma_start3A_184 = tpu.memref_slice %arg2[%dma_start3A_182, %dma_start3A_183] : memref<10240x128xf32, #tpu.memory_space<hbm>> -> memref<10240x128xf32, #tpu.memory_space<hbm>>
            tpu.enqueue_indirect_dma source(%dma_start3A_184 : memref<10240x128xf32, #tpu.memory_space<hbm>>) target(%arg11 : memref<80x128xf32, #tpu.memory_space<vmem>>) offsets(%dma_start3A_181 : memref<80xi32, #tpu.memory_space<vmem>>) semaphore(%arg15 : memref<!tpu.dma_semaphore, #tpu.memory_space<semaphore_mem>>)
          } else {
          }
        }
        %scan3A_56 = arith.constant 6 : i32
        %dma_wait3A = arith.constant 23 : i32
        %dma_wait3A_57 = arith.constant 0 : i32
        %dma_wait3A_58 = tpu.memref_slice %arg8[%dma_wait3A, %dma_wait3A_57] : memref<24x80xi32, #tpu.memory_space<vmem>> -> memref<1x80xi32, #tpu.memory_space<vmem>>
        %dma_wait3A_59 = tpu.memref_squeeze %dma_wait3A_58 : memref<1x80xi32, #tpu.memory_space<vmem>> -> memref<80xi32, #tpu.memory_space<vmem>>
        %dma_wait3A_60 = arith.constant 0 : i32
        %dma_wait3A_61 = arith.constant 0 : i32
        %dma_wait3A_62 = tpu.memref_slice %arg21[%dma_wait3A_60, %dma_wait3A_61] : memref<10240x128xf32, #tpu.memory_space<vmem_shared>> -> memref<10240x128xf32, #tpu.memory_space<vmem_shared>>
        tpu.wait_indirect_dma semaphore(%arg20 : memref<!tpu.dma_semaphore, #tpu.memory_space<semaphore_mem>>) src(%arg12 : memref<80x128xf32, #tpu.memory_space<vmem>>) dst(%dma_wait3A_62 : memref<10240x128xf32, #tpu.memory_space<vmem_shared>>)
      }
      %scan3A_29 = arith.constant 8 : i32
    } else {
    }
    %ne3A_12 = arith.constant 0 : i32
    %ne3A_13 = arith.cmpi ne, %arg0, %ne3A_12 : i32
    %convert_element_type3A_14 = arith.extui %ne3A_13 : i1 to i32
    %cond3A_15 = arith.constant 0 : i32
    %cond3A_16 = arith.cmpi ne, %convert_element_type3A_14, %cond3A_15 : i32
    scf.if %cond3A_16 {
      %mul3A_23 = arith.constant 256 : i32
      %mul3A_24 = arith.muli %arg1, %mul3A_23 : i32
      %add3A_25 = arith.constant 192 : i32
      %add3A_26 = arith.addi %mul3A_24, %add3A_25 : i32
      %scan3A = arith.constant 0 : i32
      %scan3A_27 = arith.constant 0 : i32
      %scan3A_28 = arith.constant 8 : i32
      %scan3A_29 = arith.addi %scan3A_27, %scan3A_28 : i32
      %scan3A_30 = arith.constant 1 : i32
      scf.for %scan3A_32 = %scan3A_27 to %scan3A_29 step %scan3A_30  : i32 {
        %mul3A_33 = arith.constant 8 : i32
        %mul3A_34 = arith.muli %scan3A_32, %mul3A_33 : i32
        %add3A_35 = arith.addi %add3A_26, %mul3A_34 : i32
        %multiple_of3A_36 = tpu.assume_multiple %add3A_35, 8 : i32
        %mul3A_37 = arith.constant 80 : i32
        %mul3A_38 = arith.muli %multiple_of3A_36, %mul3A_37 : i32
        "tpu.region"() ({
          %run_scoped3A = tpu.sem_alloc : memref<!tpu.dma_semaphore, #tpu.memory_space<semaphore_mem>>
          %dma_start3A_65 = arith.constant 0 : i32
          %dma_start3A_66 = tpu.memref_slice %arg7[%dma_start3A_65] : memref<1920xi32, #tpu.memory_space<vmem>> -> memref<640xi32, #tpu.memory_space<vmem>>
          %dma_start3A_67 = tpu.memref_slice %arg3[%mul3A_38] : memref<327680xi32, #tpu.memory_space<hbm>> -> memref<640xi32, #tpu.memory_space<hbm>>
          %dma_start3A_68 = arith.constant 0 : i32
          %dma_start3A_69 = tpu.memref_slice %arg7[%dma_start3A_68] : memref<1920xi32, #tpu.memory_space<vmem>> -> memref<640xi32, #tpu.memory_space<vmem>>
          %dma_start3A_70 = tpu.memref_slice %arg3[%mul3A_38] : memref<327680xi32, #tpu.memory_space<hbm>> -> memref<640xi32, #tpu.memory_space<hbm>>
          tpu.enqueue_dma source(%dma_start3A_70 : memref<640xi32, #tpu.memory_space<hbm>>) target(%dma_start3A_69 : memref<640xi32, #tpu.memory_space<vmem>>) target_semaphore(%run_scoped3A : memref<!tpu.dma_semaphore, #tpu.memory_space<semaphore_mem>>)
          %dma_wait3A_71 = arith.constant 0 : i32
          %dma_wait3A_72 = tpu.memref_slice %arg7[%dma_wait3A_71] : memref<1920xi32, #tpu.memory_space<vmem>> -> memref<640xi32, #tpu.memory_space<vmem>>
          %dma_wait3A_73 = tpu.memref_slice %arg3[%mul3A_38] : memref<327680xi32, #tpu.memory_space<hbm>> -> memref<640xi32, #tpu.memory_space<hbm>>
          %dma_wait3A_74 = arith.constant 0 : i32
          %dma_wait3A_75 = tpu.memref_slice %arg7[%dma_wait3A_74] : memref<1920xi32, #tpu.memory_space<vmem>> -> memref<640xi32, #tpu.memory_space<vmem>>
          %dma_wait3A_76 = tpu.memref_slice %arg3[%mul3A_38] : memref<327680xi32, #tpu.memory_space<hbm>> -> memref<640xi32, #tpu.memory_space<hbm>>
          tpu.wait_dma2 semaphore(%run_scoped3A : memref<!tpu.dma_semaphore, #tpu.memory_space<semaphore_mem>>) src(%dma_wait3A_76 : memref<640xi32, #tpu.memory_space<hbm>>) dst(%dma_wait3A_75 : memref<640xi32, #tpu.memory_space<vmem>>)
          tpu.yield
        }) : () -> ()
        "tpu.region"() ({
          %run_scoped3A = tpu.sem_alloc : memref<!tpu.dma_semaphore, #tpu.memory_space<semaphore_mem>>
          %dma_start3A_65 = arith.constant 0 : i32
          %dma_start3A_66 = arith.constant 0 : i32
          %dma_start3A_67 = tpu.memref_slice %arg8[%dma_start3A_65, %dma_start3A_66] : memref<24x80xi32, #tpu.memory_space<vmem>> -> memref<8x80xi32, #tpu.memory_space<vmem>>
          %dma_start3A_68 = arith.constant 0 : i32
          %dma_start3A_69 = tpu.memref_slice %arg4[%multiple_of3A_36, %dma_start3A_68] : memref<4096x80xi32, #tpu.memory_space<hbm>> -> memref<8x80xi32, #tpu.memory_space<hbm>>
          %dma_start3A_70 = arith.constant 0 : i32
          %dma_start3A_71 = arith.constant 0 : i32
          %dma_start3A_72 = tpu.memref_slice %arg8[%dma_start3A_70, %dma_start3A_71] : memref<24x80xi32, #tpu.memory_space<vmem>> -> memref<8x80xi32, #tpu.memory_space<vmem>>
          %dma_start3A_73 = arith.constant 0 : i32
          %dma_start3A_74 = tpu.memref_slice %arg4[%multiple_of3A_36, %dma_start3A_73] : memref<4096x80xi32, #tpu.memory_space<hbm>> -> memref<8x80xi32, #tpu.memory_space<hbm>>
          tpu.enqueue_dma source(%dma_start3A_74 : memref<8x80xi32, #tpu.memory_space<hbm>>) target(%dma_start3A_72 : memref<8x80xi32, #tpu.memory_space<vmem>>) target_semaphore(%run_scoped3A : memref<!tpu.dma_semaphore, #tpu.memory_space<semaphore_mem>>)
          %dma_wait3A_75 = arith.constant 0 : i32
          %dma_wait3A_76 = arith.constant 0 : i32
          %dma_wait3A_77 = tpu.memref_slice %arg8[%dma_wait3A_75, %dma_wait3A_76] : memref<24x80xi32, #tpu.memory_space<vmem>> -> memref<8x80xi32, #tpu.memory_space<vmem>>
          %dma_wait3A_78 = arith.constant 0 : i32
          %dma_wait3A_79 = tpu.memref_slice %arg4[%multiple_of3A_36, %dma_wait3A_78] : memref<4096x80xi32, #tpu.memory_space<hbm>> -> memref<8x80xi32, #tpu.memory_space<hbm>>
          %dma_wait3A_80 = arith.constant 0 : i32
          %dma_wait3A_81 = arith.constant 0 : i32
          %dma_wait3A_82 = tpu.memref_slice %arg8[%dma_wait3A_80, %dma_wait3A_81] : memref<24x80xi32, #tpu.memory_space<vmem>> -> memref<8x80xi32, #tpu.memory_space<vmem>>
          %dma_wait3A_83 = arith.constant 0 : i32
          %dma_wait3A_84 = tpu.memref_slice %arg4[%multiple_of3A_36, %dma_wait3A_83] : memref<4096x80xi32, #tpu.memory_space<hbm>> -> memref<8x80xi32, #tpu.memory_space<hbm>>
          tpu.wait_dma2 semaphore(%run_scoped3A : memref<!tpu.dma_semaphore, #tpu.memory_space<semaphore_mem>>) src(%dma_wait3A_84 : memref<8x80xi32, #tpu.memory_space<hbm>>) dst(%dma_wait3A_82 : memref<8x80xi32, #tpu.memory_space<vmem>>)
          tpu.yield
        }) : () -> ()
        %dma_start3A = arith.constant 0 : i32
        %dma_start3A_39 = tpu.memref_slice %arg7[%dma_start3A] : memref<1920xi32, #tpu.memory_space<vmem>> -> memref<80xi32, #tpu.memory_space<vmem>>
        %dma_start3A_40 = arith.constant 0 : i32
        %dma_start3A_41 = arith.constant 0 : i32
        %dma_start3A_42 = tpu.memref_slice %arg2[%dma_start3A_40, %dma_start3A_41] : memref<10240x128xf32, #tpu.memory_space<hbm>> -> memref<10240x128xf32, #tpu.memory_space<hbm>>
        tpu.enqueue_indirect_dma source(%dma_start3A_42 : memref<10240x128xf32, #tpu.memory_space<hbm>>) target(%arg9 : memref<80x128xf32, #tpu.memory_space<vmem>>) offsets(%dma_start3A_39 : memref<80xi32, #tpu.memory_space<vmem>>) semaphore(%arg13 : memref<!tpu.dma_semaphore, #tpu.memory_space<semaphore_mem>>)
        %dma_start3A_43 = arith.constant 80 : i32
        %dma_start3A_44 = tpu.memref_slice %arg7[%dma_start3A_43] : memref<1920xi32, #tpu.memory_space<vmem>> -> memref<80xi32, #tpu.memory_space<vmem>>
        %dma_start3A_45 = arith.constant 0 : i32
        %dma_start3A_46 = arith.constant 0 : i32
        %dma_start3A_47 = tpu.memref_slice %arg2[%dma_start3A_45, %dma_start3A_46] : memref<10240x128xf32, #tpu.memory_space<hbm>> -> memref<10240x128xf32, #tpu.memory_space<hbm>>
        tpu.enqueue_indirect_dma source(%dma_start3A_47 : memref<10240x128xf32, #tpu.memory_space<hbm>>) target(%arg10 : memref<80x128xf32, #tpu.memory_space<vmem>>) offsets(%dma_start3A_44 : memref<80xi32, #tpu.memory_space<vmem>>) semaphore(%arg14 : memref<!tpu.dma_semaphore, #tpu.memory_space<semaphore_mem>>)
        %dma_start3A_48 = arith.constant 160 : i32
        %dma_start3A_49 = tpu.memref_slice %arg7[%dma_start3A_48] : memref<1920xi32, #tpu.memory_space<vmem>> -> memref<80xi32, #tpu.memory_space<vmem>>
        %dma_start3A_50 = arith.constant 0 : i32
        %dma_start3A_51 = arith.constant 0 : i32
        %dma_start3A_52 = tpu.memref_slice %arg2[%dma_start3A_50, %dma_start3A_51] : memref<10240x128xf32, #tpu.memory_space<hbm>> -> memref<10240x128xf32, #tpu.memory_space<hbm>>
        tpu.enqueue_indirect_dma source(%dma_start3A_52 : memref<10240x128xf32, #tpu.memory_space<hbm>>) target(%arg11 : memref<80x128xf32, #tpu.memory_space<vmem>>) offsets(%dma_start3A_49 : memref<80xi32, #tpu.memory_space<vmem>>) semaphore(%arg15 : memref<!tpu.dma_semaphore, #tpu.memory_space<semaphore_mem>>)
        %scan3A_53 = arith.constant 0 : i32
        %scan3A_54 = arith.constant 0 : i32
        %scan3A_55 = arith.constant 2 : i32
        %scan3A_56 = arith.addi %scan3A_54, %scan3A_55 : i32
        %scan3A_57 = arith.constant 1 : i32
        scf.for %scan3A_65 = %scan3A_54 to %scan3A_56 step %scan3A_57  : i32 {
          %mul3A_66 = arith.constant 4 : i32
          %mul3A_67 = arith.muli %mul3A_66, %scan3A_65 : i32
          %add3A_68 = arith.constant 0 : i32
          %add3A_69 = arith.addi %mul3A_67, %add3A_68 : i32
          %mul3A_70 = arith.constant 80 : i32
          %mul3A_71 = arith.muli %add3A_69, %mul3A_70 : i32
          %dma_wait3A_72 = tpu.memref_slice %arg7[%mul3A_71] : memref<1920xi32, #tpu.memory_space<vmem>> -> memref<80xi32, #tpu.memory_space<vmem>>
          %dma_wait3A_73 = arith.constant 0 : i32
          %dma_wait3A_74 = arith.constant 0 : i32
          %dma_wait3A_75 = tpu.memref_slice %arg2[%dma_wait3A_73, %dma_wait3A_74] : memref<10240x128xf32, #tpu.memory_space<hbm>> -> memref<10240x128xf32, #tpu.memory_space<hbm>>
          tpu.wait_indirect_dma semaphore(%arg13 : memref<!tpu.dma_semaphore, #tpu.memory_space<semaphore_mem>>) src(%dma_wait3A_75 : memref<10240x128xf32, #tpu.memory_space<hbm>>) dst(%arg9 : memref<80x128xf32, #tpu.memory_space<vmem>>)
          %dma_start3A_76 = arith.constant 0 : i32
          %dma_start3A_77 = tpu.memref_slice %arg8[%add3A_69, %dma_start3A_76] : memref<24x80xi32, #tpu.memory_space<vmem>> -> memref<1x80xi32, #tpu.memory_space<vmem>>
          %dma_start3A_78 = tpu.memref_squeeze %dma_start3A_77 : memref<1x80xi32, #tpu.memory_space<vmem>> -> memref<80xi32, #tpu.memory_space<vmem>>
          %dma_start3A_79 = arith.constant 0 : i32
          %dma_start3A_80 = arith.constant 0 : i32
          %dma_start3A_81 = tpu.memref_slice %arg21[%dma_start3A_79, %dma_start3A_80] : memref<10240x128xf32, #tpu.memory_space<vmem_shared>> -> memref<10240x128xf32, #tpu.memory_space<vmem_shared>>
          tpu.enqueue_indirect_dma source(%arg9 : memref<80x128xf32, #tpu.memory_space<vmem>>) target(%dma_start3A_81 : memref<10240x128xf32, #tpu.memory_space<vmem_shared>>) offsets(%dma_start3A_78 : memref<80xi32, #tpu.memory_space<vmem>>) semaphore(%arg17 : memref<!tpu.dma_semaphore, #tpu.memory_space<semaphore_mem>>) {add = true}
          %gt3A = arith.constant 0 : i32
          %gt3A_82 = arith.cmpi sgt, %scan3A_65, %gt3A : i32
          %convert_element_type3A_83 = arith.extui %gt3A_82 : i1 to i32
          %cond3A_84 = arith.constant 0 : i32
          %cond3A_85 = arith.cmpi ne, %convert_element_type3A_83, %cond3A_84 : i32
          scf.if %cond3A_85 {
            %sub3A_179 = arith.constant 1 : i32
            %sub3A_180 = arith.subi %add3A_69, %sub3A_179 : i32
            %dma_wait3A_181 = arith.constant 0 : i32
            %dma_wait3A_182 = tpu.memref_slice %arg8[%sub3A_180, %dma_wait3A_181] : memref<24x80xi32, #tpu.memory_space<vmem>> -> memref<1x80xi32, #tpu.memory_space<vmem>>
            %dma_wait3A_183 = tpu.memref_squeeze %dma_wait3A_182 : memref<1x80xi32, #tpu.memory_space<vmem>> -> memref<80xi32, #tpu.memory_space<vmem>>
            %dma_wait3A_184 = arith.constant 0 : i32
            %dma_wait3A_185 = arith.constant 0 : i32
            %dma_wait3A_186 = tpu.memref_slice %arg21[%dma_wait3A_184, %dma_wait3A_185] : memref<10240x128xf32, #tpu.memory_space<vmem_shared>> -> memref<10240x128xf32, #tpu.memory_space<vmem_shared>>
            tpu.wait_indirect_dma semaphore(%arg20 : memref<!tpu.dma_semaphore, #tpu.memory_space<semaphore_mem>>) src(%arg12 : memref<80x128xf32, #tpu.memory_space<vmem>>) dst(%dma_wait3A_186 : memref<10240x128xf32, #tpu.memory_space<vmem_shared>>)
          } else {
          }
          %add3A_86 = arith.constant 3 : i32
          %add3A_87 = arith.addi %add3A_69, %add3A_86 : i32
          %mul3A_88 = arith.constant 80 : i32
          %mul3A_89 = arith.muli %add3A_87, %mul3A_88 : i32
          %dma_start3A_90 = tpu.memref_slice %arg7[%mul3A_89] : memref<1920xi32, #tpu.memory_space<vmem>> -> memref<80xi32, #tpu.memory_space<vmem>>
          %dma_start3A_91 = arith.constant 0 : i32
          %dma_start3A_92 = arith.constant 0 : i32
          %dma_start3A_93 = tpu.memref_slice %arg2[%dma_start3A_91, %dma_start3A_92] : memref<10240x128xf32, #tpu.memory_space<hbm>> -> memref<10240x128xf32, #tpu.memory_space<hbm>>
          tpu.enqueue_indirect_dma source(%dma_start3A_93 : memref<10240x128xf32, #tpu.memory_space<hbm>>) target(%arg12 : memref<80x128xf32, #tpu.memory_space<vmem>>) offsets(%dma_start3A_90 : memref<80xi32, #tpu.memory_space<vmem>>) semaphore(%arg16 : memref<!tpu.dma_semaphore, #tpu.memory_space<semaphore_mem>>)
          %mul3A_94 = arith.constant 4 : i32
          %mul3A_95 = arith.muli %mul3A_94, %scan3A_65 : i32
          %add3A_96 = arith.constant 1 : i32
          %add3A_97 = arith.addi %mul3A_95, %add3A_96 : i32
          %mul3A_98 = arith.constant 80 : i32
          %mul3A_99 = arith.muli %add3A_97, %mul3A_98 : i32
          %dma_wait3A_100 = tpu.memref_slice %arg7[%mul3A_99] : memref<1920xi32, #tpu.memory_space<vmem>> -> memref<80xi32, #tpu.memory_space<vmem>>
          %dma_wait3A_101 = arith.constant 0 : i32
          %dma_wait3A_102 = arith.constant 0 : i32
          %dma_wait3A_103 = tpu.memref_slice %arg2[%dma_wait3A_101, %dma_wait3A_102] : memref<10240x128xf32, #tpu.memory_space<hbm>> -> memref<10240x128xf32, #tpu.memory_space<hbm>>
          tpu.wait_indirect_dma semaphore(%arg14 : memref<!tpu.dma_semaphore, #tpu.memory_space<semaphore_mem>>) src(%dma_wait3A_103 : memref<10240x128xf32, #tpu.memory_space<hbm>>) dst(%arg10 : memref<80x128xf32, #tpu.memory_space<vmem>>)
          %dma_start3A_104 = arith.constant 0 : i32
          %dma_start3A_105 = tpu.memref_slice %arg8[%add3A_97, %dma_start3A_104] : memref<24x80xi32, #tpu.memory_space<vmem>> -> memref<1x80xi32, #tpu.memory_space<vmem>>
          %dma_start3A_106 = tpu.memref_squeeze %dma_start3A_105 : memref<1x80xi32, #tpu.memory_space<vmem>> -> memref<80xi32, #tpu.memory_space<vmem>>
          %dma_start3A_107 = arith.constant 0 : i32
          %dma_start3A_108 = arith.constant 0 : i32
          %dma_start3A_109 = tpu.memref_slice %arg21[%dma_start3A_107, %dma_start3A_108] : memref<10240x128xf32, #tpu.memory_space<vmem_shared>> -> memref<10240x128xf32, #tpu.memory_space<vmem_shared>>
          tpu.enqueue_indirect_dma source(%arg10 : memref<80x128xf32, #tpu.memory_space<vmem>>) target(%dma_start3A_109 : memref<10240x128xf32, #tpu.memory_space<vmem_shared>>) offsets(%dma_start3A_106 : memref<80xi32, #tpu.memory_space<vmem>>) semaphore(%arg18 : memref<!tpu.dma_semaphore, #tpu.memory_space<semaphore_mem>>) {add = true}
          %sub3A = arith.constant 1 : i32
          %sub3A_110 = arith.subi %add3A_97, %sub3A : i32
          %dma_wait3A_111 = arith.constant 0 : i32
          %dma_wait3A_112 = tpu.memref_slice %arg8[%sub3A_110, %dma_wait3A_111] : memref<24x80xi32, #tpu.memory_space<vmem>> -> memref<1x80xi32, #tpu.memory_space<vmem>>
          %dma_wait3A_113 = tpu.memref_squeeze %dma_wait3A_112 : memref<1x80xi32, #tpu.memory_space<vmem>> -> memref<80xi32, #tpu.memory_space<vmem>>
          %dma_wait3A_114 = arith.constant 0 : i32
          %dma_wait3A_115 = arith.constant 0 : i32
          %dma_wait3A_116 = tpu.memref_slice %arg21[%dma_wait3A_114, %dma_wait3A_115] : memref<10240x128xf32, #tpu.memory_space<vmem_shared>> -> memref<10240x128xf32, #tpu.memory_space<vmem_shared>>
          tpu.wait_indirect_dma semaphore(%arg17 : memref<!tpu.dma_semaphore, #tpu.memory_space<semaphore_mem>>) src(%arg9 : memref<80x128xf32, #tpu.memory_space<vmem>>) dst(%dma_wait3A_116 : memref<10240x128xf32, #tpu.memory_space<vmem_shared>>)
          %lt3A = arith.constant 1 : i32
          %lt3A_117 = arith.cmpi slt, %scan3A_65, %lt3A : i32
          %convert_element_type3A_118 = arith.extui %lt3A_117 : i1 to i32
          %cond3A_119 = arith.constant 0 : i32
          %cond3A_120 = arith.cmpi ne, %convert_element_type3A_118, %cond3A_119 : i32
          scf.if %cond3A_120 {
            %add3A_179 = arith.constant 3 : i32
            %add3A_180 = arith.addi %add3A_97, %add3A_179 : i32
            %mul3A_181 = arith.constant 80 : i32
            %mul3A_182 = arith.muli %add3A_180, %mul3A_181 : i32
            %dma_start3A_183 = tpu.memref_slice %arg7[%mul3A_182] : memref<1920xi32, #tpu.memory_space<vmem>> -> memref<80xi32, #tpu.memory_space<vmem>>
            %dma_start3A_184 = arith.constant 0 : i32
            %dma_start3A_185 = arith.constant 0 : i32
            %dma_start3A_186 = tpu.memref_slice %arg2[%dma_start3A_184, %dma_start3A_185] : memref<10240x128xf32, #tpu.memory_space<hbm>> -> memref<10240x128xf32, #tpu.memory_space<hbm>>
            tpu.enqueue_indirect_dma source(%dma_start3A_186 : memref<10240x128xf32, #tpu.memory_space<hbm>>) target(%arg9 : memref<80x128xf32, #tpu.memory_space<vmem>>) offsets(%dma_start3A_183 : memref<80xi32, #tpu.memory_space<vmem>>) semaphore(%arg13 : memref<!tpu.dma_semaphore, #tpu.memory_space<semaphore_mem>>)
          } else {
          }
          %mul3A_121 = arith.constant 4 : i32
          %mul3A_122 = arith.muli %mul3A_121, %scan3A_65 : i32
          %add3A_123 = arith.constant 2 : i32
          %add3A_124 = arith.addi %mul3A_122, %add3A_123 : i32
          %mul3A_125 = arith.constant 80 : i32
          %mul3A_126 = arith.muli %add3A_124, %mul3A_125 : i32
          %dma_wait3A_127 = tpu.memref_slice %arg7[%mul3A_126] : memref<1920xi32, #tpu.memory_space<vmem>> -> memref<80xi32, #tpu.memory_space<vmem>>
          %dma_wait3A_128 = arith.constant 0 : i32
          %dma_wait3A_129 = arith.constant 0 : i32
          %dma_wait3A_130 = tpu.memref_slice %arg2[%dma_wait3A_128, %dma_wait3A_129] : memref<10240x128xf32, #tpu.memory_space<hbm>> -> memref<10240x128xf32, #tpu.memory_space<hbm>>
          tpu.wait_indirect_dma semaphore(%arg15 : memref<!tpu.dma_semaphore, #tpu.memory_space<semaphore_mem>>) src(%dma_wait3A_130 : memref<10240x128xf32, #tpu.memory_space<hbm>>) dst(%arg11 : memref<80x128xf32, #tpu.memory_space<vmem>>)
          %dma_start3A_131 = arith.constant 0 : i32
          %dma_start3A_132 = tpu.memref_slice %arg8[%add3A_124, %dma_start3A_131] : memref<24x80xi32, #tpu.memory_space<vmem>> -> memref<1x80xi32, #tpu.memory_space<vmem>>
          %dma_start3A_133 = tpu.memref_squeeze %dma_start3A_132 : memref<1x80xi32, #tpu.memory_space<vmem>> -> memref<80xi32, #tpu.memory_space<vmem>>
          %dma_start3A_134 = arith.constant 0 : i32
          %dma_start3A_135 = arith.constant 0 : i32
          %dma_start3A_136 = tpu.memref_slice %arg21[%dma_start3A_134, %dma_start3A_135] : memref<10240x128xf32, #tpu.memory_space<vmem_shared>> -> memref<10240x128xf32, #tpu.memory_space<vmem_shared>>
          tpu.enqueue_indirect_dma source(%arg11 : memref<80x128xf32, #tpu.memory_space<vmem>>) target(%dma_start3A_136 : memref<10240x128xf32, #tpu.memory_space<vmem_shared>>) offsets(%dma_start3A_133 : memref<80xi32, #tpu.memory_space<vmem>>) semaphore(%arg19 : memref<!tpu.dma_semaphore, #tpu.memory_space<semaphore_mem>>) {add = true}
          %sub3A_137 = arith.constant 1 : i32
          %sub3A_138 = arith.subi %add3A_124, %sub3A_137 : i32
          %dma_wait3A_139 = arith.constant 0 : i32
          %dma_wait3A_140 = tpu.memref_slice %arg8[%sub3A_138, %dma_wait3A_139] : memref<24x80xi32, #tpu.memory_space<vmem>> -> memref<1x80xi32, #tpu.memory_space<vmem>>
          %dma_wait3A_141 = tpu.memref_squeeze %dma_wait3A_140 : memref<1x80xi32, #tpu.memory_space<vmem>> -> memref<80xi32, #tpu.memory_space<vmem>>
          %dma_wait3A_142 = arith.constant 0 : i32
          %dma_wait3A_143 = arith.constant 0 : i32
          %dma_wait3A_144 = tpu.memref_slice %arg21[%dma_wait3A_142, %dma_wait3A_143] : memref<10240x128xf32, #tpu.memory_space<vmem_shared>> -> memref<10240x128xf32, #tpu.memory_space<vmem_shared>>
          tpu.wait_indirect_dma semaphore(%arg18 : memref<!tpu.dma_semaphore, #tpu.memory_space<semaphore_mem>>) src(%arg10 : memref<80x128xf32, #tpu.memory_space<vmem>>) dst(%dma_wait3A_144 : memref<10240x128xf32, #tpu.memory_space<vmem_shared>>)
          %lt3A_145 = arith.constant 1 : i32
          %lt3A_146 = arith.cmpi slt, %scan3A_65, %lt3A_145 : i32
          %convert_element_type3A_147 = arith.extui %lt3A_146 : i1 to i32
          %cond3A_148 = arith.constant 0 : i32
          %cond3A_149 = arith.cmpi ne, %convert_element_type3A_147, %cond3A_148 : i32
          scf.if %cond3A_149 {
            %add3A_179 = arith.constant 3 : i32
            %add3A_180 = arith.addi %add3A_124, %add3A_179 : i32
            %mul3A_181 = arith.constant 80 : i32
            %mul3A_182 = arith.muli %add3A_180, %mul3A_181 : i32
            %dma_start3A_183 = tpu.memref_slice %arg7[%mul3A_182] : memref<1920xi32, #tpu.memory_space<vmem>> -> memref<80xi32, #tpu.memory_space<vmem>>
            %dma_start3A_184 = arith.constant 0 : i32
            %dma_start3A_185 = arith.constant 0 : i32
            %dma_start3A_186 = tpu.memref_slice %arg2[%dma_start3A_184, %dma_start3A_185] : memref<10240x128xf32, #tpu.memory_space<hbm>> -> memref<10240x128xf32, #tpu.memory_space<hbm>>
            tpu.enqueue_indirect_dma source(%dma_start3A_186 : memref<10240x128xf32, #tpu.memory_space<hbm>>) target(%arg10 : memref<80x128xf32, #tpu.memory_space<vmem>>) offsets(%dma_start3A_183 : memref<80xi32, #tpu.memory_space<vmem>>) semaphore(%arg14 : memref<!tpu.dma_semaphore, #tpu.memory_space<semaphore_mem>>)
          } else {
          }
          %mul3A_150 = arith.constant 4 : i32
          %mul3A_151 = arith.muli %mul3A_150, %scan3A_65 : i32
          %add3A_152 = arith.constant 3 : i32
          %add3A_153 = arith.addi %mul3A_151, %add3A_152 : i32
          %mul3A_154 = arith.constant 80 : i32
          %mul3A_155 = arith.muli %add3A_153, %mul3A_154 : i32
          %dma_wait3A_156 = tpu.memref_slice %arg7[%mul3A_155] : memref<1920xi32, #tpu.memory_space<vmem>> -> memref<80xi32, #tpu.memory_space<vmem>>
          %dma_wait3A_157 = arith.constant 0 : i32
          %dma_wait3A_158 = arith.constant 0 : i32
          %dma_wait3A_159 = tpu.memref_slice %arg2[%dma_wait3A_157, %dma_wait3A_158] : memref<10240x128xf32, #tpu.memory_space<hbm>> -> memref<10240x128xf32, #tpu.memory_space<hbm>>
          tpu.wait_indirect_dma semaphore(%arg16 : memref<!tpu.dma_semaphore, #tpu.memory_space<semaphore_mem>>) src(%dma_wait3A_159 : memref<10240x128xf32, #tpu.memory_space<hbm>>) dst(%arg12 : memref<80x128xf32, #tpu.memory_space<vmem>>)
          %dma_start3A_160 = arith.constant 0 : i32
          %dma_start3A_161 = tpu.memref_slice %arg8[%add3A_153, %dma_start3A_160] : memref<24x80xi32, #tpu.memory_space<vmem>> -> memref<1x80xi32, #tpu.memory_space<vmem>>
          %dma_start3A_162 = tpu.memref_squeeze %dma_start3A_161 : memref<1x80xi32, #tpu.memory_space<vmem>> -> memref<80xi32, #tpu.memory_space<vmem>>
          %dma_start3A_163 = arith.constant 0 : i32
          %dma_start3A_164 = arith.constant 0 : i32
          %dma_start3A_165 = tpu.memref_slice %arg21[%dma_start3A_163, %dma_start3A_164] : memref<10240x128xf32, #tpu.memory_space<vmem_shared>> -> memref<10240x128xf32, #tpu.memory_space<vmem_shared>>
          tpu.enqueue_indirect_dma source(%arg12 : memref<80x128xf32, #tpu.memory_space<vmem>>) target(%dma_start3A_165 : memref<10240x128xf32, #tpu.memory_space<vmem_shared>>) offsets(%dma_start3A_162 : memref<80xi32, #tpu.memory_space<vmem>>) semaphore(%arg20 : memref<!tpu.dma_semaphore, #tpu.memory_space<semaphore_mem>>) {add = true}
          %sub3A_166 = arith.constant 1 : i32
          %sub3A_167 = arith.subi %add3A_153, %sub3A_166 : i32
          %dma_wait3A_168 = arith.constant 0 : i32
          %dma_wait3A_169 = tpu.memref_slice %arg8[%sub3A_167, %dma_wait3A_168] : memref<24x80xi32, #tpu.memory_space<vmem>> -> memref<1x80xi32, #tpu.memory_space<vmem>>
          %dma_wait3A_170 = tpu.memref_squeeze %dma_wait3A_169 : memref<1x80xi32, #tpu.memory_space<vmem>> -> memref<80xi32, #tpu.memory_space<vmem>>
          %dma_wait3A_171 = arith.constant 0 : i32
          %dma_wait3A_172 = arith.constant 0 : i32
          %dma_wait3A_173 = tpu.memref_slice %arg21[%dma_wait3A_171, %dma_wait3A_172] : memref<10240x128xf32, #tpu.memory_space<vmem_shared>> -> memref<10240x128xf32, #tpu.memory_space<vmem_shared>>
          tpu.wait_indirect_dma semaphore(%arg19 : memref<!tpu.dma_semaphore, #tpu.memory_space<semaphore_mem>>) src(%arg11 : memref<80x128xf32, #tpu.memory_space<vmem>>) dst(%dma_wait3A_173 : memref<10240x128xf32, #tpu.memory_space<vmem_shared>>)
          %lt3A_174 = arith.constant 1 : i32
          %lt3A_175 = arith.cmpi slt, %scan3A_65, %lt3A_174 : i32
          %convert_element_type3A_176 = arith.extui %lt3A_175 : i1 to i32
          %cond3A_177 = arith.constant 0 : i32
          %cond3A_178 = arith.cmpi ne, %convert_element_type3A_176, %cond3A_177 : i32
          scf.if %cond3A_178 {
            %add3A_179 = arith.constant 3 : i32
            %add3A_180 = arith.addi %add3A_153, %add3A_179 : i32
            %mul3A_181 = arith.constant 80 : i32
            %mul3A_182 = arith.muli %add3A_180, %mul3A_181 : i32
            %dma_start3A_183 = tpu.memref_slice %arg7[%mul3A_182] : memref<1920xi32, #tpu.memory_space<vmem>> -> memref<80xi32, #tpu.memory_space<vmem>>
            %dma_start3A_184 = arith.constant 0 : i32
            %dma_start3A_185 = arith.constant 0 : i32
            %dma_start3A_186 = tpu.memref_slice %arg2[%dma_start3A_184, %dma_start3A_185] : memref<10240x128xf32, #tpu.memory_space<hbm>> -> memref<10240x128xf32, #tpu.memory_space<hbm>>
            tpu.enqueue_indirect_dma source(%dma_start3A_186 : memref<10240x128xf32, #tpu.memory_space<hbm>>) target(%arg11 : memref<80x128xf32, #tpu.memory_space<vmem>>) offsets(%dma_start3A_183 : memref<80xi32, #tpu.memory_space<vmem>>) semaphore(%arg15 : memref<!tpu.dma_semaphore, #tpu.memory_space<semaphore_mem>>)
          } else {
          }
        }
        %scan3A_58 = arith.constant 2 : i32
        %dma_wait3A = arith.constant 7 : i32
        %dma_wait3A_59 = arith.constant 0 : i32
        %dma_wait3A_60 = tpu.memref_slice %arg8[%dma_wait3A, %dma_wait3A_59] : memref<24x80xi32, #tpu.memory_space<vmem>> -> memref<1x80xi32, #tpu.memory_space<vmem>>
        %dma_wait3A_61 = tpu.memref_squeeze %dma_wait3A_60 : memref<1x80xi32, #tpu.memory_space<vmem>> -> memref<80xi32, #tpu.memory_space<vmem>>
        %dma_wait3A_62 = arith.constant 0 : i32
        %dma_wait3A_63 = arith.constant 0 : i32
        %dma_wait3A_64 = tpu.memref_slice %arg21[%dma_wait3A_62, %dma_wait3A_63] : memref<10240x128xf32, #tpu.memory_space<vmem_shared>> -> memref<10240x128xf32, #tpu.memory_space<vmem_shared>>
        tpu.wait_indirect_dma semaphore(%arg20 : memref<!tpu.dma_semaphore, #tpu.memory_space<semaphore_mem>>) src(%arg12 : memref<80x128xf32, #tpu.memory_space<vmem>>) dst(%dma_wait3A_64 : memref<10240x128xf32, #tpu.memory_space<vmem_shared>>)
      }
      %scan3A_31 = arith.constant 8 : i32
    } else {
    }
    %barrier3A_17 = arith.constant 0 : index
    tpu.barrier barrier_id(%barrier3A_17)
    %mul3A_18 = arith.constant 10240 : i32
    %mul3A_19 = arith.muli %arg0, %mul3A_18 : i32
    %mul3A_20 = arith.constant 640 : i32
    %mul3A_21 = arith.muli %arg1, %mul3A_20 : i32
    %add3A = arith.addi %mul3A_19, %mul3A_21 : i32
    %multiple_of3A_22 = tpu.assume_multiple %add3A, 640 : i32
    "tpu.region"() ({
      %run_scoped3A = tpu.sem_alloc : memref<!tpu.dma_semaphore, #tpu.memory_space<semaphore_mem>>
      %dma_start3A = arith.constant 0 : i32
      %dma_start3A_23 = tpu.memref_slice %arg6[%multiple_of3A_22, %dma_start3A] : memref<20480x128xf32, #tpu.memory_space<hbm>> -> memref<640x128xf32, #tpu.memory_space<hbm>>
      %dma_start3A_24 = arith.constant 0 : i32
      %dma_start3A_25 = tpu.memref_slice %arg21[%multiple_of3A, %dma_start3A_24] : memref<10240x128xf32, #tpu.memory_space<vmem_shared>> -> memref<640x128xf32, #tpu.memory_space<vmem_shared>>
      tpu.enqueue_dma source(%dma_start3A_25 : memref<640x128xf32, #tpu.memory_space<vmem_shared>>) target(%dma_start3A_23 : memref<640x128xf32, #tpu.memory_space<hbm>>) target_semaphore(%run_scoped3A : memref<!tpu.dma_semaphore, #tpu.memory_space<semaphore_mem>>)
      %dma_wait3A = arith.constant 0 : i32
      %dma_wait3A_26 = tpu.memref_slice %arg6[%multiple_of3A_22, %dma_wait3A] : memref<20480x128xf32, #tpu.memory_space<hbm>> -> memref<640x128xf32, #tpu.memory_space<hbm>>
      %dma_wait3A_27 = arith.constant 0 : i32
      %dma_wait3A_28 = tpu.memref_slice %arg21[%multiple_of3A, %dma_wait3A_27] : memref<10240x128xf32, #tpu.memory_space<vmem_shared>> -> memref<640x128xf32, #tpu.memory_space<vmem_shared>>
      tpu.wait_dma2 semaphore(%run_scoped3A : memref<!tpu.dma_semaphore, #tpu.memory_space<semaphore_mem>>) src(%dma_wait3A_28 : memref<640x128xf32, #tpu.memory_space<vmem_shared>>) dst(%dma_wait3A_26 : memref<640x128xf32, #tpu.memory_space<hbm>>)
      tpu.yield
    }) : () -> ()
    return
  }
}

module attributes {stable_mosaic.version = 14 : i64} {
  func.func @_tc_mlp_body(%arg0: i32, %arg1: memref<2x1024x128xf32, #tpu.memory_space<vmem>>, %arg2: memref<128x128xf32, #tpu.memory_space<vmem>>, %arg3: memref<1x128xf32, #tpu.memory_space<vmem>>, %arg4: memref<128x128xf32, #tpu.memory_space<vmem>>, %arg5: memref<1x128xf32, #tpu.memory_space<vmem>>, %arg6: memref<1x1x1024xi32, #tpu.memory_space<vmem>>, %arg7: memref<1024x128xf32, #tpu.memory_space<vmem>>, %arg8: memref<64x128xf32, #tpu.memory_space<vmem>>) attributes {dimension_semantics = [#tpu.dimension_semantics<arbitrary>], iteration_bounds = array<i64: 10>, scalar_prefetch = 0 : i64, scratch_operands = 0 : i64, tpu.core_type = #tpu.core_type<tc>, window_params = [{transform_indices = @transform_0, window_bounds = array<i64: 2, 1024, 128>}, {pipeline_mode = #tpu.pipeline_mode<synchronous>, transform_indices = @transform_1, window_bounds = array<i64: 128, 128>}, {pipeline_mode = #tpu.pipeline_mode<synchronous>, transform_indices = @transform_2, window_bounds = array<i64: 1, 128>}, {pipeline_mode = #tpu.pipeline_mode<synchronous>, transform_indices = @transform_3, window_bounds = array<i64: 128, 128>}, {pipeline_mode = #tpu.pipeline_mode<synchronous>, transform_indices = @transform_4, window_bounds = array<i64: 1, 128>}, {transform_indices = @transform_5, window_bounds = array<i64: 1, 1, 1024>}, {transform_indices = @transform_6, window_bounds = array<i64: 1024, 128>}, {pipeline_mode = #tpu.pipeline_mode<synchronous>, transform_indices = @transform_7, window_bounds = array<i64: 64, 128>}]} {
    %get3A = arith.constant 0 : index
    %get3A_0 = arith.constant 0 : index
    %get3A_1 = arith.constant 0 : index
    %get3A_2 = vector.load %arg1[%get3A, %get3A_0, %get3A_1] : memref<2x1024x128xf32, #tpu.memory_space<vmem>>, vector<1x1024x128xf32>
    %get3A_3 = vector.shape_cast %get3A_2 : vector<1x1024x128xf32> to vector<1024x128xf32>
    %get3A_4 = arith.constant 1 : index
    %get3A_5 = arith.constant 0 : index
    %get3A_6 = arith.constant 0 : index
    %get3A_7 = vector.load %arg1[%get3A_4, %get3A_5, %get3A_6] : memref<2x1024x128xf32, #tpu.memory_space<vmem>>, vector<1x1024x128xf32>
    %get3A_8 = vector.shape_cast %get3A_7 : vector<1x1024x128xf32> to vector<1024x128xf32>
    %add3A = arith.addf %get3A_3, %get3A_8 : vector<1024x128xf32>
    %get3A_9 = arith.constant 0 : index
    %get3A_10 = arith.constant 0 : index
    %get3A_11 = vector.load %arg2[%get3A_9, %get3A_10] : memref<128x128xf32, #tpu.memory_space<vmem>>, vector<128x128xf32>
    %dot_general3A = arith.constant dense<0.000000e+00> : vector<1024x128xf32>
    %dot_general3A_12 = tpu.matmul %add3A, %get3A_11, %dot_general3A {dimension_numbers = #tpu.dot_dimension_numbers<[1], [0], [0], [1], [0, 0, 1, 1], [], []>, transpose_lhs_hint = false} : vector<1024x128xf32>, vector<128x128xf32>, vector<1024x128xf32> -> vector<1024x128xf32>
    %get3A_13 = arith.constant 0 : index
    %get3A_14 = arith.constant 0 : index
    %get3A_15 = vector.load %arg3[%get3A_13, %get3A_14] : memref<1x128xf32, #tpu.memory_space<vmem>>, vector<1x128xf32>
    %add3A_16 = vector.broadcast %get3A_15 : vector<1x128xf32> to vector<1024x128xf32>
    %add3A_17 = arith.addf %dot_general3A_12, %add3A_16 : vector<1024x128xf32>
    %max3A = arith.constant 0.000000e+00 : f32
    %max3A_18 = vector.broadcast %max3A : f32 to vector<1024x128xf32>
    %max3A_19 = arith.maximumf %add3A_17, %max3A_18 : vector<1024x128xf32>
    %get3A_20 = arith.constant 0 : index
    %get3A_21 = arith.constant 0 : index
    %get3A_22 = vector.load %arg4[%get3A_20, %get3A_21] : memref<128x128xf32, #tpu.memory_space<vmem>>, vector<128x128xf32>
    %dot_general3A_23 = arith.constant dense<0.000000e+00> : vector<1024x128xf32>
    %dot_general3A_24 = tpu.matmul %max3A_19, %get3A_22, %dot_general3A_23 {dimension_numbers = #tpu.dot_dimension_numbers<[1], [0], [0], [1], [0, 0, 1, 1], [], []>, transpose_lhs_hint = false} : vector<1024x128xf32>, vector<128x128xf32>, vector<1024x128xf32> -> vector<1024x128xf32>
    %get3A_25 = arith.constant 0 : index
    %get3A_26 = arith.constant 0 : index
    %get3A_27 = vector.load %arg5[%get3A_25, %get3A_26] : memref<1x128xf32, #tpu.memory_space<vmem>>, vector<1x128xf32>
    %add3A_28 = vector.broadcast %get3A_27 : vector<1x128xf32> to vector<1024x128xf32>
    %add3A_29 = arith.addf %dot_general3A_24, %add3A_28 : vector<1024x128xf32>
    %max3A_30 = arith.constant 0.000000e+00 : f32
    %max3A_31 = vector.broadcast %max3A_30 : f32 to vector<1024x128xf32>
    %max3A_32 = arith.maximumf %add3A_29, %max3A_31 : vector<1024x128xf32>
    %iota3A = tpu.iota {dimensions = array<i32: 0>} : vector<1024x1xi32>
    %mul3A = arith.constant 1024 : i32
    %mul3A_33 = arith.muli %arg0, %mul3A : i32
    %add3A_34 = vector.broadcast %mul3A_33 : i32 to vector<1024x1xi32>
    %add3A_35 = arith.addi %iota3A, %add3A_34 : vector<1024x1xi32>
    %lt3A = arith.constant 10000 : i32
    %lt3A_36 = vector.broadcast %lt3A : i32 to vector<1024x1xi32>
    %lt3A_37 = arith.cmpi slt, %add3A_35, %lt3A_36 : vector<1024x1xi32>
    %jit3A = arith.constant 0.000000e+00 : f32
    %broadcast_in_dim3A = vector.shape_cast %lt3A_37 : vector<1024x1xi1> to vector<1024x1xi1>
    %broadcast_in_dim3A_38 = vector.broadcast %broadcast_in_dim3A : vector<1024x1xi1> to vector<1024x128xi1>
    %broadcast_in_dim3A_39 = vector.broadcast %jit3A : f32 to vector<1024x128xf32>
    %select_n3A = arith.select %broadcast_in_dim3A_38, %max3A_32, %broadcast_in_dim3A_39 : vector<1024x128xi1>, vector<1024x128xf32>
    %swap3A = arith.constant 0 : index
    %swap3A_40 = arith.constant 0 : index
    %swap3A_41 = vector.load %arg7[%swap3A, %swap3A_40] : memref<1024x128xf32, #tpu.memory_space<vmem>>, vector<1024x128xf32>
    tpu.vector_store %arg7[%swap3A, %swap3A_40], %select_n3A {strides = array<i32>} : memref<1024x128xf32, #tpu.memory_space<vmem>>, vector<1024x128xf32>,
    %get3A_42 = arith.constant 0 : index
    %get3A_43 = arith.constant 0 : index
    %get3A_44 = arith.constant 0 : index
    %get3A_45 = vector.load %arg6[%get3A_42, %get3A_43, %get3A_44] : memref<1x1x1024xi32, #tpu.memory_space<vmem>>, vector<1x1x1024xi32>
    %get3A_46 = vector.shape_cast %get3A_45 : vector<1x1x1024xi32> to vector<1x1024xi32>
    %iota3A_47 = tpu.iota {dimensions = array<i32: 0>} : vector<64x1024xi32>
    %eq3A = vector.broadcast %get3A_46 : vector<1x1024xi32> to vector<64x1024xi32>
    %eq3A_48 = arith.cmpi eq, %eq3A, %iota3A_47 : vector<64x1024xi32>
    %convert_element_type3A = arith.extui %eq3A_48 : vector<64x1024xi1> to vector<64x1024xi32>
    %convert_element_type3A_49 = arith.sitofp %convert_element_type3A : vector<64x1024xi32> to vector<64x1024xf32>
    %dot_general3A_50 = arith.constant dense<0.000000e+00> : vector<64x128xf32>
    %dot_general3A_51 = tpu.matmul %convert_element_type3A_49, %select_n3A, %dot_general3A_50 {dimension_numbers = #tpu.dot_dimension_numbers<[1], [0], [0], [1], [0, 0, 1, 1], [], []>, transpose_lhs_hint = false} : vector<64x1024xf32>, vector<1024x128xf32>, vector<64x128xf32> -> vector<64x128xf32>
    %eq3A_52 = arith.constant 0 : i32
    %eq3A_53 = arith.cmpi eq, %arg0, %eq3A_52 : i32
    %convert_element_type3A_54 = arith.extui %eq3A_53 : i1 to i32
    %cond3A = arith.constant 0 : i32
    %cond3A_55 = arith.cmpi ne, %convert_element_type3A_54, %cond3A : i32
    scf.if %cond3A_55 {
      %swap3A_60 = arith.constant 0 : index
      %swap3A_61 = arith.constant 0 : index
      %swap3A_62 = vector.load %arg8[%swap3A_60, %swap3A_61] : memref<64x128xf32, #tpu.memory_space<vmem>>, vector<64x128xf32>
      tpu.vector_store %arg8[%swap3A_60, %swap3A_61], %dot_general3A_51 {strides = array<i32>} : memref<64x128xf32, #tpu.memory_space<vmem>>, vector<64x128xf32>,
    } else {
    }
    %ne3A = arith.constant 0 : i32
    %ne3A_56 = arith.cmpi ne, %arg0, %ne3A : i32
    %convert_element_type3A_57 = arith.extui %ne3A_56 : i1 to i32
    %cond3A_58 = arith.constant 0 : i32
    %cond3A_59 = arith.cmpi ne, %convert_element_type3A_57, %cond3A_58 : i32
    scf.if %cond3A_59 {
      %get3A_60 = arith.constant 0 : index
      %get3A_61 = arith.constant 0 : index
      %get3A_62 = vector.load %arg8[%get3A_60, %get3A_61] : memref<64x128xf32, #tpu.memory_space<vmem>>, vector<64x128xf32>
      %add3A_63 = arith.addf %get3A_62, %dot_general3A_51 : vector<64x128xf32>
      %swap3A_64 = arith.constant 0 : index
      %swap3A_65 = arith.constant 0 : index
      %swap3A_66 = vector.load %arg8[%swap3A_64, %swap3A_65] : memref<64x128xf32, #tpu.memory_space<vmem>>, vector<64x128xf32>
      tpu.vector_store %arg8[%swap3A_64, %swap3A_65], %add3A_63 {strides = array<i32>} : memref<64x128xf32, #tpu.memory_space<vmem>>, vector<64x128xf32>,
    } else {
    }
    return
  }
  func.func @transform_0(%arg0: i32) -> (i32, i32, i32) {
    %c0_i32 = arith.constant 0 : i32
    %c0_i32_0 = arith.constant 0 : i32
    %c0_i32_1 = arith.constant 0 : i32
    return %c0_i32, %arg0, %c0_i32_0 : i32, i32, i32
  }
  func.func @transform_1(%arg0: i32) -> (i32, i32) {
    %c0_i32 = arith.constant 0 : i32
    %c0_i32_0 = arith.constant 0 : i32
    %c0_i32_1 = arith.constant 0 : i32
    return %c0_i32, %c0_i32_0 : i32, i32
  }
  func.func @transform_2(%arg0: i32) -> (i32, i32) {
    %c0_i32 = arith.constant 0 : i32
    %c0_i32_0 = arith.constant 0 : i32
    %c0_i32_1 = arith.constant 0 : i32
    return %c0_i32, %c0_i32_0 : i32, i32
  }
  func.func @transform_3(%arg0: i32) -> (i32, i32) {
    %c0_i32 = arith.constant 0 : i32
    %c0_i32_0 = arith.constant 0 : i32
    %c0_i32_1 = arith.constant 0 : i32
    return %c0_i32, %c0_i32_0 : i32, i32
  }
  func.func @transform_4(%arg0: i32) -> (i32, i32) {
    %c0_i32 = arith.constant 0 : i32
    %c0_i32_0 = arith.constant 0 : i32
    %c0_i32_1 = arith.constant 0 : i32
    return %c0_i32, %c0_i32_0 : i32, i32
  }
  func.func @transform_5(%arg0: i32) -> (i32, i32, i32) {
    %c0_i32 = arith.constant 0 : i32
    %c0_i32_0 = arith.constant 0 : i32
    %c0_i32_1 = arith.constant 0 : i32
    return %arg0, %c0_i32, %c0_i32_0 : i32, i32, i32
  }
  func.func @transform_6(%arg0: i32) -> (i32, i32) {
    %c0_i32 = arith.constant 0 : i32
    %c0_i32_0 = arith.constant 0 : i32
    return %arg0, %c0_i32 : i32, i32
  }
  func.func @transform_7(%arg0: i32) -> (i32, i32) {
    %c0_i32 = arith.constant 0 : i32
    %c0_i32_0 = arith.constant 0 : i32
    %c0_i32_1 = arith.constant 0 : i32
    return %c0_i32, %c0_i32_0 : i32, i32
  }
}

module attributes {stable_mosaic.version = 14 : i64} {
  func.func @_tc_mlp_body(%arg0: i32, %arg1: memref<2x1024x128xf32, #tpu.memory_space<vmem>>, %arg2: memref<128x128xf32, #tpu.memory_space<vmem>>, %arg3: memref<1x128xf32, #tpu.memory_space<vmem>>, %arg4: memref<128x128xf32, #tpu.memory_space<vmem>>, %arg5: memref<1x128xf32, #tpu.memory_space<vmem>>, %arg6: memref<1x1x1024xi32, #tpu.memory_space<vmem>>, %arg7: memref<1024x128xf32, #tpu.memory_space<vmem>>, %arg8: memref<64x128xf32, #tpu.memory_space<vmem>>) attributes {dimension_semantics = [#tpu.dimension_semantics<arbitrary>], iteration_bounds = array<i64: 10>, scalar_prefetch = 0 : i64, scratch_operands = 0 : i64, tpu.core_type = #tpu.core_type<tc>, window_params = [{transform_indices = @transform_0, window_bounds = array<i64: 2, 1024, 128>}, {pipeline_mode = #tpu.pipeline_mode<synchronous>, transform_indices = @transform_1, window_bounds = array<i64: 128, 128>}, {pipeline_mode = #tpu.pipeline_mode<synchronous>, transform_indices = @transform_2, window_bounds = array<i64: 1, 128>}, {pipeline_mode = #tpu.pipeline_mode<synchronous>, transform_indices = @transform_3, window_bounds = array<i64: 128, 128>}, {pipeline_mode = #tpu.pipeline_mode<synchronous>, transform_indices = @transform_4, window_bounds = array<i64: 1, 128>}, {transform_indices = @transform_5, window_bounds = array<i64: 1, 1, 1024>}, {transform_indices = @transform_6, window_bounds = array<i64: 1024, 128>}, {pipeline_mode = #tpu.pipeline_mode<synchronous>, transform_indices = @transform_7, window_bounds = array<i64: 64, 128>}]} {
    %get3A = arith.constant 0 : index
    %get3A_0 = arith.constant 0 : index
    %get3A_1 = arith.constant 0 : index
    %get3A_2 = vector.load %arg1[%get3A, %get3A_0, %get3A_1] : memref<2x1024x128xf32, #tpu.memory_space<vmem>>, vector<1x1024x128xf32>
    %get3A_3 = vector.shape_cast %get3A_2 : vector<1x1024x128xf32> to vector<1024x128xf32>
    %get3A_4 = arith.constant 1 : index
    %get3A_5 = arith.constant 0 : index
    %get3A_6 = arith.constant 0 : index
    %get3A_7 = vector.load %arg1[%get3A_4, %get3A_5, %get3A_6] : memref<2x1024x128xf32, #tpu.memory_space<vmem>>, vector<1x1024x128xf32>
    %get3A_8 = vector.shape_cast %get3A_7 : vector<1x1024x128xf32> to vector<1024x128xf32>
    %add3A = arith.addf %get3A_3, %get3A_8 : vector<1024x128xf32>
    %get3A_9 = arith.constant 0 : index
    %get3A_10 = arith.constant 0 : index
    %get3A_11 = vector.load %arg2[%get3A_9, %get3A_10] : memref<128x128xf32, #tpu.memory_space<vmem>>, vector<128x128xf32>
    %dot_general3A = arith.constant dense<0.000000e+00> : vector<1024x128xf32>
    %dot_general3A_12 = tpu.matmul %add3A, %get3A_11, %dot_general3A {dimension_numbers = #tpu.dot_dimension_numbers<[1], [0], [0], [1], [0, 0, 1, 1], [], []>, transpose_lhs_hint = false} : vector<1024x128xf32>, vector<128x128xf32>, vector<1024x128xf32> -> vector<1024x128xf32>
    %get3A_13 = arith.constant 0 : index
    %get3A_14 = arith.constant 0 : index
    %get3A_15 = vector.load %arg3[%get3A_13, %get3A_14] : memref<1x128xf32, #tpu.memory_space<vmem>>, vector<1x128xf32>
    %add3A_16 = vector.broadcast %get3A_15 : vector<1x128xf32> to vector<1024x128xf32>
    %add3A_17 = arith.addf %dot_general3A_12, %add3A_16 : vector<1024x128xf32>
    %max3A = arith.constant 0.000000e+00 : f32
    %max3A_18 = vector.broadcast %max3A : f32 to vector<1024x128xf32>
    %max3A_19 = arith.maximumf %add3A_17, %max3A_18 : vector<1024x128xf32>
    %get3A_20 = arith.constant 0 : index
    %get3A_21 = arith.constant 0 : index
    %get3A_22 = vector.load %arg4[%get3A_20, %get3A_21] : memref<128x128xf32, #tpu.memory_space<vmem>>, vector<128x128xf32>
    %dot_general3A_23 = arith.constant dense<0.000000e+00> : vector<1024x128xf32>
    %dot_general3A_24 = tpu.matmul %max3A_19, %get3A_22, %dot_general3A_23 {dimension_numbers = #tpu.dot_dimension_numbers<[1], [0], [0], [1], [0, 0, 1, 1], [], []>, transpose_lhs_hint = false} : vector<1024x128xf32>, vector<128x128xf32>, vector<1024x128xf32> -> vector<1024x128xf32>
    %get3A_25 = arith.constant 0 : index
    %get3A_26 = arith.constant 0 : index
    %get3A_27 = vector.load %arg5[%get3A_25, %get3A_26] : memref<1x128xf32, #tpu.memory_space<vmem>>, vector<1x128xf32>
    %add3A_28 = vector.broadcast %get3A_27 : vector<1x128xf32> to vector<1024x128xf32>
    %add3A_29 = arith.addf %dot_general3A_24, %add3A_28 : vector<1024x128xf32>
    %max3A_30 = arith.constant 0.000000e+00 : f32
    %max3A_31 = vector.broadcast %max3A_30 : f32 to vector<1024x128xf32>
    %max3A_32 = arith.maximumf %add3A_29, %max3A_31 : vector<1024x128xf32>
    %iota3A = tpu.iota {dimensions = array<i32: 0>} : vector<1024x1xi32>
    %mul3A = arith.constant 1024 : i32
    %mul3A_33 = arith.muli %arg0, %mul3A : i32
    %add3A_34 = vector.broadcast %mul3A_33 : i32 to vector<1024x1xi32>
    %add3A_35 = arith.addi %iota3A, %add3A_34 : vector<1024x1xi32>
    %lt3A = arith.constant 10000 : i32
    %lt3A_36 = vector.broadcast %lt3A : i32 to vector<1024x1xi32>
    %lt3A_37 = arith.cmpi slt, %add3A_35, %lt3A_36 : vector<1024x1xi32>
    %jit3A = arith.constant 0.000000e+00 : f32
    %broadcast_in_dim3A = vector.shape_cast %lt3A_37 : vector<1024x1xi1> to vector<1024x1xi1>
    %broadcast_in_dim3A_38 = vector.broadcast %broadcast_in_dim3A : vector<1024x1xi1> to vector<1024x128xi1>
    %broadcast_in_dim3A_39 = vector.broadcast %jit3A : f32 to vector<1024x128xf32>
    %select_n3A = arith.select %broadcast_in_dim3A_38, %max3A_32, %broadcast_in_dim3A_39 : vector<1024x128xi1>, vector<1024x128xf32>
    %swap3A = arith.constant 0 : index
    %swap3A_40 = arith.constant 0 : index
    %swap3A_41 = vector.load %arg7[%swap3A, %swap3A_40] : memref<1024x128xf32, #tpu.memory_space<vmem>>, vector<1024x128xf32>
    tpu.vector_store %arg7[%swap3A, %swap3A_40], %select_n3A {strides = array<i32>} : memref<1024x128xf32, #tpu.memory_space<vmem>>, vector<1024x128xf32>,
    %get3A_42 = arith.constant 0 : index
    %get3A_43 = arith.constant 0 : index
    %get3A_44 = arith.constant 0 : index
    %get3A_45 = vector.load %arg6[%get3A_42, %get3A_43, %get3A_44] : memref<1x1x1024xi32, #tpu.memory_space<vmem>>, vector<1x1x1024xi32>
    %get3A_46 = vector.shape_cast %get3A_45 : vector<1x1x1024xi32> to vector<1x1024xi32>
    %iota3A_47 = tpu.iota {dimensions = array<i32: 0>} : vector<64x1024xi32>
    %eq3A = vector.broadcast %get3A_46 : vector<1x1024xi32> to vector<64x1024xi32>
    %eq3A_48 = arith.cmpi eq, %eq3A, %iota3A_47 : vector<64x1024xi32>
    %convert_element_type3A = arith.extui %eq3A_48 : vector<64x1024xi1> to vector<64x1024xi32>
    %convert_element_type3A_49 = arith.sitofp %convert_element_type3A : vector<64x1024xi32> to vector<64x1024xf32>
    %dot_general3A_50 = arith.constant dense<0.000000e+00> : vector<64x128xf32>
    %dot_general3A_51 = tpu.matmul %convert_element_type3A_49, %select_n3A, %dot_general3A_50 {dimension_numbers = #tpu.dot_dimension_numbers<[1], [0], [0], [1], [0, 0, 1, 1], [], []>, transpose_lhs_hint = false} : vector<64x1024xf32>, vector<1024x128xf32>, vector<64x128xf32> -> vector<64x128xf32>
    %eq3A_52 = arith.constant 0 : i32
    %eq3A_53 = arith.cmpi eq, %arg0, %eq3A_52 : i32
    %convert_element_type3A_54 = arith.extui %eq3A_53 : i1 to i32
    %cond3A = arith.constant 0 : i32
    %cond3A_55 = arith.cmpi ne, %convert_element_type3A_54, %cond3A : i32
    scf.if %cond3A_55 {
      %swap3A_60 = arith.constant 0 : index
      %swap3A_61 = arith.constant 0 : index
      %swap3A_62 = vector.load %arg8[%swap3A_60, %swap3A_61] : memref<64x128xf32, #tpu.memory_space<vmem>>, vector<64x128xf32>
      tpu.vector_store %arg8[%swap3A_60, %swap3A_61], %dot_general3A_51 {strides = array<i32>} : memref<64x128xf32, #tpu.memory_space<vmem>>, vector<64x128xf32>,
    } else {
    }
    %ne3A = arith.constant 0 : i32
    %ne3A_56 = arith.cmpi ne, %arg0, %ne3A : i32
    %convert_element_type3A_57 = arith.extui %ne3A_56 : i1 to i32
    %cond3A_58 = arith.constant 0 : i32
    %cond3A_59 = arith.cmpi ne, %convert_element_type3A_57, %cond3A_58 : i32
    scf.if %cond3A_59 {
      %get3A_60 = arith.constant 0 : index
      %get3A_61 = arith.constant 0 : index
      %get3A_62 = vector.load %arg8[%get3A_60, %get3A_61] : memref<64x128xf32, #tpu.memory_space<vmem>>, vector<64x128xf32>
      %add3A_63 = arith.addf %get3A_62, %dot_general3A_51 : vector<64x128xf32>
      %swap3A_64 = arith.constant 0 : index
      %swap3A_65 = arith.constant 0 : index
      %swap3A_66 = vector.load %arg8[%swap3A_64, %swap3A_65] : memref<64x128xf32, #tpu.memory_space<vmem>>, vector<64x128xf32>
      tpu.vector_store %arg8[%swap3A_64, %swap3A_65], %add3A_63 {strides = array<i32>} : memref<64x128xf32, #tpu.memory_space<vmem>>, vector<64x128xf32>,
    } else {
    }
    return
  }
  func.func @transform_0(%arg0: i32) -> (i32, i32, i32) {
    %c0_i32 = arith.constant 0 : i32
    %c0_i32_0 = arith.constant 0 : i32
    %c0_i32_1 = arith.constant 0 : i32
    return %c0_i32, %arg0, %c0_i32_0 : i32, i32, i32
  }
  func.func @transform_1(%arg0: i32) -> (i32, i32) {
    %c0_i32 = arith.constant 0 : i32
    %c0_i32_0 = arith.constant 0 : i32
    %c0_i32_1 = arith.constant 0 : i32
    return %c0_i32, %c0_i32_0 : i32, i32
  }
  func.func @transform_2(%arg0: i32) -> (i32, i32) {
    %c0_i32 = arith.constant 0 : i32
    %c0_i32_0 = arith.constant 0 : i32
    %c0_i32_1 = arith.constant 0 : i32
    return %c0_i32, %c0_i32_0 : i32, i32
  }
  func.func @transform_3(%arg0: i32) -> (i32, i32) {
    %c0_i32 = arith.constant 0 : i32
    %c0_i32_0 = arith.constant 0 : i32
    %c0_i32_1 = arith.constant 0 : i32
    return %c0_i32, %c0_i32_0 : i32, i32
  }
  func.func @transform_4(%arg0: i32) -> (i32, i32) {
    %c0_i32 = arith.constant 0 : i32
    %c0_i32_0 = arith.constant 0 : i32
    %c0_i32_1 = arith.constant 0 : i32
    return %c0_i32, %c0_i32_0 : i32, i32
  }
  func.func @transform_5(%arg0: i32) -> (i32, i32, i32) {
    %c0_i32 = arith.constant 0 : i32
    %c0_i32_0 = arith.constant 0 : i32
    %c0_i32_1 = arith.constant 0 : i32
    return %arg0, %c0_i32, %c0_i32_0 : i32, i32, i32
  }
  func.func @transform_6(%arg0: i32) -> (i32, i32) {
    %c0_i32 = arith.constant 0 : i32
    %c0_i32_0 = arith.constant 0 : i32
    return %arg0, %c0_i32 : i32, i32
  }
  func.func @transform_7(%arg0: i32) -> (i32, i32) {
    %c0_i32 = arith.constant 0 : i32
    %c0_i32_0 = arith.constant 0 : i32
    %c0_i32_1 = arith.constant 0 : i32
    return %c0_i32, %c0_i32_0 : i32, i32
  }
}

module attributes {stable_mosaic.version = 14 : i64} {
  func.func @_tc_head_body(%arg0: memref<64x384xf32, #tpu.memory_space<vmem>>, %arg1: memref<384x128xf32, #tpu.memory_space<vmem>>, %arg2: memref<1x128xf32, #tpu.memory_space<vmem>>, %arg3: memref<128x128xf32, #tpu.memory_space<vmem>>, %arg4: memref<1x128xf32, #tpu.memory_space<vmem>>, %arg5: memref<64x128xf32, #tpu.memory_space<vmem>>) attributes {dimension_semantics = [], scalar_prefetch = 0 : i64, scratch_operands = 0 : i64, tpu.core_type = #tpu.core_type<tc>} {
    %get3A = arith.constant 0 : index
    %get3A_0 = arith.constant 0 : index
    %get3A_1 = vector.load %arg0[%get3A, %get3A_0] : memref<64x384xf32, #tpu.memory_space<vmem>>, vector<64x384xf32>
    %get3A_2 = arith.constant 0 : index
    %get3A_3 = arith.constant 0 : index
    %get3A_4 = vector.load %arg1[%get3A_2, %get3A_3] : memref<384x128xf32, #tpu.memory_space<vmem>>, vector<384x128xf32>
    %dot_general3A = arith.constant dense<0.000000e+00> : vector<64x128xf32>
    %dot_general3A_5 = tpu.matmul %get3A_1, %get3A_4, %dot_general3A {dimension_numbers = #tpu.dot_dimension_numbers<[1], [0], [0], [1], [0, 0, 1, 1], [], []>, transpose_lhs_hint = false} : vector<64x384xf32>, vector<384x128xf32>, vector<64x128xf32> -> vector<64x128xf32>
    %get3A_6 = arith.constant 0 : index
    %get3A_7 = arith.constant 0 : index
    %get3A_8 = vector.load %arg2[%get3A_6, %get3A_7] : memref<1x128xf32, #tpu.memory_space<vmem>>, vector<1x128xf32>
    %add3A = vector.broadcast %get3A_8 : vector<1x128xf32> to vector<64x128xf32>
    %add3A_9 = arith.addf %dot_general3A_5, %add3A : vector<64x128xf32>
    %max3A = arith.constant 0.000000e+00 : f32
    %max3A_10 = vector.broadcast %max3A : f32 to vector<64x128xf32>
    %max3A_11 = arith.maximumf %add3A_9, %max3A_10 : vector<64x128xf32>
    %get3A_12 = arith.constant 0 : index
    %get3A_13 = arith.constant 0 : index
    %get3A_14 = vector.load %arg3[%get3A_12, %get3A_13] : memref<128x128xf32, #tpu.memory_space<vmem>>, vector<128x128xf32>
    %dot_general3A_15 = arith.constant dense<0.000000e+00> : vector<64x128xf32>
    %dot_general3A_16 = tpu.matmul %max3A_11, %get3A_14, %dot_general3A_15 {dimension_numbers = #tpu.dot_dimension_numbers<[1], [0], [0], [1], [0, 0, 1, 1], [], []>, transpose_lhs_hint = false} : vector<64x128xf32>, vector<128x128xf32>, vector<64x128xf32> -> vector<64x128xf32>
    %get3A_17 = arith.constant 0 : index
    %get3A_18 = arith.constant 0 : index
    %get3A_19 = vector.load %arg4[%get3A_17, %get3A_18] : memref<1x128xf32, #tpu.memory_space<vmem>>, vector<1x128xf32>
    %add3A_20 = vector.broadcast %get3A_19 : vector<1x128xf32> to vector<64x128xf32>
    %add3A_21 = arith.addf %dot_general3A_16, %add3A_20 : vector<64x128xf32>
    %swap3A = arith.constant 0 : index
    %swap3A_22 = arith.constant 0 : index
    %swap3A_23 = vector.load %arg5[%swap3A, %swap3A_22] : memref<64x128xf32, #tpu.memory_space<vmem>>, vector<64x128xf32>
    tpu.vector_store %arg5[%swap3A, %swap3A_22], %add3A_21 {strides = array<i32>} : memref<64x128xf32, #tpu.memory_space<vmem>>, vector<64x128xf32>,
    return
  }
}

</mosaic_0001>

<sc_bundles>
// kernel: kernel.12.cloned.1.call-start
scs
__scs_entry_jumppad:
0x0: {  	(pc) =	sbr.rel $0x88, $3  }
0x1: {  	(tag) =	ssettag $0x0;
	lr =	simm.s32 $0x1  }
0x2: {  	[smem:$0x3F82] =	sst lr;
	_ =	strace $0xD0000000  }
0x3: {  	_ = 	snop  }
0x4: {  	_ = 	snop  }
0x5: {  	_ = 	snop  }
0x6: {  	_ = 	snop  }
0x7: {  	_ = 	snop  }
__scs_overlays_trampoline_lowered:
0x8: {  	[smem:$0x3F91] =	sst s0  }
0x9: {  	[smem:$0x3F92] =	sst s1  }
0xa: {  	[smem:$0x3F93] =	sst s2  }
0xb: {  	[smem:$0x3F94] =	sst s3  }
0xc: {  	[smem:$0x3F95] =	sst s4  }
0xd: {  	[smem:$0x3F96] =	sst s5  }
0xe: {  	[smem:$0x3F97] =	sst s6  }
0xf: {  	[smem:$0x3F98] =	sst s7  }
0x10: {  	[smem:$0x3F99] =	sst s8  }
0x11: {  	[smem:$0x3F9A] =	sst s9;
	s0 =	simm.s32 @!p0 $0x0  }
0x12: {  	s1 =	sld [smem:$0x3F80];
	s0 =	simm.s32 @p0 $0x1  }
0x13: {  	[smem:$0x3F9B] =	sst s0;
	s0 =	simm.s32 @!p1 $0x0  }
0x14: {  	s2 =	sld [smem:$0x3F7F];
	s0 =	simm.s32 @p1 $0x1  }
0x15: {  	[smem:$0x3F9C] =	sst s0;
	s0 =	simm.s32 @!p2 $0x0  }
0x16: {  	s3 =	sld [smem:$0x3FDB];
	s0 =	simm.s32 @p2 $0x1  }
0x17: {  	s4 =	simm.s32 $0x1BF5;
	[smem:$0x3F9E] =	sst s0  }
0x18: {  	s0 =	sld [smem:$0x3F81];
	_ =	swait.ge [sflag:s4], $0x0  }
0x19: {  	s7 =	sld [smem:$0x3F82]  }
0x1a: {  	s8 =	sadd.s32 $0xFFFFE003, lr  }
0x1b: {  	s9 =	sadd.s32 $0xFFFFFEF7, lr;
	s5 =	simm.s32 $0xFFFFFFFF;
	p2 =	slt.u32 s8, $0xFFFFF086  }
0x1c: {  	p1 =	slt.u32 s9, $0xF7A;
	s5 =	simm.s32 @!p2 $0x0  }
0x1d: {  	s5 =	simm.s32 @p1 $0x1;
	p0 =	seq.s32 s7, s2  }
0x1e: {  	s7 =	smul.u32 @!p0 $0xF7A, s2;
	p2 =	seq.s32 @!p0 s5, $0x0  }
0x1f: {  	s9 =	smul.u32 $0xF7A, s1;
	s8 =	simm.s32 @!p0 $0x1BF5;
	p2 =	por !p2, p0  }
0x20: {  	[sflag:s8] =	ssyncset.s32 @!p0 $0xFFFFF086;
	s6 =	sadd.s32 @!p0 s3, s7;
	s7 =	simm.s32 @!p0 $0x108  }
0x21: {  	s3 =	sadd.s32 s3, s9;
	s6 =	sadd.s32 @!p0 $0x88, s6;
	s7 =	simm.s32 @p2 $0x1082  }
0x22: {  	[simem:s7], [sflag:s8] =	dma.local @!p0 [hbm:s6], $0xF7A  }
0x23: {  	s9 =	sor.u32 $0xD0000000, s2;
	s6 =	simm.s32 $0x108;
	_ =	swait.ge @!p0 [sflag:s8], $0x0  }
0x24: {  	s3 =	sadd.s32 $0x88, s3;
	s6 =	simm.s32 @!p1 $0x1082;
	[sflag:s4] =	ssyncset.s32 $0xFFFFF086  }
0x25: {  	[simem:s6], [sflag:s4] =	dma.local [hbm:s3], $0xF7A  }
0x26: {  	[smem:$0x3F82] =	sst s1;
	(tag) =	ssettag s2;
	_ =	strace s9  }
0x27: {  	s1 =	sld [smem:$0x3F92]  }
0x28: {  	s2 =	sld [smem:$0x3F93]  }
0x29: {  	s4 =	sld [smem:$0x3F95]  }
0x2a: {  	p0 =	seq.s32 s5, $0x0;
	s5 =	sld [smem:$0x3F96]  }
0x2b: {  	s6 =	sld [smem:$0x3F97]  }
0x2c: {  	s7 =	sld [smem:$0x3F98]  }
0x2d: {  	s3 =	simm.s32 $0x108;
	s8 =	sld [smem:$0x3F99]  }
0x2e: {  	s3 =	simm.s32 @!p0 $0x1082;
	s9 =	sld [smem:$0x3F9A]  }
0x2f: {  	lr =	sadd.s32 s0, s3;
	s0 =	sld [smem:$0x3F91]  }
0x30: {  	s3 =	sld [smem:$0x3F94]  }
0x31: {  	[smem:$0x3F9D] =	sst s10  }
0x32: {  	s10 =	sld [smem:$0x3F9B];
	_ =	sdelay $0x3  }
0x33: {  	p0 =	seq.s32 s10, $0x1;
	s10 =	sld [smem:$0x3F9D];
	_ =	sdelay $0x3  }
0x34: {  	[smem:$0x3F9D] =	sst s10  }
0x35: {  	s10 =	sld [smem:$0x3F9C];
	_ =	sdelay $0x3  }
0x36: {  	p1 =	seq.s32 s10, $0x1;
	s10 =	sld [smem:$0x3F9D];
	_ =	sdelay $0x3  }
0x37: {  	[smem:$0x3F9D] =	sst s10  }
0x38: {  	s10 =	sld [smem:$0x3F9E]  }
0x39: {  	_ = 	snop;
	(pc) =	sbr.ind lr, $3  }
0x3a: {  	_ = 	snop  }
0x3b: {  	_ = 	snop  }
0x3c: {  	p2 =	seq.s32 s10, $0x1;
	s10 =	sld [smem:$0x3F9D]  }
0x3d: {  	_ =	shalt  }
0x3e: {  	_ =	shalt  }
0x3f: {  	_ =	shalt  }
0x40: {  	_ =	shalt  }
0x41: {  	_ =	shalt  }
0x42: {  	_ =	shalt  }
0x43: {  	_ =	shalt  }
0x44: {  	_ =	shalt  }
0x45: {  	_ =	shalt  }
0x46: {  	_ =	shalt  }
0x47: {  	_ =	shalt  }
0x48: {  	_ =	shalt  }
0x49: {  	_ =	shalt  }
0x4a: {  	_ =	shalt  }
0x4b: {  	_ =	shalt  }
0x4c: {  	_ =	shalt  }
0x4d: {  	_ =	shalt  }
0x4e: {  	_ =	shalt  }
0x4f: {  	_ =	shalt  }
0x50: {  	_ =	shalt  }
0x51: {  	_ =	shalt  }
0x52: {  	_ =	shalt  }
0x53: {  	_ =	shalt  }
0x54: {  	_ =	shalt  }
0x55: {  	_ =	shalt  }
0x56: {  	_ =	shalt  }
0x57: {  	_ =	shalt  }
0x58: {  	_ =	shalt  }
0x59: {  	_ =	shalt  }
0x5a: {  	_ =	shalt  }
0x5b: {  	_ =	shalt  }
0x5c: {  	_ =	shalt  }
0x5d: {  	_ =	shalt  }
0x5e: {  	_ =	shalt  }
0x5f: {  	_ =	shalt  }
0x60: {  	_ =	shalt  }
0x61: {  	_ =	shalt  }
0x62: {  	_ =	shalt  }
0x63: {  	_ =	shalt  }
0x64: {  	_ =	shalt  }
0x65: {  	_ =	shalt  }
0x66: {  	_ =	shalt  }
0x67: {  	_ =	shalt  }
0x68: {  	_ =	shalt  }
0x69: {  	_ =	shalt  }
0x6a: {  	_ =	shalt  }
0x6b: {  	_ =	shalt  }
0x6c: {  	_ =	shalt  }
0x6d: {  	_ =	shalt  }
0x6e: {  	_ =	shalt  }
0x6f: {  	_ =	shalt  }
0x70: {  	_ =	shalt  }
0x71: {  	_ =	shalt  }
0x72: {  	_ =	shalt  }
0x73: {  	_ =	shalt  }
0x74: {  	_ =	shalt  }
0x75: {  	_ =	shalt  }
0x76: {  	_ =	shalt  }
0x77: {  	_ =	shalt  }
0x78: {  	_ =	shalt  }
0x79: {  	_ =	shalt  }
0x7a: {  	_ =	shalt  }
0x7b: {  	_ =	shalt  }
0x7c: {  	_ =	shalt  }
0x7d: {  	_ =	shalt  }
0x7e: {  	_ =	shalt  }
0x7f: {  	_ =	shalt  }
0x80: {  	_ =	shalt  }
0x81: {  	_ =	shalt  }
0x82: {  	_ =	shalt  }
0x83: {  	_ =	shalt  }
0x84: {  	_ =	shalt  }
0x85: {  	_ =	shalt  }
0x86: {  	_ =	shalt  }
0x87: {  	_ =	shalt  }
.Lfunc_end0:
.L_simem_size_0:
called_computation.1_lowered:
.L_overlay_start_0:
0x88: {  	s2 =	sld [smem:$0x3FD9]  }
0x89: {  	s3 =	sld [smem:$0x3FFE];
	_ =	sdelay $0x1  }
0x8a: {  	s1 =	srdreg.scid  }
0x8b: {  	s0 =	sand.u32 $0x1, s1  }
0x8c: {  	s16 =	sshll.u32 s0, $0xA;
	s2 =	sadd.s32 s3, s2  }
0x8d: {  	s2 =	sadd.s32 s2, s16  }
0x8e: {  	[smem:$0x3FA9] =	sst s2  }
0x8f: {  	_ = 	snop  }
0x90: {  	(tm) =	ssettm $0x1  }
0x91: {  	s17 =	sld [smem:$0x3FFB];
	_ =	sdelay $0x3  }
0x92: {  	_ =	strace s17  }
0x93: {  	s2 =	sld [smem:$0x3FFC];
	_ =	sdelay $0x3  }
0x94: {  	_ =	strace s2  }
0x95: {  	s2 =	sld [smem:$0x3FFD];
	_ =	sdelay $0x3  }
0x96: {  	_ =	strace s2  }
0x97: {  	_ =	strace $0x8FFFFFFF  }
0x98: {  	s18 =	sld [smem:$0x3FDB];
	_ =	sdelay $0x1  }
0x99: {  	s19 =	simm.s32 $_scs_section_size  }
0x9a: {  	s4 =	simm.s32 $_size__tile_overlayer_lowered;
	s5 =	simm.s32 $_tile_overlayer_lowered  }
0x9b: {  	s22 =	simm.s32 $0x1BFF;
	s21 =	sshll.u32 s5, $0x1;
	s2 =	sadd.s32 s19, s18  }
0x9c: {  	s6 =	simm.s32 $0x0;
	s20 =	sshll.u32 s4, $0x1;
	s4 =	sadd.s32 s21, s2  }
0x9d: {  	[timem:s6], [sflag:s22] =	dma.local [hbm:s4], s20  }
0x9e: {  	_ =	swait.ge [sflag:s22], s20  }
0x9f: {  	s3 =	ssub.s32 $0x0, s20;
	[sflag:s22] =	ssyncset.done $0x0  }
0xa0: {  	[sflag:s22] =	ssyncadd.s32 s3;
	_ =	sdelay $0x1  }
0xa1: {  	s23 =	simm.s32 $0x1B8B  }
0xa2: {  	_ =	swait.ge [sflag:s23], $0x1  }
0xa3: {  	[sflag:s23] =	ssyncset.done $0x0  }
0xa4: {  	s25 =	simm.s32 $0x1B8E;
	s24 =	sld [smem:$0x3FFE];
	[sflag:s23] =	ssyncadd.s32 $0xFFFFFFFF  }
0xa5: {  	s26 =	simm.s32 $execute0_lowered;
	[smem:$0x3FD2] =	sst s25  }
0xa6: {  	s4 =	sshll.u32 s26, $0x1;
	_ =	strace $0x80000049;
	[dreg:$0x1] =	wrdreg $0xFFFFFFFF  }
0xa7: {  	s28 =	simm.s32 $_size_execute0_lowered;
	s2 =	sadd.s32 s2, s4;
	[dreg:$0x0] =	wrdreg $0x0  }
0xa8: {  	s4 =	sshll.u32 s28, $0x1;
	[dreg:$0x2] =	wrdreg s2  }
0xa9: {  	[dreg:$0x3] =	wrdreg s4  }
0xaa: {  	[dreg:$0x4] =	wrdreg $0xC0  }
0xab: {  	_ =	task [dreg:s6], $0x5FFFF  }
0xac: {  	[dreg:$0x1] =	wrdreg $0xFFFFFFFF  }
0xad: {  	[dreg:$0x0] =	wrdreg $0x60  }
0xae: {  	[dreg:$0x2] =	wrdreg s24  }
0xaf: {  	[dreg:$0x3] =	wrdreg $0xB3800  }
0xb0: {  	[dreg:$0x4] =	wrdreg $0x9  }
0xb1: {  	_ =	task.clear_ibuf [dreg:s6], $0x5FFFF;
	_ =	strace $0x90000049  }
0xb2: {  	s29 =	simm.s32 $0x9;
	_ =	strace $0x8000004B  }
0xb3: {  	_ =	swait.ge [sflag:s29], $0x1  }
0xb4: {  	[sflag:s29] =	ssyncadd.s32 $0xFFFFFFFF  }
0xb5: {  	_ =	strace $0x9000004B  }
0xb6: {  	_ =	sfence  }
0xb7: {  	s30 =	sld [smem:$0x0];
	_ =	sdelay $0x2  }
0xb8: {  	s31 =	sshll.u32 s1, $0xD;
	s1 =	sshrl.u32 s1, $0x2  }
0xb9: {  	s3 =	sand.u32 $0x4000, s31;
	s1 =	sadd.s32 s1, s30  }
0xba: {  	s0 =	sor.u32 s3, s0;
	s1 =	sshll.u32 s1, $0x11  }
0xbb: {  	s0 =	sor.u32 s1, s0  }
0xbc: {  	s0 =	sadd.s32 $0x8F2B, s0  }
0xbd: {  	[sflag:s0] =	ssyncadd.remote.s32 $0x1  }
0xbe: {  	_ =	sfence.sel $0xFFFF  }
0xbf: {  	[dreg:$0x0] =	wrdreg $0xFFFFFFFF;
	(pc) =	sbr.abs _section_cstart, $3  }
0xc0: {  	[dreg:$0x1] =	wrdreg $0xFFFFFFFF  }
0xc1: {  	_ =	task.clear_ibuf [dreg:s6], $0x2FFFF;
	_ =	strace $0x9FFFFFFF  }
0xc2: {  	(tm) =	ssettm $0x7FFFFFFF  }
0xc3: {  	_ =	shalt  }
tec
execute0_lowered:
.L_overlay_start_1:
0x0: {  	(tag) =	ssettag $0x1  }
0x1: {  	s0 =	rddreg [dreg:$0x0]  }
0x2: {  	s2 =	rddreg [dreg:$0x1];
	s3 =	simm.s32 $0x0  }
0x3: {  	s12 =	stileid.u32;
	s7 =	srdreg.scid;
	s14 =	simm.s32 $0x280  }
0x4: {  	s15 =	simm.s32 $0x2D0;
	s16 =	simm.s32 $0x320;
	[smem:$0x7FF] =	sst s3  }
0x5: {  	s17 =	simm.s32 $0xB80;
	_ =	strace $0x8000004A;
	[dreg:$0x5] =	wrdreg s14  }
0x6: {  	s19 =	simm.s32 $0x370;
	s21 =	simm.s32 $0xC00;
	[dreg:$0x6] =	wrdreg s15  }
0x7: {  	s22 =	simm.s32 $0x3C0;
	s23 =	simm.s32 $0xC80;
	[dreg:$0x7] =	wrdreg s16  }
0x8: {  	s25 =	simm.s32 $0x410;
	s26 =	simm.s32 $0xD00;
	[dreg:$0x8] =	wrdreg s17  }
0x9: {  	s28 =	simm.s32 $0x3;
	s30 =	simm.s32 $0x6;
	[dreg:$0x9] =	wrdreg s19  }
0xa: {  	s31 =	simm.s32 $0x980;
	s29 =	simm.s32 $0x0;
	[dreg:$0xa] =	wrdreg s21  }
0xb: {  	s1 =	smul.u32 $0xA00, s12;
	s4 =	sadd.s32 $0x20200, s0;
	[dreg:$0xb] =	wrdreg s22  }
0xc: {  	s5 =	sshll.u32 s12, $0xC;
	s6 =	smul.u32 $0x2800, s12;
	[dreg:$0xc] =	wrdreg s23  }
0xd: {  	s7 =	sand.u32 $0x1, s7;
	s8 =	smul.u32 $0x280, s12;
	[dreg:$0xd] =	wrdreg s25  }
0xe: {  	s11 =	smul.u32 $0x50000, s12;
	[dreg:$0xe] =	wrdreg s26;
	s15 =	simm.s32 $0xE00  }
0xf: {  	s5 =	sadd.s32 s5, s0;
	s17 =	simm.s32 $0x500;
	[dreg:$0x12] =	wrdreg s15  }
0x10: {  	s10 =	smul.u32 $0x2800, s7;
	s19 =	simm.s32 $0xE80;
	[dreg:$0x13] =	wrdreg s17  }
0x11: {  	s18 =	ssub.s32 $0x2, s7;
	s22 =	simm.s32 $0xF00;
	[dreg:$0x14] =	wrdreg s19  }
0x12: {  	p0 =	seq.s32 s7, $0x0;
	s23 =	simm.s32 $0x5A0;
	[dreg:$0x16] =	wrdreg s22  }
0x13: {  	s21 =	sshll.u32 s12, $0x6;
	s25 =	simm.s32 $0xF80;
	[dreg:$0x17] =	wrdreg s23  }
0x14: {  	s26 =	simm.s32 $0x5F0;
	s7 =	simm.s32 $0x690;
	[dreg:$0x18] =	wrdreg s25  }
0x15: {  	s12 =	simm.s32 $0x1200;
	s1 =	sadd.s32 s1, s0;
	[dreg:$0x19] =	wrdreg s26  }
0x16: {  	s13 =	sadd.s32 s6, s0;
	s20 =	sshrl.u32 s18, $0x1;
	[dreg:$0x1d] =	wrdreg s7  }
0x17: {  	s24 =	sshrl.u32 s11, $0x2;
	s6 =	sadd.s32 s4, s6;
	[smem:$0x7F9] =	sst s12  }
0x18: {  	s11 =	simm.s32 $0xD80;
	s16 =	sadd.s32 $0x6200, s5;
	[smem:$0x7F2] =	sst s6  }
0x19: {  	s21 =	sor.u32 $0x1C09, s21;
	s15 =	simm.s32 $0x50;
	[dreg:$0x10] =	wrdreg s11  }
0x1a: {  	s17 =	simm.s32 $0x3B80;
	s25 =	simm.s32 $0x1300;
	[smem:$0x7F5] =	sst s16  }
0x1b: {  	s26 =	simm.s32 $0xA0;
	s19 =	simm.s32 $0x6380;
	[smem:$0x7FB] =	sst s25  }
0x1c: {  	s22 =	simm.s32 $0x8B80;
	s9 =	sadd.s32 $0x16200, s1;
	[smem:$0x7FC] =	sst s21  }
0x1d: {  	s23 =	simm.s32 $0x2;
	s1 =	sadd.s32 $0x16980, s1;
	[dreg:$0x4] =	wrdreg s9  }
0x1e: {  	s7 =	simm.s32 $0x140;
	s6 =	simm.s32 $0x1080;
	[dreg:$0x3] =	wrdreg s1  }
0x1f: {  	s12 =	simm.s32 $0x1E0;
	s11 =	simm.s32 $0x730;
	[dreg:$0x1c] =	wrdreg s6  }
0x20: {  	s8 =	sadd.s32 s8, s10;
	s9 =	sadd.s32 $0x48200, s13;
	[smem:$0x7F8] =	sst s11  }
0x21: {  	s10 =	sadd.s32 s24, s2;
	s13 =	simm.s32 $0x4B0;
	[smem:$0x7F1] =	sst s9  }
0x22: {  	s16 =	simm.s32 $0x1380;
	s1 =	simm.s32 $0x1000;
	[dreg:$0x11] =	wrdreg s13  }
0x23: {  	s24 =	sshrl.u32 s10, $0x3;
	s10 =	simm.s32 $0x1180;
	[dreg:$0x1a] =	wrdreg s1  }
0x24: {  	s25 =	simm.s32 $0x5;
	s8 =	sshll.u32 s8, $0x4;
	[smem:$0x7F7] =	sst s10  }
0x25: {  	s0 =	sadd.s32 s8, s0;
	s9 =	simm.s32 $0x460;
	[smem:$0x7FD] =	sst s24  }
0x26: {  	s8 =	ssub.s32 s18, s20;
	s18 =	sadd.s32 $0x6E00, s5;
	[dreg:$0xf] =	wrdreg s9  }
0x27: {  	s6 =	simm.s32 $0x800;
	s20 =	simm.s32 $0x550;
	[smem:$0x7F6] =	sst s18  }
0x28: {  	s11 =	simm.s32 $0x900;
	s5 =	simm.s32 $0x640;
	[dreg:$0x15] =	wrdreg s20  }
0x29: {  	s13 =	simm.s32 $0x9;
	s0 =	sadd.s32 $0x70200, s0;
	[dreg:$0x1b] =	wrdreg s5  }
0x2a: {  	s1 =	simm.s32 $0xF0;
	s14 =	smax.u32 s8, $0x1;
	[smem:$0x7F3] =	sst s0  }
.Ltmp0:
0x2b: {  	s8 =	simm.s32 $0x1100;
	[smem:$0x7F4] =	sst s14;
	(pc) =	sbr.rel .LBB2_1-.Ltmp0, $4  }
0x2c: {  	s10 =	simm.s32 $0x190;
	s9 =	simm.s32 $0x6E0;
	[dreg:$0x1e] =	wrdreg s8  }
0x2d: {  	s20 =	simm.s32 $0x1;
	s18 =	simm.s32 $0x1280;
	[dreg:$0x1f] =	wrdreg s9  }
0x2e: {  	s5 =	simm.s32 $0x7;
	s14 =	simm.s32 $0x780;
	[smem:$0x7FA] =	sst s18  }
0x2f: {  	s9 =	simm.s32 $0x880;
	s0 =	simm.s32 $0x4;
	s8 =	simm.s32 $0x8  }
.LBB2_7:
0x30: {  	s21 =	sadd.s32 s21, s26;
	[sflag:s8] =	ssyncadd.s32 $0xFFFFD800  }
0x31: {  	[tilespmem:s3], [sflag:$0x9] =	stream.linear.gather [hbm4b:s21+s3], $0x780, $0x38;
	[tilespmem:$0x1F380] =	vst v63  }
0x32: {  	_ =	swait.ge [sflag:s13], $0x780  }
0x33: {  	[sflag:s13] =	ssyncset.done $0x0  }
0x34: {  	s18 =	sadd.s32 $0x180, s18;
	[sflag:s13] =	ssyncadd.s32 $0xFFFFF880  }
0x35: {  	[tilespmem:s14], [sflag:$0x9] =	stream.linear.gather [hbm4b:s18+s3], $0xC00, $0x38;
	[tilespmem:$0x1F380] =	vst v63  }
0x36: {  	_ =	swait.ge [sflag:s13], $0xC00  }
0x37: {  	[sflag:s13] =	ssyncset.done $0x0  }
0x38: {  	[sflag:s13] =	ssyncadd.s32 $0xFFFFF400  }
0x39: {  	[tilespmem:s16], [sflag:$0x1] =	stream.indirect.gather [hbm4b:s4+s15], $0x80, s3, s15, $0xb8;
	[tilespmem:$0x1F380] =	vst v63  }
0x3a: {  	_ = 	snop  }
0x3b: {  	[tilespmem:s17], [sflag:$0x2] =	stream.indirect.gather [hbm4b:s4+s15], $0x80, s15, s15, $0xb8;
	[tilespmem:$0x1F380] =	vst v63  }
0x3c: {  	_ = 	snop  }
0x3d: {  	[tilespmem:s19], [sflag:$0x3] =	stream.indirect.gather [hbm4b:s4+s15], $0x80, s31, s15, $0xb8;
	[tilespmem:$0x1F380] =	vst v63  }
0x3e: {  	_ =	swait.ge [sflag:s20], $0x2800  }
0x3f: {  	[sflag:s20] =	ssyncset.done $0x0  }
0x40: {  	[sflag:s20] =	ssyncadd.s32 $0xFFFFD800  }
0x41: {  	[spmem:s2] =	stream.indirect.scatter.add.f32 [tilespmem:s16], [sflag:$0x5], $0x80, s14, s15, $0xb8;
	[tilespmem:$0x1F380] =	vst v63  }
0x42: {  	_ = 	snop  }
0x43: {  	[tilespmem:s22], [sflag:$0x4] =	stream.indirect.gather [hbm4b:s4+s15], $0x80, s1, s15, $0xb8;
	[tilespmem:$0x1F380] =	vst v63  }
0x44: {  	_ =	swait.ge [sflag:s23], $0x2800  }
0x45: {  	[sflag:s23] =	ssyncset.done $0x0  }
0x46: {  	[sflag:s23] =	ssyncadd.s32 $0xFFFFD800  }
0x47: {  	[spmem:s2] =	stream.indirect.scatter.add.f32 [tilespmem:s17], [sflag:$0x6], $0x80, s6, s15, $0xb8;
	[tilespmem:$0x1F380] =	vst v63  }
0x48: {  	_ =	swait.ge [sflag:s25], $0x2800  }
0x49: {  	[sflag:s25] =	ssyncset.done $0x0  }
0x4a: {  	[sflag:s25] =	ssyncadd.s32 $0xFFFFD800  }
0x4b: {  	[tilespmem:s16], [sflag:$0x1] =	stream.indirect.gather [hbm4b:s4+s15], $0x80, s7, s15, $0xb8;
	[tilespmem:$0x1F380] =	vst v63  }
0x4c: {  	_ =	swait.ge [sflag:s28], $0x2800  }
0x4d: {  	[sflag:s28] =	ssyncset.done $0x0  }
0x4e: {  	[sflag:s28] =	ssyncadd.s32 $0xFFFFD800  }
0x4f: {  	[spmem:s2] =	stream.indirect.scatter.add.f32 [tilespmem:s19], [sflag:$0x7], $0x80, s9, s15, $0xb8;
	[tilespmem:$0x1F380] =	vst v63  }
0x50: {  	_ =	swait.ge [sflag:s30], $0x2800  }
0x51: {  	[sflag:s30] =	ssyncset.done $0x0  }
0x52: {  	[sflag:s30] =	ssyncadd.s32 $0xFFFFD800  }
0x53: {  	[tilespmem:s17], [sflag:$0x2] =	stream.indirect.gather [hbm4b:s4+s15], $0x80, s10, s15, $0xb8;
	[tilespmem:$0x1F380] =	vst v63  }
0x54: {  	_ =	swait.ge [sflag:s0], $0x2800  }
0x55: {  	[sflag:s0] =	ssyncset.done $0x0  }
0x56: {  	[sflag:s0] =	ssyncadd.s32 $0xFFFFD800  }
0x57: {  	[spmem:s2] =	stream.indirect.scatter.add.f32 [tilespmem:s22], [sflag:$0x8], $0x80, s11, s15, $0xb8;
	[tilespmem:$0x1F380] =	vst v63  }
0x58: {  	_ =	swait.ge [sflag:s5], $0x2800  }
0x59: {  	[sflag:s5] =	ssyncset.done $0x0  }
0x5a: {  	[sflag:s5] =	ssyncadd.s32 $0xFFFFD800  }
0x5b: {  	[tilespmem:s19], [sflag:$0x3] =	stream.indirect.gather [hbm4b:s4+s15], $0x80, s12, s15, $0xb8;
	[tilespmem:$0x1F380] =	vst v63  }
0x5c: {  	_ =	swait.ge [sflag:s20], $0x2800  }
0x5d: {  	[sflag:s20] =	ssyncset.done $0x0  }
0x5e: {  	s9 =	simm.s32 $0x980;
	[sflag:s20] =	ssyncadd.s32 $0xFFFFD800  }
0x5f: {  	[spmem:s2] =	stream.indirect.scatter.add.f32 [tilespmem:s16], [sflag:$0x5], $0x80, s9, s15, $0xb8;
	[tilespmem:$0x1F380] =	vst v63  }
0x60: {  	_ =	swait.ge [sflag:s8], $0x2800  }
0x61: {  	[sflag:s8] =	ssyncset.done $0x0  }
0x62: {  	s10 =	simm.s32 $0x230;
	[sflag:s8] =	ssyncadd.s32 $0xFFFFD800  }
0x63: {  	[tilespmem:s22], [sflag:$0x4] =	stream.indirect.gather [hbm4b:s4+s15], $0x80, s10, s15, $0xb8;
	[tilespmem:$0x1F380] =	vst v63  }
0x64: {  	_ =	swait.ge [sflag:s23], $0x2800  }
0x65: {  	[sflag:s23] =	ssyncset.done $0x0  }
0x66: {  	s11 =	simm.s32 $0xA00;
	[sflag:s23] =	ssyncadd.s32 $0xFFFFD800  }
0x67: {  	[spmem:s2] =	stream.indirect.scatter.add.f32 [tilespmem:s17], [sflag:$0x6], $0x80, s11, s15, $0xb8;
	[tilespmem:$0x1F380] =	vst v63  }
0x68: {  	_ =	swait.ge [sflag:s25], $0x2800  }
0x69: {  	[sflag:s25] =	ssyncset.done $0x0  }
0x6a: {  	s12 =	rddreg [dreg:$0x5];
	[sflag:s25] =	ssyncadd.s32 $0xFFFFD800  }
0x6b: {  	[tilespmem:s16], [sflag:$0x1] =	stream.indirect.gather [hbm4b:s4+s15], $0x80, s12, s15, $0xb8;
	[tilespmem:$0x1F380] =	vst v63  }
0x6c: {  	_ =	swait.ge [sflag:s28], $0x2800  }
0x6d: {  	[sflag:s28] =	ssyncset.done $0x0  }
0x6e: {  	s21 =	simm.s32 $0xA80;
	[sflag:s28] =	ssyncadd.s32 $0xFFFFD800  }
0x6f: {  	[spmem:s2] =	stream.indirect.scatter.add.f32 [tilespmem:s19], [sflag:$0x7], $0x80, s21, s15, $0xb8;
	[tilespmem:$0x1F380] =	vst v63  }
0x70: {  	_ =	swait.ge [sflag:s30], $0x2800  }
0x71: {  	[sflag:s30] =	ssyncset.done $0x0  }
0x72: {  	s24 =	rddreg [dreg:$0x6];
	[sflag:s30] =	ssyncadd.s32 $0xFFFFD800  }
0x73: {  	[tilespmem:s17], [sflag:$0x2] =	stream.indirect.gather [hbm4b:s4+s15], $0x80, s24, s15, $0xb8;
	[tilespmem:$0x1F380] =	vst v63  }
0x74: {  	_ =	swait.ge [sflag:s0], $0x2800  }
0x75: {  	[sflag:s0] =	ssyncset.done $0x0  }
0x76: {  	s26 =	simm.s32 $0xB00;
	[sflag:s0] =	ssyncadd.s32 $0xFFFFD800  }
0x77: {  	[spmem:s2] =	stream.indirect.scatter.add.f32 [tilespmem:s22], [sflag:$0x8], $0x80, s26, s15, $0xb8;
	[tilespmem:$0x1F380] =	vst v63  }
0x78: {  	_ =	swait.ge [sflag:s5], $0x2800  }
0x79: {  	[sflag:s5] =	ssyncset.done $0x0  }
0x7a: {  	s1 =	rddreg [dreg:$0x7];
	[sflag:s5] =	ssyncadd.s32 $0xFFFFD800  }
0x7b: {  	[tilespmem:s19], [sflag:$0x3] =	stream.indirect.gather [hbm4b:s4+s15], $0x80, s1, s15, $0xb8;
	[tilespmem:$0x1F380] =	vst v63  }
0x7c: {  	_ =	swait.ge [sflag:s20], $0x2800  }
0x7d: {  	[sflag:s20] =	ssyncset.done $0x0  }
0x7e: {  	s6 =	rddreg [dreg:$0x8];
	[sflag:s20] =	ssyncadd.s32 $0xFFFFD800  }
0x7f: {  	[spmem:s2] =	stream.indirect.scatter.add.f32 [tilespmem:s16], [sflag:$0x5], $0x80, s6, s15, $0xb8;
	[tilespmem:$0x1F380] =	vst v63  }
0x80: {  	_ =	swait.ge [sflag:s8], $0x2800  }
0x81: {  	[sflag:s8] =	ssyncset.done $0x0  }
0x82: {  	s7 =	rddreg [dreg:$0x9];
	[sflag:s8] =	ssyncadd.s32 $0xFFFFD800  }
0x83: {  	[tilespmem:s22], [sflag:$0x4] =	stream.indirect.gather [hbm4b:s4+s15], $0x80, s7, s15, $0xb8;
	[tilespmem:$0x1F380] =	vst v63  }
0x84: {  	_ =	swait.ge [sflag:s23], $0x2800  }
0x85: {  	[sflag:s23] =	ssyncset.done $0x0  }
0x86: {  	s9 =	rddreg [dreg:$0xa];
	[sflag:s23] =	ssyncadd.s32 $0xFFFFD800  }
0x87: {  	[spmem:s2] =	stream.indirect.scatter.add.f32 [tilespmem:s17], [sflag:$0x6], $0x80, s9, s15, $0xb8;
	[tilespmem:$0x1F380] =	vst v63  }
0x88: {  	_ =	swait.ge [sflag:s25], $0x2800  }
0x89: {  	[sflag:s25] =	ssyncset.done $0x0  }
0x8a: {  	s10 =	rddreg [dreg:$0xb];
	[sflag:s25] =	ssyncadd.s32 $0xFFFFD800  }
0x8b: {  	[tilespmem:s16], [sflag:$0x1] =	stream.indirect.gather [hbm4b:s4+s15], $0x80, s10, s15, $0xb8;
	[tilespmem:$0x1F380] =	vst v63  }
0x8c: {  	_ =	swait.ge [sflag:s28], $0x2800  }
0x8d: {  	[sflag:s28] =	ssyncset.done $0x0  }
0x8e: {  	s11 =	rddreg [dreg:$0xc];
	[sflag:s28] =	ssyncadd.s32 $0xFFFFD800  }
0x8f: {  	[spmem:s2] =	stream.indirect.scatter.add.f32 [tilespmem:s19], [sflag:$0x7], $0x80, s11, s15, $0xb8;
	[tilespmem:$0x1F380] =	vst v63  }
0x90: {  	_ =	swait.ge [sflag:s30], $0x2800  }
0x91: {  	[sflag:s30] =	ssyncset.done $0x0  }
0x92: {  	s12 =	rddreg [dreg:$0xd];
	[sflag:s30] =	ssyncadd.s32 $0xFFFFD800  }
0x93: {  	[tilespmem:s17], [sflag:$0x2] =	stream.indirect.gather [hbm4b:s4+s15], $0x80, s12, s15, $0xb8;
	[tilespmem:$0x1F380] =	vst v63  }
0x94: {  	_ =	swait.ge [sflag:s0], $0x2800  }
0x95: {  	[sflag:s0] =	ssyncset.done $0x0  }
0x96: {  	s21 =	rddreg [dreg:$0xe];
	[sflag:s0] =	ssyncadd.s32 $0xFFFFD800  }
0x97: {  	[spmem:s2] =	stream.indirect.scatter.add.f32 [tilespmem:s22], [sflag:$0x8], $0x80, s21, s15, $0xb8;
	[tilespmem:$0x1F380] =	vst v63  }
0x98: {  	_ =	swait.ge [sflag:s5], $0x2800  }
0x99: {  	[sflag:s5] =	ssyncset.done $0x0  }
0x9a: {  	s24 =	rddreg [dreg:$0xf];
	[sflag:s5] =	ssyncadd.s32 $0xFFFFD800  }
0x9b: {  	[tilespmem:s19], [sflag:$0x3] =	stream.indirect.gather [hbm4b:s4+s15], $0x80, s24, s15, $0xb8;
	[tilespmem:$0x1F380] =	vst v63  }
0x9c: {  	_ =	swait.ge [sflag:s20], $0x2800  }
0x9d: {  	[sflag:s20] =	ssyncset.done $0x0  }
0x9e: {  	s26 =	rddreg [dreg:$0x10];
	[sflag:s20] =	ssyncadd.s32 $0xFFFFD800  }
0x9f: {  	[spmem:s2] =	stream.indirect.scatter.add.f32 [tilespmem:s16], [sflag:$0x5], $0x80, s26, s15, $0xb8;
	[tilespmem:$0x1F380] =	vst v63  }
0xa0: {  	_ =	swait.ge [sflag:s8], $0x2800  }
0xa1: {  	[sflag:s8] =	ssyncset.done $0x0  }
0xa2: {  	s1 =	rddreg [dreg:$0x11];
	[sflag:s8] =	ssyncadd.s32 $0xFFFFD800  }
0xa3: {  	[tilespmem:s22], [sflag:$0x4] =	stream.indirect.gather [hbm4b:s4+s15], $0x80, s1, s15, $0xb8;
	[tilespmem:$0x1F380] =	vst v63  }
0xa4: {  	_ =	swait.ge [sflag:s23], $0x2800  }
0xa5: {  	[sflag:s23] =	ssyncset.done $0x0  }
0xa6: {  	s6 =	rddreg [dreg:$0x12];
	[sflag:s23] =	ssyncadd.s32 $0xFFFFD800  }
0xa7: {  	[spmem:s2] =	stream.indirect.scatter.add.f32 [tilespmem:s17], [sflag:$0x6], $0x80, s6, s15, $0xb8;
	[tilespmem:$0x1F380] =	vst v63  }
0xa8: {  	_ =	swait.ge [sflag:s25], $0x2800  }
0xa9: {  	[sflag:s25] =	ssyncset.done $0x0  }
0xaa: {  	s7 =	rddreg [dreg:$0x13];
	[sflag:s25] =	ssyncadd.s32 $0xFFFFD800  }
0xab: {  	[tilespmem:s16], [sflag:$0x1] =	stream.indirect.gather [hbm4b:s4+s15], $0x80, s7, s15, $0xb8;
	[tilespmem:$0x1F380] =	vst v63  }
0xac: {  	_ =	swait.ge [sflag:s28], $0x2800  }
0xad: {  	[sflag:s28] =	ssyncset.done $0x0  }
0xae: {  	s9 =	rddreg [dreg:$0x14];
	[sflag:s28] =	ssyncadd.s32 $0xFFFFD800  }
0xaf: {  	[spmem:s2] =	stream.indirect.scatter.add.f32 [tilespmem:s19], [sflag:$0x7], $0x80, s9, s15, $0xb8;
	[tilespmem:$0x1F380] =	vst v63  }
0xb0: {  	_ =	swait.ge [sflag:s30], $0x2800  }
0xb1: {  	[sflag:s30] =	ssyncset.done $0x0  }
0xb2: {  	s10 =	rddreg [dreg:$0x15];
	[sflag:s30] =	ssyncadd.s32 $0xFFFFD800  }
0xb3: {  	[tilespmem:s17], [sflag:$0x2] =	stream.indirect.gather [hbm4b:s4+s15], $0x80, s10, s15, $0xb8;
	[tilespmem:$0x1F380] =	vst v63  }
0xb4: {  	_ =	swait.ge [sflag:s0], $0x2800  }
0xb5: {  	[sflag:s0] =	ssyncset.done $0x0  }
0xb6: {  	s11 =	rddreg [dreg:$0x16];
	[sflag:s0] =	ssyncadd.s32 $0xFFFFD800  }
0xb7: {  	[spmem:s2] =	stream.indirect.scatter.add.f32 [tilespmem:s22], [sflag:$0x8], $0x80, s11, s15, $0xb8;
	[tilespmem:$0x1F380] =	vst v63  }
0xb8: {  	_ =	swait.ge [sflag:s5], $0x2800  }
0xb9: {  	[sflag:s5] =	ssyncset.done $0x0  }
0xba: {  	s12 =	rddreg [dreg:$0x17];
	[sflag:s5] =	ssyncadd.s32 $0xFFFFD800  }
0xbb: {  	[tilespmem:s19], [sflag:$0x3] =	stream.indirect.gather [hbm4b:s4+s15], $0x80, s12, s15, $0xb8;
	[tilespmem:$0x1F380] =	vst v63  }
0xbc: {  	_ =	swait.ge [sflag:s20], $0x2800  }
0xbd: {  	[sflag:s20] =	ssyncset.done $0x0  }
0xbe: {  	s21 =	rddreg [dreg:$0x18];
	[sflag:s20] =	ssyncadd.s32 $0xFFFFD800  }
0xbf: {  	[spmem:s2] =	stream.indirect.scatter.add.f32 [tilespmem:s16], [sflag:$0x5], $0x80, s21, s15, $0xb8;
	[tilespmem:$0x1F380] =	vst v63  }
0xc0: {  	_ =	swait.ge [sflag:s8], $0x2800  }
0xc1: {  	[sflag:s8] =	ssyncset.done $0x0  }
0xc2: {  	s24 =	rddreg [dreg:$0x19];
	[sflag:s8] =	ssyncadd.s32 $0xFFFFD800  }
0xc3: {  	[tilespmem:s22], [sflag:$0x4] =	stream.indirect.gather [hbm4b:s4+s15], $0x80, s24, s15, $0xb8;
	[tilespmem:$0x1F380] =	vst v63  }
0xc4: {  	_ =	swait.ge [sflag:s23], $0x2800  }
0xc5: {  	[sflag:s23] =	ssyncset.done $0x0  }
0xc6: {  	s26 =	rddreg [dreg:$0x1a];
	[sflag:s23] =	ssyncadd.s32 $0xFFFFD800  }
0xc7: {  	[spmem:s2] =	stream.indirect.scatter.add.f32 [tilespmem:s17], [sflag:$0x6], $0x80, s26, s15, $0xb8;
	[tilespmem:$0x1F380] =	vst v63  }
0xc8: {  	_ =	swait.ge [sflag:s25], $0x2800  }
0xc9: {  	[sflag:s25] =	ssyncset.done $0x0  }
0xca: {  	s1 =	rddreg [dreg:$0x1b];
	[sflag:s25] =	ssyncadd.s32 $0xFFFFD800  }
0xcb: {  	[tilespmem:s16], [sflag:$0x1] =	stream.indirect.gather [hbm4b:s4+s15], $0x80, s1, s15, $0xb8;
	[tilespmem:$0x1F380] =	vst v63  }
0xcc: {  	_ =	swait.ge [sflag:s28], $0x2800  }
0xcd: {  	[sflag:s28] =	ssyncset.done $0x0  }
0xce: {  	s6 =	rddreg [dreg:$0x1c];
	[sflag:s28] =	ssyncadd.s32 $0xFFFFD800  }
0xcf: {  	[spmem:s2] =	stream.indirect.scatter.add.f32 [tilespmem:s19], [sflag:$0x7], $0x80, s6, s15, $0xb8;
	[tilespmem:$0x1F380] =	vst v63  }
0xd0: {  	_ =	swait.ge [sflag:s30], $0x2800  }
0xd1: {  	[sflag:s30] =	ssyncset.done $0x0  }
0xd2: {  	s7 =	rddreg [dreg:$0x1d];
	[sflag:s30] =	ssyncadd.s32 $0xFFFFD800  }
0xd3: {  	[tilespmem:s17], [sflag:$0x2] =	stream.indirect.gather [hbm4b:s4+s15], $0x80, s7, s15, $0xb8;
	[tilespmem:$0x1F380] =	vst v63  }
0xd4: {  	_ =	swait.ge [sflag:s0], $0x2800  }
0xd5: {  	[sflag:s0] =	ssyncset.done $0x0  }
0xd6: {  	s9 =	rddreg [dreg:$0x1e];
	[sflag:s0] =	ssyncadd.s32 $0xFFFFD800  }
0xd7: {  	[spmem:s2] =	stream.indirect.scatter.add.f32 [tilespmem:s22], [sflag:$0x8], $0x80, s9, s15, $0xb8;
	[tilespmem:$0x1F380] =	vst v63  }
0xd8: {  	_ =	swait.ge [sflag:s5], $0x2800  }
0xd9: {  	[sflag:s5] =	ssyncset.done $0x0  }
0xda: {  	s10 =	rddreg [dreg:$0x1f];
	[sflag:s5] =	ssyncadd.s32 $0xFFFFD800  }
0xdb: {  	[tilespmem:s19], [sflag:$0x3] =	stream.indirect.gather [hbm4b:s4+s15], $0x80, s10, s15, $0xb8;
	[tilespmem:$0x1F380] =	vst v63  }
0xdc: {  	_ =	swait.ge [sflag:s20], $0x2800  }
0xdd: {  	s11 =	sld [smem:$0x7F7]  }
0xde: {  	[sflag:s20] =	ssyncset.done $0x0  }
0xdf: {  	[sflag:s20] =	ssyncadd.s32 $0xFFFFD800  }
0xe0: {  	[spmem:s2] =	stream.indirect.scatter.add.f32 [tilespmem:s16], [sflag:$0x5], $0x80, s11, s15, $0xb8;
	[tilespmem:$0x1F380] =	vst v63  }
0xe1: {  	_ =	swait.ge [sflag:s8], $0x2800  }
0xe2: {  	s12 =	sld [smem:$0x7F8]  }
0xe3: {  	[sflag:s8] =	ssyncset.done $0x0  }
0xe4: {  	[sflag:s8] =	ssyncadd.s32 $0xFFFFD800  }
0xe5: {  	[tilespmem:s22], [sflag:$0x4] =	stream.indirect.gather [hbm4b:s4+s15], $0x80, s12, s15, $0xb8;
	[tilespmem:$0x1F380] =	vst v63  }
0xe6: {  	_ =	swait.ge [sflag:s23], $0x2800  }
0xe7: {  	s21 =	sld [smem:$0x7F9]  }
0xe8: {  	[sflag:s23] =	ssyncset.done $0x0  }
0xe9: {  	[sflag:s23] =	ssyncadd.s32 $0xFFFFD800  }
0xea: {  	[spmem:s2] =	stream.indirect.scatter.add.f32 [tilespmem:s17], [sflag:$0x6], $0x80, s21, s15, $0xb8;
	[tilespmem:$0x1F380] =	vst v63  }
0xeb: {  	_ =	swait.ge [sflag:s25], $0x2800  }
0xec: {  	[sflag:s25] =	ssyncset.done $0x0  }
0xed: {  	[sflag:s25] =	ssyncadd.s32 $0xFFFFD800  }
0xee: {  	_ =	swait.ge [sflag:s28], $0x2800  }
0xef: {  	s24 =	sld [smem:$0x7FA]  }
0xf0: {  	[sflag:s28] =	ssyncset.done $0x0  }
0xf1: {  	[sflag:s28] =	ssyncadd.s32 $0xFFFFD800  }
0xf2: {  	[spmem:s2] =	stream.indirect.scatter.add.f32 [tilespmem:s19], [sflag:$0x7], $0x80, s24, s15, $0xb8;
	[tilespmem:$0x1F380] =	vst v63  }
0xf3: {  	_ =	swait.ge [sflag:s30], $0x2800  }
0xf4: {  	[sflag:s30] =	ssyncset.done $0x0  }
0xf5: {  	[sflag:s30] =	ssyncadd.s32 $0xFFFFD800  }
0xf6: {  	_ =	swait.ge [sflag:s0], $0x2800  }
0xf7: {  	s26 =	sld [smem:$0x7FB]  }
0xf8: {  	[sflag:s0] =	ssyncset.done $0x0  }
0xf9: {  	[sflag:s0] =	ssyncadd.s32 $0xFFFFD800  }
0xfa: {  	[spmem:s2] =	stream.indirect.scatter.add.f32 [tilespmem:s22], [sflag:$0x8], $0x80, s26, s15, $0xb8;
	[tilespmem:$0x1F380] =	vst v63  }
0xfb: {  	s31 =	simm.s32 $0x980;
	_ =	swait.ge [sflag:s5], $0x2800  }
0xfc: {  	s1 =	simm.s32 $0xF0;
	s6 =	simm.s32 $0x800;
	[sflag:s5] =	ssyncset.done $0x0  }
0xfd: {  	s7 =	simm.s32 $0x140;
	s9 =	simm.s32 $0x880;
	[sflag:s5] =	ssyncadd.s32 $0xFFFFD800  }
0xfe: {  	s10 =	simm.s32 $0x190;
	s11 =	simm.s32 $0x900;
	_ =	swait.ge [sflag:s8], $0x2800  }
0xff: {  	s12 =	simm.s32 $0x1E0;
	[sflag:s8] =	ssyncset.done $0x0;
	s18 =	sld [smem:$0x7F3]  }
0x100: {  	s26 =	simm.s32 $0xA0;
	s29 =	sld [smem:$0x7F0];
	[sflag:s8] =	ssyncadd.s32 $0xFFFFD800  }
.LBB2_8:
0x101: {  	[bflag:$0x0] =	sbarrier.arrive $0xFFFF  }
0x102: {  	s21 =	sld [smem:$0x7FC]  }
0x103: {  	s24 =	sld [smem:$0x7FD];
	_ =	sdelay $0x2  }
0x104: {  	[hbm:s18], [sflag:s21] =	dma.local [spmem:s24], $0x2800  }
0x105: {  	_ =	swait.ge [sflag:s13], $0x2800  }
0x106: {  	s18 =	sld [smem:$0x7F4];
	_ =	sdelay $0x1  }
0x107: {  	s29 =	sadd.s32 $0x1, s29  }
0x108: {  	p1 =	sne.s32 s29, s18  }
.Ltmp1:
0x109: {  	_ = 	snop;
	(pc) =	sbr.rel @!p1 .LBB2_9-.Ltmp1, $3  }
0x10a: {  	_ =	sdelay $0x1  }
0x10b: {  	[sflag:s13] =	ssyncset.done $0x0  }
0x10c: {  	[sflag:s13] =	ssyncadd.s32 $0xFFFFD800  }
.LBB2_1:
.Ltmp2:
0x10d: {  	(pc) =	sbr.rel @!p0 .LBB2_2-.Ltmp2, $2  }
0x10e: {  	_ =	sdelay $0x2  }
0x10f: {  	[smem:$0x7F0] =	sst s29  }
0x110: {  	s18 =	sld [smem:$0x7F2];
	_ =	sdelay $0x2  }
0x111: {  	[spmem:s24], [sflag:s21] =	dma.local [hbm:s18], $0x2800  }
0x112: {  	_ =	swait.ge [sflag:s13], $0x2800  }
0x113: {  	[sflag:s13] =	ssyncset.done $0x0  }
0x114: {  	[sflag:s13] =	ssyncadd.s32 $0xFFFFD800  }
0x115: {  	[bflag:$0x0] =	sbarrier.arrive $0xFFFF  }
0x116: {  	s29 =	rddreg [dreg:$0x4]  }
0x117: {  	s18 =	sadd.s32 $0x0, s29  }
0x118: {  	[tilespmem:s3], [sflag:$0x9] =	stream.linear.gather [hbm4b:s18+s3], $0x780, $0x38;
	[tilespmem:$0x1F380] =	vst v63  }
0x119: {  	_ =	swait.ge [sflag:s13], $0x780  }
0x11a: {  	s29 =	sld [smem:$0x7F5]  }
0x11b: {  	[sflag:s13] =	ssyncset.done $0x0  }
0x11c: {  	[sflag:s13] =	ssyncadd.s32 $0xFFFFF880  }
0x11d: {  	[tilespmem:s14], [sflag:$0x9] =	stream.linear.gather [hbm4b:s29+s3], $0xC00, $0x38;
	[tilespmem:$0x1F380] =	vst v63  }
0x11e: {  	_ =	swait.ge [sflag:s13], $0xC00  }
0x11f: {  	[sflag:s13] =	ssyncset.done $0x0  }
0x120: {  	[sflag:s13] =	ssyncadd.s32 $0xFFFFF400  }
0x121: {  	[tilespmem:s16], [sflag:$0x1] =	stream.indirect.gather [hbm4b:s4+s15], $0x80, s3, s15, $0xb8;
	[tilespmem:$0x1F380] =	vst v63  }
0x122: {  	_ = 	snop  }
0x123: {  	[tilespmem:s17], [sflag:$0x2] =	stream.indirect.gather [hbm4b:s4+s15], $0x80, s15, s15, $0xb8;
	[tilespmem:$0x1F380] =	vst v63  }
0x124: {  	_ = 	snop  }
0x125: {  	[tilespmem:s19], [sflag:$0x3] =	stream.indirect.gather [hbm4b:s4+s15], $0x80, s26, s15, $0xb8;
	[tilespmem:$0x1F380] =	vst v63  }
0x126: {  	_ =	swait.ge [sflag:s20], $0x2800  }
0x127: {  	[sflag:s20] =	ssyncset.done $0x0  }
0x128: {  	[sflag:s20] =	ssyncadd.s32 $0xFFFFD800  }
0x129: {  	[spmem:s2] =	stream.indirect.scatter.add.f32 [tilespmem:s16], [sflag:$0x5], $0x80, s14, s15, $0xb8;
	[tilespmem:$0x1F380] =	vst v63  }
0x12a: {  	_ = 	snop  }
0x12b: {  	[tilespmem:s22], [sflag:$0x4] =	stream.indirect.gather [hbm4b:s4+s15], $0x80, s1, s15, $0xb8;
	[tilespmem:$0x1F380] =	vst v63  }
0x12c: {  	_ =	swait.ge [sflag:s23], $0x2800  }
0x12d: {  	[sflag:s23] =	ssyncset.done $0x0  }
0x12e: {  	[sflag:s23] =	ssyncadd.s32 $0xFFFFD800  }
0x12f: {  	[spmem:s2] =	stream.indirect.scatter.add.f32 [tilespmem:s17], [sflag:$0x6], $0x80, s6, s15, $0xb8;
	[tilespmem:$0x1F380] =	vst v63  }
0x130: {  	_ =	swait.ge [sflag:s25], $0x2800  }
0x131: {  	[sflag:s25] =	ssyncset.done $0x0  }
0x132: {  	[sflag:s25] =	ssyncadd.s32 $0xFFFFD800  }
0x133: {  	[tilespmem:s16], [sflag:$0x1] =	stream.indirect.gather [hbm4b:s4+s15], $0x80, s7, s15, $0xb8;
	[tilespmem:$0x1F380] =	vst v63  }
0x134: {  	_ =	swait.ge [sflag:s28], $0x2800  }
0x135: {  	[sflag:s28] =	ssyncset.done $0x0  }
0x136: {  	[sflag:s28] =	ssyncadd.s32 $0xFFFFD800  }
0x137: {  	[spmem:s2] =	stream.indirect.scatter.add.f32 [tilespmem:s19], [sflag:$0x7], $0x80, s9, s15, $0xb8;
	[tilespmem:$0x1F380] =	vst v63  }
0x138: {  	_ =	swait.ge [sflag:s30], $0x2800  }
0x139: {  	[sflag:s30] =	ssyncset.done $0x0  }
0x13a: {  	[sflag:s30] =	ssyncadd.s32 $0xFFFFD800  }
0x13b: {  	[tilespmem:s17], [sflag:$0x2] =	stream.indirect.gather [hbm4b:s4+s15], $0x80, s10, s15, $0xb8;
	[tilespmem:$0x1F380] =	vst v63  }
0x13c: {  	_ =	swait.ge [sflag:s0], $0x2800  }
0x13d: {  	[sflag:s0] =	ssyncset.done $0x0  }
0x13e: {  	[sflag:s0] =	ssyncadd.s32 $0xFFFFD800  }
0x13f: {  	[spmem:s2] =	stream.indirect.scatter.add.f32 [tilespmem:s22], [sflag:$0x8], $0x80, s11, s15, $0xb8;
	[tilespmem:$0x1F380] =	vst v63  }
0x140: {  	_ =	swait.ge [sflag:s5], $0x2800  }
0x141: {  	[sflag:s5] =	ssyncset.done $0x0  }
0x142: {  	[sflag:s5] =	ssyncadd.s32 $0xFFFFD800  }
0x143: {  	[tilespmem:s19], [sflag:$0x3] =	stream.indirect.gather [hbm4b:s4+s15], $0x80, s12, s15, $0xb8;
	[tilespmem:$0x1F380] =	vst v63  }
0x144: {  	_ =	swait.ge [sflag:s20], $0x2800  }
0x145: {  	[sflag:s20] =	ssyncset.done $0x0  }
0x146: {  	[sflag:s20] =	ssyncadd.s32 $0xFFFFD800  }
0x147: {  	[spmem:s2] =	stream.indirect.scatter.add.f32 [tilespmem:s16], [sflag:$0x5], $0x80, s31, s15, $0xb8;
	[tilespmem:$0x1F380] =	vst v63  }
0x148: {  	_ =	swait.ge [sflag:s8], $0x2800  }
0x149: {  	[sflag:s8] =	ssyncset.done $0x0  }
0x14a: {  	s10 =	simm.s32 $0x230;
	[sflag:s8] =	ssyncadd.s32 $0xFFFFD800  }
0x14b: {  	[tilespmem:s22], [sflag:$0x4] =	stream.indirect.gather [hbm4b:s4+s15], $0x80, s10, s15, $0xb8;
	[tilespmem:$0x1F380] =	vst v63  }
0x14c: {  	_ =	swait.ge [sflag:s23], $0x2800  }
0x14d: {  	[sflag:s23] =	ssyncset.done $0x0  }
0x14e: {  	s11 =	simm.s32 $0xA00;
	[sflag:s23] =	ssyncadd.s32 $0xFFFFD800  }
0x14f: {  	[spmem:s2] =	stream.indirect.scatter.add.f32 [tilespmem:s17], [sflag:$0x6], $0x80, s11, s15, $0xb8;
	[tilespmem:$0x1F380] =	vst v63  }
0x150: {  	_ =	swait.ge [sflag:s25], $0x2800  }
0x151: {  	[sflag:s25] =	ssyncset.done $0x0  }
0x152: {  	s12 =	rddreg [dreg:$0x5];
	[sflag:s25] =	ssyncadd.s32 $0xFFFFD800  }
0x153: {  	[tilespmem:s16], [sflag:$0x1] =	stream.indirect.gather [hbm4b:s4+s15], $0x80, s12, s15, $0xb8;
	[tilespmem:$0x1F380] =	vst v63  }
0x154: {  	_ =	swait.ge [sflag:s28], $0x2800  }
0x155: {  	[sflag:s28] =	ssyncset.done $0x0  }
0x156: {  	s21 =	simm.s32 $0xA80;
	[sflag:s28] =	ssyncadd.s32 $0xFFFFD800  }
0x157: {  	[spmem:s2] =	stream.indirect.scatter.add.f32 [tilespmem:s19], [sflag:$0x7], $0x80, s21, s15, $0xb8;
	[tilespmem:$0x1F380] =	vst v63  }
0x158: {  	_ =	swait.ge [sflag:s30], $0x2800  }
0x159: {  	[sflag:s30] =	ssyncset.done $0x0  }
0x15a: {  	s24 =	rddreg [dreg:$0x6];
	[sflag:s30] =	ssyncadd.s32 $0xFFFFD800  }
0x15b: {  	[tilespmem:s17], [sflag:$0x2] =	stream.indirect.gather [hbm4b:s4+s15], $0x80, s24, s15, $0xb8;
	[tilespmem:$0x1F380] =	vst v63  }
0x15c: {  	_ =	swait.ge [sflag:s0], $0x2800  }
0x15d: {  	[sflag:s0] =	ssyncset.done $0x0  }
0x15e: {  	s26 =	simm.s32 $0xB00;
	[sflag:s0] =	ssyncadd.s32 $0xFFFFD800  }
0x15f: {  	[spmem:s2] =	stream.indirect.scatter.add.f32 [tilespmem:s22], [sflag:$0x8], $0x80, s26, s15, $0xb8;
	[tilespmem:$0x1F380] =	vst v63  }
0x160: {  	_ =	swait.ge [sflag:s5], $0x2800  }
0x161: {  	[sflag:s5] =	ssyncset.done $0x0  }
0x162: {  	s1 =	rddreg [dreg:$0x7];
	[sflag:s5] =	ssyncadd.s32 $0xFFFFD800  }
0x163: {  	[tilespmem:s19], [sflag:$0x3] =	stream.indirect.gather [hbm4b:s4+s15], $0x80, s1, s15, $0xb8;
	[tilespmem:$0x1F380] =	vst v63  }
0x164: {  	_ =	swait.ge [sflag:s20], $0x2800  }
0x165: {  	[sflag:s20] =	ssyncset.done $0x0  }
0x166: {  	s6 =	rddreg [dreg:$0x8];
	[sflag:s20] =	ssyncadd.s32 $0xFFFFD800  }
0x167: {  	[spmem:s2] =	stream.indirect.scatter.add.f32 [tilespmem:s16], [sflag:$0x5], $0x80, s6, s15, $0xb8;
	[tilespmem:$0x1F380] =	vst v63  }
0x168: {  	_ =	swait.ge [sflag:s8], $0x2800  }
0x169: {  	[sflag:s8] =	ssyncset.done $0x0  }
0x16a: {  	s7 =	rddreg [dreg:$0x9];
	[sflag:s8] =	ssyncadd.s32 $0xFFFFD800  }
0x16b: {  	[tilespmem:s22], [sflag:$0x4] =	stream.indirect.gather [hbm4b:s4+s15], $0x80, s7, s15, $0xb8;
	[tilespmem:$0x1F380] =	vst v63  }
0x16c: {  	_ =	swait.ge [sflag:s23], $0x2800  }
0x16d: {  	[sflag:s23] =	ssyncset.done $0x0  }
0x16e: {  	s9 =	rddreg [dreg:$0xa];
	[sflag:s23] =	ssyncadd.s32 $0xFFFFD800  }
0x16f: {  	[spmem:s2] =	stream.indirect.scatter.add.f32 [tilespmem:s17], [sflag:$0x6], $0x80, s9, s15, $0xb8;
	[tilespmem:$0x1F380] =	vst v63  }
0x170: {  	_ =	swait.ge [sflag:s25], $0x2800  }
0x171: {  	[sflag:s25] =	ssyncset.done $0x0  }
0x172: {  	s10 =	rddreg [dreg:$0xb];
	[sflag:s25] =	ssyncadd.s32 $0xFFFFD800  }
0x173: {  	[tilespmem:s16], [sflag:$0x1] =	stream.indirect.gather [hbm4b:s4+s15], $0x80, s10, s15, $0xb8;
	[tilespmem:$0x1F380] =	vst v63  }
0x174: {  	_ =	swait.ge [sflag:s28], $0x2800  }
0x175: {  	[sflag:s28] =	ssyncset.done $0x0  }
0x176: {  	s11 =	rddreg [dreg:$0xc];
	[sflag:s28] =	ssyncadd.s32 $0xFFFFD800  }
0x177: {  	[spmem:s2] =	stream.indirect.scatter.add.f32 [tilespmem:s19], [sflag:$0x7], $0x80, s11, s15, $0xb8;
	[tilespmem:$0x1F380] =	vst v63  }
0x178: {  	_ =	swait.ge [sflag:s30], $0x2800  }
0x179: {  	[sflag:s30] =	ssyncset.done $0x0  }
0x17a: {  	s12 =	rddreg [dreg:$0xd];
	[sflag:s30] =	ssyncadd.s32 $0xFFFFD800  }
0x17b: {  	[tilespmem:s17], [sflag:$0x2] =	stream.indirect.gather [hbm4b:s4+s15], $0x80, s12, s15, $0xb8;
	[tilespmem:$0x1F380] =	vst v63  }
0x17c: {  	_ =	swait.ge [sflag:s0], $0x2800  }
0x17d: {  	[sflag:s0] =	ssyncset.done $0x0  }
0x17e: {  	s21 =	rddreg [dreg:$0xe];
	[sflag:s0] =	ssyncadd.s32 $0xFFFFD800  }
0x17f: {  	[spmem:s2] =	stream.indirect.scatter.add.f32 [tilespmem:s22], [sflag:$0x8], $0x80, s21, s15, $0xb8;
	[tilespmem:$0x1F380] =	vst v63  }
0x180: {  	_ =	swait.ge [sflag:s5], $0x2800  }
0x181: {  	[sflag:s5] =	ssyncset.done $0x0  }
0x182: {  	s24 =	rddreg [dreg:$0xf];
	[sflag:s5] =	ssyncadd.s32 $0xFFFFD800  }
0x183: {  	[tilespmem:s19], [sflag:$0x3] =	stream.indirect.gather [hbm4b:s4+s15], $0x80, s24, s15, $0xb8;
	[tilespmem:$0x1F380] =	vst v63  }
0x184: {  	_ =	swait.ge [sflag:s20], $0x2800  }
0x185: {  	[sflag:s20] =	ssyncset.done $0x0  }
0x186: {  	s26 =	rddreg [dreg:$0x10];
	[sflag:s20] =	ssyncadd.s32 $0xFFFFD800  }
0x187: {  	[spmem:s2] =	stream.indirect.scatter.add.f32 [tilespmem:s16], [sflag:$0x5], $0x80, s26, s15, $0xb8;
	[tilespmem:$0x1F380] =	vst v63  }
0x188: {  	_ =	swait.ge [sflag:s8], $0x2800  }
0x189: {  	[sflag:s8] =	ssyncset.done $0x0  }
0x18a: {  	s1 =	rddreg [dreg:$0x11];
	[sflag:s8] =	ssyncadd.s32 $0xFFFFD800  }
0x18b: {  	[tilespmem:s22], [sflag:$0x4] =	stream.indirect.gather [hbm4b:s4+s15], $0x80, s1, s15, $0xb8;
	[tilespmem:$0x1F380] =	vst v63  }
0x18c: {  	_ =	swait.ge [sflag:s23], $0x2800  }
0x18d: {  	[sflag:s23] =	ssyncset.done $0x0  }
0x18e: {  	s6 =	rddreg [dreg:$0x12];
	[sflag:s23] =	ssyncadd.s32 $0xFFFFD800  }
0x18f: {  	[spmem:s2] =	stream.indirect.scatter.add.f32 [tilespmem:s17], [sflag:$0x6], $0x80, s6, s15, $0xb8;
	[tilespmem:$0x1F380] =	vst v63  }
0x190: {  	_ =	swait.ge [sflag:s25], $0x2800  }
0x191: {  	[sflag:s25] =	ssyncset.done $0x0  }
0x192: {  	s7 =	rddreg [dreg:$0x13];
	[sflag:s25] =	ssyncadd.s32 $0xFFFFD800  }
0x193: {  	[tilespmem:s16], [sflag:$0x1] =	stream.indirect.gather [hbm4b:s4+s15], $0x80, s7, s15, $0xb8;
	[tilespmem:$0x1F380] =	vst v63  }
0x194: {  	_ =	swait.ge [sflag:s28], $0x2800  }
0x195: {  	[sflag:s28] =	ssyncset.done $0x0  }
0x196: {  	s9 =	rddreg [dreg:$0x14];
	[sflag:s28] =	ssyncadd.s32 $0xFFFFD800  }
0x197: {  	[spmem:s2] =	stream.indirect.scatter.add.f32 [tilespmem:s19], [sflag:$0x7], $0x80, s9, s15, $0xb8;
	[tilespmem:$0x1F380] =	vst v63  }
0x198: {  	_ =	swait.ge [sflag:s30], $0x2800  }
0x199: {  	[sflag:s30] =	ssyncset.done $0x0  }
0x19a: {  	s10 =	rddreg [dreg:$0x15];
	[sflag:s30] =	ssyncadd.s32 $0xFFFFD800  }
0x19b: {  	[tilespmem:s17], [sflag:$0x2] =	stream.indirect.gather [hbm4b:s4+s15], $0x80, s10, s15, $0xb8;
	[tilespmem:$0x1F380] =	vst v63  }
0x19c: {  	_ =	swait.ge [sflag:s0], $0x2800  }
0x19d: {  	[sflag:s0] =	ssyncset.done $0x0  }
0x19e: {  	s11 =	rddreg [dreg:$0x16];
	[sflag:s0] =	ssyncadd.s32 $0xFFFFD800  }
0x19f: {  	[spmem:s2] =	stream.indirect.scatter.add.f32 [tilespmem:s22], [sflag:$0x8], $0x80, s11, s15, $0xb8;
	[tilespmem:$0x1F380] =	vst v63  }
0x1a0: {  	_ =	swait.ge [sflag:s5], $0x2800  }
0x1a1: {  	[sflag:s5] =	ssyncset.done $0x0  }
0x1a2: {  	s12 =	rddreg [dreg:$0x17];
	[sflag:s5] =	ssyncadd.s32 $0xFFFFD800  }
0x1a3: {  	[tilespmem:s19], [sflag:$0x3] =	stream.indirect.gather [hbm4b:s4+s15], $0x80, s12, s15, $0xb8;
	[tilespmem:$0x1F380] =	vst v63  }
0x1a4: {  	_ =	swait.ge [sflag:s20], $0x2800  }
0x1a5: {  	[sflag:s20] =	ssyncset.done $0x0  }
0x1a6: {  	s21 =	rddreg [dreg:$0x18];
	[sflag:s20] =	ssyncadd.s32 $0xFFFFD800  }
0x1a7: {  	[spmem:s2] =	stream.indirect.scatter.add.f32 [tilespmem:s16], [sflag:$0x5], $0x80, s21, s15, $0xb8;
	[tilespmem:$0x1F380] =	vst v63  }
0x1a8: {  	_ =	swait.ge [sflag:s8], $0x2800  }
0x1a9: {  	[sflag:s8] =	ssyncset.done $0x0  }
0x1aa: {  	s24 =	rddreg [dreg:$0x19];
	[sflag:s8] =	ssyncadd.s32 $0xFFFFD800  }
0x1ab: {  	[tilespmem:s22], [sflag:$0x4] =	stream.indirect.gather [hbm4b:s4+s15], $0x80, s24, s15, $0xb8;
	[tilespmem:$0x1F380] =	vst v63  }
0x1ac: {  	_ =	swait.ge [sflag:s23], $0x2800  }
0x1ad: {  	[sflag:s23] =	ssyncset.done $0x0  }
0x1ae: {  	s26 =	rddreg [dreg:$0x1a];
	[sflag:s23] =	ssyncadd.s32 $0xFFFFD800  }
0x1af: {  	[spmem:s2] =	stream.indirect.scatter.add.f32 [tilespmem:s17], [sflag:$0x6], $0x80, s26, s15, $0xb8;
	[tilespmem:$0x1F380] =	vst v63  }
0x1b0: {  	_ =	swait.ge [sflag:s25], $0x2800  }
0x1b1: {  	[sflag:s25] =	ssyncset.done $0x0  }
0x1b2: {  	s1 =	rddreg [dreg:$0x1b];
	[sflag:s25] =	ssyncadd.s32 $0xFFFFD800  }
0x1b3: {  	[tilespmem:s16], [sflag:$0x1] =	stream.indirect.gather [hbm4b:s4+s15], $0x80, s1, s15, $0xb8;
	[tilespmem:$0x1F380] =	vst v63  }
0x1b4: {  	_ =	swait.ge [sflag:s28], $0x2800  }
0x1b5: {  	[sflag:s28] =	ssyncset.done $0x0  }
0x1b6: {  	s6 =	rddreg [dreg:$0x1c];
	[sflag:s28] =	ssyncadd.s32 $0xFFFFD800  }
0x1b7: {  	[spmem:s2] =	stream.indirect.scatter.add.f32 [tilespmem:s19], [sflag:$0x7], $0x80, s6, s15, $0xb8;
	[tilespmem:$0x1F380] =	vst v63  }
0x1b8: {  	_ =	swait.ge [sflag:s30], $0x2800  }
0x1b9: {  	[sflag:s30] =	ssyncset.done $0x0  }
0x1ba: {  	s7 =	rddreg [dreg:$0x1d];
	[sflag:s30] =	ssyncadd.s32 $0xFFFFD800  }
0x1bb: {  	[tilespmem:s17], [sflag:$0x2] =	stream.indirect.gather [hbm4b:s4+s15], $0x80, s7, s15, $0xb8;
	[tilespmem:$0x1F380] =	vst v63  }
0x1bc: {  	_ =	swait.ge [sflag:s0], $0x2800  }
0x1bd: {  	[sflag:s0] =	ssyncset.done $0x0  }
0x1be: {  	s9 =	rddreg [dreg:$0x1e];
	[sflag:s0] =	ssyncadd.s32 $0xFFFFD800  }
0x1bf: {  	[spmem:s2] =	stream.indirect.scatter.add.f32 [tilespmem:s22], [sflag:$0x8], $0x80, s9, s15, $0xb8;
	[tilespmem:$0x1F380] =	vst v63  }
0x1c0: {  	_ =	swait.ge [sflag:s5], $0x2800  }
0x1c1: {  	[sflag:s5] =	ssyncset.done $0x0  }
0x1c2: {  	s10 =	rddreg [dreg:$0x1f];
	[sflag:s5] =	ssyncadd.s32 $0xFFFFD800  }
0x1c3: {  	[tilespmem:s19], [sflag:$0x3] =	stream.indirect.gather [hbm4b:s4+s15], $0x80, s10, s15, $0xb8;
	[tilespmem:$0x1F380] =	vst v63  }
0x1c4: {  	_ =	swait.ge [sflag:s20], $0x2800  }
0x1c5: {  	s11 =	sld [smem:$0x7F7]  }
0x1c6: {  	[sflag:s20] =	ssyncset.done $0x0  }
0x1c7: {  	[sflag:s20] =	ssyncadd.s32 $0xFFFFD800  }
0x1c8: {  	[spmem:s2] =	stream.indirect.scatter.add.f32 [tilespmem:s16], [sflag:$0x5], $0x80, s11, s15, $0xb8;
	[tilespmem:$0x1F380] =	vst v63  }
0x1c9: {  	_ =	swait.ge [sflag:s8], $0x2800  }
0x1ca: {  	s12 =	sld [smem:$0x7F8]  }
0x1cb: {  	[sflag:s8] =	ssyncset.done $0x0  }
0x1cc: {  	[sflag:s8] =	ssyncadd.s32 $0xFFFFD800  }
0x1cd: {  	[tilespmem:s22], [sflag:$0x4] =	stream.indirect.gather [hbm4b:s4+s15], $0x80, s12, s15, $0xb8;
	[tilespmem:$0x1F380] =	vst v63  }
0x1ce: {  	_ =	swait.ge [sflag:s23], $0x2800  }
0x1cf: {  	s21 =	sld [smem:$0x7F9]  }
0x1d0: {  	[sflag:s23] =	ssyncset.done $0x0  }
0x1d1: {  	[sflag:s23] =	ssyncadd.s32 $0xFFFFD800  }
0x1d2: {  	[spmem:s2] =	stream.indirect.scatter.add.f32 [tilespmem:s17], [sflag:$0x6], $0x80, s21, s15, $0xb8;
	[tilespmem:$0x1F380] =	vst v63  }
0x1d3: {  	_ =	swait.ge [sflag:s25], $0x2800  }
0x1d4: {  	[sflag:s25] =	ssyncset.done $0x0  }
0x1d5: {  	[sflag:s25] =	ssyncadd.s32 $0xFFFFD800  }
0x1d6: {  	_ =	swait.ge [sflag:s28], $0x2800  }
0x1d7: {  	s24 =	sld [smem:$0x7FA]  }
0x1d8: {  	[sflag:s28] =	ssyncset.done $0x0  }
0x1d9: {  	[sflag:s28] =	ssyncadd.s32 $0xFFFFD800  }
0x1da: {  	[spmem:s2] =	stream.indirect.scatter.add.f32 [tilespmem:s19], [sflag:$0x7], $0x80, s24, s15, $0xb8;
	[tilespmem:$0x1F380] =	vst v63  }
0x1db: {  	_ =	swait.ge [sflag:s30], $0x2800  }
0x1dc: {  	[sflag:s30] =	ssyncset.done $0x0  }
0x1dd: {  	[sflag:s30] =	ssyncadd.s32 $0xFFFFD800  }
0x1de: {  	_ =	swait.ge [sflag:s0], $0x2800  }
0x1df: {  	s26 =	sld [smem:$0x7FB]  }
0x1e0: {  	[sflag:s0] =	ssyncset.done $0x0  }
0x1e1: {  	s18 =	smov.u32 s29;
	s31 =	simm.s32 $0xA0;
	[sflag:s0] =	ssyncadd.s32 $0xFFFFD800  }
0x1e2: {  	[spmem:s2] =	stream.indirect.scatter.add.f32 [tilespmem:s22], [sflag:$0x8], $0x80, s26, s15, $0xb8;
	[tilespmem:$0x1F380] =	vst v63  }
0x1e3: {  	s1 =	simm.s32 $0xF0;
	s6 =	simm.s32 $0x800;
	_ =	swait.ge [sflag:s5], $0x2800  }
0x1e4: {  	s7 =	simm.s32 $0x140;
	s9 =	simm.s32 $0x880;
	[sflag:s5] =	ssyncset.done $0x0  }
0x1e5: {  	s10 =	simm.s32 $0x190;
	s11 =	simm.s32 $0x900;
	[sflag:s5] =	ssyncadd.s32 $0xFFFFD800  }
0x1e6: {  	s12 =	simm.s32 $0x1E0;
	s21 =	simm.s32 $0xF0;
	_ =	swait.ge [sflag:s8], $0x2800  }
0x1e7: {  	s24 =	simm.s32 $0x1E0;
	s26 =	rddreg [dreg:$0x4];
	[sflag:s8] =	ssyncset.done $0x0  }
.LBB2_6:
0x1e8: {  	[sflag:s8] =	ssyncadd.s32 $0xFFFFD800;
	s26 =	sadd.s32 s21, s26  }
0x1e9: {  	[tilespmem:s3], [sflag:$0x9] =	stream.linear.gather [hbm4b:s26+s3], $0x780, $0x38;
	[tilespmem:$0x1F380] =	vst v63  }
0x1ea: {  	_ =	swait.ge [sflag:s13], $0x780  }
0x1eb: {  	[sflag:s13] =	ssyncset.done $0x0  }
0x1ec: {  	s18 =	sadd.s32 $0x180, s18;
	[sflag:s13] =	ssyncadd.s32 $0xFFFFF880  }
0x1ed: {  	[tilespmem:s14], [sflag:$0x9] =	stream.linear.gather [hbm4b:s18+s3], $0xC00, $0x38;
	[tilespmem:$0x1F380] =	vst v63  }
0x1ee: {  	_ =	swait.ge [sflag:s13], $0xC00  }
0x1ef: {  	[sflag:s13] =	ssyncset.done $0x0  }
0x1f0: {  	[sflag:s13] =	ssyncadd.s32 $0xFFFFF400  }
0x1f1: {  	[tilespmem:s16], [sflag:$0x1] =	stream.indirect.gather [hbm4b:s4+s15], $0x80, s3, s15, $0xb8;
	[tilespmem:$0x1F380] =	vst v63  }
0x1f2: {  	_ = 	snop  }
0x1f3: {  	[tilespmem:s17], [sflag:$0x2] =	stream.indirect.gather [hbm4b:s4+s15], $0x80, s15, s15, $0xb8;
	[tilespmem:$0x1F380] =	vst v63  }
0x1f4: {  	_ = 	snop  }
0x1f5: {  	[tilespmem:s19], [sflag:$0x3] =	stream.indirect.gather [hbm4b:s4+s15], $0x80, s31, s15, $0xb8;
	[tilespmem:$0x1F380] =	vst v63  }
0x1f6: {  	_ =	swait.ge [sflag:s20], $0x2800  }
0x1f7: {  	[sflag:s20] =	ssyncset.done $0x0  }
0x1f8: {  	[sflag:s20] =	ssyncadd.s32 $0xFFFFD800  }
0x1f9: {  	[spmem:s2] =	stream.indirect.scatter.add.f32 [tilespmem:s16], [sflag:$0x5], $0x80, s14, s15, $0xb8;
	[tilespmem:$0x1F380] =	vst v63  }
0x1fa: {  	_ = 	snop  }
0x1fb: {  	[tilespmem:s22], [sflag:$0x4] =	stream.indirect.gather [hbm4b:s4+s15], $0x80, s1, s15, $0xb8;
	[tilespmem:$0x1F380] =	vst v63  }
0x1fc: {  	_ =	swait.ge [sflag:s23], $0x2800  }
0x1fd: {  	[sflag:s23] =	ssyncset.done $0x0  }
0x1fe: {  	[sflag:s23] =	ssyncadd.s32 $0xFFFFD800  }
0x1ff: {  	[spmem:s2] =	stream.indirect.scatter.add.f32 [tilespmem:s17], [sflag:$0x6], $0x80, s6, s15, $0xb8;
	[tilespmem:$0x1F380] =	vst v63  }
0x200: {  	_ =	swait.ge [sflag:s25], $0x2800  }
0x201: {  	[sflag:s25] =	ssyncset.done $0x0  }
0x202: {  	[sflag:s25] =	ssyncadd.s32 $0xFFFFD800  }
0x203: {  	[tilespmem:s16], [sflag:$0x1] =	stream.indirect.gather [hbm4b:s4+s15], $0x80, s7, s15, $0xb8;
	[tilespmem:$0x1F380] =	vst v63  }
0x204: {  	_ =	swait.ge [sflag:s28], $0x2800  }
0x205: {  	[sflag:s28] =	ssyncset.done $0x0  }
0x206: {  	[sflag:s28] =	ssyncadd.s32 $0xFFFFD800  }
0x207: {  	[spmem:s2] =	stream.indirect.scatter.add.f32 [tilespmem:s19], [sflag:$0x7], $0x80, s9, s15, $0xb8;
	[tilespmem:$0x1F380] =	vst v63  }
0x208: {  	_ =	swait.ge [sflag:s30], $0x2800  }
0x209: {  	[sflag:s30] =	ssyncset.done $0x0  }
0x20a: {  	[sflag:s30] =	ssyncadd.s32 $0xFFFFD800  }
0x20b: {  	[tilespmem:s17], [sflag:$0x2] =	stream.indirect.gather [hbm4b:s4+s15], $0x80, s10, s15, $0xb8;
	[tilespmem:$0x1F380] =	vst v63  }
0x20c: {  	_ =	swait.ge [sflag:s0], $0x2800  }
0x20d: {  	[sflag:s0] =	ssyncset.done $0x0  }
0x20e: {  	[sflag:s0] =	ssyncadd.s32 $0xFFFFD800  }
0x20f: {  	[spmem:s2] =	stream.indirect.scatter.add.f32 [tilespmem:s22], [sflag:$0x8], $0x80, s11, s15, $0xb8;
	[tilespmem:$0x1F380] =	vst v63  }
0x210: {  	_ =	swait.ge [sflag:s5], $0x2800  }
0x211: {  	[sflag:s5] =	ssyncset.done $0x0  }
0x212: {  	[sflag:s5] =	ssyncadd.s32 $0xFFFFD800  }
0x213: {  	[tilespmem:s19], [sflag:$0x3] =	stream.indirect.gather [hbm4b:s4+s15], $0x80, s12, s15, $0xb8;
	[tilespmem:$0x1F380] =	vst v63  }
0x214: {  	_ =	swait.ge [sflag:s20], $0x2800  }
0x215: {  	s29 =	smov.u32 s24;
	[sflag:s20] =	ssyncset.done $0x0  }
0x216: {  	s21 =	smov.u32 s29;
	s29 =	simm.s32 $0x980;
	[sflag:s20] =	ssyncadd.s32 $0xFFFFD800  }
0x217: {  	[spmem:s2] =	stream.indirect.scatter.add.f32 [tilespmem:s16], [sflag:$0x5], $0x80, s29, s15, $0xb8;
	[tilespmem:$0x1F380] =	vst v63  }
0x218: {  	_ =	swait.ge [sflag:s8], $0x2800  }
0x219: {  	[sflag:s8] =	ssyncset.done $0x0  }
0x21a: {  	s29 =	simm.s32 $0x230;
	[sflag:s8] =	ssyncadd.s32 $0xFFFFD800  }
0x21b: {  	[tilespmem:s22], [sflag:$0x4] =	stream.indirect.gather [hbm4b:s4+s15], $0x80, s29, s15, $0xb8;
	[tilespmem:$0x1F380] =	vst v63  }
0x21c: {  	_ =	swait.ge [sflag:s23], $0x2800  }
0x21d: {  	[sflag:s23] =	ssyncset.done $0x0  }
0x21e: {  	s29 =	simm.s32 $0xA00;
	[sflag:s23] =	ssyncadd.s32 $0xFFFFD800  }
0x21f: {  	[spmem:s2] =	stream.indirect.scatter.add.f32 [tilespmem:s17], [sflag:$0x6], $0x80, s29, s15, $0xb8;
	[tilespmem:$0x1F380] =	vst v63  }
0x220: {  	_ =	swait.ge [sflag:s25], $0x2800  }
0x221: {  	[sflag:s25] =	ssyncset.done $0x0  }
0x222: {  	s29 =	rddreg [dreg:$0x5];
	[sflag:s25] =	ssyncadd.s32 $0xFFFFD800  }
0x223: {  	[tilespmem:s16], [sflag:$0x1] =	stream.indirect.gather [hbm4b:s4+s15], $0x80, s29, s15, $0xb8;
	[tilespmem:$0x1F380] =	vst v63  }
0x224: {  	_ =	swait.ge [sflag:s28], $0x2800  }
0x225: {  	[sflag:s28] =	ssyncset.done $0x0  }
0x226: {  	s29 =	simm.s32 $0xA80;
	[sflag:s28] =	ssyncadd.s32 $0xFFFFD800  }
0x227: {  	[spmem:s2] =	stream.indirect.scatter.add.f32 [tilespmem:s19], [sflag:$0x7], $0x80, s29, s15, $0xb8;
	[tilespmem:$0x1F380] =	vst v63  }
0x228: {  	_ =	swait.ge [sflag:s30], $0x2800  }
0x229: {  	[sflag:s30] =	ssyncset.done $0x0  }
0x22a: {  	s29 =	rddreg [dreg:$0x6];
	[sflag:s30] =	ssyncadd.s32 $0xFFFFD800  }
0x22b: {  	[tilespmem:s17], [sflag:$0x2] =	stream.indirect.gather [hbm4b:s4+s15], $0x80, s29, s15, $0xb8;
	[tilespmem:$0x1F380] =	vst v63  }
0x22c: {  	_ =	swait.ge [sflag:s0], $0x2800  }
0x22d: {  	[sflag:s0] =	ssyncset.done $0x0  }
0x22e: {  	s29 =	simm.s32 $0xB00;
	[sflag:s0] =	ssyncadd.s32 $0xFFFFD800  }
0x22f: {  	[spmem:s2] =	stream.indirect.scatter.add.f32 [tilespmem:s22], [sflag:$0x8], $0x80, s29, s15, $0xb8;
	[tilespmem:$0x1F380] =	vst v63  }
0x230: {  	_ =	swait.ge [sflag:s5], $0x2800  }
0x231: {  	[sflag:s5] =	ssyncset.done $0x0  }
0x232: {  	s29 =	rddreg [dreg:$0x7];
	[sflag:s5] =	ssyncadd.s32 $0xFFFFD800  }
0x233: {  	[tilespmem:s19], [sflag:$0x3] =	stream.indirect.gather [hbm4b:s4+s15], $0x80, s29, s15, $0xb8;
	[tilespmem:$0x1F380] =	vst v63  }
0x234: {  	_ =	swait.ge [sflag:s20], $0x2800  }
0x235: {  	[sflag:s20] =	ssyncset.done $0x0  }
0x236: {  	s29 =	rddreg [dreg:$0x8];
	[sflag:s20] =	ssyncadd.s32 $0xFFFFD800  }
0x237: {  	[spmem:s2] =	stream.indirect.scatter.add.f32 [tilespmem:s16], [sflag:$0x5], $0x80, s29, s15, $0xb8;
	[tilespmem:$0x1F380] =	vst v63  }
0x238: {  	_ =	swait.ge [sflag:s8], $0x2800  }
0x239: {  	[sflag:s8] =	ssyncset.done $0x0  }
0x23a: {  	s29 =	rddreg [dreg:$0x9];
	[sflag:s8] =	ssyncadd.s32 $0xFFFFD800  }
0x23b: {  	[tilespmem:s22], [sflag:$0x4] =	stream.indirect.gather [hbm4b:s4+s15], $0x80, s29, s15, $0xb8;
	[tilespmem:$0x1F380] =	vst v63  }
0x23c: {  	_ =	swait.ge [sflag:s23], $0x2800  }
0x23d: {  	[sflag:s23] =	ssyncset.done $0x0  }
0x23e: {  	s29 =	rddreg [dreg:$0xa];
	[sflag:s23] =	ssyncadd.s32 $0xFFFFD800  }
0x23f: {  	[spmem:s2] =	stream.indirect.scatter.add.f32 [tilespmem:s17], [sflag:$0x6], $0x80, s29, s15, $0xb8;
	[tilespmem:$0x1F380] =	vst v63  }
0x240: {  	_ =	swait.ge [sflag:s25], $0x2800  }
0x241: {  	[sflag:s25] =	ssyncset.done $0x0  }
0x242: {  	s29 =	rddreg [dreg:$0xb];
	[sflag:s25] =	ssyncadd.s32 $0xFFFFD800  }
0x243: {  	[tilespmem:s16], [sflag:$0x1] =	stream.indirect.gather [hbm4b:s4+s15], $0x80, s29, s15, $0xb8;
	[tilespmem:$0x1F380] =	vst v63  }
0x244: {  	_ =	swait.ge [sflag:s28], $0x2800  }
0x245: {  	[sflag:s28] =	ssyncset.done $0x0  }
0x246: {  	s29 =	rddreg [dreg:$0xc];
	[sflag:s28] =	ssyncadd.s32 $0xFFFFD800  }
0x247: {  	[spmem:s2] =	stream.indirect.scatter.add.f32 [tilespmem:s19], [sflag:$0x7], $0x80, s29, s15, $0xb8;
	[tilespmem:$0x1F380] =	vst v63  }
0x248: {  	_ =	swait.ge [sflag:s30], $0x2800  }
0x249: {  	[sflag:s30] =	ssyncset.done $0x0  }
0x24a: {  	s29 =	rddreg [dreg:$0xd];
	[sflag:s30] =	ssyncadd.s32 $0xFFFFD800  }
0x24b: {  	[tilespmem:s17], [sflag:$0x2] =	stream.indirect.gather [hbm4b:s4+s15], $0x80, s29, s15, $0xb8;
	[tilespmem:$0x1F380] =	vst v63  }
0x24c: {  	_ =	swait.ge [sflag:s0], $0x2800  }
0x24d: {  	[sflag:s0] =	ssyncset.done $0x0  }
0x24e: {  	s29 =	rddreg [dreg:$0xe];
	[sflag:s0] =	ssyncadd.s32 $0xFFFFD800  }
0x24f: {  	[spmem:s2] =	stream.indirect.scatter.add.f32 [tilespmem:s22], [sflag:$0x8], $0x80, s29, s15, $0xb8;
	[tilespmem:$0x1F380] =	vst v63  }
0x250: {  	_ =	swait.ge [sflag:s5], $0x2800  }
0x251: {  	[sflag:s5] =	ssyncset.done $0x0  }
0x252: {  	s29 =	rddreg [dreg:$0xf];
	[sflag:s5] =	ssyncadd.s32 $0xFFFFD800  }
0x253: {  	[tilespmem:s19], [sflag:$0x3] =	stream.indirect.gather [hbm4b:s4+s15], $0x80, s29, s15, $0xb8;
	[tilespmem:$0x1F380] =	vst v63  }
0x254: {  	_ =	swait.ge [sflag:s20], $0x2800  }
0x255: {  	[sflag:s20] =	ssyncset.done $0x0  }
0x256: {  	s29 =	rddreg [dreg:$0x10];
	[sflag:s20] =	ssyncadd.s32 $0xFFFFD800  }
0x257: {  	[spmem:s2] =	stream.indirect.scatter.add.f32 [tilespmem:s16], [sflag:$0x5], $0x80, s29, s15, $0xb8;
	[tilespmem:$0x1F380] =	vst v63  }
0x258: {  	_ =	swait.ge [sflag:s8], $0x2800  }
0x259: {  	[sflag:s8] =	ssyncset.done $0x0  }
0x25a: {  	s29 =	rddreg [dreg:$0x11];
	[sflag:s8] =	ssyncadd.s32 $0xFFFFD800  }
0x25b: {  	[tilespmem:s22], [sflag:$0x4] =	stream.indirect.gather [hbm4b:s4+s15], $0x80, s29, s15, $0xb8;
	[tilespmem:$0x1F380] =	vst v63  }
0x25c: {  	_ =	swait.ge [sflag:s23], $0x2800  }
0x25d: {  	[sflag:s23] =	ssyncset.done $0x0  }
0x25e: {  	s29 =	rddreg [dreg:$0x12];
	[sflag:s23] =	ssyncadd.s32 $0xFFFFD800  }
0x25f: {  	[spmem:s2] =	stream.indirect.scatter.add.f32 [tilespmem:s17], [sflag:$0x6], $0x80, s29, s15, $0xb8;
	[tilespmem:$0x1F380] =	vst v63  }
0x260: {  	_ =	swait.ge [sflag:s25], $0x2800  }
0x261: {  	[sflag:s25] =	ssyncset.done $0x0  }
0x262: {  	s29 =	rddreg [dreg:$0x13];
	[sflag:s25] =	ssyncadd.s32 $0xFFFFD800  }
0x263: {  	[tilespmem:s16], [sflag:$0x1] =	stream.indirect.gather [hbm4b:s4+s15], $0x80, s29, s15, $0xb8;
	[tilespmem:$0x1F380] =	vst v63  }
0x264: {  	_ =	swait.ge [sflag:s28], $0x2800  }
0x265: {  	[sflag:s28] =	ssyncset.done $0x0  }
0x266: {  	s29 =	rddreg [dreg:$0x14];
	[sflag:s28] =	ssyncadd.s32 $0xFFFFD800  }
0x267: {  	[spmem:s2] =	stream.indirect.scatter.add.f32 [tilespmem:s19], [sflag:$0x7], $0x80, s29, s15, $0xb8;
	[tilespmem:$0x1F380] =	vst v63  }
0x268: {  	_ =	swait.ge [sflag:s30], $0x2800  }
0x269: {  	[sflag:s30] =	ssyncset.done $0x0  }
0x26a: {  	s29 =	rddreg [dreg:$0x15];
	[sflag:s30] =	ssyncadd.s32 $0xFFFFD800  }
0x26b: {  	[tilespmem:s17], [sflag:$0x2] =	stream.indirect.gather [hbm4b:s4+s15], $0x80, s29, s15, $0xb8;
	[tilespmem:$0x1F380] =	vst v63  }
0x26c: {  	_ =	swait.ge [sflag:s0], $0x2800  }
0x26d: {  	[sflag:s0] =	ssyncset.done $0x0  }
0x26e: {  	s29 =	rddreg [dreg:$0x16];
	[sflag:s0] =	ssyncadd.s32 $0xFFFFD800  }
0x26f: {  	[spmem:s2] =	stream.indirect.scatter.add.f32 [tilespmem:s22], [sflag:$0x8], $0x80, s29, s15, $0xb8;
	[tilespmem:$0x1F380] =	vst v63  }
0x270: {  	_ =	swait.ge [sflag:s5], $0x2800  }
0x271: {  	[sflag:s5] =	ssyncset.done $0x0  }
0x272: {  	s29 =	rddreg [dreg:$0x17];
	[sflag:s5] =	ssyncadd.s32 $0xFFFFD800  }
0x273: {  	[tilespmem:s19], [sflag:$0x3] =	stream.indirect.gather [hbm4b:s4+s15], $0x80, s29, s15, $0xb8;
	[tilespmem:$0x1F380] =	vst v63  }
0x274: {  	_ =	swait.ge [sflag:s20], $0x2800  }
0x275: {  	[sflag:s20] =	ssyncset.done $0x0  }
0x276: {  	s29 =	rddreg [dreg:$0x18];
	[sflag:s20] =	ssyncadd.s32 $0xFFFFD800  }
0x277: {  	[spmem:s2] =	stream.indirect.scatter.add.f32 [tilespmem:s16], [sflag:$0x5], $0x80, s29, s15, $0xb8;
	[tilespmem:$0x1F380] =	vst v63  }
0x278: {  	_ =	swait.ge [sflag:s8], $0x2800  }
0x279: {  	[sflag:s8] =	ssyncset.done $0x0  }
0x27a: {  	s29 =	rddreg [dreg:$0x19];
	[sflag:s8] =	ssyncadd.s32 $0xFFFFD800  }
0x27b: {  	[tilespmem:s22], [sflag:$0x4] =	stream.indirect.gather [hbm4b:s4+s15], $0x80, s29, s15, $0xb8;
	[tilespmem:$0x1F380] =	vst v63  }
0x27c: {  	_ =	swait.ge [sflag:s23], $0x2800  }
0x27d: {  	[sflag:s23] =	ssyncset.done $0x0  }
0x27e: {  	s29 =	rddreg [dreg:$0x1a];
	[sflag:s23] =	ssyncadd.s32 $0xFFFFD800  }
0x27f: {  	[spmem:s2] =	stream.indirect.scatter.add.f32 [tilespmem:s17], [sflag:$0x6], $0x80, s29, s15, $0xb8;
	[tilespmem:$0x1F380] =	vst v63  }
0x280: {  	_ =	swait.ge [sflag:s25], $0x2800  }
0x281: {  	[sflag:s25] =	ssyncset.done $0x0  }
0x282: {  	s29 =	rddreg [dreg:$0x1b];
	[sflag:s25] =	ssyncadd.s32 $0xFFFFD800  }
0x283: {  	[tilespmem:s16], [sflag:$0x1] =	stream.indirect.gather [hbm4b:s4+s15], $0x80, s29, s15, $0xb8;
	[tilespmem:$0x1F380] =	vst v63  }
0x284: {  	_ =	swait.ge [sflag:s28], $0x2800  }
0x285: {  	[sflag:s28] =	ssyncset.done $0x0  }
0x286: {  	s29 =	rddreg [dreg:$0x1c];
	[sflag:s28] =	ssyncadd.s32 $0xFFFFD800  }
0x287: {  	[spmem:s2] =	stream.indirect.scatter.add.f32 [tilespmem:s19], [sflag:$0x7], $0x80, s29, s15, $0xb8;
	[tilespmem:$0x1F380] =	vst v63  }
0x288: {  	_ =	swait.ge [sflag:s30], $0x2800  }
0x289: {  	[sflag:s30] =	ssyncset.done $0x0  }
0x28a: {  	s29 =	rddreg [dreg:$0x1d];
	[sflag:s30] =	ssyncadd.s32 $0xFFFFD800  }
0x28b: {  	[tilespmem:s17], [sflag:$0x2] =	stream.indirect.gather [hbm4b:s4+s15], $0x80, s29, s15, $0xb8;
	[tilespmem:$0x1F380] =	vst v63  }
0x28c: {  	_ =	swait.ge [sflag:s0], $0x2800  }
0x28d: {  	[sflag:s0] =	ssyncset.done $0x0  }
0x28e: {  	s29 =	rddreg [dreg:$0x1e];
	[sflag:s0] =	ssyncadd.s32 $0xFFFFD800  }
0x28f: {  	[spmem:s2] =	stream.indirect.scatter.add.f32 [tilespmem:s22], [sflag:$0x8], $0x80, s29, s15, $0xb8;
	[tilespmem:$0x1F380] =	vst v63  }
0x290: {  	_ =	swait.ge [sflag:s5], $0x2800  }
0x291: {  	[sflag:s5] =	ssyncset.done $0x0  }
0x292: {  	s29 =	rddreg [dreg:$0x1f];
	[sflag:s5] =	ssyncadd.s32 $0xFFFFD800  }
0x293: {  	[tilespmem:s19], [sflag:$0x3] =	stream.indirect.gather [hbm4b:s4+s15], $0x80, s29, s15, $0xb8;
	[tilespmem:$0x1F380] =	vst v63  }
0x294: {  	_ =	swait.ge [sflag:s20], $0x2800  }
0x295: {  	s29 =	sld [smem:$0x7F7]  }
0x296: {  	[sflag:s20] =	ssyncset.done $0x0  }
0x297: {  	[sflag:s20] =	ssyncadd.s32 $0xFFFFD800  }
0x298: {  	[spmem:s2] =	stream.indirect.scatter.add.f32 [tilespmem:s16], [sflag:$0x5], $0x80, s29, s15, $0xb8;
	[tilespmem:$0x1F380] =	vst v63  }
0x299: {  	_ =	swait.ge [sflag:s8], $0x2800  }
0x29a: {  	s29 =	sld [smem:$0x7F8]  }
0x29b: {  	[sflag:s8] =	ssyncset.done $0x0  }
0x29c: {  	[sflag:s8] =	ssyncadd.s32 $0xFFFFD800  }
0x29d: {  	[tilespmem:s22], [sflag:$0x4] =	stream.indirect.gather [hbm4b:s4+s15], $0x80, s29, s15, $0xb8;
	[tilespmem:$0x1F380] =	vst v63  }
0x29e: {  	_ =	swait.ge [sflag:s23], $0x2800  }
0x29f: {  	s29 =	sld [smem:$0x7F9]  }
0x2a0: {  	[sflag:s23] =	ssyncset.done $0x0  }
0x2a1: {  	[sflag:s23] =	ssyncadd.s32 $0xFFFFD800  }
0x2a2: {  	[spmem:s2] =	stream.indirect.scatter.add.f32 [tilespmem:s17], [sflag:$0x6], $0x80, s29, s15, $0xb8;
	[tilespmem:$0x1F380] =	vst v63  }
0x2a3: {  	_ =	swait.ge [sflag:s25], $0x2800  }
0x2a4: {  	[sflag:s25] =	ssyncset.done $0x0  }
0x2a5: {  	[sflag:s25] =	ssyncadd.s32 $0xFFFFD800  }
0x2a6: {  	_ =	swait.ge [sflag:s28], $0x2800  }
0x2a7: {  	s29 =	sld [smem:$0x7FA]  }
0x2a8: {  	[sflag:s28] =	ssyncset.done $0x0  }
0x2a9: {  	[sflag:s28] =	ssyncadd.s32 $0xFFFFD800  }
0x2aa: {  	[spmem:s2] =	stream.indirect.scatter.add.f32 [tilespmem:s19], [sflag:$0x7], $0x80, s29, s15, $0xb8;
	[tilespmem:$0x1F380] =	vst v63  }
0x2ab: {  	_ =	swait.ge [sflag:s30], $0x2800  }
0x2ac: {  	[sflag:s30] =	ssyncset.done $0x0  }
0x2ad: {  	[sflag:s30] =	ssyncadd.s32 $0xFFFFD800  }
0x2ae: {  	_ =	swait.ge [sflag:s0], $0x2800  }
0x2af: {  	s29 =	sld [smem:$0x7FB]  }
0x2b0: {  	[sflag:s0] =	ssyncset.done $0x0  }
0x2b1: {  	p1 =	seq.s32 s24, $0x690;
	[sflag:s0] =	ssyncadd.s32 $0xFFFFD800  }
0x2b2: {  	[spmem:s2] =	stream.indirect.scatter.add.f32 [tilespmem:s22], [sflag:$0x8], $0x80, s29, s15, $0xb8;
	[tilespmem:$0x1F380] =	vst v63  }
.Ltmp3:
0x2b3: {  	_ =	swait.ge [sflag:s5], $0x2800;
	(pc) =	sbr.rel @!p1 .LBB2_6-.Ltmp3, $4  }
0x2b4: {  	[sflag:s5] =	ssyncset.done $0x0  }
0x2b5: {  	[sflag:s5] =	ssyncadd.s32 $0xFFFFD800  }
0x2b6: {  	_ =	swait.ge [sflag:s8], $0x2800  }
0x2b7: {  	s24 =	sadd.s32 $0xF0, s24;
	s26 =	rddreg [dreg:$0x4];
	[sflag:s8] =	ssyncset.done $0x0  }
.Ltmp4:
0x2b8: {  	_ = 	snop;
	(pc) =	sbr.rel .LBB2_7-.Ltmp4, $1  }
0x2b9: {  	_ =	sdelay $0x3  }
.LBB2_2:
0x2ba: {  	s18 =	sld [smem:$0x7F1];
	_ =	sdelay $0x2  }
0x2bb: {  	[spmem:s24], [sflag:s21] =	dma.local [hbm:s18], $0x2800  }
0x2bc: {  	_ =	swait.ge [sflag:s13], $0x2800  }
0x2bd: {  	[sflag:s13] =	ssyncset.done $0x0  }
0x2be: {  	[sflag:s13] =	ssyncadd.s32 $0xFFFFD800  }
0x2bf: {  	[bflag:$0x0] =	sbarrier.arrive $0xFFFF  }
0x2c0: {  	s24 =	rddreg [dreg:$0x3]  }
0x2c1: {  	s18 =	sadd.s32 $0x0, s24  }
0x2c2: {  	[tilespmem:s3], [sflag:$0x9] =	stream.linear.gather [hbm4b:s18+s3], $0x280, $0x38;
	[tilespmem:$0x1F380] =	vst v63  }
0x2c3: {  	_ =	swait.ge [sflag:s13], $0x280  }
0x2c4: {  	s21 =	sld [smem:$0x7F6]  }
0x2c5: {  	[sflag:s13] =	ssyncset.done $0x0  }
0x2c6: {  	[sflag:s13] =	ssyncadd.s32 $0xFFFFFD80  }
0x2c7: {  	[tilespmem:s14], [sflag:$0x9] =	stream.linear.gather [hbm4b:s21+s3], $0x400, $0x38;
	[tilespmem:$0x1F380] =	vst v63  }
0x2c8: {  	_ =	swait.ge [sflag:s13], $0x400  }
0x2c9: {  	[sflag:s13] =	ssyncset.done $0x0  }
0x2ca: {  	[sflag:s13] =	ssyncadd.s32 $0xFFFFFC00  }
0x2cb: {  	[tilespmem:s16], [sflag:$0x1] =	stream.indirect.gather [hbm4b:s4+s15], $0x80, s3, s15, $0xb8;
	[tilespmem:$0x1F380] =	vst v63  }
0x2cc: {  	_ = 	snop  }
0x2cd: {  	[tilespmem:s17], [sflag:$0x2] =	stream.indirect.gather [hbm4b:s4+s15], $0x80, s15, s15, $0xb8;
	[tilespmem:$0x1F380] =	vst v63  }
0x2ce: {  	_ = 	snop  }
0x2cf: {  	[tilespmem:s19], [sflag:$0x3] =	stream.indirect.gather [hbm4b:s4+s15], $0x80, s26, s15, $0xb8;
	[tilespmem:$0x1F380] =	vst v63  }
0x2d0: {  	_ =	swait.ge [sflag:s20], $0x2800  }
0x2d1: {  	[sflag:s20] =	ssyncset.done $0x0  }
0x2d2: {  	[sflag:s20] =	ssyncadd.s32 $0xFFFFD800  }
0x2d3: {  	[spmem:s2] =	stream.indirect.scatter.add.f32 [tilespmem:s16], [sflag:$0x5], $0x80, s14, s15, $0xb8;
	[tilespmem:$0x1F380] =	vst v63  }
0x2d4: {  	_ = 	snop  }
0x2d5: {  	[tilespmem:s22], [sflag:$0x4] =	stream.indirect.gather [hbm4b:s4+s15], $0x80, s1, s15, $0xb8;
	[tilespmem:$0x1F380] =	vst v63  }
0x2d6: {  	_ =	swait.ge [sflag:s23], $0x2800  }
0x2d7: {  	[sflag:s23] =	ssyncset.done $0x0  }
0x2d8: {  	[sflag:s23] =	ssyncadd.s32 $0xFFFFD800  }
0x2d9: {  	[spmem:s2] =	stream.indirect.scatter.add.f32 [tilespmem:s17], [sflag:$0x6], $0x80, s6, s15, $0xb8;
	[tilespmem:$0x1F380] =	vst v63  }
0x2da: {  	_ =	swait.ge [sflag:s25], $0x2800  }
0x2db: {  	[sflag:s25] =	ssyncset.done $0x0  }
0x2dc: {  	[sflag:s25] =	ssyncadd.s32 $0xFFFFD800  }
0x2dd: {  	[tilespmem:s16], [sflag:$0x1] =	stream.indirect.gather [hbm4b:s4+s15], $0x80, s7, s15, $0xb8;
	[tilespmem:$0x1F380] =	vst v63  }
0x2de: {  	_ =	swait.ge [sflag:s28], $0x2800  }
0x2df: {  	[sflag:s28] =	ssyncset.done $0x0  }
0x2e0: {  	[sflag:s28] =	ssyncadd.s32 $0xFFFFD800  }
0x2e1: {  	[spmem:s2] =	stream.indirect.scatter.add.f32 [tilespmem:s19], [sflag:$0x7], $0x80, s9, s15, $0xb8;
	[tilespmem:$0x1F380] =	vst v63  }
0x2e2: {  	_ =	swait.ge [sflag:s30], $0x2800  }
0x2e3: {  	[sflag:s30] =	ssyncset.done $0x0  }
0x2e4: {  	[sflag:s30] =	ssyncadd.s32 $0xFFFFD800  }
0x2e5: {  	[tilespmem:s17], [sflag:$0x2] =	stream.indirect.gather [hbm4b:s4+s15], $0x80, s10, s15, $0xb8;
	[tilespmem:$0x1F380] =	vst v63  }
0x2e6: {  	_ =	swait.ge [sflag:s0], $0x2800  }
0x2e7: {  	[sflag:s0] =	ssyncset.done $0x0  }
0x2e8: {  	[sflag:s0] =	ssyncadd.s32 $0xFFFFD800  }
0x2e9: {  	[spmem:s2] =	stream.indirect.scatter.add.f32 [tilespmem:s22], [sflag:$0x8], $0x80, s11, s15, $0xb8;
	[tilespmem:$0x1F380] =	vst v63  }
0x2ea: {  	_ =	swait.ge [sflag:s5], $0x2800  }
0x2eb: {  	[sflag:s5] =	ssyncset.done $0x0  }
0x2ec: {  	[sflag:s5] =	ssyncadd.s32 $0xFFFFD800  }
0x2ed: {  	[tilespmem:s19], [sflag:$0x3] =	stream.indirect.gather [hbm4b:s4+s15], $0x80, s12, s15, $0xb8;
	[tilespmem:$0x1F380] =	vst v63  }
0x2ee: {  	_ =	swait.ge [sflag:s20], $0x2800  }
0x2ef: {  	[sflag:s20] =	ssyncset.done $0x0  }
0x2f0: {  	[sflag:s20] =	ssyncadd.s32 $0xFFFFD800  }
0x2f1: {  	[spmem:s2] =	stream.indirect.scatter.add.f32 [tilespmem:s16], [sflag:$0x5], $0x80, s31, s15, $0xb8;
	[tilespmem:$0x1F380] =	vst v63  }
0x2f2: {  	_ =	swait.ge [sflag:s8], $0x2800  }
0x2f3: {  	[sflag:s8] =	ssyncset.done $0x0  }
0x2f4: {  	s29 =	simm.s32 $0x230;
	[sflag:s8] =	ssyncadd.s32 $0xFFFFD800  }
0x2f5: {  	[tilespmem:s22], [sflag:$0x4] =	stream.indirect.gather [hbm4b:s4+s15], $0x80, s29, s15, $0xb8;
	[tilespmem:$0x1F380] =	vst v63  }
0x2f6: {  	_ =	swait.ge [sflag:s23], $0x2800  }
0x2f7: {  	[sflag:s23] =	ssyncset.done $0x0  }
0x2f8: {  	s24 =	simm.s32 $0xA00;
	[sflag:s23] =	ssyncadd.s32 $0xFFFFD800  }
0x2f9: {  	[spmem:s2] =	stream.indirect.scatter.add.f32 [tilespmem:s17], [sflag:$0x6], $0x80, s24, s15, $0xb8;
	[tilespmem:$0x1F380] =	vst v63  }
0x2fa: {  	_ =	swait.ge [sflag:s25], $0x2800  }
0x2fb: {  	[sflag:s25] =	ssyncset.done $0x0  }
0x2fc: {  	[sflag:s25] =	ssyncadd.s32 $0xFFFFD800  }
0x2fd: {  	_ =	swait.ge [sflag:s28], $0x2800  }
0x2fe: {  	[sflag:s28] =	ssyncset.done $0x0  }
0x2ff: {  	s26 =	simm.s32 $0xA80;
	[sflag:s28] =	ssyncadd.s32 $0xFFFFD800  }
0x300: {  	[spmem:s2] =	stream.indirect.scatter.add.f32 [tilespmem:s19], [sflag:$0x7], $0x80, s26, s15, $0xb8;
	[tilespmem:$0x1F380] =	vst v63  }
0x301: {  	_ =	swait.ge [sflag:s30], $0x2800  }
0x302: {  	[sflag:s30] =	ssyncset.done $0x0  }
0x303: {  	[sflag:s30] =	ssyncadd.s32 $0xFFFFD800  }
0x304: {  	_ =	swait.ge [sflag:s0], $0x2800  }
0x305: {  	[sflag:s0] =	ssyncset.done $0x0  }
0x306: {  	s29 =	simm.s32 $0xB00;
	[sflag:s0] =	ssyncadd.s32 $0xFFFFD800  }
0x307: {  	[spmem:s2] =	stream.indirect.scatter.add.f32 [tilespmem:s22], [sflag:$0x8], $0x80, s29, s15, $0xb8;
	[tilespmem:$0x1F380] =	vst v63  }
0x308: {  	_ =	swait.ge [sflag:s5], $0x2800  }
0x309: {  	[sflag:s5] =	ssyncset.done $0x0  }
0x30a: {  	[sflag:s5] =	ssyncadd.s32 $0xFFFFD800  }
0x30b: {  	_ =	swait.ge [sflag:s8], $0x2800  }
0x30c: {  	s18 =	simm.s32 $0x50;
	[sflag:s8] =	ssyncset.done $0x0  }
.LBB2_3:
0x30d: {  	s24 =	rddreg [dreg:$0x3];
	s26 =	smov.u32 s18  }
0x30e: {  	[sflag:s8] =	ssyncadd.s32 $0xFFFFD800;
	s24 =	sadd.s32 s26, s24  }
0x30f: {  	[tilespmem:s3], [sflag:$0x9] =	stream.linear.gather [hbm4b:s24+s3], $0x280, $0x38;
	[tilespmem:$0x1F380] =	vst v63  }
0x310: {  	_ =	swait.ge [sflag:s13], $0x280  }
0x311: {  	[sflag:s13] =	ssyncset.done $0x0  }
0x312: {  	s21 =	sadd.s32 $0x80, s21;
	[sflag:s13] =	ssyncadd.s32 $0xFFFFFD80  }
0x313: {  	[tilespmem:s14], [sflag:$0x9] =	stream.linear.gather [hbm4b:s21+s3], $0x400, $0x38;
	[tilespmem:$0x1F380] =	vst v63  }
0x314: {  	_ =	swait.ge [sflag:s13], $0x400  }
0x315: {  	[sflag:s13] =	ssyncset.done $0x0  }
0x316: {  	[sflag:s13] =	ssyncadd.s32 $0xFFFFFC00  }
0x317: {  	[tilespmem:s16], [sflag:$0x1] =	stream.indirect.gather [hbm4b:s4+s15], $0x80, s3, s15, $0xb8;
	[tilespmem:$0x1F380] =	vst v63  }
0x318: {  	_ = 	snop  }
0x319: {  	[tilespmem:s17], [sflag:$0x2] =	stream.indirect.gather [hbm4b:s4+s15], $0x80, s15, s15, $0xb8;
	[tilespmem:$0x1F380] =	vst v63  }
0x31a: {  	s26 =	simm.s32 $0xA0  }
0x31b: {  	[tilespmem:s19], [sflag:$0x3] =	stream.indirect.gather [hbm4b:s4+s15], $0x80, s26, s15, $0xb8;
	[tilespmem:$0x1F380] =	vst v63  }
0x31c: {  	_ =	swait.ge [sflag:s20], $0x2800  }
0x31d: {  	[sflag:s20] =	ssyncset.done $0x0  }
0x31e: {  	[sflag:s20] =	ssyncadd.s32 $0xFFFFD800  }
0x31f: {  	[spmem:s2] =	stream.indirect.scatter.add.f32 [tilespmem:s16], [sflag:$0x5], $0x80, s14, s15, $0xb8;
	[tilespmem:$0x1F380] =	vst v63  }
0x320: {  	_ = 	snop  }
0x321: {  	[tilespmem:s22], [sflag:$0x4] =	stream.indirect.gather [hbm4b:s4+s15], $0x80, s1, s15, $0xb8;
	[tilespmem:$0x1F380] =	vst v63  }
0x322: {  	_ =	swait.ge [sflag:s23], $0x2800  }
0x323: {  	[sflag:s23] =	ssyncset.done $0x0  }
0x324: {  	[sflag:s23] =	ssyncadd.s32 $0xFFFFD800  }
0x325: {  	[spmem:s2] =	stream.indirect.scatter.add.f32 [tilespmem:s17], [sflag:$0x6], $0x80, s6, s15, $0xb8;
	[tilespmem:$0x1F380] =	vst v63  }
0x326: {  	_ =	swait.ge [sflag:s25], $0x2800  }
0x327: {  	[sflag:s25] =	ssyncset.done $0x0  }
0x328: {  	[sflag:s25] =	ssyncadd.s32 $0xFFFFD800  }
0x329: {  	[tilespmem:s16], [sflag:$0x1] =	stream.indirect.gather [hbm4b:s4+s15], $0x80, s7, s15, $0xb8;
	[tilespmem:$0x1F380] =	vst v63  }
0x32a: {  	_ =	swait.ge [sflag:s28], $0x2800  }
0x32b: {  	[sflag:s28] =	ssyncset.done $0x0  }
0x32c: {  	[sflag:s28] =	ssyncadd.s32 $0xFFFFD800  }
0x32d: {  	[spmem:s2] =	stream.indirect.scatter.add.f32 [tilespmem:s19], [sflag:$0x7], $0x80, s9, s15, $0xb8;
	[tilespmem:$0x1F380] =	vst v63  }
0x32e: {  	_ =	swait.ge [sflag:s30], $0x2800  }
0x32f: {  	[sflag:s30] =	ssyncset.done $0x0  }
0x330: {  	[sflag:s30] =	ssyncadd.s32 $0xFFFFD800  }
0x331: {  	[tilespmem:s17], [sflag:$0x2] =	stream.indirect.gather [hbm4b:s4+s15], $0x80, s10, s15, $0xb8;
	[tilespmem:$0x1F380] =	vst v63  }
0x332: {  	_ =	swait.ge [sflag:s0], $0x2800  }
0x333: {  	[sflag:s0] =	ssyncset.done $0x0  }
0x334: {  	[sflag:s0] =	ssyncadd.s32 $0xFFFFD800  }
0x335: {  	[spmem:s2] =	stream.indirect.scatter.add.f32 [tilespmem:s22], [sflag:$0x8], $0x80, s11, s15, $0xb8;
	[tilespmem:$0x1F380] =	vst v63  }
0x336: {  	_ =	swait.ge [sflag:s5], $0x2800  }
0x337: {  	[sflag:s5] =	ssyncset.done $0x0  }
0x338: {  	[sflag:s5] =	ssyncadd.s32 $0xFFFFD800  }
0x339: {  	[tilespmem:s19], [sflag:$0x3] =	stream.indirect.gather [hbm4b:s4+s15], $0x80, s12, s15, $0xb8;
	[tilespmem:$0x1F380] =	vst v63  }
0x33a: {  	_ =	swait.ge [sflag:s20], $0x2800  }
0x33b: {  	[sflag:s20] =	ssyncset.done $0x0  }
0x33c: {  	[sflag:s20] =	ssyncadd.s32 $0xFFFFD800  }
0x33d: {  	[spmem:s2] =	stream.indirect.scatter.add.f32 [tilespmem:s16], [sflag:$0x5], $0x80, s31, s15, $0xb8;
	[tilespmem:$0x1F380] =	vst v63  }
0x33e: {  	_ =	swait.ge [sflag:s8], $0x2800  }
0x33f: {  	[sflag:s8] =	ssyncset.done $0x0  }
0x340: {  	s29 =	simm.s32 $0x230;
	[sflag:s8] =	ssyncadd.s32 $0xFFFFD800  }
0x341: {  	[tilespmem:s22], [sflag:$0x4] =	stream.indirect.gather [hbm4b:s4+s15], $0x80, s29, s15, $0xb8;
	[tilespmem:$0x1F380] =	vst v63  }
0x342: {  	_ =	swait.ge [sflag:s23], $0x2800  }
0x343: {  	[sflag:s23] =	ssyncset.done $0x0  }
0x344: {  	s29 =	simm.s32 $0xA00;
	[sflag:s23] =	ssyncadd.s32 $0xFFFFD800  }
0x345: {  	[spmem:s2] =	stream.indirect.scatter.add.f32 [tilespmem:s17], [sflag:$0x6], $0x80, s29, s15, $0xb8;
	[tilespmem:$0x1F380] =	vst v63  }
0x346: {  	_ =	swait.ge [sflag:s25], $0x2800  }
0x347: {  	[sflag:s25] =	ssyncset.done $0x0  }
0x348: {  	[sflag:s25] =	ssyncadd.s32 $0xFFFFD800  }
0x349: {  	_ =	swait.ge [sflag:s28], $0x2800  }
0x34a: {  	[sflag:s28] =	ssyncset.done $0x0  }
0x34b: {  	s29 =	simm.s32 $0xA80;
	[sflag:s28] =	ssyncadd.s32 $0xFFFFD800  }
0x34c: {  	[spmem:s2] =	stream.indirect.scatter.add.f32 [tilespmem:s19], [sflag:$0x7], $0x80, s29, s15, $0xb8;
	[tilespmem:$0x1F380] =	vst v63  }
0x34d: {  	_ =	swait.ge [sflag:s30], $0x2800  }
0x34e: {  	[sflag:s30] =	ssyncset.done $0x0  }
0x34f: {  	[sflag:s30] =	ssyncadd.s32 $0xFFFFD800  }
0x350: {  	_ =	swait.ge [sflag:s0], $0x2800  }
0x351: {  	[sflag:s0] =	ssyncset.done $0x0  }
0x352: {  	p1 =	sne.s32 s18, $0x230;
	s29 =	simm.s32 $0xB00;
	[sflag:s0] =	ssyncadd.s32 $0xFFFFD800  }
0x353: {  	[spmem:s2] =	stream.indirect.scatter.add.f32 [tilespmem:s22], [sflag:$0x8], $0x80, s29, s15, $0xb8;
	[tilespmem:$0x1F380] =	vst v63  }
.Ltmp5:
0x354: {  	_ =	swait.ge [sflag:s5], $0x2800;
	(pc) =	sbr.rel @p1 .LBB2_3-.Ltmp5, $4  }
0x355: {  	[sflag:s5] =	ssyncset.done $0x0  }
0x356: {  	[sflag:s5] =	ssyncadd.s32 $0xFFFFD800  }
0x357: {  	_ =	swait.ge [sflag:s8], $0x2800  }
0x358: {  	s18 =	sadd.s32 $0x50, s18;
	[sflag:s8] =	ssyncset.done $0x0  }
.Ltmp6:
0x359: {  	(pc) =	sbr.rel .LBB2_8-.Ltmp6, $3  }
0x35a: {  	_ =	sdelay $0x1  }
0x35b: {  	s29 =	sld [smem:$0x7F0]  }
0x35c: {  	[sflag:s8] =	ssyncadd.s32 $0xFFFFD800;
	s18 =	sld [smem:$0x7F3]  }
.LBB2_9:
0x35d: {  	_ =	sfence.sel $0x180000  }
0x35e: {  	[bflag:$0x0] =	sbarrier.arrive $0xFFFF  }
0x35f: {  	_ =	strace $0x9000004A  }
0x360: {  	s0 =	stileid.u32;
	[bflag:$0x2] =	sbarrier.arrive $0xFFFF  }
0x361: {  	p0 =	sne.s32 s0, $0x0;
	s0 =	rddreg [dreg:$0x2]  }
0x362: {  	s0 =	sadd.s32 @!p0 $0x100000, s0  }
0x363: {  	[sflag:s0] =	ssyncadd.tile.s32 @!p0 $0x1;
	_ =	shalt  }
.Lfunc_end2:
_tile_overlayer_lowered:
.L_overlay_start_2:
0x364: {  	(tag) =	ssettag $0x2  }
0x365: {  	s0 =	rddreg [dreg:$0x0];
	s2 =	stileid.u32  }
0x366: {  	s1 =	rddreg [dreg:$0x1];
	p0 =	sne.s32 s2, $0x0  }
0x367: {  	s3 =	rddreg [dreg:$0x2];
	[bflag:$0x3] =	sbarrier.arrive $0xFFFF;
	s2 =	simm.s32 @!p0 $0x1C09  }
0x368: {  	[timem:s3], [sflag:s2] =	dma.local @!p0 [hbm:s0], s1  }
0x369: {  	s0 =	simm.s32 @!p0 $0x9  }
0x36a: {  	_ =	swait.ge @!p0 [sflag:s0], s1  }
0x36b: {  	s1 =	ssub.s32 @!p0 $0x0, s1;
	[sflag:s0] =	ssyncset.done @!p0 $0x0  }
0x36c: {  	[sflag:s0] =	ssyncadd.s32 @!p0 s1  }
0x36d: {  	[bflag:$0x3] =	sbarrier.arrive $0xFFFF  }
0x36e: {  	_ =	shalt  }

// kernel: kernel.15.cloned.1.call-start
scs
__scs_entry_jumppad:
0x0: {  	(pc) =	sbr.rel $0x88, $3  }
0x1: {  	(tag) =	ssettag $0x0;
	lr =	simm.s32 $0x1  }
0x2: {  	[smem:$0x3F82] =	sst lr;
	_ =	strace $0xD0000000  }
0x3: {  	_ = 	snop  }
0x4: {  	_ = 	snop  }
0x5: {  	_ = 	snop  }
0x6: {  	_ = 	snop  }
0x7: {  	_ = 	snop  }
__scs_overlays_trampoline_lowered:
0x8: {  	[smem:$0x3F91] =	sst s0  }
0x9: {  	[smem:$0x3F92] =	sst s1  }
0xa: {  	[smem:$0x3F93] =	sst s2  }
0xb: {  	[smem:$0x3F94] =	sst s3  }
0xc: {  	[smem:$0x3F95] =	sst s4  }
0xd: {  	[smem:$0x3F96] =	sst s5  }
0xe: {  	[smem:$0x3F97] =	sst s6  }
0xf: {  	[smem:$0x3F98] =	sst s7  }
0x10: {  	[smem:$0x3F99] =	sst s8  }
0x11: {  	[smem:$0x3F9A] =	sst s9;
	s0 =	simm.s32 @!p0 $0x0  }
0x12: {  	s1 =	sld [smem:$0x3F80];
	s0 =	simm.s32 @p0 $0x1  }
0x13: {  	[smem:$0x3F9B] =	sst s0;
	s0 =	simm.s32 @!p1 $0x0  }
0x14: {  	s2 =	sld [smem:$0x3F7F];
	s0 =	simm.s32 @p1 $0x1  }
0x15: {  	[smem:$0x3F9C] =	sst s0;
	s0 =	simm.s32 @!p2 $0x0  }
0x16: {  	s3 =	sld [smem:$0x3FDB];
	s0 =	simm.s32 @p2 $0x1  }
0x17: {  	s4 =	simm.s32 $0x1BF5;
	[smem:$0x3F9E] =	sst s0  }
0x18: {  	s0 =	sld [smem:$0x3F81];
	_ =	swait.ge [sflag:s4], $0x0  }
0x19: {  	s7 =	sld [smem:$0x3F82]  }
0x1a: {  	s8 =	sadd.s32 $0xFFFFE003, lr  }
0x1b: {  	s9 =	sadd.s32 $0xFFFFFEF7, lr;
	s5 =	simm.s32 $0xFFFFFFFF;
	p2 =	slt.u32 s8, $0xFFFFF086  }
0x1c: {  	p1 =	slt.u32 s9, $0xF7A;
	s5 =	simm.s32 @!p2 $0x0  }
0x1d: {  	s5 =	simm.s32 @p1 $0x1;
	p0 =	seq.s32 s7, s2  }
0x1e: {  	s7 =	smul.u32 @!p0 $0xF7A, s2;
	p2 =	seq.s32 @!p0 s5, $0x0  }
0x1f: {  	s9 =	smul.u32 $0xF7A, s1;
	s8 =	simm.s32 @!p0 $0x1BF5;
	p2 =	por !p2, p0  }
0x20: {  	[sflag:s8] =	ssyncset.s32 @!p0 $0xFFFFF086;
	s6 =	sadd.s32 @!p0 s3, s7;
	s7 =	simm.s32 @!p0 $0x108  }
0x21: {  	s3 =	sadd.s32 s3, s9;
	s6 =	sadd.s32 @!p0 $0x88, s6;
	s7 =	simm.s32 @p2 $0x1082  }
0x22: {  	[simem:s7], [sflag:s8] =	dma.local @!p0 [hbm:s6], $0xF7A  }
0x23: {  	s9 =	sor.u32 $0xD0000000, s2;
	s6 =	simm.s32 $0x108;
	_ =	swait.ge @!p0 [sflag:s8], $0x0  }
0x24: {  	s3 =	sadd.s32 $0x88, s3;
	s6 =	simm.s32 @!p1 $0x1082;
	[sflag:s4] =	ssyncset.s32 $0xFFFFF086  }
0x25: {  	[simem:s6], [sflag:s4] =	dma.local [hbm:s3], $0xF7A  }
0x26: {  	[smem:$0x3F82] =	sst s1;
	(tag) =	ssettag s2;
	_ =	strace s9  }
0x27: {  	s1 =	sld [smem:$0x3F92]  }
0x28: {  	s2 =	sld [smem:$0x3F93]  }
0x29: {  	s4 =	sld [smem:$0x3F95]  }
0x2a: {  	p0 =	seq.s32 s5, $0x0;
	s5 =	sld [smem:$0x3F96]  }
0x2b: {  	s6 =	sld [smem:$0x3F97]  }
0x2c: {  	s7 =	sld [smem:$0x3F98]  }
0x2d: {  	s3 =	simm.s32 $0x108;
	s8 =	sld [smem:$0x3F99]  }
0x2e: {  	s3 =	simm.s32 @!p0 $0x1082;
	s9 =	sld [smem:$0x3F9A]  }
0x2f: {  	lr =	sadd.s32 s0, s3;
	s0 =	sld [smem:$0x3F91]  }
0x30: {  	s3 =	sld [smem:$0x3F94]  }
0x31: {  	[smem:$0x3F9D] =	sst s10  }
0x32: {  	s10 =	sld [smem:$0x3F9B];
	_ =	sdelay $0x3  }
0x33: {  	p0 =	seq.s32 s10, $0x1;
	s10 =	sld [smem:$0x3F9D];
	_ =	sdelay $0x3  }
0x34: {  	[smem:$0x3F9D] =	sst s10  }
0x35: {  	s10 =	sld [smem:$0x3F9C];
	_ =	sdelay $0x3  }
0x36: {  	p1 =	seq.s32 s10, $0x1;
	s10 =	sld [smem:$0x3F9D];
	_ =	sdelay $0x3  }
0x37: {  	[smem:$0x3F9D] =	sst s10  }
0x38: {  	s10 =	sld [smem:$0x3F9E]  }
0x39: {  	_ = 	snop;
	(pc) =	sbr.ind lr, $3  }
0x3a: {  	_ = 	snop  }
0x3b: {  	_ = 	snop  }
0x3c: {  	p2 =	seq.s32 s10, $0x1;
	s10 =	sld [smem:$0x3F9D]  }
0x3d: {  	_ =	shalt  }
0x3e: {  	_ =	shalt  }
0x3f: {  	_ =	shalt  }
0x40: {  	_ =	shalt  }
0x41: {  	_ =	shalt  }
0x42: {  	_ =	shalt  }
0x43: {  	_ =	shalt  }
0x44: {  	_ =	shalt  }
0x45: {  	_ =	shalt  }
0x46: {  	_ =	shalt  }
0x47: {  	_ =	shalt  }
0x48: {  	_ =	shalt  }
0x49: {  	_ =	shalt  }
0x4a: {  	_ =	shalt  }
0x4b: {  	_ =	shalt  }
0x4c: {  	_ =	shalt  }
0x4d: {  	_ =	shalt  }
0x4e: {  	_ =	shalt  }
0x4f: {  	_ =	shalt  }
0x50: {  	_ =	shalt  }
0x51: {  	_ =	shalt  }
0x52: {  	_ =	shalt  }
0x53: {  	_ =	shalt  }
0x54: {  	_ =	shalt  }
0x55: {  	_ =	shalt  }
0x56: {  	_ =	shalt  }
0x57: {  	_ =	shalt  }
0x58: {  	_ =	shalt  }
0x59: {  	_ =	shalt  }
0x5a: {  	_ =	shalt  }
0x5b: {  	_ =	shalt  }
0x5c: {  	_ =	shalt  }
0x5d: {  	_ =	shalt  }
0x5e: {  	_ =	shalt  }
0x5f: {  	_ =	shalt  }
0x60: {  	_ =	shalt  }
0x61: {  	_ =	shalt  }
0x62: {  	_ =	shalt  }
0x63: {  	_ =	shalt  }
0x64: {  	_ =	shalt  }
0x65: {  	_ =	shalt  }
0x66: {  	_ =	shalt  }
0x67: {  	_ =	shalt  }
0x68: {  	_ =	shalt  }
0x69: {  	_ =	shalt  }
0x6a: {  	_ =	shalt  }
0x6b: {  	_ =	shalt  }
0x6c: {  	_ =	shalt  }
0x6d: {  	_ =	shalt  }
0x6e: {  	_ =	shalt  }
0x6f: {  	_ =	shalt  }
0x70: {  	_ =	shalt  }
0x71: {  	_ =	shalt  }
0x72: {  	_ =	shalt  }
0x73: {  	_ =	shalt  }
0x74: {  	_ =	shalt  }
0x75: {  	_ =	shalt  }
0x76: {  	_ =	shalt  }
0x77: {  	_ =	shalt  }
0x78: {  	_ =	shalt  }
0x79: {  	_ =	shalt  }
0x7a: {  	_ =	shalt  }
0x7b: {  	_ =	shalt  }
0x7c: {  	_ =	shalt  }
0x7d: {  	_ =	shalt  }
0x7e: {  	_ =	shalt  }
0x7f: {  	_ =	shalt  }
0x80: {  	_ =	shalt  }
0x81: {  	_ =	shalt  }
0x82: {  	_ =	shalt  }
0x83: {  	_ =	shalt  }
0x84: {  	_ =	shalt  }
0x85: {  	_ =	shalt  }
0x86: {  	_ =	shalt  }
0x87: {  	_ =	shalt  }
.Lfunc_end0:
.L_simem_size_0:
called_computation.2_lowered:
.L_overlay_start_0:
0x88: {  	s2 =	sld [smem:$0x3FD9]  }
0x89: {  	s3 =	sld [smem:$0x3FFE];
	_ =	sdelay $0x1  }
0x8a: {  	s1 =	srdreg.scid  }
0x8b: {  	s0 =	sand.u32 $0x1, s1  }
0x8c: {  	s16 =	sshll.u32 s0, $0xA;
	s2 =	sadd.s32 s3, s2  }
0x8d: {  	s2 =	sadd.s32 s2, s16  }
0x8e: {  	[smem:$0x3FA9] =	sst s2  }
0x8f: {  	_ = 	snop  }
0x90: {  	(tm) =	ssettm $0x1  }
0x91: {  	s17 =	sld [smem:$0x3FFB];
	_ =	sdelay $0x3  }
0x92: {  	_ =	strace s17  }
0x93: {  	s2 =	sld [smem:$0x3FFC];
	_ =	sdelay $0x3  }
0x94: {  	_ =	strace s2  }
0x95: {  	s2 =	sld [smem:$0x3FFD];
	_ =	sdelay $0x3  }
0x96: {  	_ =	strace s2  }
0x97: {  	_ =	strace $0x8FFFFFFF  }
0x98: {  	s18 =	sld [smem:$0x3FDB];
	_ =	sdelay $0x1  }
0x99: {  	s19 =	simm.s32 $_scs_section_size  }
0x9a: {  	s4 =	simm.s32 $_size__tile_overlayer_lowered;
	s5 =	simm.s32 $_tile_overlayer_lowered  }
0x9b: {  	s22 =	simm.s32 $0x1BFF;
	s21 =	sshll.u32 s5, $0x1;
	s2 =	sadd.s32 s19, s18  }
0x9c: {  	s6 =	simm.s32 $0x0;
	s20 =	sshll.u32 s4, $0x1;
	s4 =	sadd.s32 s21, s2  }
0x9d: {  	[timem:s6], [sflag:s22] =	dma.local [hbm:s4], s20  }
0x9e: {  	_ =	swait.ge [sflag:s22], s20  }
0x9f: {  	s3 =	ssub.s32 $0x0, s20;
	[sflag:s22] =	ssyncset.done $0x0  }
0xa0: {  	[sflag:s22] =	ssyncadd.s32 s3;
	_ =	sdelay $0x1  }
0xa1: {  	s23 =	simm.s32 $0x1B8B  }
0xa2: {  	_ =	swait.ge [sflag:s23], $0x1  }
0xa3: {  	[sflag:s23] =	ssyncset.done $0x0  }
0xa4: {  	s25 =	simm.s32 $0x1B8E;
	s24 =	sld [smem:$0x3FFE];
	[sflag:s23] =	ssyncadd.s32 $0xFFFFFFFF  }
0xa5: {  	s26 =	simm.s32 $execute0_lowered;
	[smem:$0x3FD2] =	sst s25  }
0xa6: {  	s4 =	sshll.u32 s26, $0x1;
	_ =	strace $0x8000004C;
	[dreg:$0x1] =	wrdreg $0xFFFFFFFF  }
0xa7: {  	s28 =	simm.s32 $_size_execute0_lowered;
	s2 =	sadd.s32 s2, s4;
	[dreg:$0x0] =	wrdreg $0x0  }
0xa8: {  	s4 =	sshll.u32 s28, $0x1;
	[dreg:$0x2] =	wrdreg s2  }
0xa9: {  	[dreg:$0x3] =	wrdreg s4  }
0xaa: {  	[dreg:$0x4] =	wrdreg $0xC0  }
0xab: {  	_ =	task [dreg:s6], $0x5FFFF  }
0xac: {  	[dreg:$0x1] =	wrdreg $0xFFFFFFFF  }
0xad: {  	[dreg:$0x0] =	wrdreg $0x60  }
0xae: {  	[dreg:$0x2] =	wrdreg s24  }
0xaf: {  	[dreg:$0x3] =	wrdreg $0xB3800  }
0xb0: {  	[dreg:$0x4] =	wrdreg $0x9  }
0xb1: {  	_ =	task.clear_ibuf [dreg:s6], $0x5FFFF;
	_ =	strace $0x9000004C  }
0xb2: {  	s29 =	simm.s32 $0x9;
	_ =	strace $0x8000004E  }
0xb3: {  	_ =	swait.ge [sflag:s29], $0x1  }
0xb4: {  	[sflag:s29] =	ssyncadd.s32 $0xFFFFFFFF  }
0xb5: {  	_ =	strace $0x9000004E  }
0xb6: {  	_ =	sfence  }
0xb7: {  	s30 =	sld [smem:$0x0];
	_ =	sdelay $0x2  }
0xb8: {  	s31 =	sshll.u32 s1, $0xD;
	s1 =	sshrl.u32 s1, $0x2  }
0xb9: {  	s3 =	sand.u32 $0x4000, s31;
	s1 =	sadd.s32 s1, s30  }
0xba: {  	s0 =	sor.u32 s3, s0;
	s1 =	sshll.u32 s1, $0x11  }
0xbb: {  	s0 =	sor.u32 s1, s0  }
0xbc: {  	s0 =	sadd.s32 $0x8F2B, s0  }
0xbd: {  	[sflag:s0] =	ssyncadd.remote.s32 $0x1  }
0xbe: {  	_ =	sfence.sel $0xFFFF  }
0xbf: {  	[dreg:$0x0] =	wrdreg $0xFFFFFFFF;
	(pc) =	sbr.abs _section_cstart, $3  }
0xc0: {  	[dreg:$0x1] =	wrdreg $0xFFFFFFFF  }
0xc1: {  	_ =	task.clear_ibuf [dreg:s6], $0x2FFFF;
	_ =	strace $0x9FFFFFFF  }
0xc2: {  	(tm) =	ssettm $0x7FFFFFFF  }
0xc3: {  	_ =	shalt  }
tec
execute0_lowered:
.L_overlay_start_1:
0x0: {  	(tag) =	ssettag $0x1  }
0x1: {  	s0 =	rddreg [dreg:$0x0]  }
0x2: {  	s2 =	rddreg [dreg:$0x1];
	s3 =	simm.s32 $0x0  }
0x3: {  	s12 =	stileid.u32;
	s7 =	srdreg.scid;
	s14 =	simm.s32 $0x280  }
0x4: {  	s15 =	simm.s32 $0x2D0;
	s16 =	simm.s32 $0x320;
	[smem:$0x7FF] =	sst s3  }
0x5: {  	s17 =	simm.s32 $0xB80;
	_ =	strace $0x8000004D;
	[dreg:$0x5] =	wrdreg s14  }
0x6: {  	s19 =	simm.s32 $0x370;
	s21 =	simm.s32 $0xC00;
	[dreg:$0x6] =	wrdreg s15  }
0x7: {  	s22 =	simm.s32 $0x3C0;
	s23 =	simm.s32 $0xC80;
	[dreg:$0x7] =	wrdreg s16  }
0x8: {  	s25 =	simm.s32 $0x410;
	s26 =	simm.s32 $0xD00;
	[dreg:$0x8] =	wrdreg s17  }
0x9: {  	s28 =	simm.s32 $0x3;
	s30 =	simm.s32 $0x6;
	[dreg:$0x9] =	wrdreg s19  }
0xa: {  	s31 =	simm.s32 $0x980;
	s29 =	simm.s32 $0x0;
	[dreg:$0xa] =	wrdreg s21  }
0xb: {  	s1 =	smul.u32 $0xA00, s12;
	s4 =	sadd.s32 $0x20200, s0;
	[dreg:$0xb] =	wrdreg s22  }
0xc: {  	s5 =	sshll.u32 s12, $0xC;
	s6 =	smul.u32 $0x2800, s12;
	[dreg:$0xc] =	wrdreg s23  }
0xd: {  	s7 =	sand.u32 $0x1, s7;
	s8 =	smul.u32 $0x280, s12;
	[dreg:$0xd] =	wrdreg s25  }
0xe: {  	s11 =	smul.u32 $0x50000, s12;
	[dreg:$0xe] =	wrdreg s26;
	s15 =	simm.s32 $0xE00  }
0xf: {  	s5 =	sadd.s32 s5, s0;
	s17 =	simm.s32 $0x500;
	[dreg:$0x12] =	wrdreg s15  }
0x10: {  	s10 =	smul.u32 $0x2800, s7;
	s19 =	simm.s32 $0xE80;
	[dreg:$0x13] =	wrdreg s17  }
0x11: {  	s18 =	ssub.s32 $0x2, s7;
	s22 =	simm.s32 $0xF00;
	[dreg:$0x14] =	wrdreg s19  }
0x12: {  	p0 =	seq.s32 s7, $0x0;
	s23 =	simm.s32 $0x5A0;
	[dreg:$0x16] =	wrdreg s22  }
0x13: {  	s21 =	sshll.u32 s12, $0x6;
	s25 =	simm.s32 $0xF80;
	[dreg:$0x17] =	wrdreg s23  }
0x14: {  	s26 =	simm.s32 $0x5F0;
	s7 =	simm.s32 $0x690;
	[dreg:$0x18] =	wrdreg s25  }
0x15: {  	s12 =	simm.s32 $0x1200;
	s1 =	sadd.s32 s1, s0;
	[dreg:$0x19] =	wrdreg s26  }
0x16: {  	s13 =	sadd.s32 s6, s0;
	s20 =	sshrl.u32 s18, $0x1;
	[dreg:$0x1d] =	wrdreg s7  }
0x17: {  	s24 =	sshrl.u32 s11, $0x2;
	s6 =	sadd.s32 s4, s6;
	[smem:$0x7F9] =	sst s12  }
0x18: {  	s11 =	simm.s32 $0xD80;
	s16 =	sadd.s32 $0x6200, s5;
	[smem:$0x7F2] =	sst s6  }
0x19: {  	s21 =	sor.u32 $0x1C09, s21;
	s15 =	simm.s32 $0x50;
	[dreg:$0x10] =	wrdreg s11  }
0x1a: {  	s17 =	simm.s32 $0x3B80;
	s25 =	simm.s32 $0x1300;
	[smem:$0x7F5] =	sst s16  }
0x1b: {  	s26 =	simm.s32 $0xA0;
	s19 =	simm.s32 $0x6380;
	[smem:$0x7FB] =	sst s25  }
0x1c: {  	s22 =	simm.s32 $0x8B80;
	s9 =	sadd.s32 $0x16200, s1;
	[smem:$0x7FC] =	sst s21  }
0x1d: {  	s23 =	simm.s32 $0x2;
	s1 =	sadd.s32 $0x16980, s1;
	[dreg:$0x4] =	wrdreg s9  }
0x1e: {  	s7 =	simm.s32 $0x140;
	s6 =	simm.s32 $0x1080;
	[dreg:$0x3] =	wrdreg s1  }
0x1f: {  	s12 =	simm.s32 $0x1E0;
	s11 =	simm.s32 $0x730;
	[dreg:$0x1c] =	wrdreg s6  }
0x20: {  	s8 =	sadd.s32 s8, s10;
	s9 =	sadd.s32 $0x48200, s13;
	[smem:$0x7F8] =	sst s11  }
0x21: {  	s10 =	sadd.s32 s24, s2;
	s13 =	simm.s32 $0x4B0;
	[smem:$0x7F1] =	sst s9  }
0x22: {  	s16 =	simm.s32 $0x1380;
	s1 =	simm.s32 $0x1000;
	[dreg:$0x11] =	wrdreg s13  }
0x23: {  	s24 =	sshrl.u32 s10, $0x3;
	s10 =	simm.s32 $0x1180;
	[dreg:$0x1a] =	wrdreg s1  }
0x24: {  	s25 =	simm.s32 $0x5;
	s8 =	sshll.u32 s8, $0x4;
	[smem:$0x7F7] =	sst s10  }
0x25: {  	s0 =	sadd.s32 s8, s0;
	s9 =	simm.s32 $0x460;
	[smem:$0x7FD] =	sst s24  }
0x26: {  	s8 =	ssub.s32 s18, s20;
	s18 =	sadd.s32 $0x6E00, s5;
	[dreg:$0xf] =	wrdreg s9  }
0x27: {  	s6 =	simm.s32 $0x800;
	s20 =	simm.s32 $0x550;
	[smem:$0x7F6] =	sst s18  }
0x28: {  	s11 =	simm.s32 $0x900;
	s5 =	simm.s32 $0x640;
	[dreg:$0x15] =	wrdreg s20  }
0x29: {  	s13 =	simm.s32 $0x9;
	s0 =	sadd.s32 $0x70200, s0;
	[dreg:$0x1b] =	wrdreg s5  }
0x2a: {  	s1 =	simm.s32 $0xF0;
	s14 =	smax.u32 s8, $0x1;
	[smem:$0x7F3] =	sst s0  }
.Ltmp0:
0x2b: {  	s8 =	simm.s32 $0x1100;
	[smem:$0x7F4] =	sst s14;
	(pc) =	sbr.rel .LBB2_1-.Ltmp0, $4  }
0x2c: {  	s10 =	simm.s32 $0x190;
	s9 =	simm.s32 $0x6E0;
	[dreg:$0x1e] =	wrdreg s8  }
0x2d: {  	s20 =	simm.s32 $0x1;
	s18 =	simm.s32 $0x1280;
	[dreg:$0x1f] =	wrdreg s9  }
0x2e: {  	s5 =	simm.s32 $0x7;
	s14 =	simm.s32 $0x780;
	[smem:$0x7FA] =	sst s18  }
0x2f: {  	s9 =	simm.s32 $0x880;
	s0 =	simm.s32 $0x4;
	s8 =	simm.s32 $0x8  }
.LBB2_7:
0x30: {  	s21 =	sadd.s32 s21, s26;
	[sflag:s8] =	ssyncadd.s32 $0xFFFFD800  }
0x31: {  	[tilespmem:s3], [sflag:$0x9] =	stream.linear.gather [hbm4b:s21+s3], $0x780, $0x38;
	[tilespmem:$0x1F380] =	vst v63  }
0x32: {  	_ =	swait.ge [sflag:s13], $0x780  }
0x33: {  	[sflag:s13] =	ssyncset.done $0x0  }
0x34: {  	s18 =	sadd.s32 $0x180, s18;
	[sflag:s13] =	ssyncadd.s32 $0xFFFFF880  }
0x35: {  	[tilespmem:s14], [sflag:$0x9] =	stream.linear.gather [hbm4b:s18+s3], $0xC00, $0x38;
	[tilespmem:$0x1F380] =	vst v63  }
0x36: {  	_ =	swait.ge [sflag:s13], $0xC00  }
0x37: {  	[sflag:s13] =	ssyncset.done $0x0  }
0x38: {  	[sflag:s13] =	ssyncadd.s32 $0xFFFFF400  }
0x39: {  	[tilespmem:s16], [sflag:$0x1] =	stream.indirect.gather [hbm4b:s4+s15], $0x80, s3, s15, $0xb8;
	[tilespmem:$0x1F380] =	vst v63  }
0x3a: {  	_ = 	snop  }
0x3b: {  	[tilespmem:s17], [sflag:$0x2] =	stream.indirect.gather [hbm4b:s4+s15], $0x80, s15, s15, $0xb8;
	[tilespmem:$0x1F380] =	vst v63  }
0x3c: {  	_ = 	snop  }
0x3d: {  	[tilespmem:s19], [sflag:$0x3] =	stream.indirect.gather [hbm4b:s4+s15], $0x80, s31, s15, $0xb8;
	[tilespmem:$0x1F380] =	vst v63  }
0x3e: {  	_ =	swait.ge [sflag:s20], $0x2800  }
0x3f: {  	[sflag:s20] =	ssyncset.done $0x0  }
0x40: {  	[sflag:s20] =	ssyncadd.s32 $0xFFFFD800  }
0x41: {  	[spmem:s2] =	stream.indirect.scatter.add.f32 [tilespmem:s16], [sflag:$0x5], $0x80, s14, s15, $0xb8;
	[tilespmem:$0x1F380] =	vst v63  }
0x42: {  	_ = 	snop  }
0x43: {  	[tilespmem:s22], [sflag:$0x4] =	stream.indirect.gather [hbm4b:s4+s15], $0x80, s1, s15, $0xb8;
	[tilespmem:$0x1F380] =	vst v63  }
0x44: {  	_ =	swait.ge [sflag:s23], $0x2800  }
0x45: {  	[sflag:s23] =	ssyncset.done $0x0  }
0x46: {  	[sflag:s23] =	ssyncadd.s32 $0xFFFFD800  }
0x47: {  	[spmem:s2] =	stream.indirect.scatter.add.f32 [tilespmem:s17], [sflag:$0x6], $0x80, s6, s15, $0xb8;
	[tilespmem:$0x1F380] =	vst v63  }
0x48: {  	_ =	swait.ge [sflag:s25], $0x2800  }
0x49: {  	[sflag:s25] =	ssyncset.done $0x0  }
0x4a: {  	[sflag:s25] =	ssyncadd.s32 $0xFFFFD800  }
0x4b: {  	[tilespmem:s16], [sflag:$0x1] =	stream.indirect.gather [hbm4b:s4+s15], $0x80, s7, s15, $0xb8;
	[tilespmem:$0x1F380] =	vst v63  }
0x4c: {  	_ =	swait.ge [sflag:s28], $0x2800  }
0x4d: {  	[sflag:s28] =	ssyncset.done $0x0  }
0x4e: {  	[sflag:s28] =	ssyncadd.s32 $0xFFFFD800  }
0x4f: {  	[spmem:s2] =	stream.indirect.scatter.add.f32 [tilespmem:s19], [sflag:$0x7], $0x80, s9, s15, $0xb8;
	[tilespmem:$0x1F380] =	vst v63  }
0x50: {  	_ =	swait.ge [sflag:s30], $0x2800  }
0x51: {  	[sflag:s30] =	ssyncset.done $0x0  }
0x52: {  	[sflag:s30] =	ssyncadd.s32 $0xFFFFD800  }
0x53: {  	[tilespmem:s17], [sflag:$0x2] =	stream.indirect.gather [hbm4b:s4+s15], $0x80, s10, s15, $0xb8;
	[tilespmem:$0x1F380] =	vst v63  }
0x54: {  	_ =	swait.ge [sflag:s0], $0x2800  }
0x55: {  	[sflag:s0] =	ssyncset.done $0x0  }
0x56: {  	[sflag:s0] =	ssyncadd.s32 $0xFFFFD800  }
0x57: {  	[spmem:s2] =	stream.indirect.scatter.add.f32 [tilespmem:s22], [sflag:$0x8], $0x80, s11, s15, $0xb8;
	[tilespmem:$0x1F380] =	vst v63  }
0x58: {  	_ =	swait.ge [sflag:s5], $0x2800  }
0x59: {  	[sflag:s5] =	ssyncset.done $0x0  }
0x5a: {  	[sflag:s5] =	ssyncadd.s32 $0xFFFFD800  }
0x5b: {  	[tilespmem:s19], [sflag:$0x3] =	stream.indirect.gather [hbm4b:s4+s15], $0x80, s12, s15, $0xb8;
	[tilespmem:$0x1F380] =	vst v63  }
0x5c: {  	_ =	swait.ge [sflag:s20], $0x2800  }
0x5d: {  	[sflag:s20] =	ssyncset.done $0x0  }
0x5e: {  	s9 =	simm.s32 $0x980;
	[sflag:s20] =	ssyncadd.s32 $0xFFFFD800  }
0x5f: {  	[spmem:s2] =	stream.indirect.scatter.add.f32 [tilespmem:s16], [sflag:$0x5], $0x80, s9, s15, $0xb8;
	[tilespmem:$0x1F380] =	vst v63  }
0x60: {  	_ =	swait.ge [sflag:s8], $0x2800  }
0x61: {  	[sflag:s8] =	ssyncset.done $0x0  }
0x62: {  	s10 =	simm.s32 $0x230;
	[sflag:s8] =	ssyncadd.s32 $0xFFFFD800  }
0x63: {  	[tilespmem:s22], [sflag:$0x4] =	stream.indirect.gather [hbm4b:s4+s15], $0x80, s10, s15, $0xb8;
	[tilespmem:$0x1F380] =	vst v63  }
0x64: {  	_ =	swait.ge [sflag:s23], $0x2800  }
0x65: {  	[sflag:s23] =	ssyncset.done $0x0  }
0x66: {  	s11 =	simm.s32 $0xA00;
	[sflag:s23] =	ssyncadd.s32 $0xFFFFD800  }
0x67: {  	[spmem:s2] =	stream.indirect.scatter.add.f32 [tilespmem:s17], [sflag:$0x6], $0x80, s11, s15, $0xb8;
	[tilespmem:$0x1F380] =	vst v63  }
0x68: {  	_ =	swait.ge [sflag:s25], $0x2800  }
0x69: {  	[sflag:s25] =	ssyncset.done $0x0  }
0x6a: {  	s12 =	rddreg [dreg:$0x5];
	[sflag:s25] =	ssyncadd.s32 $0xFFFFD800  }
0x6b: {  	[tilespmem:s16], [sflag:$0x1] =	stream.indirect.gather [hbm4b:s4+s15], $0x80, s12, s15, $0xb8;
	[tilespmem:$0x1F380] =	vst v63  }
0x6c: {  	_ =	swait.ge [sflag:s28], $0x2800  }
0x6d: {  	[sflag:s28] =	ssyncset.done $0x0  }
0x6e: {  	s21 =	simm.s32 $0xA80;
	[sflag:s28] =	ssyncadd.s32 $0xFFFFD800  }
0x6f: {  	[spmem:s2] =	stream.indirect.scatter.add.f32 [tilespmem:s19], [sflag:$0x7], $0x80, s21, s15, $0xb8;
	[tilespmem:$0x1F380] =	vst v63  }
0x70: {  	_ =	swait.ge [sflag:s30], $0x2800  }
0x71: {  	[sflag:s30] =	ssyncset.done $0x0  }
0x72: {  	s24 =	rddreg [dreg:$0x6];
	[sflag:s30] =	ssyncadd.s32 $0xFFFFD800  }
0x73: {  	[tilespmem:s17], [sflag:$0x2] =	stream.indirect.gather [hbm4b:s4+s15], $0x80, s24, s15, $0xb8;
	[tilespmem:$0x1F380] =	vst v63  }
0x74: {  	_ =	swait.ge [sflag:s0], $0x2800  }
0x75: {  	[sflag:s0] =	ssyncset.done $0x0  }
0x76: {  	s26 =	simm.s32 $0xB00;
	[sflag:s0] =	ssyncadd.s32 $0xFFFFD800  }
0x77: {  	[spmem:s2] =	stream.indirect.scatter.add.f32 [tilespmem:s22], [sflag:$0x8], $0x80, s26, s15, $0xb8;
	[tilespmem:$0x1F380] =	vst v63  }
0x78: {  	_ =	swait.ge [sflag:s5], $0x2800  }
0x79: {  	[sflag:s5] =	ssyncset.done $0x0  }
0x7a: {  	s1 =	rddreg [dreg:$0x7];
	[sflag:s5] =	ssyncadd.s32 $0xFFFFD800  }
0x7b: {  	[tilespmem:s19], [sflag:$0x3] =	stream.indirect.gather [hbm4b:s4+s15], $0x80, s1, s15, $0xb8;
	[tilespmem:$0x1F380] =	vst v63  }
0x7c: {  	_ =	swait.ge [sflag:s20], $0x2800  }
0x7d: {  	[sflag:s20] =	ssyncset.done $0x0  }
0x7e: {  	s6 =	rddreg [dreg:$0x8];
	[sflag:s20] =	ssyncadd.s32 $0xFFFFD800  }
0x7f: {  	[spmem:s2] =	stream.indirect.scatter.add.f32 [tilespmem:s16], [sflag:$0x5], $0x80, s6, s15, $0xb8;
	[tilespmem:$0x1F380] =	vst v63  }
0x80: {  	_ =	swait.ge [sflag:s8], $0x2800  }
0x81: {  	[sflag:s8] =	ssyncset.done $0x0  }
0x82: {  	s7 =	rddreg [dreg:$0x9];
	[sflag:s8] =	ssyncadd.s32 $0xFFFFD800  }
0x83: {  	[tilespmem:s22], [sflag:$0x4] =	stream.indirect.gather [hbm4b:s4+s15], $0x80, s7, s15, $0xb8;
	[tilespmem:$0x1F380] =	vst v63  }
0x84: {  	_ =	swait.ge [sflag:s23], $0x2800  }
0x85: {  	[sflag:s23] =	ssyncset.done $0x0  }
0x86: {  	s9 =	rddreg [dreg:$0xa];
	[sflag:s23] =	ssyncadd.s32 $0xFFFFD800  }
0x87: {  	[spmem:s2] =	stream.indirect.scatter.add.f32 [tilespmem:s17], [sflag:$0x6], $0x80, s9, s15, $0xb8;
	[tilespmem:$0x1F380] =	vst v63  }
0x88: {  	_ =	swait.ge [sflag:s25], $0x2800  }
0x89: {  	[sflag:s25] =	ssyncset.done $0x0  }
0x8a: {  	s10 =	rddreg [dreg:$0xb];
	[sflag:s25] =	ssyncadd.s32 $0xFFFFD800  }
0x8b: {  	[tilespmem:s16], [sflag:$0x1] =	stream.indirect.gather [hbm4b:s4+s15], $0x80, s10, s15, $0xb8;
	[tilespmem:$0x1F380] =	vst v63  }
0x8c: {  	_ =	swait.ge [sflag:s28], $0x2800  }
0x8d: {  	[sflag:s28] =	ssyncset.done $0x0  }
0x8e: {  	s11 =	rddreg [dreg:$0xc];
	[sflag:s28] =	ssyncadd.s32 $0xFFFFD800  }
0x8f: {  	[spmem:s2] =	stream.indirect.scatter.add.f32 [tilespmem:s19], [sflag:$0x7], $0x80, s11, s15, $0xb8;
	[tilespmem:$0x1F380] =	vst v63  }
0x90: {  	_ =	swait.ge [sflag:s30], $0x2800  }
0x91: {  	[sflag:s30] =	ssyncset.done $0x0  }
0x92: {  	s12 =	rddreg [dreg:$0xd];
	[sflag:s30] =	ssyncadd.s32 $0xFFFFD800  }
0x93: {  	[tilespmem:s17], [sflag:$0x2] =	stream.indirect.gather [hbm4b:s4+s15], $0x80, s12, s15, $0xb8;
	[tilespmem:$0x1F380] =	vst v63  }
0x94: {  	_ =	swait.ge [sflag:s0], $0x2800  }
0x95: {  	[sflag:s0] =	ssyncset.done $0x0  }
0x96: {  	s21 =	rddreg [dreg:$0xe];
	[sflag:s0] =	ssyncadd.s32 $0xFFFFD800  }
0x97: {  	[spmem:s2] =	stream.indirect.scatter.add.f32 [tilespmem:s22], [sflag:$0x8], $0x80, s21, s15, $0xb8;
	[tilespmem:$0x1F380] =	vst v63  }
0x98: {  	_ =	swait.ge [sflag:s5], $0x2800  }
0x99: {  	[sflag:s5] =	ssyncset.done $0x0  }
0x9a: {  	s24 =	rddreg [dreg:$0xf];
	[sflag:s5] =	ssyncadd.s32 $0xFFFFD800  }
0x9b: {  	[tilespmem:s19], [sflag:$0x3] =	stream.indirect.gather [hbm4b:s4+s15], $0x80, s24, s15, $0xb8;
	[tilespmem:$0x1F380] =	vst v63  }
0x9c: {  	_ =	swait.ge [sflag:s20], $0x2800  }
0x9d: {  	[sflag:s20] =	ssyncset.done $0x0  }
0x9e: {  	s26 =	rddreg [dreg:$0x10];
	[sflag:s20] =	ssyncadd.s32 $0xFFFFD800  }
0x9f: {  	[spmem:s2] =	stream.indirect.scatter.add.f32 [tilespmem:s16], [sflag:$0x5], $0x80, s26, s15, $0xb8;
	[tilespmem:$0x1F380] =	vst v63  }
0xa0: {  	_ =	swait.ge [sflag:s8], $0x2800  }
0xa1: {  	[sflag:s8] =	ssyncset.done $0x0  }
0xa2: {  	s1 =	rddreg [dreg:$0x11];
	[sflag:s8] =	ssyncadd.s32 $0xFFFFD800  }
0xa3: {  	[tilespmem:s22], [sflag:$0x4] =	stream.indirect.gather [hbm4b:s4+s15], $0x80, s1, s15, $0xb8;
	[tilespmem:$0x1F380] =	vst v63  }
0xa4: {  	_ =	swait.ge [sflag:s23], $0x2800  }
0xa5: {  	[sflag:s23] =	ssyncset.done $0x0  }
0xa6: {  	s6 =	rddreg [dreg:$0x12];
	[sflag:s23] =	ssyncadd.s32 $0xFFFFD800  }
0xa7: {  	[spmem:s2] =	stream.indirect.scatter.add.f32 [tilespmem:s17], [sflag:$0x6], $0x80, s6, s15, $0xb8;
	[tilespmem:$0x1F380] =	vst v63  }
0xa8: {  	_ =	swait.ge [sflag:s25], $0x2800  }
0xa9: {  	[sflag:s25] =	ssyncset.done $0x0  }
0xaa: {  	s7 =	rddreg [dreg:$0x13];
	[sflag:s25] =	ssyncadd.s32 $0xFFFFD800  }
0xab: {  	[tilespmem:s16], [sflag:$0x1] =	stream.indirect.gather [hbm4b:s4+s15], $0x80, s7, s15, $0xb8;
	[tilespmem:$0x1F380] =	vst v63  }
0xac: {  	_ =	swait.ge [sflag:s28], $0x2800  }
0xad: {  	[sflag:s28] =	ssyncset.done $0x0  }
0xae: {  	s9 =	rddreg [dreg:$0x14];
	[sflag:s28] =	ssyncadd.s32 $0xFFFFD800  }
0xaf: {  	[spmem:s2] =	stream.indirect.scatter.add.f32 [tilespmem:s19], [sflag:$0x7], $0x80, s9, s15, $0xb8;
	[tilespmem:$0x1F380] =	vst v63  }
0xb0: {  	_ =	swait.ge [sflag:s30], $0x2800  }
0xb1: {  	[sflag:s30] =	ssyncset.done $0x0  }
0xb2: {  	s10 =	rddreg [dreg:$0x15];
	[sflag:s30] =	ssyncadd.s32 $0xFFFFD800  }
0xb3: {  	[tilespmem:s17], [sflag:$0x2] =	stream.indirect.gather [hbm4b:s4+s15], $0x80, s10, s15, $0xb8;
	[tilespmem:$0x1F380] =	vst v63  }
0xb4: {  	_ =	swait.ge [sflag:s0], $0x2800  }
0xb5: {  	[sflag:s0] =	ssyncset.done $0x0  }
0xb6: {  	s11 =	rddreg [dreg:$0x16];
	[sflag:s0] =	ssyncadd.s32 $0xFFFFD800  }
0xb7: {  	[spmem:s2] =	stream.indirect.scatter.add.f32 [tilespmem:s22], [sflag:$0x8], $0x80, s11, s15, $0xb8;
	[tilespmem:$0x1F380] =	vst v63  }
0xb8: {  	_ =	swait.ge [sflag:s5], $0x2800  }
0xb9: {  	[sflag:s5] =	ssyncset.done $0x0  }
0xba: {  	s12 =	rddreg [dreg:$0x17];
	[sflag:s5] =	ssyncadd.s32 $0xFFFFD800  }
0xbb: {  	[tilespmem:s19], [sflag:$0x3] =	stream.indirect.gather [hbm4b:s4+s15], $0x80, s12, s15, $0xb8;
	[tilespmem:$0x1F380] =	vst v63  }
0xbc: {  	_ =	swait.ge [sflag:s20], $0x2800  }
0xbd: {  	[sflag:s20] =	ssyncset.done $0x0  }
0xbe: {  	s21 =	rddreg [dreg:$0x18];
	[sflag:s20] =	ssyncadd.s32 $0xFFFFD800  }
0xbf: {  	[spmem:s2] =	stream.indirect.scatter.add.f32 [tilespmem:s16], [sflag:$0x5], $0x80, s21, s15, $0xb8;
	[tilespmem:$0x1F380] =	vst v63  }
0xc0: {  	_ =	swait.ge [sflag:s8], $0x2800  }
0xc1: {  	[sflag:s8] =	ssyncset.done $0x0  }
0xc2: {  	s24 =	rddreg [dreg:$0x19];
	[sflag:s8] =	ssyncadd.s32 $0xFFFFD800  }
0xc3: {  	[tilespmem:s22], [sflag:$0x4] =	stream.indirect.gather [hbm4b:s4+s15], $0x80, s24, s15, $0xb8;
	[tilespmem:$0x1F380] =	vst v63  }
0xc4: {  	_ =	swait.ge [sflag:s23], $0x2800  }
0xc5: {  	[sflag:s23] =	ssyncset.done $0x0  }
0xc6: {  	s26 =	rddreg [dreg:$0x1a];
	[sflag:s23] =	ssyncadd.s32 $0xFFFFD800  }
0xc7: {  	[spmem:s2] =	stream.indirect.scatter.add.f32 [tilespmem:s17], [sflag:$0x6], $0x80, s26, s15, $0xb8;
	[tilespmem:$0x1F380] =	vst v63  }
0xc8: {  	_ =	swait.ge [sflag:s25], $0x2800  }
0xc9: {  	[sflag:s25] =	ssyncset.done $0x0  }
0xca: {  	s1 =	rddreg [dreg:$0x1b];
	[sflag:s25] =	ssyncadd.s32 $0xFFFFD800  }
0xcb: {  	[tilespmem:s16], [sflag:$0x1] =	stream.indirect.gather [hbm4b:s4+s15], $0x80, s1, s15, $0xb8;
	[tilespmem:$0x1F380] =	vst v63  }
0xcc: {  	_ =	swait.ge [sflag:s28], $0x2800  }
0xcd: {  	[sflag:s28] =	ssyncset.done $0x0  }
0xce: {  	s6 =	rddreg [dreg:$0x1c];
	[sflag:s28] =	ssyncadd.s32 $0xFFFFD800  }
0xcf: {  	[spmem:s2] =	stream.indirect.scatter.add.f32 [tilespmem:s19], [sflag:$0x7], $0x80, s6, s15, $0xb8;
	[tilespmem:$0x1F380] =	vst v63  }
0xd0: {  	_ =	swait.ge [sflag:s30], $0x2800  }
0xd1: {  	[sflag:s30] =	ssyncset.done $0x0  }
0xd2: {  	s7 =	rddreg [dreg:$0x1d];
	[sflag:s30] =	ssyncadd.s32 $0xFFFFD800  }
0xd3: {  	[tilespmem:s17], [sflag:$0x2] =	stream.indirect.gather [hbm4b:s4+s15], $0x80, s7, s15, $0xb8;
	[tilespmem:$0x1F380] =	vst v63  }
0xd4: {  	_ =	swait.ge [sflag:s0], $0x2800  }
0xd5: {  	[sflag:s0] =	ssyncset.done $0x0  }
0xd6: {  	s9 =	rddreg [dreg:$0x1e];
	[sflag:s0] =	ssyncadd.s32 $0xFFFFD800  }
0xd7: {  	[spmem:s2] =	stream.indirect.scatter.add.f32 [tilespmem:s22], [sflag:$0x8], $0x80, s9, s15, $0xb8;
	[tilespmem:$0x1F380] =	vst v63  }
0xd8: {  	_ =	swait.ge [sflag:s5], $0x2800  }
0xd9: {  	[sflag:s5] =	ssyncset.done $0x0  }
0xda: {  	s10 =	rddreg [dreg:$0x1f];
	[sflag:s5] =	ssyncadd.s32 $0xFFFFD800  }
0xdb: {  	[tilespmem:s19], [sflag:$0x3] =	stream.indirect.gather [hbm4b:s4+s15], $0x80, s10, s15, $0xb8;
	[tilespmem:$0x1F380] =	vst v63  }
0xdc: {  	_ =	swait.ge [sflag:s20], $0x2800  }
0xdd: {  	s11 =	sld [smem:$0x7F7]  }
0xde: {  	[sflag:s20] =	ssyncset.done $0x0  }
0xdf: {  	[sflag:s20] =	ssyncadd.s32 $0xFFFFD800  }
0xe0: {  	[spmem:s2] =	stream.indirect.scatter.add.f32 [tilespmem:s16], [sflag:$0x5], $0x80, s11, s15, $0xb8;
	[tilespmem:$0x1F380] =	vst v63  }
0xe1: {  	_ =	swait.ge [sflag:s8], $0x2800  }
0xe2: {  	s12 =	sld [smem:$0x7F8]  }
0xe3: {  	[sflag:s8] =	ssyncset.done $0x0  }
0xe4: {  	[sflag:s8] =	ssyncadd.s32 $0xFFFFD800  }
0xe5: {  	[tilespmem:s22], [sflag:$0x4] =	stream.indirect.gather [hbm4b:s4+s15], $0x80, s12, s15, $0xb8;
	[tilespmem:$0x1F380] =	vst v63  }
0xe6: {  	_ =	swait.ge [sflag:s23], $0x2800  }
0xe7: {  	s21 =	sld [smem:$0x7F9]  }
0xe8: {  	[sflag:s23] =	ssyncset.done $0x0  }
0xe9: {  	[sflag:s23] =	ssyncadd.s32 $0xFFFFD800  }
0xea: {  	[spmem:s2] =	stream.indirect.scatter.add.f32 [tilespmem:s17], [sflag:$0x6], $0x80, s21, s15, $0xb8;
	[tilespmem:$0x1F380] =	vst v63  }
0xeb: {  	_ =	swait.ge [sflag:s25], $0x2800  }
0xec: {  	[sflag:s25] =	ssyncset.done $0x0  }
0xed: {  	[sflag:s25] =	ssyncadd.s32 $0xFFFFD800  }
0xee: {  	_ =	swait.ge [sflag:s28], $0x2800  }
0xef: {  	s24 =	sld [smem:$0x7FA]  }
0xf0: {  	[sflag:s28] =	ssyncset.done $0x0  }
0xf1: {  	[sflag:s28] =	ssyncadd.s32 $0xFFFFD800  }
0xf2: {  	[spmem:s2] =	stream.indirect.scatter.add.f32 [tilespmem:s19], [sflag:$0x7], $0x80, s24, s15, $0xb8;
	[tilespmem:$0x1F380] =	vst v63  }
0xf3: {  	_ =	swait.ge [sflag:s30], $0x2800  }
0xf4: {  	[sflag:s30] =	ssyncset.done $0x0  }
0xf5: {  	[sflag:s30] =	ssyncadd.s32 $0xFFFFD800  }
0xf6: {  	_ =	swait.ge [sflag:s0], $0x2800  }
0xf7: {  	s26 =	sld [smem:$0x7FB]  }
0xf8: {  	[sflag:s0] =	ssyncset.done $0x0  }
0xf9: {  	[sflag:s0] =	ssyncadd.s32 $0xFFFFD800  }
0xfa: {  	[spmem:s2] =	stream.indirect.scatter.add.f32 [tilespmem:s22], [sflag:$0x8], $0x80, s26, s15, $0xb8;
	[tilespmem:$0x1F380] =	vst v63  }
0xfb: {  	s31 =	simm.s32 $0x980;
	_ =	swait.ge [sflag:s5], $0x2800  }
0xfc: {  	s1 =	simm.s32 $0xF0;
	s6 =	simm.s32 $0x800;
	[sflag:s5] =	ssyncset.done $0x0  }
0xfd: {  	s7 =	simm.s32 $0x140;
	s9 =	simm.s32 $0x880;
	[sflag:s5] =	ssyncadd.s32 $0xFFFFD800  }
0xfe: {  	s10 =	simm.s32 $0x190;
	s11 =	simm.s32 $0x900;
	_ =	swait.ge [sflag:s8], $0x2800  }
0xff: {  	s12 =	simm.s32 $0x1E0;
	[sflag:s8] =	ssyncset.done $0x0;
	s18 =	sld [smem:$0x7F3]  }
0x100: {  	s26 =	simm.s32 $0xA0;
	s29 =	sld [smem:$0x7F0];
	[sflag:s8] =	ssyncadd.s32 $0xFFFFD800  }
.LBB2_8:
0x101: {  	[bflag:$0x0] =	sbarrier.arrive $0xFFFF  }
0x102: {  	s21 =	sld [smem:$0x7FC]  }
0x103: {  	s24 =	sld [smem:$0x7FD];
	_ =	sdelay $0x2  }
0x104: {  	[hbm:s18], [sflag:s21] =	dma.local [spmem:s24], $0x2800  }
0x105: {  	_ =	swait.ge [sflag:s13], $0x2800  }
0x106: {  	s18 =	sld [smem:$0x7F4];
	_ =	sdelay $0x1  }
0x107: {  	s29 =	sadd.s32 $0x1, s29  }
0x108: {  	p1 =	sne.s32 s29, s18  }
.Ltmp1:
0x109: {  	_ = 	snop;
	(pc) =	sbr.rel @!p1 .LBB2_9-.Ltmp1, $3  }
0x10a: {  	_ =	sdelay $0x1  }
0x10b: {  	[sflag:s13] =	ssyncset.done $0x0  }
0x10c: {  	[sflag:s13] =	ssyncadd.s32 $0xFFFFD800  }
.LBB2_1:
.Ltmp2:
0x10d: {  	(pc) =	sbr.rel @!p0 .LBB2_2-.Ltmp2, $2  }
0x10e: {  	_ =	sdelay $0x2  }
0x10f: {  	[smem:$0x7F0] =	sst s29  }
0x110: {  	s18 =	sld [smem:$0x7F2];
	_ =	sdelay $0x2  }
0x111: {  	[spmem:s24], [sflag:s21] =	dma.local [hbm:s18], $0x2800  }
0x112: {  	_ =	swait.ge [sflag:s13], $0x2800  }
0x113: {  	[sflag:s13] =	ssyncset.done $0x0  }
0x114: {  	[sflag:s13] =	ssyncadd.s32 $0xFFFFD800  }
0x115: {  	[bflag:$0x0] =	sbarrier.arrive $0xFFFF  }
0x116: {  	s29 =	rddreg [dreg:$0x4]  }
0x117: {  	s18 =	sadd.s32 $0x0, s29  }
0x118: {  	[tilespmem:s3], [sflag:$0x9] =	stream.linear.gather [hbm4b:s18+s3], $0x780, $0x38;
	[tilespmem:$0x1F380] =	vst v63  }
0x119: {  	_ =	swait.ge [sflag:s13], $0x780  }
0x11a: {  	s29 =	sld [smem:$0x7F5]  }
0x11b: {  	[sflag:s13] =	ssyncset.done $0x0  }
0x11c: {  	[sflag:s13] =	ssyncadd.s32 $0xFFFFF880  }
0x11d: {  	[tilespmem:s14], [sflag:$0x9] =	stream.linear.gather [hbm4b:s29+s3], $0xC00, $0x38;
	[tilespmem:$0x1F380] =	vst v63  }
0x11e: {  	_ =	swait.ge [sflag:s13], $0xC00  }
0x11f: {  	[sflag:s13] =	ssyncset.done $0x0  }
0x120: {  	[sflag:s13] =	ssyncadd.s32 $0xFFFFF400  }
0x121: {  	[tilespmem:s16], [sflag:$0x1] =	stream.indirect.gather [hbm4b:s4+s15], $0x80, s3, s15, $0xb8;
	[tilespmem:$0x1F380] =	vst v63  }
0x122: {  	_ = 	snop  }
0x123: {  	[tilespmem:s17], [sflag:$0x2] =	stream.indirect.gather [hbm4b:s4+s15], $0x80, s15, s15, $0xb8;
	[tilespmem:$0x1F380] =	vst v63  }
0x124: {  	_ = 	snop  }
0x125: {  	[tilespmem:s19], [sflag:$0x3] =	stream.indirect.gather [hbm4b:s4+s15], $0x80, s26, s15, $0xb8;
	[tilespmem:$0x1F380] =	vst v63  }
0x126: {  	_ =	swait.ge [sflag:s20], $0x2800  }
0x127: {  	[sflag:s20] =	ssyncset.done $0x0  }
0x128: {  	[sflag:s20] =	ssyncadd.s32 $0xFFFFD800  }
0x129: {  	[spmem:s2] =	stream.indirect.scatter.add.f32 [tilespmem:s16], [sflag:$0x5], $0x80, s14, s15, $0xb8;
	[tilespmem:$0x1F380] =	vst v63  }
0x12a: {  	_ = 	snop  }
0x12b: {  	[tilespmem:s22], [sflag:$0x4] =	stream.indirect.gather [hbm4b:s4+s15], $0x80, s1, s15, $0xb8;
	[tilespmem:$0x1F380] =	vst v63  }
0x12c: {  	_ =	swait.ge [sflag:s23], $0x2800  }
0x12d: {  	[sflag:s23] =	ssyncset.done $0x0  }
0x12e: {  	[sflag:s23] =	ssyncadd.s32 $0xFFFFD800  }
0x12f: {  	[spmem:s2] =	stream.indirect.scatter.add.f32 [tilespmem:s17], [sflag:$0x6], $0x80, s6, s15, $0xb8;
	[tilespmem:$0x1F380] =	vst v63  }
0x130: {  	_ =	swait.ge [sflag:s25], $0x2800  }
0x131: {  	[sflag:s25] =	ssyncset.done $0x0  }
0x132: {  	[sflag:s25] =	ssyncadd.s32 $0xFFFFD800  }
0x133: {  	[tilespmem:s16], [sflag:$0x1] =	stream.indirect.gather [hbm4b:s4+s15], $0x80, s7, s15, $0xb8;
	[tilespmem:$0x1F380] =	vst v63  }
0x134: {  	_ =	swait.ge [sflag:s28], $0x2800  }
0x135: {  	[sflag:s28] =	ssyncset.done $0x0  }
0x136: {  	[sflag:s28] =	ssyncadd.s32 $0xFFFFD800  }
0x137: {  	[spmem:s2] =	stream.indirect.scatter.add.f32 [tilespmem:s19], [sflag:$0x7], $0x80, s9, s15, $0xb8;
	[tilespmem:$0x1F380] =	vst v63  }
0x138: {  	_ =	swait.ge [sflag:s30], $0x2800  }
0x139: {  	[sflag:s30] =	ssyncset.done $0x0  }
0x13a: {  	[sflag:s30] =	ssyncadd.s32 $0xFFFFD800  }
0x13b: {  	[tilespmem:s17], [sflag:$0x2] =	stream.indirect.gather [hbm4b:s4+s15], $0x80, s10, s15, $0xb8;
	[tilespmem:$0x1F380] =	vst v63  }
0x13c: {  	_ =	swait.ge [sflag:s0], $0x2800  }
0x13d: {  	[sflag:s0] =	ssyncset.done $0x0  }
0x13e: {  	[sflag:s0] =	ssyncadd.s32 $0xFFFFD800  }
0x13f: {  	[spmem:s2] =	stream.indirect.scatter.add.f32 [tilespmem:s22], [sflag:$0x8], $0x80, s11, s15, $0xb8;
	[tilespmem:$0x1F380] =	vst v63  }
0x140: {  	_ =	swait.ge [sflag:s5], $0x2800  }
0x141: {  	[sflag:s5] =	ssyncset.done $0x0  }
0x142: {  	[sflag:s5] =	ssyncadd.s32 $0xFFFFD800  }
0x143: {  	[tilespmem:s19], [sflag:$0x3] =	stream.indirect.gather [hbm4b:s4+s15], $0x80, s12, s15, $0xb8;
	[tilespmem:$0x1F380] =	vst v63  }
0x144: {  	_ =	swait.ge [sflag:s20], $0x2800  }
0x145: {  	[sflag:s20] =	ssyncset.done $0x0  }
0x146: {  	[sflag:s20] =	ssyncadd.s32 $0xFFFFD800  }
0x147: {  	[spmem:s2] =	stream.indirect.scatter.add.f32 [tilespmem:s16], [sflag:$0x5], $0x80, s31, s15, $0xb8;
	[tilespmem:$0x1F380] =	vst v63  }
0x148: {  	_ =	swait.ge [sflag:s8], $0x2800  }
0x149: {  	[sflag:s8] =	ssyncset.done $0x0  }
0x14a: {  	s10 =	simm.s32 $0x230;
	[sflag:s8] =	ssyncadd.s32 $0xFFFFD800  }
0x14b: {  	[tilespmem:s22], [sflag:$0x4] =	stream.indirect.gather [hbm4b:s4+s15], $0x80, s10, s15, $0xb8;
	[tilespmem:$0x1F380] =	vst v63  }
0x14c: {  	_ =	swait.ge [sflag:s23], $0x2800  }
0x14d: {  	[sflag:s23] =	ssyncset.done $0x0  }
0x14e: {  	s11 =	simm.s32 $0xA00;
	[sflag:s23] =	ssyncadd.s32 $0xFFFFD800  }
0x14f: {  	[spmem:s2] =	stream.indirect.scatter.add.f32 [tilespmem:s17], [sflag:$0x6], $0x80, s11, s15, $0xb8;
	[tilespmem:$0x1F380] =	vst v63  }
0x150: {  	_ =	swait.ge [sflag:s25], $0x2800  }
0x151: {  	[sflag:s25] =	ssyncset.done $0x0  }
0x152: {  	s12 =	rddreg [dreg:$0x5];
	[sflag:s25] =	ssyncadd.s32 $0xFFFFD800  }
0x153: {  	[tilespmem:s16], [sflag:$0x1] =	stream.indirect.gather [hbm4b:s4+s15], $0x80, s12, s15, $0xb8;
	[tilespmem:$0x1F380] =	vst v63  }
0x154: {  	_ =	swait.ge [sflag:s28], $0x2800  }
0x155: {  	[sflag:s28] =	ssyncset.done $0x0  }
0x156: {  	s21 =	simm.s32 $0xA80;
	[sflag:s28] =	ssyncadd.s32 $0xFFFFD800  }
0x157: {  	[spmem:s2] =	stream.indirect.scatter.add.f32 [tilespmem:s19], [sflag:$0x7], $0x80, s21, s15, $0xb8;
	[tilespmem:$0x1F380] =	vst v63  }
0x158: {  	_ =	swait.ge [sflag:s30], $0x2800  }
0x159: {  	[sflag:s30] =	ssyncset.done $0x0  }
0x15a: {  	s24 =	rddreg [dreg:$0x6];
	[sflag:s30] =	ssyncadd.s32 $0xFFFFD800  }
0x15b: {  	[tilespmem:s17], [sflag:$0x2] =	stream.indirect.gather [hbm4b:s4+s15], $0x80, s24, s15, $0xb8;
	[tilespmem:$0x1F380] =	vst v63  }
0x15c: {  	_ =	swait.ge [sflag:s0], $0x2800  }
0x15d: {  	[sflag:s0] =	ssyncset.done $0x0  }
0x15e: {  	s26 =	simm.s32 $0xB00;
	[sflag:s0] =	ssyncadd.s32 $0xFFFFD800  }
0x15f: {  	[spmem:s2] =	stream.indirect.scatter.add.f32 [tilespmem:s22], [sflag:$0x8], $0x80, s26, s15, $0xb8;
	[tilespmem:$0x1F380] =	vst v63  }
0x160: {  	_ =	swait.ge [sflag:s5], $0x2800  }
0x161: {  	[sflag:s5] =	ssyncset.done $0x0  }
0x162: {  	s1 =	rddreg [dreg:$0x7];
	[sflag:s5] =	ssyncadd.s32 $0xFFFFD800  }
0x163: {  	[tilespmem:s19], [sflag:$0x3] =	stream.indirect.gather [hbm4b:s4+s15], $0x80, s1, s15, $0xb8;
	[tilespmem:$0x1F380] =	vst v63  }
0x164: {  	_ =	swait.ge [sflag:s20], $0x2800  }
0x165: {  	[sflag:s20] =	ssyncset.done $0x0  }
0x166: {  	s6 =	rddreg [dreg:$0x8];
	[sflag:s20] =	ssyncadd.s32 $0xFFFFD800  }
0x167: {  	[spmem:s2] =	stream.indirect.scatter.add.f32 [tilespmem:s16], [sflag:$0x5], $0x80, s6, s15, $0xb8;
	[tilespmem:$0x1F380] =	vst v63  }
0x168: {  	_ =	swait.ge [sflag:s8], $0x2800  }
0x169: {  	[sflag:s8] =	ssyncset.done $0x0  }
0x16a: {  	s7 =	rddreg [dreg:$0x9];
	[sflag:s8] =	ssyncadd.s32 $0xFFFFD800  }
0x16b: {  	[tilespmem:s22], [sflag:$0x4] =	stream.indirect.gather [hbm4b:s4+s15], $0x80, s7, s15, $0xb8;
	[tilespmem:$0x1F380] =	vst v63  }
0x16c: {  	_ =	swait.ge [sflag:s23], $0x2800  }
0x16d: {  	[sflag:s23] =	ssyncset.done $0x0  }
0x16e: {  	s9 =	rddreg [dreg:$0xa];
	[sflag:s23] =	ssyncadd.s32 $0xFFFFD800  }
0x16f: {  	[spmem:s2] =	stream.indirect.scatter.add.f32 [tilespmem:s17], [sflag:$0x6], $0x80, s9, s15, $0xb8;
	[tilespmem:$0x1F380] =	vst v63  }
0x170: {  	_ =	swait.ge [sflag:s25], $0x2800  }
0x171: {  	[sflag:s25] =	ssyncset.done $0x0  }
0x172: {  	s10 =	rddreg [dreg:$0xb];
	[sflag:s25] =	ssyncadd.s32 $0xFFFFD800  }
0x173: {  	[tilespmem:s16], [sflag:$0x1] =	stream.indirect.gather [hbm4b:s4+s15], $0x80, s10, s15, $0xb8;
	[tilespmem:$0x1F380] =	vst v63  }
0x174: {  	_ =	swait.ge [sflag:s28], $0x2800  }
0x175: {  	[sflag:s28] =	ssyncset.done $0x0  }
0x176: {  	s11 =	rddreg [dreg:$0xc];
	[sflag:s28] =	ssyncadd.s32 $0xFFFFD800  }
0x177: {  	[spmem:s2] =	stream.indirect.scatter.add.f32 [tilespmem:s19], [sflag:$0x7], $0x80, s11, s15, $0xb8;
	[tilespmem:$0x1F380] =	vst v63  }
0x178: {  	_ =	swait.ge [sflag:s30], $0x2800  }
0x179: {  	[sflag:s30] =	ssyncset.done $0x0  }
0x17a: {  	s12 =	rddreg [dreg:$0xd];
	[sflag:s30] =	ssyncadd.s32 $0xFFFFD800  }
0x17b: {  	[tilespmem:s17], [sflag:$0x2] =	stream.indirect.gather [hbm4b:s4+s15], $0x80, s12, s15, $0xb8;
	[tilespmem:$0x1F380] =	vst v63  }
0x17c: {  	_ =	swait.ge [sflag:s0], $0x2800  }
0x17d: {  	[sflag:s0] =	ssyncset.done $0x0  }
0x17e: {  	s21 =	rddreg [dreg:$0xe];
	[sflag:s0] =	ssyncadd.s32 $0xFFFFD800  }
0x17f: {  	[spmem:s2] =	stream.indirect.scatter.add.f32 [tilespmem:s22], [sflag:$0x8], $0x80, s21, s15, $0xb8;
	[tilespmem:$0x1F380] =	vst v63  }
0x180: {  	_ =	swait.ge [sflag:s5], $0x2800  }
0x181: {  	[sflag:s5] =	ssyncset.done $0x0  }
0x182: {  	s24 =	rddreg [dreg:$0xf];
	[sflag:s5] =	ssyncadd.s32 $0xFFFFD800  }
0x183: {  	[tilespmem:s19], [sflag:$0x3] =	stream.indirect.gather [hbm4b:s4+s15], $0x80, s24, s15, $0xb8;
	[tilespmem:$0x1F380] =	vst v63  }
0x184: {  	_ =	swait.ge [sflag:s20], $0x2800  }
0x185: {  	[sflag:s20] =	ssyncset.done $0x0  }
0x186: {  	s26 =	rddreg [dreg:$0x10];
	[sflag:s20] =	ssyncadd.s32 $0xFFFFD800  }
0x187: {  	[spmem:s2] =	stream.indirect.scatter.add.f32 [tilespmem:s16], [sflag:$0x5], $0x80, s26, s15, $0xb8;
	[tilespmem:$0x1F380] =	vst v63  }
0x188: {  	_ =	swait.ge [sflag:s8], $0x2800  }
0x189: {  	[sflag:s8] =	ssyncset.done $0x0  }
0x18a: {  	s1 =	rddreg [dreg:$0x11];
	[sflag:s8] =	ssyncadd.s32 $0xFFFFD800  }
0x18b: {  	[tilespmem:s22], [sflag:$0x4] =	stream.indirect.gather [hbm4b:s4+s15], $0x80, s1, s15, $0xb8;
	[tilespmem:$0x1F380] =	vst v63  }
0x18c: {  	_ =	swait.ge [sflag:s23], $0x2800  }
0x18d: {  	[sflag:s23] =	ssyncset.done $0x0  }
0x18e: {  	s6 =	rddreg [dreg:$0x12];
	[sflag:s23] =	ssyncadd.s32 $0xFFFFD800  }
0x18f: {  	[spmem:s2] =	stream.indirect.scatter.add.f32 [tilespmem:s17], [sflag:$0x6], $0x80, s6, s15, $0xb8;
	[tilespmem:$0x1F380] =	vst v63  }
0x190: {  	_ =	swait.ge [sflag:s25], $0x2800  }
0x191: {  	[sflag:s25] =	ssyncset.done $0x0  }
0x192: {  	s7 =	rddreg [dreg:$0x13];
	[sflag:s25] =	ssyncadd.s32 $0xFFFFD800  }
0x193: {  	[tilespmem:s16], [sflag:$0x1] =	stream.indirect.gather [hbm4b:s4+s15], $0x80, s7, s15, $0xb8;
	[tilespmem:$0x1F380] =	vst v63  }
0x194: {  	_ =	swait.ge [sflag:s28], $0x2800  }
0x195: {  	[sflag:s28] =	ssyncset.done $0x0  }
0x196: {  	s9 =	rddreg [dreg:$0x14];
	[sflag:s28] =	ssyncadd.s32 $0xFFFFD800  }
0x197: {  	[spmem:s2] =	stream.indirect.scatter.add.f32 [tilespmem:s19], [sflag:$0x7], $0x80, s9, s15, $0xb8;
	[tilespmem:$0x1F380] =	vst v63  }
0x198: {  	_ =	swait.ge [sflag:s30], $0x2800  }
0x199: {  	[sflag:s30] =	ssyncset.done $0x0  }
0x19a: {  	s10 =	rddreg [dreg:$0x15];
	[sflag:s30] =	ssyncadd.s32 $0xFFFFD800  }
0x19b: {  	[tilespmem:s17], [sflag:$0x2] =	stream.indirect.gather [hbm4b:s4+s15], $0x80, s10, s15, $0xb8;
	[tilespmem:$0x1F380] =	vst v63  }
0x19c: {  	_ =	swait.ge [sflag:s0], $0x2800  }
0x19d: {  	[sflag:s0] =	ssyncset.done $0x0  }
0x19e: {  	s11 =	rddreg [dreg:$0x16];
	[sflag:s0] =	ssyncadd.s32 $0xFFFFD800  }
0x19f: {  	[spmem:s2] =	stream.indirect.scatter.add.f32 [tilespmem:s22], [sflag:$0x8], $0x80, s11, s15, $0xb8;
	[tilespmem:$0x1F380] =	vst v63  }
0x1a0: {  	_ =	swait.ge [sflag:s5], $0x2800  }
0x1a1: {  	[sflag:s5] =	ssyncset.done $0x0  }
0x1a2: {  	s12 =	rddreg [dreg:$0x17];
	[sflag:s5] =	ssyncadd.s32 $0xFFFFD800  }
0x1a3: {  	[tilespmem:s19], [sflag:$0x3] =	stream.indirect.gather [hbm4b:s4+s15], $0x80, s12, s15, $0xb8;
	[tilespmem:$0x1F380] =	vst v63  }
0x1a4: {  	_ =	swait.ge [sflag:s20], $0x2800  }
0x1a5: {  	[sflag:s20] =	ssyncset.done $0x0  }
0x1a6: {  	s21 =	rddreg [dreg:$0x18];
	[sflag:s20] =	ssyncadd.s32 $0xFFFFD800  }
0x1a7: {  	[spmem:s2] =	stream.indirect.scatter.add.f32 [tilespmem:s16], [sflag:$0x5], $0x80, s21, s15, $0xb8;
	[tilespmem:$0x1F380] =	vst v63  }
0x1a8: {  	_ =	swait.ge [sflag:s8], $0x2800  }
0x1a9: {  	[sflag:s8] =	ssyncset.done $0x0  }
0x1aa: {  	s24 =	rddreg [dreg:$0x19];
	[sflag:s8] =	ssyncadd.s32 $0xFFFFD800  }
0x1ab: {  	[tilespmem:s22], [sflag:$0x4] =	stream.indirect.gather [hbm4b:s4+s15], $0x80, s24, s15, $0xb8;
	[tilespmem:$0x1F380] =	vst v63  }
0x1ac: {  	_ =	swait.ge [sflag:s23], $0x2800  }
0x1ad: {  	[sflag:s23] =	ssyncset.done $0x0  }
0x1ae: {  	s26 =	rddreg [dreg:$0x1a];
	[sflag:s23] =	ssyncadd.s32 $0xFFFFD800  }
0x1af: {  	[spmem:s2] =	stream.indirect.scatter.add.f32 [tilespmem:s17], [sflag:$0x6], $0x80, s26, s15, $0xb8;
	[tilespmem:$0x1F380] =	vst v63  }
0x1b0: {  	_ =	swait.ge [sflag:s25], $0x2800  }
0x1b1: {  	[sflag:s25] =	ssyncset.done $0x0  }
0x1b2: {  	s1 =	rddreg [dreg:$0x1b];
	[sflag:s25] =	ssyncadd.s32 $0xFFFFD800  }
0x1b3: {  	[tilespmem:s16], [sflag:$0x1] =	stream.indirect.gather [hbm4b:s4+s15], $0x80, s1, s15, $0xb8;
	[tilespmem:$0x1F380] =	vst v63  }
0x1b4: {  	_ =	swait.ge [sflag:s28], $0x2800  }
0x1b5: {  	[sflag:s28] =	ssyncset.done $0x0  }
0x1b6: {  	s6 =	rddreg [dreg:$0x1c];
	[sflag:s28] =	ssyncadd.s32 $0xFFFFD800  }
0x1b7: {  	[spmem:s2] =	stream.indirect.scatter.add.f32 [tilespmem:s19], [sflag:$0x7], $0x80, s6, s15, $0xb8;
	[tilespmem:$0x1F380] =	vst v63  }
0x1b8: {  	_ =	swait.ge [sflag:s30], $0x2800  }
0x1b9: {  	[sflag:s30] =	ssyncset.done $0x0  }
0x1ba: {  	s7 =	rddreg [dreg:$0x1d];
	[sflag:s30] =	ssyncadd.s32 $0xFFFFD800  }
0x1bb: {  	[tilespmem:s17], [sflag:$0x2] =	stream.indirect.gather [hbm4b:s4+s15], $0x80, s7, s15, $0xb8;
	[tilespmem:$0x1F380] =	vst v63  }
0x1bc: {  	_ =	swait.ge [sflag:s0], $0x2800  }
0x1bd: {  	[sflag:s0] =	ssyncset.done $0x0  }
0x1be: {  	s9 =	rddreg [dreg:$0x1e];
	[sflag:s0] =	ssyncadd.s32 $0xFFFFD800  }
0x1bf: {  	[spmem:s2] =	stream.indirect.scatter.add.f32 [tilespmem:s22], [sflag:$0x8], $0x80, s9, s15, $0xb8;
	[tilespmem:$0x1F380] =	vst v63  }
0x1c0: {  	_ =	swait.ge [sflag:s5], $0x2800  }
0x1c1: {  	[sflag:s5] =	ssyncset.done $0x0  }
0x1c2: {  	s10 =	rddreg [dreg:$0x1f];
	[sflag:s5] =	ssyncadd.s32 $0xFFFFD800  }
0x1c3: {  	[tilespmem:s19], [sflag:$0x3] =	stream.indirect.gather [hbm4b:s4+s15], $0x80, s10, s15, $0xb8;
	[tilespmem:$0x1F380] =	vst v63  }
0x1c4: {  	_ =	swait.ge [sflag:s20], $0x2800  }
0x1c5: {  	s11 =	sld [smem:$0x7F7]  }
0x1c6: {  	[sflag:s20] =	ssyncset.done $0x0  }
0x1c7: {  	[sflag:s20] =	ssyncadd.s32 $0xFFFFD800  }
0x1c8: {  	[spmem:s2] =	stream.indirect.scatter.add.f32 [tilespmem:s16], [sflag:$0x5], $0x80, s11, s15, $0xb8;
	[tilespmem:$0x1F380] =	vst v63  }
0x1c9: {  	_ =	swait.ge [sflag:s8], $0x2800  }
0x1ca: {  	s12 =	sld [smem:$0x7F8]  }
0x1cb: {  	[sflag:s8] =	ssyncset.done $0x0  }
0x1cc: {  	[sflag:s8] =	ssyncadd.s32 $0xFFFFD800  }
0x1cd: {  	[tilespmem:s22], [sflag:$0x4] =	stream.indirect.gather [hbm4b:s4+s15], $0x80, s12, s15, $0xb8;
	[tilespmem:$0x1F380] =	vst v63  }
0x1ce: {  	_ =	swait.ge [sflag:s23], $0x2800  }
0x1cf: {  	s21 =	sld [smem:$0x7F9]  }
0x1d0: {  	[sflag:s23] =	ssyncset.done $0x0  }
0x1d1: {  	[sflag:s23] =	ssyncadd.s32 $0xFFFFD800  }
0x1d2: {  	[spmem:s2] =	stream.indirect.scatter.add.f32 [tilespmem:s17], [sflag:$0x6], $0x80, s21, s15, $0xb8;
	[tilespmem:$0x1F380] =	vst v63  }
0x1d3: {  	_ =	swait.ge [sflag:s25], $0x2800  }
0x1d4: {  	[sflag:s25] =	ssyncset.done $0x0  }
0x1d5: {  	[sflag:s25] =	ssyncadd.s32 $0xFFFFD800  }
0x1d6: {  	_ =	swait.ge [sflag:s28], $0x2800  }
0x1d7: {  	s24 =	sld [smem:$0x7FA]  }
0x1d8: {  	[sflag:s28] =	ssyncset.done $0x0  }
0x1d9: {  	[sflag:s28] =	ssyncadd.s32 $0xFFFFD800  }
0x1da: {  	[spmem:s2] =	stream.indirect.scatter.add.f32 [tilespmem:s19], [sflag:$0x7], $0x80, s24, s15, $0xb8;
	[tilespmem:$0x1F380] =	vst v63  }
0x1db: {  	_ =	swait.ge [sflag:s30], $0x2800  }
0x1dc: {  	[sflag:s30] =	ssyncset.done $0x0  }
0x1dd: {  	[sflag:s30] =	ssyncadd.s32 $0xFFFFD800  }
0x1de: {  	_ =	swait.ge [sflag:s0], $0x2800  }
0x1df: {  	s26 =	sld [smem:$0x7FB]  }
0x1e0: {  	[sflag:s0] =	ssyncset.done $0x0  }
0x1e1: {  	s18 =	smov.u32 s29;
	s31 =	simm.s32 $0xA0;
	[sflag:s0] =	ssyncadd.s32 $0xFFFFD800  }
0x1e2: {  	[spmem:s2] =	stream.indirect.scatter.add.f32 [tilespmem:s22], [sflag:$0x8], $0x80, s26, s15, $0xb8;
	[tilespmem:$0x1F380] =	vst v63  }
0x1e3: {  	s1 =	simm.s32 $0xF0;
	s6 =	simm.s32 $0x800;
	_ =	swait.ge [sflag:s5], $0x2800  }
0x1e4: {  	s7 =	simm.s32 $0x140;
	s9 =	simm.s32 $0x880;
	[sflag:s5] =	ssyncset.done $0x0  }
0x1e5: {  	s10 =	simm.s32 $0x190;
	s11 =	simm.s32 $0x900;
	[sflag:s5] =	ssyncadd.s32 $0xFFFFD800  }
0x1e6: {  	s12 =	simm.s32 $0x1E0;
	s21 =	simm.s32 $0xF0;
	_ =	swait.ge [sflag:s8], $0x2800  }
0x1e7: {  	s24 =	simm.s32 $0x1E0;
	s26 =	rddreg [dreg:$0x4];
	[sflag:s8] =	ssyncset.done $0x0  }
.LBB2_6:
0x1e8: {  	[sflag:s8] =	ssyncadd.s32 $0xFFFFD800;
	s26 =	sadd.s32 s21, s26  }
0x1e9: {  	[tilespmem:s3], [sflag:$0x9] =	stream.linear.gather [hbm4b:s26+s3], $0x780, $0x38;
	[tilespmem:$0x1F380] =	vst v63  }
0x1ea: {  	_ =	swait.ge [sflag:s13], $0x780  }
0x1eb: {  	[sflag:s13] =	ssyncset.done $0x0  }
0x1ec: {  	s18 =	sadd.s32 $0x180, s18;
	[sflag:s13] =	ssyncadd.s32 $0xFFFFF880  }
0x1ed: {  	[tilespmem:s14], [sflag:$0x9] =	stream.linear.gather [hbm4b:s18+s3], $0xC00, $0x38;
	[tilespmem:$0x1F380] =	vst v63  }
0x1ee: {  	_ =	swait.ge [sflag:s13], $0xC00  }
0x1ef: {  	[sflag:s13] =	ssyncset.done $0x0  }
0x1f0: {  	[sflag:s13] =	ssyncadd.s32 $0xFFFFF400  }
0x1f1: {  	[tilespmem:s16], [sflag:$0x1] =	stream.indirect.gather [hbm4b:s4+s15], $0x80, s3, s15, $0xb8;
	[tilespmem:$0x1F380] =	vst v63  }
0x1f2: {  	_ = 	snop  }
0x1f3: {  	[tilespmem:s17], [sflag:$0x2] =	stream.indirect.gather [hbm4b:s4+s15], $0x80, s15, s15, $0xb8;
	[tilespmem:$0x1F380] =	vst v63  }
0x1f4: {  	_ = 	snop  }
0x1f5: {  	[tilespmem:s19], [sflag:$0x3] =	stream.indirect.gather [hbm4b:s4+s15], $0x80, s31, s15, $0xb8;
	[tilespmem:$0x1F380] =	vst v63  }
0x1f6: {  	_ =	swait.ge [sflag:s20], $0x2800  }
0x1f7: {  	[sflag:s20] =	ssyncset.done $0x0  }
0x1f8: {  	[sflag:s20] =	ssyncadd.s32 $0xFFFFD800  }
0x1f9: {  	[spmem:s2] =	stream.indirect.scatter.add.f32 [tilespmem:s16], [sflag:$0x5], $0x80, s14, s15, $0xb8;
	[tilespmem:$0x1F380] =	vst v63  }
0x1fa: {  	_ = 	snop  }
0x1fb: {  	[tilespmem:s22], [sflag:$0x4] =	stream.indirect.gather [hbm4b:s4+s15], $0x80, s1, s15, $0xb8;
	[tilespmem:$0x1F380] =	vst v63  }
0x1fc: {  	_ =	swait.ge [sflag:s23], $0x2800  }
0x1fd: {  	[sflag:s23] =	ssyncset.done $0x0  }
0x1fe: {  	[sflag:s23] =	ssyncadd.s32 $0xFFFFD800  }
0x1ff: {  	[spmem:s2] =	stream.indirect.scatter.add.f32 [tilespmem:s17], [sflag:$0x6], $0x80, s6, s15, $0xb8;
	[tilespmem:$0x1F380] =	vst v63  }
0x200: {  	_ =	swait.ge [sflag:s25], $0x2800  }
0x201: {  	[sflag:s25] =	ssyncset.done $0x0  }
0x202: {  	[sflag:s25] =	ssyncadd.s32 $0xFFFFD800  }
0x203: {  	[tilespmem:s16], [sflag:$0x1] =	stream.indirect.gather [hbm4b:s4+s15], $0x80, s7, s15, $0xb8;
	[tilespmem:$0x1F380] =	vst v63  }
0x204: {  	_ =	swait.ge [sflag:s28], $0x2800  }
0x205: {  	[sflag:s28] =	ssyncset.done $0x0  }
0x206: {  	[sflag:s28] =	ssyncadd.s32 $0xFFFFD800  }
0x207: {  	[spmem:s2] =	stream.indirect.scatter.add.f32 [tilespmem:s19], [sflag:$0x7], $0x80, s9, s15, $0xb8;
	[tilespmem:$0x1F380] =	vst v63  }
0x208: {  	_ =	swait.ge [sflag:s30], $0x2800  }
0x209: {  	[sflag:s30] =	ssyncset.done $0x0  }
0x20a: {  	[sflag:s30] =	ssyncadd.s32 $0xFFFFD800  }
0x20b: {  	[tilespmem:s17], [sflag:$0x2] =	stream.indirect.gather [hbm4b:s4+s15], $0x80, s10, s15, $0xb8;
	[tilespmem:$0x1F380] =	vst v63  }
0x20c: {  	_ =	swait.ge [sflag:s0], $0x2800  }
0x20d: {  	[sflag:s0] =	ssyncset.done $0x0  }
0x20e: {  	[sflag:s0] =	ssyncadd.s32 $0xFFFFD800  }
0x20f: {  	[spmem:s2] =	stream.indirect.scatter.add.f32 [tilespmem:s22], [sflag:$0x8], $0x80, s11, s15, $0xb8;
	[tilespmem:$0x1F380] =	vst v63  }
0x210: {  	_ =	swait.ge [sflag:s5], $0x2800  }
0x211: {  	[sflag:s5] =	ssyncset.done $0x0  }
0x212: {  	[sflag:s5] =	ssyncadd.s32 $0xFFFFD800  }
0x213: {  	[tilespmem:s19], [sflag:$0x3] =	stream.indirect.gather [hbm4b:s4+s15], $0x80, s12, s15, $0xb8;
	[tilespmem:$0x1F380] =	vst v63  }
0x214: {  	_ =	swait.ge [sflag:s20], $0x2800  }
0x215: {  	s29 =	smov.u32 s24;
	[sflag:s20] =	ssyncset.done $0x0  }
0x216: {  	s21 =	smov.u32 s29;
	s29 =	simm.s32 $0x980;
	[sflag:s20] =	ssyncadd.s32 $0xFFFFD800  }
0x217: {  	[spmem:s2] =	stream.indirect.scatter.add.f32 [tilespmem:s16], [sflag:$0x5], $0x80, s29, s15, $0xb8;
	[tilespmem:$0x1F380] =	vst v63  }
0x218: {  	_ =	swait.ge [sflag:s8], $0x2800  }
0x219: {  	[sflag:s8] =	ssyncset.done $0x0  }
0x21a: {  	s29 =	simm.s32 $0x230;
	[sflag:s8] =	ssyncadd.s32 $0xFFFFD800  }
0x21b: {  	[tilespmem:s22], [sflag:$0x4] =	stream.indirect.gather [hbm4b:s4+s15], $0x80, s29, s15, $0xb8;
	[tilespmem:$0x1F380] =	vst v63  }
0x21c: {  	_ =	swait.ge [sflag:s23], $0x2800  }
0x21d: {  	[sflag:s23] =	ssyncset.done $0x0  }
0x21e: {  	s29 =	simm.s32 $0xA00;
	[sflag:s23] =	ssyncadd.s32 $0xFFFFD800  }
0x21f: {  	[spmem:s2] =	stream.indirect.scatter.add.f32 [tilespmem:s17], [sflag:$0x6], $0x80, s29, s15, $0xb8;
	[tilespmem:$0x1F380] =	vst v63  }
0x220: {  	_ =	swait.ge [sflag:s25], $0x2800  }
0x221: {  	[sflag:s25] =	ssyncset.done $0x0  }
0x222: {  	s29 =	rddreg [dreg:$0x5];
	[sflag:s25] =	ssyncadd.s32 $0xFFFFD800  }
0x223: {  	[tilespmem:s16], [sflag:$0x1] =	stream.indirect.gather [hbm4b:s4+s15], $0x80, s29, s15, $0xb8;
	[tilespmem:$0x1F380] =	vst v63  }
0x224: {  	_ =	swait.ge [sflag:s28], $0x2800  }
0x225: {  	[sflag:s28] =	ssyncset.done $0x0  }
0x226: {  	s29 =	simm.s32 $0xA80;
	[sflag:s28] =	ssyncadd.s32 $0xFFFFD800  }
0x227: {  	[spmem:s2] =	stream.indirect.scatter.add.f32 [tilespmem:s19], [sflag:$0x7], $0x80, s29, s15, $0xb8;
	[tilespmem:$0x1F380] =	vst v63  }
0x228: {  	_ =	swait.ge [sflag:s30], $0x2800  }
0x229: {  	[sflag:s30] =	ssyncset.done $0x0  }
0x22a: {  	s29 =	rddreg [dreg:$0x6];
	[sflag:s30] =	ssyncadd.s32 $0xFFFFD800  }
0x22b: {  	[tilespmem:s17], [sflag:$0x2] =	stream.indirect.gather [hbm4b:s4+s15], $0x80, s29, s15, $0xb8;
	[tilespmem:$0x1F380] =	vst v63  }
0x22c: {  	_ =	swait.ge [sflag:s0], $0x2800  }
0x22d: {  	[sflag:s0] =	ssyncset.done $0x0  }
0x22e: {  	s29 =	simm.s32 $0xB00;
	[sflag:s0] =	ssyncadd.s32 $0xFFFFD800  }
0x22f: {  	[spmem:s2] =	stream.indirect.scatter.add.f32 [tilespmem:s22], [sflag:$0x8], $0x80, s29, s15, $0xb8;
	[tilespmem:$0x1F380] =	vst v63  }
0x230: {  	_ =	swait.ge [sflag:s5], $0x2800  }
0x231: {  	[sflag:s5] =	ssyncset.done $0x0  }
0x232: {  	s29 =	rddreg [dreg:$0x7];
	[sflag:s5] =	ssyncadd.s32 $0xFFFFD800  }
0x233: {  	[tilespmem:s19], [sflag:$0x3] =	stream.indirect.gather [hbm4b:s4+s15], $0x80, s29, s15, $0xb8;
	[tilespmem:$0x1F380] =	vst v63  }
0x234: {  	_ =	swait.ge [sflag:s20], $0x2800  }
0x235: {  	[sflag:s20] =	ssyncset.done $0x0  }
0x236: {  	s29 =	rddreg [dreg:$0x8];
	[sflag:s20] =	ssyncadd.s32 $0xFFFFD800  }
0x237: {  	[spmem:s2] =	stream.indirect.scatter.add.f32 [tilespmem:s16], [sflag:$0x5], $0x80, s29, s15, $0xb8;
	[tilespmem:$0x1F380] =	vst v63  }
0x238: {  	_ =	swait.ge [sflag:s8], $0x2800  }
0x239: {  	[sflag:s8] =	ssyncset.done $0x0  }
0x23a: {  	s29 =	rddreg [dreg:$0x9];
	[sflag:s8] =	ssyncadd.s32 $0xFFFFD800  }
0x23b: {  	[tilespmem:s22], [sflag:$0x4] =	stream.indirect.gather [hbm4b:s4+s15], $0x80, s29, s15, $0xb8;
	[tilespmem:$0x1F380] =	vst v63  }
0x23c: {  	_ =	swait.ge [sflag:s23], $0x2800  }
0x23d: {  	[sflag:s23] =	ssyncset.done $0x0  }
0x23e: {  	s29 =	rddreg [dreg:$0xa];
	[sflag:s23] =	ssyncadd.s32 $0xFFFFD800  }
0x23f: {  	[spmem:s2] =	stream.indirect.scatter.add.f32 [tilespmem:s17], [sflag:$0x6], $0x80, s29, s15, $0xb8;
	[tilespmem:$0x1F380] =	vst v63  }
0x240: {  	_ =	swait.ge [sflag:s25], $0x2800  }
0x241: {  	[sflag:s25] =	ssyncset.done $0x0  }
0x242: {  	s29 =	rddreg [dreg:$0xb];
	[sflag:s25] =	ssyncadd.s32 $0xFFFFD800  }
0x243: {  	[tilespmem:s16], [sflag:$0x1] =	stream.indirect.gather [hbm4b:s4+s15], $0x80, s29, s15, $0xb8;
	[tilespmem:$0x1F380] =	vst v63  }
0x244: {  	_ =	swait.ge [sflag:s28], $0x2800  }
0x245: {  	[sflag:s28] =	ssyncset.done $0x0  }
0x246: {  	s29 =	rddreg [dreg:$0xc];
	[sflag:s28] =	ssyncadd.s32 $0xFFFFD800  }
0x247: {  	[spmem:s2] =	stream.indirect.scatter.add.f32 [tilespmem:s19], [sflag:$0x7], $0x80, s29, s15, $0xb8;
	[tilespmem:$0x1F380] =	vst v63  }
0x248: {  	_ =	swait.ge [sflag:s30], $0x2800  }
0x249: {  	[sflag:s30] =	ssyncset.done $0x0  }
0x24a: {  	s29 =	rddreg [dreg:$0xd];
	[sflag:s30] =	ssyncadd.s32 $0xFFFFD800  }
0x24b: {  	[tilespmem:s17], [sflag:$0x2] =	stream.indirect.gather [hbm4b:s4+s15], $0x80, s29, s15, $0xb8;
	[tilespmem:$0x1F380] =	vst v63  }
0x24c: {  	_ =	swait.ge [sflag:s0], $0x2800  }
0x24d: {  	[sflag:s0] =	ssyncset.done $0x0  }
0x24e: {  	s29 =	rddreg [dreg:$0xe];
	[sflag:s0] =	ssyncadd.s32 $0xFFFFD800  }
0x24f: {  	[spmem:s2] =	stream.indirect.scatter.add.f32 [tilespmem:s22], [sflag:$0x8], $0x80, s29, s15, $0xb8;
	[tilespmem:$0x1F380] =	vst v63  }
0x250: {  	_ =	swait.ge [sflag:s5], $0x2800  }
0x251: {  	[sflag:s5] =	ssyncset.done $0x0  }
0x252: {  	s29 =	rddreg [dreg:$0xf];
	[sflag:s5] =	ssyncadd.s32 $0xFFFFD800  }
0x253: {  	[tilespmem:s19], [sflag:$0x3] =	stream.indirect.gather [hbm4b:s4+s15], $0x80, s29, s15, $0xb8;
	[tilespmem:$0x1F380] =	vst v63  }
0x254: {  	_ =	swait.ge [sflag:s20], $0x2800  }
0x255: {  	[sflag:s20] =	ssyncset.done $0x0  }
0x256: {  	s29 =	rddreg [dreg:$0x10];
	[sflag:s20] =	ssyncadd.s32 $0xFFFFD800  }
0x257: {  	[spmem:s2] =	stream.indirect.scatter.add.f32 [tilespmem:s16], [sflag:$0x5], $0x80, s29, s15, $0xb8;
	[tilespmem:$0x1F380] =	vst v63  }
0x258: {  	_ =	swait.ge [sflag:s8], $0x2800  }
0x259: {  	[sflag:s8] =	ssyncset.done $0x0  }
0x25a: {  	s29 =	rddreg [dreg:$0x11];
	[sflag:s8] =	ssyncadd.s32 $0xFFFFD800  }
0x25b: {  	[tilespmem:s22], [sflag:$0x4] =	stream.indirect.gather [hbm4b:s4+s15], $0x80, s29, s15, $0xb8;
	[tilespmem:$0x1F380] =	vst v63  }
0x25c: {  	_ =	swait.ge [sflag:s23], $0x2800  }
0x25d: {  	[sflag:s23] =	ssyncset.done $0x0  }
0x25e: {  	s29 =	rddreg [dreg:$0x12];
	[sflag:s23] =	ssyncadd.s32 $0xFFFFD800  }
0x25f: {  	[spmem:s2] =	stream.indirect.scatter.add.f32 [tilespmem:s17], [sflag:$0x6], $0x80, s29, s15, $0xb8;
	[tilespmem:$0x1F380] =	vst v63  }
0x260: {  	_ =	swait.ge [sflag:s25], $0x2800  }
0x261: {  	[sflag:s25] =	ssyncset.done $0x0  }
0x262: {  	s29 =	rddreg [dreg:$0x13];
	[sflag:s25] =	ssyncadd.s32 $0xFFFFD800  }
0x263: {  	[tilespmem:s16], [sflag:$0x1] =	stream.indirect.gather [hbm4b:s4+s15], $0x80, s29, s15, $0xb8;
	[tilespmem:$0x1F380] =	vst v63  }
0x264: {  	_ =	swait.ge [sflag:s28], $0x2800  }
0x265: {  	[sflag:s28] =	ssyncset.done $0x0  }
0x266: {  	s29 =	rddreg [dreg:$0x14];
	[sflag:s28] =	ssyncadd.s32 $0xFFFFD800  }
0x267: {  	[spmem:s2] =	stream.indirect.scatter.add.f32 [tilespmem:s19], [sflag:$0x7], $0x80, s29, s15, $0xb8;
	[tilespmem:$0x1F380] =	vst v63  }
0x268: {  	_ =	swait.ge [sflag:s30], $0x2800  }
0x269: {  	[sflag:s30] =	ssyncset.done $0x0  }
0x26a: {  	s29 =	rddreg [dreg:$0x15];
	[sflag:s30] =	ssyncadd.s32 $0xFFFFD800  }
0x26b: {  	[tilespmem:s17], [sflag:$0x2] =	stream.indirect.gather [hbm4b:s4+s15], $0x80, s29, s15, $0xb8;
	[tilespmem:$0x1F380] =	vst v63  }
0x26c: {  	_ =	swait.ge [sflag:s0], $0x2800  }
0x26d: {  	[sflag:s0] =	ssyncset.done $0x0  }
0x26e: {  	s29 =	rddreg [dreg:$0x16];
	[sflag:s0] =	ssyncadd.s32 $0xFFFFD800  }
0x26f: {  	[spmem:s2] =	stream.indirect.scatter.add.f32 [tilespmem:s22], [sflag:$0x8], $0x80, s29, s15, $0xb8;
	[tilespmem:$0x1F380] =	vst v63  }
0x270: {  	_ =	swait.ge [sflag:s5], $0x2800  }
0x271: {  	[sflag:s5] =	ssyncset.done $0x0  }
0x272: {  	s29 =	rddreg [dreg:$0x17];
	[sflag:s5] =	ssyncadd.s32 $0xFFFFD800  }
0x273: {  	[tilespmem:s19], [sflag:$0x3] =	stream.indirect.gather [hbm4b:s4+s15], $0x80, s29, s15, $0xb8;
	[tilespmem:$0x1F380] =	vst v63  }
0x274: {  	_ =	swait.ge [sflag:s20], $0x2800  }
0x275: {  	[sflag:s20] =	ssyncset.done $0x0  }
0x276: {  	s29 =	rddreg [dreg:$0x18];
	[sflag:s20] =	ssyncadd.s32 $0xFFFFD800  }
0x277: {  	[spmem:s2] =	stream.indirect.scatter.add.f32 [tilespmem:s16], [sflag:$0x5], $0x80, s29, s15, $0xb8;
	[tilespmem:$0x1F380] =	vst v63  }
0x278: {  	_ =	swait.ge [sflag:s8], $0x2800  }
0x279: {  	[sflag:s8] =	ssyncset.done $0x0  }
0x27a: {  	s29 =	rddreg [dreg:$0x19];
	[sflag:s8] =	ssyncadd.s32 $0xFFFFD800  }
0x27b: {  	[tilespmem:s22], [sflag:$0x4] =	stream.indirect.gather [hbm4b:s4+s15], $0x80, s29, s15, $0xb8;
	[tilespmem:$0x1F380] =	vst v63  }
0x27c: {  	_ =	swait.ge [sflag:s23], $0x2800  }
0x27d: {  	[sflag:s23] =	ssyncset.done $0x0  }
0x27e: {  	s29 =	rddreg [dreg:$0x1a];
	[sflag:s23] =	ssyncadd.s32 $0xFFFFD800  }
0x27f: {  	[spmem:s2] =	stream.indirect.scatter.add.f32 [tilespmem:s17], [sflag:$0x6], $0x80, s29, s15, $0xb8;
	[tilespmem:$0x1F380] =	vst v63  }
0x280: {  	_ =	swait.ge [sflag:s25], $0x2800  }
0x281: {  	[sflag:s25] =	ssyncset.done $0x0  }
0x282: {  	s29 =	rddreg [dreg:$0x1b];
	[sflag:s25] =	ssyncadd.s32 $0xFFFFD800  }
0x283: {  	[tilespmem:s16], [sflag:$0x1] =	stream.indirect.gather [hbm4b:s4+s15], $0x80, s29, s15, $0xb8;
	[tilespmem:$0x1F380] =	vst v63  }
0x284: {  	_ =	swait.ge [sflag:s28], $0x2800  }
0x285: {  	[sflag:s28] =	ssyncset.done $0x0  }
0x286: {  	s29 =	rddreg [dreg:$0x1c];
	[sflag:s28] =	ssyncadd.s32 $0xFFFFD800  }
0x287: {  	[spmem:s2] =	stream.indirect.scatter.add.f32 [tilespmem:s19], [sflag:$0x7], $0x80, s29, s15, $0xb8;
	[tilespmem:$0x1F380] =	vst v63  }
0x288: {  	_ =	swait.ge [sflag:s30], $0x2800  }
0x289: {  	[sflag:s30] =	ssyncset.done $0x0  }
0x28a: {  	s29 =	rddreg [dreg:$0x1d];
	[sflag:s30] =	ssyncadd.s32 $0xFFFFD800  }
0x28b: {  	[tilespmem:s17], [sflag:$0x2] =	stream.indirect.gather [hbm4b:s4+s15], $0x80, s29, s15, $0xb8;
	[tilespmem:$0x1F380] =	vst v63  }
0x28c: {  	_ =	swait.ge [sflag:s0], $0x2800  }
0x28d: {  	[sflag:s0] =	ssyncset.done $0x0  }
0x28e: {  	s29 =	rddreg [dreg:$0x1e];
	[sflag:s0] =	ssyncadd.s32 $0xFFFFD800  }
0x28f: {  	[spmem:s2] =	stream.indirect.scatter.add.f32 [tilespmem:s22], [sflag:$0x8], $0x80, s29, s15, $0xb8;
	[tilespmem:$0x1F380] =	vst v63  }
0x290: {  	_ =	swait.ge [sflag:s5], $0x2800  }
0x291: {  	[sflag:s5] =	ssyncset.done $0x0  }
0x292: {  	s29 =	rddreg [dreg:$0x1f];
	[sflag:s5] =	ssyncadd.s32 $0xFFFFD800  }
0x293: {  	[tilespmem:s19], [sflag:$0x3] =	stream.indirect.gather [hbm4b:s4+s15], $0x80, s29, s15, $0xb8;
	[tilespmem:$0x1F380] =	vst v63  }
0x294: {  	_ =	swait.ge [sflag:s20], $0x2800  }
0x295: {  	s29 =	sld [smem:$0x7F7]  }
0x296: {  	[sflag:s20] =	ssyncset.done $0x0  }
0x297: {  	[sflag:s20] =	ssyncadd.s32 $0xFFFFD800  }
0x298: {  	[spmem:s2] =	stream.indirect.scatter.add.f32 [tilespmem:s16], [sflag:$0x5], $0x80, s29, s15, $0xb8;
	[tilespmem:$0x1F380] =	vst v63  }
0x299: {  	_ =	swait.ge [sflag:s8], $0x2800  }
0x29a: {  	s29 =	sld [smem:$0x7F8]  }
0x29b: {  	[sflag:s8] =	ssyncset.done $0x0  }
0x29c: {  	[sflag:s8] =	ssyncadd.s32 $0xFFFFD800  }
0x29d: {  	[tilespmem:s22], [sflag:$0x4] =	stream.indirect.gather [hbm4b:s4+s15], $0x80, s29, s15, $0xb8;
	[tilespmem:$0x1F380] =	vst v63  }
0x29e: {  	_ =	swait.ge [sflag:s23], $0x2800  }
0x29f: {  	s29 =	sld [smem:$0x7F9]  }
0x2a0: {  	[sflag:s23] =	ssyncset.done $0x0  }
0x2a1: {  	[sflag:s23] =	ssyncadd.s32 $0xFFFFD800  }
0x2a2: {  	[spmem:s2] =	stream.indirect.scatter.add.f32 [tilespmem:s17], [sflag:$0x6], $0x80, s29, s15, $0xb8;
	[tilespmem:$0x1F380] =	vst v63  }
0x2a3: {  	_ =	swait.ge [sflag:s25], $0x2800  }
0x2a4: {  	[sflag:s25] =	ssyncset.done $0x0  }
0x2a5: {  	[sflag:s25] =	ssyncadd.s32 $0xFFFFD800  }
0x2a6: {  	_ =	swait.ge [sflag:s28], $0x2800  }
0x2a7: {  	s29 =	sld [smem:$0x7FA]  }
0x2a8: {  	[sflag:s28] =	ssyncset.done $0x0  }
0x2a9: {  	[sflag:s28] =	ssyncadd.s32 $0xFFFFD800  }
0x2aa: {  	[spmem:s2] =	stream.indirect.scatter.add.f32 [tilespmem:s19], [sflag:$0x7], $0x80, s29, s15, $0xb8;
	[tilespmem:$0x1F380] =	vst v63  }
0x2ab: {  	_ =	swait.ge [sflag:s30], $0x2800  }
0x2ac: {  	[sflag:s30] =	ssyncset.done $0x0  }
0x2ad: {  	[sflag:s30] =	ssyncadd.s32 $0xFFFFD800  }
0x2ae: {  	_ =	swait.ge [sflag:s0], $0x2800  }
0x2af: {  	s29 =	sld [smem:$0x7FB]  }
0x2b0: {  	[sflag:s0] =	ssyncset.done $0x0  }
0x2b1: {  	p1 =	seq.s32 s24, $0x690;
	[sflag:s0] =	ssyncadd.s32 $0xFFFFD800  }
0x2b2: {  	[spmem:s2] =	stream.indirect.scatter.add.f32 [tilespmem:s22], [sflag:$0x8], $0x80, s29, s15, $0xb8;
	[tilespmem:$0x1F380] =	vst v63  }
.Ltmp3:
0x2b3: {  	_ =	swait.ge [sflag:s5], $0x2800;
	(pc) =	sbr.rel @!p1 .LBB2_6-.Ltmp3, $4  }
0x2b4: {  	[sflag:s5] =	ssyncset.done $0x0  }
0x2b5: {  	[sflag:s5] =	ssyncadd.s32 $0xFFFFD800  }
0x2b6: {  	_ =	swait.ge [sflag:s8], $0x2800  }
0x2b7: {  	s24 =	sadd.s32 $0xF0, s24;
	s26 =	rddreg [dreg:$0x4];
	[sflag:s8] =	ssyncset.done $0x0  }
.Ltmp4:
0x2b8: {  	_ = 	snop;
	(pc) =	sbr.rel .LBB2_7-.Ltmp4, $1  }
0x2b9: {  	_ =	sdelay $0x3  }
.LBB2_2:
0x2ba: {  	s18 =	sld [smem:$0x7F1];
	_ =	sdelay $0x2  }
0x2bb: {  	[spmem:s24], [sflag:s21] =	dma.local [hbm:s18], $0x2800  }
0x2bc: {  	_ =	swait.ge [sflag:s13], $0x2800  }
0x2bd: {  	[sflag:s13] =	ssyncset.done $0x0  }
0x2be: {  	[sflag:s13] =	ssyncadd.s32 $0xFFFFD800  }
0x2bf: {  	[bflag:$0x0] =	sbarrier.arrive $0xFFFF  }
0x2c0: {  	s24 =	rddreg [dreg:$0x3]  }
0x2c1: {  	s18 =	sadd.s32 $0x0, s24  }
0x2c2: {  	[tilespmem:s3], [sflag:$0x9] =	stream.linear.gather [hbm4b:s18+s3], $0x280, $0x38;
	[tilespmem:$0x1F380] =	vst v63  }
0x2c3: {  	_ =	swait.ge [sflag:s13], $0x280  }
0x2c4: {  	s21 =	sld [smem:$0x7F6]  }
0x2c5: {  	[sflag:s13] =	ssyncset.done $0x0  }
0x2c6: {  	[sflag:s13] =	ssyncadd.s32 $0xFFFFFD80  }
0x2c7: {  	[tilespmem:s14], [sflag:$0x9] =	stream.linear.gather [hbm4b:s21+s3], $0x400, $0x38;
	[tilespmem:$0x1F380] =	vst v63  }
0x2c8: {  	_ =	swait.ge [sflag:s13], $0x400  }
0x2c9: {  	[sflag:s13] =	ssyncset.done $0x0  }
0x2ca: {  	[sflag:s13] =	ssyncadd.s32 $0xFFFFFC00  }
0x2cb: {  	[tilespmem:s16], [sflag:$0x1] =	stream.indirect.gather [hbm4b:s4+s15], $0x80, s3, s15, $0xb8;
	[tilespmem:$0x1F380] =	vst v63  }
0x2cc: {  	_ = 	snop  }
0x2cd: {  	[tilespmem:s17], [sflag:$0x2] =	stream.indirect.gather [hbm4b:s4+s15], $0x80, s15, s15, $0xb8;
	[tilespmem:$0x1F380] =	vst v63  }
0x2ce: {  	_ = 	snop  }
0x2cf: {  	[tilespmem:s19], [sflag:$0x3] =	stream.indirect.gather [hbm4b:s4+s15], $0x80, s26, s15, $0xb8;
	[tilespmem:$0x1F380] =	vst v63  }
0x2d0: {  	_ =	swait.ge [sflag:s20], $0x2800  }
0x2d1: {  	[sflag:s20] =	ssyncset.done $0x0  }
0x2d2: {  	[sflag:s20] =	ssyncadd.s32 $0xFFFFD800  }
0x2d3: {  	[spmem:s2] =	stream.indirect.scatter.add.f32 [tilespmem:s16], [sflag:$0x5], $0x80, s14, s15, $0xb8;
	[tilespmem:$0x1F380] =	vst v63  }
0x2d4: {  	_ = 	snop  }
0x2d5: {  	[tilespmem:s22], [sflag:$0x4] =	stream.indirect.gather [hbm4b:s4+s15], $0x80, s1, s15, $0xb8;
	[tilespmem:$0x1F380] =	vst v63  }
0x2d6: {  	_ =	swait.ge [sflag:s23], $0x2800  }
0x2d7: {  	[sflag:s23] =	ssyncset.done $0x0  }
0x2d8: {  	[sflag:s23] =	ssyncadd.s32 $0xFFFFD800  }
0x2d9: {  	[spmem:s2] =	stream.indirect.scatter.add.f32 [tilespmem:s17], [sflag:$0x6], $0x80, s6, s15, $0xb8;
	[tilespmem:$0x1F380] =	vst v63  }
0x2da: {  	_ =	swait.ge [sflag:s25], $0x2800  }
0x2db: {  	[sflag:s25] =	ssyncset.done $0x0  }
0x2dc: {  	[sflag:s25] =	ssyncadd.s32 $0xFFFFD800  }
0x2dd: {  	[tilespmem:s16], [sflag:$0x1] =	stream.indirect.gather [hbm4b:s4+s15], $0x80, s7, s15, $0xb8;
	[tilespmem:$0x1F380] =	vst v63  }
0x2de: {  	_ =	swait.ge [sflag:s28], $0x2800  }
0x2df: {  	[sflag:s28] =	ssyncset.done $0x0  }
0x2e0: {  	[sflag:s28] =	ssyncadd.s32 $0xFFFFD800  }
0x2e1: {  	[spmem:s2] =	stream.indirect.scatter.add.f32 [tilespmem:s19], [sflag:$0x7], $0x80, s9, s15, $0xb8;
	[tilespmem:$0x1F380] =	vst v63  }
0x2e2: {  	_ =	swait.ge [sflag:s30], $0x2800  }
0x2e3: {  	[sflag:s30] =	ssyncset.done $0x0  }
0x2e4: {  	[sflag:s30] =	ssyncadd.s32 $0xFFFFD800  }
0x2e5: {  	[tilespmem:s17], [sflag:$0x2] =	stream.indirect.gather [hbm4b:s4+s15], $0x80, s10, s15, $0xb8;
	[tilespmem:$0x1F380] =	vst v63  }
0x2e6: {  	_ =	swait.ge [sflag:s0], $0x2800  }
0x2e7: {  	[sflag:s0] =	ssyncset.done $0x0  }
0x2e8: {  	[sflag:s0] =	ssyncadd.s32 $0xFFFFD800  }
0x2e9: {  	[spmem:s2] =	stream.indirect.scatter.add.f32 [tilespmem:s22], [sflag:$0x8], $0x80, s11, s15, $0xb8;
	[tilespmem:$0x1F380] =	vst v63  }
0x2ea: {  	_ =	swait.ge [sflag:s5], $0x2800  }
0x2eb: {  	[sflag:s5] =	ssyncset.done $0x0  }
0x2ec: {  	[sflag:s5] =	ssyncadd.s32 $0xFFFFD800  }
0x2ed: {  	[tilespmem:s19], [sflag:$0x3] =	stream.indirect.gather [hbm4b:s4+s15], $0x80, s12, s15, $0xb8;
	[tilespmem:$0x1F380] =	vst v63  }
0x2ee: {  	_ =	swait.ge [sflag:s20], $0x2800  }
0x2ef: {  	[sflag:s20] =	ssyncset.done $0x0  }
0x2f0: {  	[sflag:s20] =	ssyncadd.s32 $0xFFFFD800  }
0x2f1: {  	[spmem:s2] =	stream.indirect.scatter.add.f32 [tilespmem:s16], [sflag:$0x5], $0x80, s31, s15, $0xb8;
	[tilespmem:$0x1F380] =	vst v63  }
0x2f2: {  	_ =	swait.ge [sflag:s8], $0x2800  }
0x2f3: {  	[sflag:s8] =	ssyncset.done $0x0  }
0x2f4: {  	s29 =	simm.s32 $0x230;
	[sflag:s8] =	ssyncadd.s32 $0xFFFFD800  }
0x2f5: {  	[tilespmem:s22], [sflag:$0x4] =	stream.indirect.gather [hbm4b:s4+s15], $0x80, s29, s15, $0xb8;
	[tilespmem:$0x1F380] =	vst v63  }
0x2f6: {  	_ =	swait.ge [sflag:s23], $0x2800  }
0x2f7: {  	[sflag:s23] =	ssyncset.done $0x0  }
0x2f8: {  	s24 =	simm.s32 $0xA00;
	[sflag:s23] =	ssyncadd.s32 $0xFFFFD800  }
0x2f9: {  	[spmem:s2] =	stream.indirect.scatter.add.f32 [tilespmem:s17], [sflag:$0x6], $0x80, s24, s15, $0xb8;
	[tilespmem:$0x1F380] =	vst v63  }
0x2fa: {  	_ =	swait.ge [sflag:s25], $0x2800  }
0x2fb: {  	[sflag:s25] =	ssyncset.done $0x0  }
0x2fc: {  	[sflag:s25] =	ssyncadd.s32 $0xFFFFD800  }
0x2fd: {  	_ =	swait.ge [sflag:s28], $0x2800  }
0x2fe: {  	[sflag:s28] =	ssyncset.done $0x0  }
0x2ff: {  	s26 =	simm.s32 $0xA80;
	[sflag:s28] =	ssyncadd.s32 $0xFFFFD800  }
0x300: {  	[spmem:s2] =	stream.indirect.scatter.add.f32 [tilespmem:s19], [sflag:$0x7], $0x80, s26, s15, $0xb8;
	[tilespmem:$0x1F380] =	vst v63  }
0x301: {  	_ =	swait.ge [sflag:s30], $0x2800  }
0x302: {  	[sflag:s30] =	ssyncset.done $0x0  }
0x303: {  	[sflag:s30] =	ssyncadd.s32 $0xFFFFD800  }
0x304: {  	_ =	swait.ge [sflag:s0], $0x2800  }
0x305: {  	[sflag:s0] =	ssyncset.done $0x0  }
0x306: {  	s29 =	simm.s32 $0xB00;
	[sflag:s0] =	ssyncadd.s32 $0xFFFFD800  }
0x307: {  	[spmem:s2] =	stream.indirect.scatter.add.f32 [tilespmem:s22], [sflag:$0x8], $0x80, s29, s15, $0xb8;
	[tilespmem:$0x1F380] =	vst v63  }
0x308: {  	_ =	swait.ge [sflag:s5], $0x2800  }
0x309: {  	[sflag:s5] =	ssyncset.done $0x0  }
0x30a: {  	[sflag:s5] =	ssyncadd.s32 $0xFFFFD800  }
0x30b: {  	_ =	swait.ge [sflag:s8], $0x2800  }
0x30c: {  	s18 =	simm.s32 $0x50;
	[sflag:s8] =	ssyncset.done $0x0  }
.LBB2_3:
0x30d: {  	s24 =	rddreg [dreg:$0x3];
	s26 =	smov.u32 s18  }
0x30e: {  	[sflag:s8] =	ssyncadd.s32 $0xFFFFD800;
	s24 =	sadd.s32 s26, s24  }
0x30f: {  	[tilespmem:s3], [sflag:$0x9] =	stream.linear.gather [hbm4b:s24+s3], $0x280, $0x38;
	[tilespmem:$0x1F380] =	vst v63  }
0x310: {  	_ =	swait.ge [sflag:s13], $0x280  }
0x311: {  	[sflag:s13] =	ssyncset.done $0x0  }
0x312: {  	s21 =	sadd.s32 $0x80, s21;
	[sflag:s13] =	ssyncadd.s32 $0xFFFFFD80  }
0x313: {  	[tilespmem:s14], [sflag:$0x9] =	stream.linear.gather [hbm4b:s21+s3], $0x400, $0x38;
	[tilespmem:$0x1F380] =	vst v63  }
0x314: {  	_ =	swait.ge [sflag:s13], $0x400  }
0x315: {  	[sflag:s13] =	ssyncset.done $0x0  }
0x316: {  	[sflag:s13] =	ssyncadd.s32 $0xFFFFFC00  }
0x317: {  	[tilespmem:s16], [sflag:$0x1] =	stream.indirect.gather [hbm4b:s4+s15], $0x80, s3, s15, $0xb8;
	[tilespmem:$0x1F380] =	vst v63  }
0x318: {  	_ = 	snop  }
0x319: {  	[tilespmem:s17], [sflag:$0x2] =	stream.indirect.gather [hbm4b:s4+s15], $0x80, s15, s15, $0xb8;
	[tilespmem:$0x1F380] =	vst v63  }
0x31a: {  	s26 =	simm.s32 $0xA0  }
0x31b: {  	[tilespmem:s19], [sflag:$0x3] =	stream.indirect.gather [hbm4b:s4+s15], $0x80, s26, s15, $0xb8;
	[tilespmem:$0x1F380] =	vst v63  }
0x31c: {  	_ =	swait.ge [sflag:s20], $0x2800  }
0x31d: {  	[sflag:s20] =	ssyncset.done $0x0  }
0x31e: {  	[sflag:s20] =	ssyncadd.s32 $0xFFFFD800  }
0x31f: {  	[spmem:s2] =	stream.indirect.scatter.add.f32 [tilespmem:s16], [sflag:$0x5], $0x80, s14, s15, $0xb8;
	[tilespmem:$0x1F380] =	vst v63  }
0x320: {  	_ = 	snop  }
0x321: {  	[tilespmem:s22], [sflag:$0x4] =	stream.indirect.gather [hbm4b:s4+s15], $0x80, s1, s15, $0xb8;
	[tilespmem:$0x1F380] =	vst v63  }
0x322: {  	_ =	swait.ge [sflag:s23], $0x2800  }
0x323: {  	[sflag:s23] =	ssyncset.done $0x0  }
0x324: {  	[sflag:s23] =	ssyncadd.s32 $0xFFFFD800  }
0x325: {  	[spmem:s2] =	stream.indirect.scatter.add.f32 [tilespmem:s17], [sflag:$0x6], $0x80, s6, s15, $0xb8;
	[tilespmem:$0x1F380] =	vst v63  }
0x326: {  	_ =	swait.ge [sflag:s25], $0x2800  }
0x327: {  	[sflag:s25] =	ssyncset.done $0x0  }
0x328: {  	[sflag:s25] =	ssyncadd.s32 $0xFFFFD800  }
0x329: {  	[tilespmem:s16], [sflag:$0x1] =	stream.indirect.gather [hbm4b:s4+s15], $0x80, s7, s15, $0xb8;
	[tilespmem:$0x1F380] =	vst v63  }
0x32a: {  	_ =	swait.ge [sflag:s28], $0x2800  }
0x32b: {  	[sflag:s28] =	ssyncset.done $0x0  }
0x32c: {  	[sflag:s28] =	ssyncadd.s32 $0xFFFFD800  }
0x32d: {  	[spmem:s2] =	stream.indirect.scatter.add.f32 [tilespmem:s19], [sflag:$0x7], $0x80, s9, s15, $0xb8;
	[tilespmem:$0x1F380] =	vst v63  }
0x32e: {  	_ =	swait.ge [sflag:s30], $0x2800  }
0x32f: {  	[sflag:s30] =	ssyncset.done $0x0  }
0x330: {  	[sflag:s30] =	ssyncadd.s32 $0xFFFFD800  }
0x331: {  	[tilespmem:s17], [sflag:$0x2] =	stream.indirect.gather [hbm4b:s4+s15], $0x80, s10, s15, $0xb8;
	[tilespmem:$0x1F380] =	vst v63  }
0x332: {  	_ =	swait.ge [sflag:s0], $0x2800  }
0x333: {  	[sflag:s0] =	ssyncset.done $0x0  }
0x334: {  	[sflag:s0] =	ssyncadd.s32 $0xFFFFD800  }
0x335: {  	[spmem:s2] =	stream.indirect.scatter.add.f32 [tilespmem:s22], [sflag:$0x8], $0x80, s11, s15, $0xb8;
	[tilespmem:$0x1F380] =	vst v63  }
0x336: {  	_ =	swait.ge [sflag:s5], $0x2800  }
0x337: {  	[sflag:s5] =	ssyncset.done $0x0  }
0x338: {  	[sflag:s5] =	ssyncadd.s32 $0xFFFFD800  }
0x339: {  	[tilespmem:s19], [sflag:$0x3] =	stream.indirect.gather [hbm4b:s4+s15], $0x80, s12, s15, $0xb8;
	[tilespmem:$0x1F380] =	vst v63  }
0x33a: {  	_ =	swait.ge [sflag:s20], $0x2800  }
0x33b: {  	[sflag:s20] =	ssyncset.done $0x0  }
0x33c: {  	[sflag:s20] =	ssyncadd.s32 $0xFFFFD800  }
0x33d: {  	[spmem:s2] =	stream.indirect.scatter.add.f32 [tilespmem:s16], [sflag:$0x5], $0x80, s31, s15, $0xb8;
	[tilespmem:$0x1F380] =	vst v63  }
0x33e: {  	_ =	swait.ge [sflag:s8], $0x2800  }
0x33f: {  	[sflag:s8] =	ssyncset.done $0x0  }
0x340: {  	s29 =	simm.s32 $0x230;
	[sflag:s8] =	ssyncadd.s32 $0xFFFFD800  }
0x341: {  	[tilespmem:s22], [sflag:$0x4] =	stream.indirect.gather [hbm4b:s4+s15], $0x80, s29, s15, $0xb8;
	[tilespmem:$0x1F380] =	vst v63  }
0x342: {  	_ =	swait.ge [sflag:s23], $0x2800  }
0x343: {  	[sflag:s23] =	ssyncset.done $0x0  }
0x344: {  	s29 =	simm.s32 $0xA00;
	[sflag:s23] =	ssyncadd.s32 $0xFFFFD800  }
0x345: {  	[spmem:s2] =	stream.indirect.scatter.add.f32 [tilespmem:s17], [sflag:$0x6], $0x80, s29, s15, $0xb8;
	[tilespmem:$0x1F380] =	vst v63  }
0x346: {  	_ =	swait.ge [sflag:s25], $0x2800  }
0x347: {  	[sflag:s25] =	ssyncset.done $0x0  }
0x348: {  	[sflag:s25] =	ssyncadd.s32 $0xFFFFD800  }
0x349: {  	_ =	swait.ge [sflag:s28], $0x2800  }
0x34a: {  	[sflag:s28] =	ssyncset.done $0x0  }
0x34b: {  	s29 =	simm.s32 $0xA80;
	[sflag:s28] =	ssyncadd.s32 $0xFFFFD800  }
0x34c: {  	[spmem:s2] =	stream.indirect.scatter.add.f32 [tilespmem:s19], [sflag:$0x7], $0x80, s29, s15, $0xb8;
	[tilespmem:$0x1F380] =	vst v63  }
0x34d: {  	_ =	swait.ge [sflag:s30], $0x2800  }
0x34e: {  	[sflag:s30] =	ssyncset.done $0x0  }
0x34f: {  	[sflag:s30] =	ssyncadd.s32 $0xFFFFD800  }
0x350: {  	_ =	swait.ge [sflag:s0], $0x2800  }
0x351: {  	[sflag:s0] =	ssyncset.done $0x0  }
0x352: {  	p1 =	sne.s32 s18, $0x230;
	s29 =	simm.s32 $0xB00;
	[sflag:s0] =	ssyncadd.s32 $0xFFFFD800  }
0x353: {  	[spmem:s2] =	stream.indirect.scatter.add.f32 [tilespmem:s22], [sflag:$0x8], $0x80, s29, s15, $0xb8;
	[tilespmem:$0x1F380] =	vst v63  }
.Ltmp5:
0x354: {  	_ =	swait.ge [sflag:s5], $0x2800;
	(pc) =	sbr.rel @p1 .LBB2_3-.Ltmp5, $4  }
0x355: {  	[sflag:s5] =	ssyncset.done $0x0  }
0x356: {  	[sflag:s5] =	ssyncadd.s32 $0xFFFFD800  }
0x357: {  	_ =	swait.ge [sflag:s8], $0x2800  }
0x358: {  	s18 =	sadd.s32 $0x50, s18;
	[sflag:s8] =	ssyncset.done $0x0  }
.Ltmp6:
0x359: {  	(pc) =	sbr.rel .LBB2_8-.Ltmp6, $3  }
0x35a: {  	_ =	sdelay $0x1  }
0x35b: {  	s29 =	sld [smem:$0x7F0]  }
0x35c: {  	[sflag:s8] =	ssyncadd.s32 $0xFFFFD800;
	s18 =	sld [smem:$0x7F3]  }
.LBB2_9:
0x35d: {  	_ =	sfence.sel $0x180000  }
0x35e: {  	[bflag:$0x0] =	sbarrier.arrive $0xFFFF  }
0x35f: {  	_ =	strace $0x9000004D  }
0x360: {  	s0 =	stileid.u32;
	[bflag:$0x2] =	sbarrier.arrive $0xFFFF  }
0x361: {  	p0 =	sne.s32 s0, $0x0;
	s0 =	rddreg [dreg:$0x2]  }
0x362: {  	s0 =	sadd.s32 @!p0 $0x100000, s0  }
0x363: {  	[sflag:s0] =	ssyncadd.tile.s32 @!p0 $0x1;
	_ =	shalt  }
.Lfunc_end2:
_tile_overlayer_lowered:
.L_overlay_start_2:
0x364: {  	(tag) =	ssettag $0x2  }
0x365: {  	s0 =	rddreg [dreg:$0x0];
	s2 =	stileid.u32  }
0x366: {  	s1 =	rddreg [dreg:$0x1];
	p0 =	sne.s32 s2, $0x0  }
0x367: {  	s3 =	rddreg [dreg:$0x2];
	[bflag:$0x3] =	sbarrier.arrive $0xFFFF;
	s2 =	simm.s32 @!p0 $0x1C09  }
0x368: {  	[timem:s3], [sflag:s2] =	dma.local @!p0 [hbm:s0], s1  }
0x369: {  	s0 =	simm.s32 @!p0 $0x9  }
0x36a: {  	_ =	swait.ge @!p0 [sflag:s0], s1  }
0x36b: {  	s1 =	ssub.s32 @!p0 $0x0, s1;
	[sflag:s0] =	ssyncset.done @!p0 $0x0  }
0x36c: {  	[sflag:s0] =	ssyncadd.s32 @!p0 s1  }
0x36d: {  	[bflag:$0x3] =	sbarrier.arrive $0xFFFF  }
0x36e: {  	_ =	shalt  }

// kernel: kernel.9.cloned.1.call-start
scs
__scs_entry_jumppad:
0x0: {  	(pc) =	sbr.rel $0x88, $3  }
0x1: {  	(tag) =	ssettag $0x0;
	lr =	simm.s32 $0x1  }
0x2: {  	[smem:$0x3F82] =	sst lr;
	_ =	strace $0xD0000000  }
0x3: {  	_ = 	snop  }
0x4: {  	_ = 	snop  }
0x5: {  	_ = 	snop  }
0x6: {  	_ = 	snop  }
0x7: {  	_ = 	snop  }
__scs_overlays_trampoline_lowered:
0x8: {  	[smem:$0x3F91] =	sst s0  }
0x9: {  	[smem:$0x3F92] =	sst s1  }
0xa: {  	[smem:$0x3F93] =	sst s2  }
0xb: {  	[smem:$0x3F94] =	sst s3  }
0xc: {  	[smem:$0x3F95] =	sst s4  }
0xd: {  	[smem:$0x3F96] =	sst s5  }
0xe: {  	[smem:$0x3F97] =	sst s6  }
0xf: {  	[smem:$0x3F98] =	sst s7  }
0x10: {  	[smem:$0x3F99] =	sst s8  }
0x11: {  	[smem:$0x3F9A] =	sst s9;
	s0 =	simm.s32 @!p0 $0x0  }
0x12: {  	s1 =	sld [smem:$0x3F80];
	s0 =	simm.s32 @p0 $0x1  }
0x13: {  	[smem:$0x3F9B] =	sst s0;
	s0 =	simm.s32 @!p1 $0x0  }
0x14: {  	s2 =	sld [smem:$0x3F7F];
	s0 =	simm.s32 @p1 $0x1  }
0x15: {  	[smem:$0x3F9C] =	sst s0;
	s0 =	simm.s32 @!p2 $0x0  }
0x16: {  	s3 =	sld [smem:$0x3FDB];
	s0 =	simm.s32 @p2 $0x1  }
0x17: {  	s4 =	simm.s32 $0x1BF5;
	[smem:$0x3F9E] =	sst s0  }
0x18: {  	s0 =	sld [smem:$0x3F81];
	_ =	swait.ge [sflag:s4], $0x0  }
0x19: {  	s7 =	sld [smem:$0x3F82]  }
0x1a: {  	s8 =	sadd.s32 $0xFFFFE003, lr  }
0x1b: {  	s9 =	sadd.s32 $0xFFFFFEF7, lr;
	s5 =	simm.s32 $0xFFFFFFFF;
	p2 =	slt.u32 s8, $0xFFFFF086  }
0x1c: {  	p1 =	slt.u32 s9, $0xF7A;
	s5 =	simm.s32 @!p2 $0x0  }
0x1d: {  	s5 =	simm.s32 @p1 $0x1;
	p0 =	seq.s32 s7, s2  }
0x1e: {  	s7 =	smul.u32 @!p0 $0xF7A, s2;
	p2 =	seq.s32 @!p0 s5, $0x0  }
0x1f: {  	s9 =	smul.u32 $0xF7A, s1;
	s8 =	simm.s32 @!p0 $0x1BF5;
	p2 =	por !p2, p0  }
0x20: {  	[sflag:s8] =	ssyncset.s32 @!p0 $0xFFFFF086;
	s6 =	sadd.s32 @!p0 s3, s7;
	s7 =	simm.s32 @!p0 $0x108  }
0x21: {  	s3 =	sadd.s32 s3, s9;
	s6 =	sadd.s32 @!p0 $0x88, s6;
	s7 =	simm.s32 @p2 $0x1082  }
0x22: {  	[simem:s7], [sflag:s8] =	dma.local @!p0 [hbm:s6], $0xF7A  }
0x23: {  	s9 =	sor.u32 $0xD0000000, s2;
	s6 =	simm.s32 $0x108;
	_ =	swait.ge @!p0 [sflag:s8], $0x0  }
0x24: {  	s3 =	sadd.s32 $0x88, s3;
	s6 =	simm.s32 @!p1 $0x1082;
	[sflag:s4] =	ssyncset.s32 $0xFFFFF086  }
0x25: {  	[simem:s6], [sflag:s4] =	dma.local [hbm:s3], $0xF7A  }
0x26: {  	[smem:$0x3F82] =	sst s1;
	(tag) =	ssettag s2;
	_ =	strace s9  }
0x27: {  	s1 =	sld [smem:$0x3F92]  }
0x28: {  	s2 =	sld [smem:$0x3F93]  }
0x29: {  	s4 =	sld [smem:$0x3F95]  }
0x2a: {  	p0 =	seq.s32 s5, $0x0;
	s5 =	sld [smem:$0x3F96]  }
0x2b: {  	s6 =	sld [smem:$0x3F97]  }
0x2c: {  	s7 =	sld [smem:$0x3F98]  }
0x2d: {  	s3 =	simm.s32 $0x108;
	s8 =	sld [smem:$0x3F99]  }
0x2e: {  	s3 =	simm.s32 @!p0 $0x1082;
	s9 =	sld [smem:$0x3F9A]  }
0x2f: {  	lr =	sadd.s32 s0, s3;
	s0 =	sld [smem:$0x3F91]  }
0x30: {  	s3 =	sld [smem:$0x3F94]  }
0x31: {  	[smem:$0x3F9D] =	sst s10  }
0x32: {  	s10 =	sld [smem:$0x3F9B];
	_ =	sdelay $0x3  }
0x33: {  	p0 =	seq.s32 s10, $0x1;
	s10 =	sld [smem:$0x3F9D];
	_ =	sdelay $0x3  }
0x34: {  	[smem:$0x3F9D] =	sst s10  }
0x35: {  	s10 =	sld [smem:$0x3F9C];
	_ =	sdelay $0x3  }
0x36: {  	p1 =	seq.s32 s10, $0x1;
	s10 =	sld [smem:$0x3F9D];
	_ =	sdelay $0x3  }
0x37: {  	[smem:$0x3F9D] =	sst s10  }
0x38: {  	s10 =	sld [smem:$0x3F9E]  }
0x39: {  	_ = 	snop;
	(pc) =	sbr.ind lr, $3  }
0x3a: {  	_ = 	snop  }
0x3b: {  	_ = 	snop  }
0x3c: {  	p2 =	seq.s32 s10, $0x1;
	s10 =	sld [smem:$0x3F9D]  }
0x3d: {  	_ =	shalt  }
0x3e: {  	_ =	shalt  }
0x3f: {  	_ =	shalt  }
0x40: {  	_ =	shalt  }
0x41: {  	_ =	shalt  }
0x42: {  	_ =	shalt  }
0x43: {  	_ =	shalt  }
0x44: {  	_ =	shalt  }
0x45: {  	_ =	shalt  }
0x46: {  	_ =	shalt  }
0x47: {  	_ =	shalt  }
0x48: {  	_ =	shalt  }
0x49: {  	_ =	shalt  }
0x4a: {  	_ =	shalt  }
0x4b: {  	_ =	shalt  }
0x4c: {  	_ =	shalt  }
0x4d: {  	_ =	shalt  }
0x4e: {  	_ =	shalt  }
0x4f: {  	_ =	shalt  }
0x50: {  	_ =	shalt  }
0x51: {  	_ =	shalt  }
0x52: {  	_ =	shalt  }
0x53: {  	_ =	shalt  }
0x54: {  	_ =	shalt  }
0x55: {  	_ =	shalt  }
0x56: {  	_ =	shalt  }
0x57: {  	_ =	shalt  }
0x58: {  	_ =	shalt  }
0x59: {  	_ =	shalt  }
0x5a: {  	_ =	shalt  }
0x5b: {  	_ =	shalt  }
0x5c: {  	_ =	shalt  }
0x5d: {  	_ =	shalt  }
0x5e: {  	_ =	shalt  }
0x5f: {  	_ =	shalt  }
0x60: {  	_ =	shalt  }
0x61: {  	_ =	shalt  }
0x62: {  	_ =	shalt  }
0x63: {  	_ =	shalt  }
0x64: {  	_ =	shalt  }
0x65: {  	_ =	shalt  }
0x66: {  	_ =	shalt  }
0x67: {  	_ =	shalt  }
0x68: {  	_ =	shalt  }
0x69: {  	_ =	shalt  }
0x6a: {  	_ =	shalt  }
0x6b: {  	_ =	shalt  }
0x6c: {  	_ =	shalt  }
0x6d: {  	_ =	shalt  }
0x6e: {  	_ =	shalt  }
0x6f: {  	_ =	shalt  }
0x70: {  	_ =	shalt  }
0x71: {  	_ =	shalt  }
0x72: {  	_ =	shalt  }
0x73: {  	_ =	shalt  }
0x74: {  	_ =	shalt  }
0x75: {  	_ =	shalt  }
0x76: {  	_ =	shalt  }
0x77: {  	_ =	shalt  }
0x78: {  	_ =	shalt  }
0x79: {  	_ =	shalt  }
0x7a: {  	_ =	shalt  }
0x7b: {  	_ =	shalt  }
0x7c: {  	_ =	shalt  }
0x7d: {  	_ =	shalt  }
0x7e: {  	_ =	shalt  }
0x7f: {  	_ =	shalt  }
0x80: {  	_ =	shalt  }
0x81: {  	_ =	shalt  }
0x82: {  	_ =	shalt  }
0x83: {  	_ =	shalt  }
0x84: {  	_ =	shalt  }
0x85: {  	_ =	shalt  }
0x86: {  	_ =	shalt  }
0x87: {  	_ =	shalt  }
.Lfunc_end0:
.L_simem_size_0:
called_computation_lowered:
.L_overlay_start_0:
0x88: {  	s2 =	sld [smem:$0x3FD9]  }
0x89: {  	s3 =	sld [smem:$0x3FFE];
	_ =	sdelay $0x1  }
0x8a: {  	s1 =	srdreg.scid  }
0x8b: {  	s0 =	sand.u32 $0x1, s1  }
0x8c: {  	s16 =	sshll.u32 s0, $0xA;
	s2 =	sadd.s32 s3, s2  }
0x8d: {  	s2 =	sadd.s32 s2, s16  }
0x8e: {  	[smem:$0x3FA9] =	sst s2  }
0x8f: {  	_ = 	snop  }
0x90: {  	(tm) =	ssettm $0x1  }
0x91: {  	s17 =	sld [smem:$0x3FFB];
	_ =	sdelay $0x3  }
0x92: {  	_ =	strace s17  }
0x93: {  	s2 =	sld [smem:$0x3FFC];
	_ =	sdelay $0x3  }
0x94: {  	_ =	strace s2  }
0x95: {  	s2 =	sld [smem:$0x3FFD];
	_ =	sdelay $0x3  }
0x96: {  	_ =	strace s2  }
0x97: {  	_ =	strace $0x8FFFFFFF  }
0x98: {  	s18 =	sld [smem:$0x3FDB];
	_ =	sdelay $0x1  }
0x99: {  	s19 =	simm.s32 $_scs_section_size  }
0x9a: {  	s4 =	simm.s32 $_size__tile_overlayer_lowered;
	s5 =	simm.s32 $_tile_overlayer_lowered  }
0x9b: {  	s22 =	simm.s32 $0x1BFF;
	s21 =	sshll.u32 s5, $0x1;
	s2 =	sadd.s32 s19, s18  }
0x9c: {  	s6 =	simm.s32 $0x0;
	s20 =	sshll.u32 s4, $0x1;
	s4 =	sadd.s32 s21, s2  }
0x9d: {  	[timem:s6], [sflag:s22] =	dma.local [hbm:s4], s20  }
0x9e: {  	_ =	swait.ge [sflag:s22], s20  }
0x9f: {  	s3 =	ssub.s32 $0x0, s20;
	[sflag:s22] =	ssyncset.done $0x0  }
0xa0: {  	[sflag:s22] =	ssyncadd.s32 s3;
	_ =	sdelay $0x1  }
0xa1: {  	s23 =	simm.s32 $0x1B8B  }
0xa2: {  	_ =	swait.ge [sflag:s23], $0x1  }
0xa3: {  	[sflag:s23] =	ssyncset.done $0x0  }
0xa4: {  	s25 =	simm.s32 $0x1B8E;
	s24 =	sld [smem:$0x3FFE];
	[sflag:s23] =	ssyncadd.s32 $0xFFFFFFFF  }
0xa5: {  	s26 =	simm.s32 $execute0_lowered;
	[smem:$0x3FD2] =	sst s25  }
0xa6: {  	s4 =	sshll.u32 s26, $0x1;
	_ =	strace $0x80000046;
	[dreg:$0x1] =	wrdreg $0xFFFFFFFF  }
0xa7: {  	s28 =	simm.s32 $_size_execute0_lowered;
	s2 =	sadd.s32 s2, s4;
	[dreg:$0x0] =	wrdreg $0x0  }
0xa8: {  	s4 =	sshll.u32 s28, $0x1;
	[dreg:$0x2] =	wrdreg s2  }
0xa9: {  	[dreg:$0x3] =	wrdreg s4  }
0xaa: {  	[dreg:$0x4] =	wrdreg $0xC0  }
0xab: {  	_ =	task [dreg:s6], $0x5FFFF  }
0xac: {  	[dreg:$0x1] =	wrdreg $0xFFFFFFFF  }
0xad: {  	[dreg:$0x0] =	wrdreg $0x60  }
0xae: {  	[dreg:$0x2] =	wrdreg s24  }
0xaf: {  	[dreg:$0x3] =	wrdreg $0xB3800  }
0xb0: {  	[dreg:$0x4] =	wrdreg $0x9  }
0xb1: {  	_ =	task.clear_ibuf [dreg:s6], $0x5FFFF;
	_ =	strace $0x90000046  }
0xb2: {  	s29 =	simm.s32 $0x9;
	_ =	strace $0x80000048  }
0xb3: {  	_ =	swait.ge [sflag:s29], $0x1  }
0xb4: {  	[sflag:s29] =	ssyncadd.s32 $0xFFFFFFFF  }
0xb5: {  	_ =	strace $0x90000048  }
0xb6: {  	_ =	sfence  }
0xb7: {  	s30 =	sld [smem:$0x0];
	_ =	sdelay $0x2  }
0xb8: {  	s31 =	sshll.u32 s1, $0xD;
	s1 =	sshrl.u32 s1, $0x2  }
0xb9: {  	s3 =	sand.u32 $0x4000, s31;
	s1 =	sadd.s32 s1, s30  }
0xba: {  	s0 =	sor.u32 s3, s0;
	s1 =	sshll.u32 s1, $0x11  }
0xbb: {  	s0 =	sor.u32 s1, s0  }
0xbc: {  	s0 =	sadd.s32 $0x8F2B, s0  }
0xbd: {  	[sflag:s0] =	ssyncadd.remote.s32 $0x1  }
0xbe: {  	_ =	sfence.sel $0xFFFF  }
0xbf: {  	[dreg:$0x0] =	wrdreg $0xFFFFFFFF;
	(pc) =	sbr.abs _section_cstart, $3  }
0xc0: {  	[dreg:$0x1] =	wrdreg $0xFFFFFFFF  }
0xc1: {  	_ =	task.clear_ibuf [dreg:s6], $0x2FFFF;
	_ =	strace $0x9FFFFFFF  }
0xc2: {  	(tm) =	ssettm $0x7FFFFFFF  }
0xc3: {  	_ =	shalt  }
tec
execute0_lowered:
.L_overlay_start_1:
0x0: {  	(tag) =	ssettag $0x1  }
0x1: {  	s0 =	rddreg [dreg:$0x0]  }
0x2: {  	s2 =	rddreg [dreg:$0x1];
	s3 =	simm.s32 $0x0  }
0x3: {  	s12 =	stileid.u32;
	s7 =	srdreg.scid;
	s14 =	simm.s32 $0x280  }
0x4: {  	s15 =	simm.s32 $0x2D0;
	s16 =	simm.s32 $0x320;
	[smem:$0x7FF] =	sst s3  }
0x5: {  	s17 =	simm.s32 $0xB80;
	_ =	strace $0x80000047;
	[dreg:$0x5] =	wrdreg s14  }
0x6: {  	s19 =	simm.s32 $0x370;
	s21 =	simm.s32 $0xC00;
	[dreg:$0x6] =	wrdreg s15  }
0x7: {  	s22 =	simm.s32 $0x3C0;
	s23 =	simm.s32 $0xC80;
	[dreg:$0x7] =	wrdreg s16  }
0x8: {  	s25 =	simm.s32 $0x410;
	s26 =	simm.s32 $0xD00;
	[dreg:$0x8] =	wrdreg s17  }
0x9: {  	s28 =	simm.s32 $0x3;
	s30 =	simm.s32 $0x6;
	[dreg:$0x9] =	wrdreg s19  }
0xa: {  	s31 =	simm.s32 $0x980;
	s29 =	simm.s32 $0x0;
	[dreg:$0xa] =	wrdreg s21  }
0xb: {  	s1 =	smul.u32 $0xA00, s12;
	s4 =	sadd.s32 $0x20200, s0;
	[dreg:$0xb] =	wrdreg s22  }
0xc: {  	s5 =	sshll.u32 s12, $0xC;
	s6 =	smul.u32 $0x2800, s12;
	[dreg:$0xc] =	wrdreg s23  }
0xd: {  	s7 =	sand.u32 $0x1, s7;
	s8 =	smul.u32 $0x280, s12;
	[dreg:$0xd] =	wrdreg s25  }
0xe: {  	s11 =	smul.u32 $0x50000, s12;
	[dreg:$0xe] =	wrdreg s26;
	s15 =	simm.s32 $0xE00  }
0xf: {  	s5 =	sadd.s32 s5, s0;
	s17 =	simm.s32 $0x500;
	[dreg:$0x12] =	wrdreg s15  }
0x10: {  	s10 =	smul.u32 $0x2800, s7;
	s19 =	simm.s32 $0xE80;
	[dreg:$0x13] =	wrdreg s17  }
0x11: {  	s18 =	ssub.s32 $0x2, s7;
	s22 =	simm.s32 $0xF00;
	[dreg:$0x14] =	wrdreg s19  }
0x12: {  	p0 =	seq.s32 s7, $0x0;
	s23 =	simm.s32 $0x5A0;
	[dreg:$0x16] =	wrdreg s22  }
0x13: {  	s21 =	sshll.u32 s12, $0x6;
	s25 =	simm.s32 $0xF80;
	[dreg:$0x17] =	wrdreg s23  }
0x14: {  	s26 =	simm.s32 $0x5F0;
	s7 =	simm.s32 $0x690;
	[dreg:$0x18] =	wrdreg s25  }
0x15: {  	s12 =	simm.s32 $0x1200;
	s1 =	sadd.s32 s1, s0;
	[dreg:$0x19] =	wrdreg s26  }
0x16: {  	s13 =	sadd.s32 s6, s0;
	s20 =	sshrl.u32 s18, $0x1;
	[dreg:$0x1d] =	wrdreg s7  }
0x17: {  	s24 =	sshrl.u32 s11, $0x2;
	s6 =	sadd.s32 s4, s6;
	[smem:$0x7F9] =	sst s12  }
0x18: {  	s11 =	simm.s32 $0xD80;
	s16 =	sadd.s32 $0x6200, s5;
	[smem:$0x7F2] =	sst s6  }
0x19: {  	s21 =	sor.u32 $0x1C09, s21;
	s15 =	simm.s32 $0x50;
	[dreg:$0x10] =	wrdreg s11  }
0x1a: {  	s17 =	simm.s32 $0x3B80;
	s25 =	simm.s32 $0x1300;
	[smem:$0x7F5] =	sst s16  }
0x1b: {  	s26 =	simm.s32 $0xA0;
	s19 =	simm.s32 $0x6380;
	[smem:$0x7FB] =	sst s25  }
0x1c: {  	s22 =	simm.s32 $0x8B80;
	s9 =	sadd.s32 $0x16200, s1;
	[smem:$0x7FC] =	sst s21  }
0x1d: {  	s23 =	simm.s32 $0x2;
	s1 =	sadd.s32 $0x16980, s1;
	[dreg:$0x4] =	wrdreg s9  }
0x1e: {  	s7 =	simm.s32 $0x140;
	s6 =	simm.s32 $0x1080;
	[dreg:$0x3] =	wrdreg s1  }
0x1f: {  	s12 =	simm.s32 $0x1E0;
	s11 =	simm.s32 $0x730;
	[dreg:$0x1c] =	wrdreg s6  }
0x20: {  	s8 =	sadd.s32 s8, s10;
	s9 =	sadd.s32 $0x48200, s13;
	[smem:$0x7F8] =	sst s11  }
0x21: {  	s10 =	sadd.s32 s24, s2;
	s13 =	simm.s32 $0x4B0;
	[smem:$0x7F1] =	sst s9  }
0x22: {  	s16 =	simm.s32 $0x1380;
	s1 =	simm.s32 $0x1000;
	[dreg:$0x11] =	wrdreg s13  }
0x23: {  	s24 =	sshrl.u32 s10, $0x3;
	s10 =	simm.s32 $0x1180;
	[dreg:$0x1a] =	wrdreg s1  }
0x24: {  	s25 =	simm.s32 $0x5;
	s8 =	sshll.u32 s8, $0x4;
	[smem:$0x7F7] =	sst s10  }
0x25: {  	s0 =	sadd.s32 s8, s0;
	s9 =	simm.s32 $0x460;
	[smem:$0x7FD] =	sst s24  }
0x26: {  	s8 =	ssub.s32 s18, s20;
	s18 =	sadd.s32 $0x6E00, s5;
	[dreg:$0xf] =	wrdreg s9  }
0x27: {  	s6 =	simm.s32 $0x800;
	s20 =	simm.s32 $0x550;
	[smem:$0x7F6] =	sst s18  }
0x28: {  	s11 =	simm.s32 $0x900;
	s5 =	simm.s32 $0x640;
	[dreg:$0x15] =	wrdreg s20  }
0x29: {  	s13 =	simm.s32 $0x9;
	s0 =	sadd.s32 $0x70200, s0;
	[dreg:$0x1b] =	wrdreg s5  }
0x2a: {  	s1 =	simm.s32 $0xF0;
	s14 =	smax.u32 s8, $0x1;
	[smem:$0x7F3] =	sst s0  }
.Ltmp0:
0x2b: {  	s8 =	simm.s32 $0x1100;
	[smem:$0x7F4] =	sst s14;
	(pc) =	sbr.rel .LBB2_1-.Ltmp0, $4  }
0x2c: {  	s10 =	simm.s32 $0x190;
	s9 =	simm.s32 $0x6E0;
	[dreg:$0x1e] =	wrdreg s8  }
0x2d: {  	s20 =	simm.s32 $0x1;
	s18 =	simm.s32 $0x1280;
	[dreg:$0x1f] =	wrdreg s9  }
0x2e: {  	s5 =	simm.s32 $0x7;
	s14 =	simm.s32 $0x780;
	[smem:$0x7FA] =	sst s18  }
0x2f: {  	s9 =	simm.s32 $0x880;
	s0 =	simm.s32 $0x4;
	s8 =	simm.s32 $0x8  }
.LBB2_7:
0x30: {  	s21 =	sadd.s32 s21, s26;
	[sflag:s8] =	ssyncadd.s32 $0xFFFFD800  }
0x31: {  	[tilespmem:s3], [sflag:$0x9] =	stream.linear.gather [hbm4b:s21+s3], $0x780, $0x38;
	[tilespmem:$0x1F380] =	vst v63  }
0x32: {  	_ =	swait.ge [sflag:s13], $0x780  }
0x33: {  	[sflag:s13] =	ssyncset.done $0x0  }
0x34: {  	s18 =	sadd.s32 $0x180, s18;
	[sflag:s13] =	ssyncadd.s32 $0xFFFFF880  }
0x35: {  	[tilespmem:s14], [sflag:$0x9] =	stream.linear.gather [hbm4b:s18+s3], $0xC00, $0x38;
	[tilespmem:$0x1F380] =	vst v63  }
0x36: {  	_ =	swait.ge [sflag:s13], $0xC00  }
0x37: {  	[sflag:s13] =	ssyncset.done $0x0  }
0x38: {  	[sflag:s13] =	ssyncadd.s32 $0xFFFFF400  }
0x39: {  	[tilespmem:s16], [sflag:$0x1] =	stream.indirect.gather [hbm4b:s4+s15], $0x80, s3, s15, $0xb8;
	[tilespmem:$0x1F380] =	vst v63  }
0x3a: {  	_ = 	snop  }
0x3b: {  	[tilespmem:s17], [sflag:$0x2] =	stream.indirect.gather [hbm4b:s4+s15], $0x80, s15, s15, $0xb8;
	[tilespmem:$0x1F380] =	vst v63  }
0x3c: {  	_ = 	snop  }
0x3d: {  	[tilespmem:s19], [sflag:$0x3] =	stream.indirect.gather [hbm4b:s4+s15], $0x80, s31, s15, $0xb8;
	[tilespmem:$0x1F380] =	vst v63  }
0x3e: {  	_ =	swait.ge [sflag:s20], $0x2800  }
0x3f: {  	[sflag:s20] =	ssyncset.done $0x0  }
0x40: {  	[sflag:s20] =	ssyncadd.s32 $0xFFFFD800  }
0x41: {  	[spmem:s2] =	stream.indirect.scatter.add.f32 [tilespmem:s16], [sflag:$0x5], $0x80, s14, s15, $0xb8;
	[tilespmem:$0x1F380] =	vst v63  }
0x42: {  	_ = 	snop  }
0x43: {  	[tilespmem:s22], [sflag:$0x4] =	stream.indirect.gather [hbm4b:s4+s15], $0x80, s1, s15, $0xb8;
	[tilespmem:$0x1F380] =	vst v63  }
0x44: {  	_ =	swait.ge [sflag:s23], $0x2800  }
0x45: {  	[sflag:s23] =	ssyncset.done $0x0  }
0x46: {  	[sflag:s23] =	ssyncadd.s32 $0xFFFFD800  }
0x47: {  	[spmem:s2] =	stream.indirect.scatter.add.f32 [tilespmem:s17], [sflag:$0x6], $0x80, s6, s15, $0xb8;
	[tilespmem:$0x1F380] =	vst v63  }
0x48: {  	_ =	swait.ge [sflag:s25], $0x2800  }
0x49: {  	[sflag:s25] =	ssyncset.done $0x0  }
0x4a: {  	[sflag:s25] =	ssyncadd.s32 $0xFFFFD800  }
0x4b: {  	[tilespmem:s16], [sflag:$0x1] =	stream.indirect.gather [hbm4b:s4+s15], $0x80, s7, s15, $0xb8;
	[tilespmem:$0x1F380] =	vst v63  }
0x4c: {  	_ =	swait.ge [sflag:s28], $0x2800  }
0x4d: {  	[sflag:s28] =	ssyncset.done $0x0  }
0x4e: {  	[sflag:s28] =	ssyncadd.s32 $0xFFFFD800  }
0x4f: {  	[spmem:s2] =	stream.indirect.scatter.add.f32 [tilespmem:s19], [sflag:$0x7], $0x80, s9, s15, $0xb8;
	[tilespmem:$0x1F380] =	vst v63  }
0x50: {  	_ =	swait.ge [sflag:s30], $0x2800  }
0x51: {  	[sflag:s30] =	ssyncset.done $0x0  }
0x52: {  	[sflag:s30] =	ssyncadd.s32 $0xFFFFD800  }
0x53: {  	[tilespmem:s17], [sflag:$0x2] =	stream.indirect.gather [hbm4b:s4+s15], $0x80, s10, s15, $0xb8;
	[tilespmem:$0x1F380] =	vst v63  }
0x54: {  	_ =	swait.ge [sflag:s0], $0x2800  }
0x55: {  	[sflag:s0] =	ssyncset.done $0x0  }
0x56: {  	[sflag:s0] =	ssyncadd.s32 $0xFFFFD800  }
0x57: {  	[spmem:s2] =	stream.indirect.scatter.add.f32 [tilespmem:s22], [sflag:$0x8], $0x80, s11, s15, $0xb8;
	[tilespmem:$0x1F380] =	vst v63  }
0x58: {  	_ =	swait.ge [sflag:s5], $0x2800  }
0x59: {  	[sflag:s5] =	ssyncset.done $0x0  }
0x5a: {  	[sflag:s5] =	ssyncadd.s32 $0xFFFFD800  }
0x5b: {  	[tilespmem:s19], [sflag:$0x3] =	stream.indirect.gather [hbm4b:s4+s15], $0x80, s12, s15, $0xb8;
	[tilespmem:$0x1F380] =	vst v63  }
0x5c: {  	_ =	swait.ge [sflag:s20], $0x2800  }
0x5d: {  	[sflag:s20] =	ssyncset.done $0x0  }
0x5e: {  	s9 =	simm.s32 $0x980;
	[sflag:s20] =	ssyncadd.s32 $0xFFFFD800  }
0x5f: {  	[spmem:s2] =	stream.indirect.scatter.add.f32 [tilespmem:s16], [sflag:$0x5], $0x80, s9, s15, $0xb8;
	[tilespmem:$0x1F380] =	vst v63  }
0x60: {  	_ =	swait.ge [sflag:s8], $0x2800  }
0x61: {  	[sflag:s8] =	ssyncset.done $0x0  }
0x62: {  	s10 =	simm.s32 $0x230;
	[sflag:s8] =	ssyncadd.s32 $0xFFFFD800  }
0x63: {  	[tilespmem:s22], [sflag:$0x4] =	stream.indirect.gather [hbm4b:s4+s15], $0x80, s10, s15, $0xb8;
	[tilespmem:$0x1F380] =	vst v63  }
0x64: {  	_ =	swait.ge [sflag:s23], $0x2800  }
0x65: {  	[sflag:s23] =	ssyncset.done $0x0  }
0x66: {  	s11 =	simm.s32 $0xA00;
	[sflag:s23] =	ssyncadd.s32 $0xFFFFD800  }
0x67: {  	[spmem:s2] =	stream.indirect.scatter.add.f32 [tilespmem:s17], [sflag:$0x6], $0x80, s11, s15, $0xb8;
	[tilespmem:$0x1F380] =	vst v63  }
0x68: {  	_ =	swait.ge [sflag:s25], $0x2800  }
0x69: {  	[sflag:s25] =	ssyncset.done $0x0  }
0x6a: {  	s12 =	rddreg [dreg:$0x5];
	[sflag:s25] =	ssyncadd.s32 $0xFFFFD800  }
0x6b: {  	[tilespmem:s16], [sflag:$0x1] =	stream.indirect.gather [hbm4b:s4+s15], $0x80, s12, s15, $0xb8;
	[tilespmem:$0x1F380] =	vst v63  }
0x6c: {  	_ =	swait.ge [sflag:s28], $0x2800  }
0x6d: {  	[sflag:s28] =	ssyncset.done $0x0  }
0x6e: {  	s21 =	simm.s32 $0xA80;
	[sflag:s28] =	ssyncadd.s32 $0xFFFFD800  }
0x6f: {  	[spmem:s2] =	stream.indirect.scatter.add.f32 [tilespmem:s19], [sflag:$0x7], $0x80, s21, s15, $0xb8;
	[tilespmem:$0x1F380] =	vst v63  }
0x70: {  	_ =	swait.ge [sflag:s30], $0x2800  }
0x71: {  	[sflag:s30] =	ssyncset.done $0x0  }
0x72: {  	s24 =	rddreg [dreg:$0x6];
	[sflag:s30] =	ssyncadd.s32 $0xFFFFD800  }
0x73: {  	[tilespmem:s17], [sflag:$0x2] =	stream.indirect.gather [hbm4b:s4+s15], $0x80, s24, s15, $0xb8;
	[tilespmem:$0x1F380] =	vst v63  }
0x74: {  	_ =	swait.ge [sflag:s0], $0x2800  }
0x75: {  	[sflag:s0] =	ssyncset.done $0x0  }
0x76: {  	s26 =	simm.s32 $0xB00;
	[sflag:s0] =	ssyncadd.s32 $0xFFFFD800  }
0x77: {  	[spmem:s2] =	stream.indirect.scatter.add.f32 [tilespmem:s22], [sflag:$0x8], $0x80, s26, s15, $0xb8;
	[tilespmem:$0x1F380] =	vst v63  }
0x78: {  	_ =	swait.ge [sflag:s5], $0x2800  }
0x79: {  	[sflag:s5] =	ssyncset.done $0x0  }
0x7a: {  	s1 =	rddreg [dreg:$0x7];
	[sflag:s5] =	ssyncadd.s32 $0xFFFFD800  }
0x7b: {  	[tilespmem:s19], [sflag:$0x3] =	stream.indirect.gather [hbm4b:s4+s15], $0x80, s1, s15, $0xb8;
	[tilespmem:$0x1F380] =	vst v63  }
0x7c: {  	_ =	swait.ge [sflag:s20], $0x2800  }
0x7d: {  	[sflag:s20] =	ssyncset.done $0x0  }
0x7e: {  	s6 =	rddreg [dreg:$0x8];
	[sflag:s20] =	ssyncadd.s32 $0xFFFFD800  }
0x7f: {  	[spmem:s2] =	stream.indirect.scatter.add.f32 [tilespmem:s16], [sflag:$0x5], $0x80, s6, s15, $0xb8;
	[tilespmem:$0x1F380] =	vst v63  }
0x80: {  	_ =	swait.ge [sflag:s8], $0x2800  }
0x81: {  	[sflag:s8] =	ssyncset.done $0x0  }
0x82: {  	s7 =	rddreg [dreg:$0x9];
	[sflag:s8] =	ssyncadd.s32 $0xFFFFD800  }
0x83: {  	[tilespmem:s22], [sflag:$0x4] =	stream.indirect.gather [hbm4b:s4+s15], $0x80, s7, s15, $0xb8;
	[tilespmem:$0x1F380] =	vst v63  }
0x84: {  	_ =	swait.ge [sflag:s23], $0x2800  }
0x85: {  	[sflag:s23] =	ssyncset.done $0x0  }
0x86: {  	s9 =	rddreg [dreg:$0xa];
	[sflag:s23] =	ssyncadd.s32 $0xFFFFD800  }
0x87: {  	[spmem:s2] =	stream.indirect.scatter.add.f32 [tilespmem:s17], [sflag:$0x6], $0x80, s9, s15, $0xb8;
	[tilespmem:$0x1F380] =	vst v63  }
0x88: {  	_ =	swait.ge [sflag:s25], $0x2800  }
0x89: {  	[sflag:s25] =	ssyncset.done $0x0  }
0x8a: {  	s10 =	rddreg [dreg:$0xb];
	[sflag:s25] =	ssyncadd.s32 $0xFFFFD800  }
0x8b: {  	[tilespmem:s16], [sflag:$0x1] =	stream.indirect.gather [hbm4b:s4+s15], $0x80, s10, s15, $0xb8;
	[tilespmem:$0x1F380] =	vst v63  }
0x8c: {  	_ =	swait.ge [sflag:s28], $0x2800  }
0x8d: {  	[sflag:s28] =	ssyncset.done $0x0  }
0x8e: {  	s11 =	rddreg [dreg:$0xc];
	[sflag:s28] =	ssyncadd.s32 $0xFFFFD800  }
0x8f: {  	[spmem:s2] =	stream.indirect.scatter.add.f32 [tilespmem:s19], [sflag:$0x7], $0x80, s11, s15, $0xb8;
	[tilespmem:$0x1F380] =	vst v63  }
0x90: {  	_ =	swait.ge [sflag:s30], $0x2800  }
0x91: {  	[sflag:s30] =	ssyncset.done $0x0  }
0x92: {  	s12 =	rddreg [dreg:$0xd];
	[sflag:s30] =	ssyncadd.s32 $0xFFFFD800  }
0x93: {  	[tilespmem:s17], [sflag:$0x2] =	stream.indirect.gather [hbm4b:s4+s15], $0x80, s12, s15, $0xb8;
	[tilespmem:$0x1F380] =	vst v63  }
0x94: {  	_ =	swait.ge [sflag:s0], $0x2800  }
0x95: {  	[sflag:s0] =	ssyncset.done $0x0  }
0x96: {  	s21 =	rddreg [dreg:$0xe];
	[sflag:s0] =	ssyncadd.s32 $0xFFFFD800  }
0x97: {  	[spmem:s2] =	stream.indirect.scatter.add.f32 [tilespmem:s22], [sflag:$0x8], $0x80, s21, s15, $0xb8;
	[tilespmem:$0x1F380] =	vst v63  }
0x98: {  	_ =	swait.ge [sflag:s5], $0x2800  }
0x99: {  	[sflag:s5] =	ssyncset.done $0x0  }
0x9a: {  	s24 =	rddreg [dreg:$0xf];
	[sflag:s5] =	ssyncadd.s32 $0xFFFFD800  }
0x9b: {  	[tilespmem:s19], [sflag:$0x3] =	stream.indirect.gather [hbm4b:s4+s15], $0x80, s24, s15, $0xb8;
	[tilespmem:$0x1F380] =	vst v63  }
0x9c: {  	_ =	swait.ge [sflag:s20], $0x2800  }
0x9d: {  	[sflag:s20] =	ssyncset.done $0x0  }
0x9e: {  	s26 =	rddreg [dreg:$0x10];
	[sflag:s20] =	ssyncadd.s32 $0xFFFFD800  }
0x9f: {  	[spmem:s2] =	stream.indirect.scatter.add.f32 [tilespmem:s16], [sflag:$0x5], $0x80, s26, s15, $0xb8;
	[tilespmem:$0x1F380] =	vst v63  }
0xa0: {  	_ =	swait.ge [sflag:s8], $0x2800  }
0xa1: {  	[sflag:s8] =	ssyncset.done $0x0  }
0xa2: {  	s1 =	rddreg [dreg:$0x11];
	[sflag:s8] =	ssyncadd.s32 $0xFFFFD800  }
0xa3: {  	[tilespmem:s22], [sflag:$0x4] =	stream.indirect.gather [hbm4b:s4+s15], $0x80, s1, s15, $0xb8;
	[tilespmem:$0x1F380] =	vst v63  }
0xa4: {  	_ =	swait.ge [sflag:s23], $0x2800  }
0xa5: {  	[sflag:s23] =	ssyncset.done $0x0  }
0xa6: {  	s6 =	rddreg [dreg:$0x12];
	[sflag:s23] =	ssyncadd.s32 $0xFFFFD800  }
0xa7: {  	[spmem:s2] =	stream.indirect.scatter.add.f32 [tilespmem:s17], [sflag:$0x6], $0x80, s6, s15, $0xb8;
	[tilespmem:$0x1F380] =	vst v63  }
0xa8: {  	_ =	swait.ge [sflag:s25], $0x2800  }
0xa9: {  	[sflag:s25] =	ssyncset.done $0x0  }
0xaa: {  	s7 =	rddreg [dreg:$0x13];
	[sflag:s25] =	ssyncadd.s32 $0xFFFFD800  }
0xab: {  	[tilespmem:s16], [sflag:$0x1] =	stream.indirect.gather [hbm4b:s4+s15], $0x80, s7, s15, $0xb8;
	[tilespmem:$0x1F380] =	vst v63  }
0xac: {  	_ =	swait.ge [sflag:s28], $0x2800  }
0xad: {  	[sflag:s28] =	ssyncset.done $0x0  }
0xae: {  	s9 =	rddreg [dreg:$0x14];
	[sflag:s28] =	ssyncadd.s32 $0xFFFFD800  }
0xaf: {  	[spmem:s2] =	stream.indirect.scatter.add.f32 [tilespmem:s19], [sflag:$0x7], $0x80, s9, s15, $0xb8;
	[tilespmem:$0x1F380] =	vst v63  }
0xb0: {  	_ =	swait.ge [sflag:s30], $0x2800  }
0xb1: {  	[sflag:s30] =	ssyncset.done $0x0  }
0xb2: {  	s10 =	rddreg [dreg:$0x15];
	[sflag:s30] =	ssyncadd.s32 $0xFFFFD800  }
0xb3: {  	[tilespmem:s17], [sflag:$0x2] =	stream.indirect.gather [hbm4b:s4+s15], $0x80, s10, s15, $0xb8;
	[tilespmem:$0x1F380] =	vst v63  }
0xb4: {  	_ =	swait.ge [sflag:s0], $0x2800  }
0xb5: {  	[sflag:s0] =	ssyncset.done $0x0  }
0xb6: {  	s11 =	rddreg [dreg:$0x16];
	[sflag:s0] =	ssyncadd.s32 $0xFFFFD800  }
0xb7: {  	[spmem:s2] =	stream.indirect.scatter.add.f32 [tilespmem:s22], [sflag:$0x8], $0x80, s11, s15, $0xb8;
	[tilespmem:$0x1F380] =	vst v63  }
0xb8: {  	_ =	swait.ge [sflag:s5], $0x2800  }
0xb9: {  	[sflag:s5] =	ssyncset.done $0x0  }
0xba: {  	s12 =	rddreg [dreg:$0x17];
	[sflag:s5] =	ssyncadd.s32 $0xFFFFD800  }
0xbb: {  	[tilespmem:s19], [sflag:$0x3] =	stream.indirect.gather [hbm4b:s4+s15], $0x80, s12, s15, $0xb8;
	[tilespmem:$0x1F380] =	vst v63  }
0xbc: {  	_ =	swait.ge [sflag:s20], $0x2800  }
0xbd: {  	[sflag:s20] =	ssyncset.done $0x0  }
0xbe: {  	s21 =	rddreg [dreg:$0x18];
	[sflag:s20] =	ssyncadd.s32 $0xFFFFD800  }
0xbf: {  	[spmem:s2] =	stream.indirect.scatter.add.f32 [tilespmem:s16], [sflag:$0x5], $0x80, s21, s15, $0xb8;
	[tilespmem:$0x1F380] =	vst v63  }
0xc0: {  	_ =	swait.ge [sflag:s8], $0x2800  }
0xc1: {  	[sflag:s8] =	ssyncset.done $0x0  }
0xc2: {  	s24 =	rddreg [dreg:$0x19];
	[sflag:s8] =	ssyncadd.s32 $0xFFFFD800  }
0xc3: {  	[tilespmem:s22], [sflag:$0x4] =	stream.indirect.gather [hbm4b:s4+s15], $0x80, s24, s15, $0xb8;
	[tilespmem:$0x1F380] =	vst v63  }
0xc4: {  	_ =	swait.ge [sflag:s23], $0x2800  }
0xc5: {  	[sflag:s23] =	ssyncset.done $0x0  }
0xc6: {  	s26 =	rddreg [dreg:$0x1a];
	[sflag:s23] =	ssyncadd.s32 $0xFFFFD800  }
0xc7: {  	[spmem:s2] =	stream.indirect.scatter.add.f32 [tilespmem:s17], [sflag:$0x6], $0x80, s26, s15, $0xb8;
	[tilespmem:$0x1F380] =	vst v63  }
0xc8: {  	_ =	swait.ge [sflag:s25], $0x2800  }
0xc9: {  	[sflag:s25] =	ssyncset.done $0x0  }
0xca: {  	s1 =	rddreg [dreg:$0x1b];
	[sflag:s25] =	ssyncadd.s32 $0xFFFFD800  }
0xcb: {  	[tilespmem:s16], [sflag:$0x1] =	stream.indirect.gather [hbm4b:s4+s15], $0x80, s1, s15, $0xb8;
	[tilespmem:$0x1F380] =	vst v63  }
0xcc: {  	_ =	swait.ge [sflag:s28], $0x2800  }
0xcd: {  	[sflag:s28] =	ssyncset.done $0x0  }
0xce: {  	s6 =	rddreg [dreg:$0x1c];
	[sflag:s28] =	ssyncadd.s32 $0xFFFFD800  }
0xcf: {  	[spmem:s2] =	stream.indirect.scatter.add.f32 [tilespmem:s19], [sflag:$0x7], $0x80, s6, s15, $0xb8;
	[tilespmem:$0x1F380] =	vst v63  }
0xd0: {  	_ =	swait.ge [sflag:s30], $0x2800  }
0xd1: {  	[sflag:s30] =	ssyncset.done $0x0  }
0xd2: {  	s7 =	rddreg [dreg:$0x1d];
	[sflag:s30] =	ssyncadd.s32 $0xFFFFD800  }
0xd3: {  	[tilespmem:s17], [sflag:$0x2] =	stream.indirect.gather [hbm4b:s4+s15], $0x80, s7, s15, $0xb8;
	[tilespmem:$0x1F380] =	vst v63  }
0xd4: {  	_ =	swait.ge [sflag:s0], $0x2800  }
0xd5: {  	[sflag:s0] =	ssyncset.done $0x0  }
0xd6: {  	s9 =	rddreg [dreg:$0x1e];
	[sflag:s0] =	ssyncadd.s32 $0xFFFFD800  }
0xd7: {  	[spmem:s2] =	stream.indirect.scatter.add.f32 [tilespmem:s22], [sflag:$0x8], $0x80, s9, s15, $0xb8;
	[tilespmem:$0x1F380] =	vst v63  }
0xd8: {  	_ =	swait.ge [sflag:s5], $0x2800  }
0xd9: {  	[sflag:s5] =	ssyncset.done $0x0  }
0xda: {  	s10 =	rddreg [dreg:$0x1f];
	[sflag:s5] =	ssyncadd.s32 $0xFFFFD800  }
0xdb: {  	[tilespmem:s19], [sflag:$0x3] =	stream.indirect.gather [hbm4b:s4+s15], $0x80, s10, s15, $0xb8;
	[tilespmem:$0x1F380] =	vst v63  }
0xdc: {  	_ =	swait.ge [sflag:s20], $0x2800  }
0xdd: {  	s11 =	sld [smem:$0x7F7]  }
0xde: {  	[sflag:s20] =	ssyncset.done $0x0  }
0xdf: {  	[sflag:s20] =	ssyncadd.s32 $0xFFFFD800  }
0xe0: {  	[spmem:s2] =	stream.indirect.scatter.add.f32 [tilespmem:s16], [sflag:$0x5], $0x80, s11, s15, $0xb8;
	[tilespmem:$0x1F380] =	vst v63  }
0xe1: {  	_ =	swait.ge [sflag:s8], $0x2800  }
0xe2: {  	s12 =	sld [smem:$0x7F8]  }
0xe3: {  	[sflag:s8] =	ssyncset.done $0x0  }
0xe4: {  	[sflag:s8] =	ssyncadd.s32 $0xFFFFD800  }
0xe5: {  	[tilespmem:s22], [sflag:$0x4] =	stream.indirect.gather [hbm4b:s4+s15], $0x80, s12, s15, $0xb8;
	[tilespmem:$0x1F380] =	vst v63  }
0xe6: {  	_ =	swait.ge [sflag:s23], $0x2800  }
0xe7: {  	s21 =	sld [smem:$0x7F9]  }
0xe8: {  	[sflag:s23] =	ssyncset.done $0x0  }
0xe9: {  	[sflag:s23] =	ssyncadd.s32 $0xFFFFD800  }
0xea: {  	[spmem:s2] =	stream.indirect.scatter.add.f32 [tilespmem:s17], [sflag:$0x6], $0x80, s21, s15, $0xb8;
	[tilespmem:$0x1F380] =	vst v63  }
0xeb: {  	_ =	swait.ge [sflag:s25], $0x2800  }
0xec: {  	[sflag:s25] =	ssyncset.done $0x0  }
0xed: {  	[sflag:s25] =	ssyncadd.s32 $0xFFFFD800  }
0xee: {  	_ =	swait.ge [sflag:s28], $0x2800  }
0xef: {  	s24 =	sld [smem:$0x7FA]  }
0xf0: {  	[sflag:s28] =	ssyncset.done $0x0  }
0xf1: {  	[sflag:s28] =	ssyncadd.s32 $0xFFFFD800  }
0xf2: {  	[spmem:s2] =	stream.indirect.scatter.add.f32 [tilespmem:s19], [sflag:$0x7], $0x80, s24, s15, $0xb8;
	[tilespmem:$0x1F380] =	vst v63  }
0xf3: {  	_ =	swait.ge [sflag:s30], $0x2800  }
0xf4: {  	[sflag:s30] =	ssyncset.done $0x0  }
0xf5: {  	[sflag:s30] =	ssyncadd.s32 $0xFFFFD800  }
0xf6: {  	_ =	swait.ge [sflag:s0], $0x2800  }
0xf7: {  	s26 =	sld [smem:$0x7FB]  }
0xf8: {  	[sflag:s0] =	ssyncset.done $0x0  }
0xf9: {  	[sflag:s0] =	ssyncadd.s32 $0xFFFFD800  }
0xfa: {  	[spmem:s2] =	stream.indirect.scatter.add.f32 [tilespmem:s22], [sflag:$0x8], $0x80, s26, s15, $0xb8;
	[tilespmem:$0x1F380] =	vst v63  }
0xfb: {  	s31 =	simm.s32 $0x980;
	_ =	swait.ge [sflag:s5], $0x2800  }
0xfc: {  	s1 =	simm.s32 $0xF0;
	s6 =	simm.s32 $0x800;
	[sflag:s5] =	ssyncset.done $0x0  }
0xfd: {  	s7 =	simm.s32 $0x140;
	s9 =	simm.s32 $0x880;
	[sflag:s5] =	ssyncadd.s32 $0xFFFFD800  }
0xfe: {  	s10 =	simm.s32 $0x190;
	s11 =	simm.s32 $0x900;
	_ =	swait.ge [sflag:s8], $0x2800  }
0xff: {  	s12 =	simm.s32 $0x1E0;
	[sflag:s8] =	ssyncset.done $0x0;
	s18 =	sld [smem:$0x7F3]  }
0x100: {  	s26 =	simm.s32 $0xA0;
	s29 =	sld [smem:$0x7F0];
	[sflag:s8] =	ssyncadd.s32 $0xFFFFD800  }
.LBB2_8:
0x101: {  	[bflag:$0x0] =	sbarrier.arrive $0xFFFF  }
0x102: {  	s21 =	sld [smem:$0x7FC]  }
0x103: {  	s24 =	sld [smem:$0x7FD];
	_ =	sdelay $0x2  }
0x104: {  	[hbm:s18], [sflag:s21] =	dma.local [spmem:s24], $0x2800  }
0x105: {  	_ =	swait.ge [sflag:s13], $0x2800  }
0x106: {  	s18 =	sld [smem:$0x7F4];
	_ =	sdelay $0x1  }
0x107: {  	s29 =	sadd.s32 $0x1, s29  }
0x108: {  	p1 =	sne.s32 s29, s18  }
.Ltmp1:
0x109: {  	_ = 	snop;
	(pc) =	sbr.rel @!p1 .LBB2_9-.Ltmp1, $3  }
0x10a: {  	_ =	sdelay $0x1  }
0x10b: {  	[sflag:s13] =	ssyncset.done $0x0  }
0x10c: {  	[sflag:s13] =	ssyncadd.s32 $0xFFFFD800  }
.LBB2_1:
.Ltmp2:
0x10d: {  	(pc) =	sbr.rel @!p0 .LBB2_2-.Ltmp2, $2  }
0x10e: {  	_ =	sdelay $0x2  }
0x10f: {  	[smem:$0x7F0] =	sst s29  }
0x110: {  	s18 =	sld [smem:$0x7F2];
	_ =	sdelay $0x2  }
0x111: {  	[spmem:s24], [sflag:s21] =	dma.local [hbm:s18], $0x2800  }
0x112: {  	_ =	swait.ge [sflag:s13], $0x2800  }
0x113: {  	[sflag:s13] =	ssyncset.done $0x0  }
0x114: {  	[sflag:s13] =	ssyncadd.s32 $0xFFFFD800  }
0x115: {  	[bflag:$0x0] =	sbarrier.arrive $0xFFFF  }
0x116: {  	s29 =	rddreg [dreg:$0x4]  }
0x117: {  	s18 =	sadd.s32 $0x0, s29  }
0x118: {  	[tilespmem:s3], [sflag:$0x9] =	stream.linear.gather [hbm4b:s18+s3], $0x780, $0x38;
	[tilespmem:$0x1F380] =	vst v63  }
0x119: {  	_ =	swait.ge [sflag:s13], $0x780  }
0x11a: {  	s29 =	sld [smem:$0x7F5]  }
0x11b: {  	[sflag:s13] =	ssyncset.done $0x0  }
0x11c: {  	[sflag:s13] =	ssyncadd.s32 $0xFFFFF880  }
0x11d: {  	[tilespmem:s14], [sflag:$0x9] =	stream.linear.gather [hbm4b:s29+s3], $0xC00, $0x38;
	[tilespmem:$0x1F380] =	vst v63  }
0x11e: {  	_ =	swait.ge [sflag:s13], $0xC00  }
0x11f: {  	[sflag:s13] =	ssyncset.done $0x0  }
0x120: {  	[sflag:s13] =	ssyncadd.s32 $0xFFFFF400  }
0x121: {  	[tilespmem:s16], [sflag:$0x1] =	stream.indirect.gather [hbm4b:s4+s15], $0x80, s3, s15, $0xb8;
	[tilespmem:$0x1F380] =	vst v63  }
0x122: {  	_ = 	snop  }
0x123: {  	[tilespmem:s17], [sflag:$0x2] =	stream.indirect.gather [hbm4b:s4+s15], $0x80, s15, s15, $0xb8;
	[tilespmem:$0x1F380] =	vst v63  }
0x124: {  	_ = 	snop  }
0x125: {  	[tilespmem:s19], [sflag:$0x3] =	stream.indirect.gather [hbm4b:s4+s15], $0x80, s26, s15, $0xb8;
	[tilespmem:$0x1F380] =	vst v63  }
0x126: {  	_ =	swait.ge [sflag:s20], $0x2800  }
0x127: {  	[sflag:s20] =	ssyncset.done $0x0  }
0x128: {  	[sflag:s20] =	ssyncadd.s32 $0xFFFFD800  }
0x129: {  	[spmem:s2] =	stream.indirect.scatter.add.f32 [tilespmem:s16], [sflag:$0x5], $0x80, s14, s15, $0xb8;
	[tilespmem:$0x1F380] =	vst v63  }
0x12a: {  	_ = 	snop  }
0x12b: {  	[tilespmem:s22], [sflag:$0x4] =	stream.indirect.gather [hbm4b:s4+s15], $0x80, s1, s15, $0xb8;
	[tilespmem:$0x1F380] =	vst v63  }
0x12c: {  	_ =	swait.ge [sflag:s23], $0x2800  }
0x12d: {  	[sflag:s23] =	ssyncset.done $0x0  }
0x12e: {  	[sflag:s23] =	ssyncadd.s32 $0xFFFFD800  }
0x12f: {  	[spmem:s2] =	stream.indirect.scatter.add.f32 [tilespmem:s17], [sflag:$0x6], $0x80, s6, s15, $0xb8;
	[tilespmem:$0x1F380] =	vst v63  }
0x130: {  	_ =	swait.ge [sflag:s25], $0x2800  }
0x131: {  	[sflag:s25] =	ssyncset.done $0x0  }
0x132: {  	[sflag:s25] =	ssyncadd.s32 $0xFFFFD800  }
0x133: {  	[tilespmem:s16], [sflag:$0x1] =	stream.indirect.gather [hbm4b:s4+s15], $0x80, s7, s15, $0xb8;
	[tilespmem:$0x1F380] =	vst v63  }
0x134: {  	_ =	swait.ge [sflag:s28], $0x2800  }
0x135: {  	[sflag:s28] =	ssyncset.done $0x0  }
0x136: {  	[sflag:s28] =	ssyncadd.s32 $0xFFFFD800  }
0x137: {  	[spmem:s2] =	stream.indirect.scatter.add.f32 [tilespmem:s19], [sflag:$0x7], $0x80, s9, s15, $0xb8;
	[tilespmem:$0x1F380] =	vst v63  }
0x138: {  	_ =	swait.ge [sflag:s30], $0x2800  }
0x139: {  	[sflag:s30] =	ssyncset.done $0x0  }
0x13a: {  	[sflag:s30] =	ssyncadd.s32 $0xFFFFD800  }
0x13b: {  	[tilespmem:s17], [sflag:$0x2] =	stream.indirect.gather [hbm4b:s4+s15], $0x80, s10, s15, $0xb8;
	[tilespmem:$0x1F380] =	vst v63  }
0x13c: {  	_ =	swait.ge [sflag:s0], $0x2800  }
0x13d: {  	[sflag:s0] =	ssyncset.done $0x0  }
0x13e: {  	[sflag:s0] =	ssyncadd.s32 $0xFFFFD800  }
0x13f: {  	[spmem:s2] =	stream.indirect.scatter.add.f32 [tilespmem:s22], [sflag:$0x8], $0x80, s11, s15, $0xb8;
	[tilespmem:$0x1F380] =	vst v63  }
0x140: {  	_ =	swait.ge [sflag:s5], $0x2800  }
0x141: {  	[sflag:s5] =	ssyncset.done $0x0  }
0x142: {  	[sflag:s5] =	ssyncadd.s32 $0xFFFFD800  }
0x143: {  	[tilespmem:s19], [sflag:$0x3] =	stream.indirect.gather [hbm4b:s4+s15], $0x80, s12, s15, $0xb8;
	[tilespmem:$0x1F380] =	vst v63  }
0x144: {  	_ =	swait.ge [sflag:s20], $0x2800  }
0x145: {  	[sflag:s20] =	ssyncset.done $0x0  }
0x146: {  	[sflag:s20] =	ssyncadd.s32 $0xFFFFD800  }
0x147: {  	[spmem:s2] =	stream.indirect.scatter.add.f32 [tilespmem:s16], [sflag:$0x5], $0x80, s31, s15, $0xb8;
	[tilespmem:$0x1F380] =	vst v63  }
0x148: {  	_ =	swait.ge [sflag:s8], $0x2800  }
0x149: {  	[sflag:s8] =	ssyncset.done $0x0  }
0x14a: {  	s10 =	simm.s32 $0x230;
	[sflag:s8] =	ssyncadd.s32 $0xFFFFD800  }
0x14b: {  	[tilespmem:s22], [sflag:$0x4] =	stream.indirect.gather [hbm4b:s4+s15], $0x80, s10, s15, $0xb8;
	[tilespmem:$0x1F380] =	vst v63  }
0x14c: {  	_ =	swait.ge [sflag:s23], $0x2800  }
0x14d: {  	[sflag:s23] =	ssyncset.done $0x0  }
0x14e: {  	s11 =	simm.s32 $0xA00;
	[sflag:s23] =	ssyncadd.s32 $0xFFFFD800  }
0x14f: {  	[spmem:s2] =	stream.indirect.scatter.add.f32 [tilespmem:s17], [sflag:$0x6], $0x80, s11, s15, $0xb8;
	[tilespmem:$0x1F380] =	vst v63  }
0x150: {  	_ =	swait.ge [sflag:s25], $0x2800  }
0x151: {  	[sflag:s25] =	ssyncset.done $0x0  }
0x152: {  	s12 =	rddreg [dreg:$0x5];
	[sflag:s25] =	ssyncadd.s32 $0xFFFFD800  }
0x153: {  	[tilespmem:s16], [sflag:$0x1] =	stream.indirect.gather [hbm4b:s4+s15], $0x80, s12, s15, $0xb8;
	[tilespmem:$0x1F380] =	vst v63  }
0x154: {  	_ =	swait.ge [sflag:s28], $0x2800  }
0x155: {  	[sflag:s28] =	ssyncset.done $0x0  }
0x156: {  	s21 =	simm.s32 $0xA80;
	[sflag:s28] =	ssyncadd.s32 $0xFFFFD800  }
0x157: {  	[spmem:s2] =	stream.indirect.scatter.add.f32 [tilespmem:s19], [sflag:$0x7], $0x80, s21, s15, $0xb8;
	[tilespmem:$0x1F380] =	vst v63  }
0x158: {  	_ =	swait.ge [sflag:s30], $0x2800  }
0x159: {  	[sflag:s30] =	ssyncset.done $0x0  }
0x15a: {  	s24 =	rddreg [dreg:$0x6];
	[sflag:s30] =	ssyncadd.s32 $0xFFFFD800  }
0x15b: {  	[tilespmem:s17], [sflag:$0x2] =	stream.indirect.gather [hbm4b:s4+s15], $0x80, s24, s15, $0xb8;
	[tilespmem:$0x1F380] =	vst v63  }
0x15c: {  	_ =	swait.ge [sflag:s0], $0x2800  }
0x15d: {  	[sflag:s0] =	ssyncset.done $0x0  }
0x15e: {  	s26 =	simm.s32 $0xB00;
	[sflag:s0] =	ssyncadd.s32 $0xFFFFD800  }
0x15f: {  	[spmem:s2] =	stream.indirect.scatter.add.f32 [tilespmem:s22], [sflag:$0x8], $0x80, s26, s15, $0xb8;
	[tilespmem:$0x1F380] =	vst v63  }
0x160: {  	_ =	swait.ge [sflag:s5], $0x2800  }
0x161: {  	[sflag:s5] =	ssyncset.done $0x0  }
0x162: {  	s1 =	rddreg [dreg:$0x7];
	[sflag:s5] =	ssyncadd.s32 $0xFFFFD800  }
0x163: {  	[tilespmem:s19], [sflag:$0x3] =	stream.indirect.gather [hbm4b:s4+s15], $0x80, s1, s15, $0xb8;
	[tilespmem:$0x1F380] =	vst v63  }
0x164: {  	_ =	swait.ge [sflag:s20], $0x2800  }
0x165: {  	[sflag:s20] =	ssyncset.done $0x0  }
0x166: {  	s6 =	rddreg [dreg:$0x8];
	[sflag:s20] =	ssyncadd.s32 $0xFFFFD800  }
0x167: {  	[spmem:s2] =	stream.indirect.scatter.add.f32 [tilespmem:s16], [sflag:$0x5], $0x80, s6, s15, $0xb8;
	[tilespmem:$0x1F380] =	vst v63  }
0x168: {  	_ =	swait.ge [sflag:s8], $0x2800  }
0x169: {  	[sflag:s8] =	ssyncset.done $0x0  }
0x16a: {  	s7 =	rddreg [dreg:$0x9];
	[sflag:s8] =	ssyncadd.s32 $0xFFFFD800  }
0x16b: {  	[tilespmem:s22], [sflag:$0x4] =	stream.indirect.gather [hbm4b:s4+s15], $0x80, s7, s15, $0xb8;
	[tilespmem:$0x1F380] =	vst v63  }
0x16c: {  	_ =	swait.ge [sflag:s23], $0x2800  }
0x16d: {  	[sflag:s23] =	ssyncset.done $0x0  }
0x16e: {  	s9 =	rddreg [dreg:$0xa];
	[sflag:s23] =	ssyncadd.s32 $0xFFFFD800  }
0x16f: {  	[spmem:s2] =	stream.indirect.scatter.add.f32 [tilespmem:s17], [sflag:$0x6], $0x80, s9, s15, $0xb8;
	[tilespmem:$0x1F380] =	vst v63  }
0x170: {  	_ =	swait.ge [sflag:s25], $0x2800  }
0x171: {  	[sflag:s25] =	ssyncset.done $0x0  }
0x172: {  	s10 =	rddreg [dreg:$0xb];
	[sflag:s25] =	ssyncadd.s32 $0xFFFFD800  }
0x173: {  	[tilespmem:s16], [sflag:$0x1] =	stream.indirect.gather [hbm4b:s4+s15], $0x80, s10, s15, $0xb8;
	[tilespmem:$0x1F380] =	vst v63  }
0x174: {  	_ =	swait.ge [sflag:s28], $0x2800  }
0x175: {  	[sflag:s28] =	ssyncset.done $0x0  }
0x176: {  	s11 =	rddreg [dreg:$0xc];
	[sflag:s28] =	ssyncadd.s32 $0xFFFFD800  }
0x177: {  	[spmem:s2] =	stream.indirect.scatter.add.f32 [tilespmem:s19], [sflag:$0x7], $0x80, s11, s15, $0xb8;
	[tilespmem:$0x1F380] =	vst v63  }
0x178: {  	_ =	swait.ge [sflag:s30], $0x2800  }
0x179: {  	[sflag:s30] =	ssyncset.done $0x0  }
0x17a: {  	s12 =	rddreg [dreg:$0xd];
	[sflag:s30] =	ssyncadd.s32 $0xFFFFD800  }
0x17b: {  	[tilespmem:s17], [sflag:$0x2] =	stream.indirect.gather [hbm4b:s4+s15], $0x80, s12, s15, $0xb8;
	[tilespmem:$0x1F380] =	vst v63  }
0x17c: {  	_ =	swait.ge [sflag:s0], $0x2800  }
0x17d: {  	[sflag:s0] =	ssyncset.done $0x0  }
0x17e: {  	s21 =	rddreg [dreg:$0xe];
	[sflag:s0] =	ssyncadd.s32 $0xFFFFD800  }
0x17f: {  	[spmem:s2] =	stream.indirect.scatter.add.f32 [tilespmem:s22], [sflag:$0x8], $0x80, s21, s15, $0xb8;
	[tilespmem:$0x1F380] =	vst v63  }
0x180: {  	_ =	swait.ge [sflag:s5], $0x2800  }
0x181: {  	[sflag:s5] =	ssyncset.done $0x0  }
0x182: {  	s24 =	rddreg [dreg:$0xf];
	[sflag:s5] =	ssyncadd.s32 $0xFFFFD800  }
0x183: {  	[tilespmem:s19], [sflag:$0x3] =	stream.indirect.gather [hbm4b:s4+s15], $0x80, s24, s15, $0xb8;
	[tilespmem:$0x1F380] =	vst v63  }
0x184: {  	_ =	swait.ge [sflag:s20], $0x2800  }
0x185: {  	[sflag:s20] =	ssyncset.done $0x0  }
0x186: {  	s26 =	rddreg [dreg:$0x10];
	[sflag:s20] =	ssyncadd.s32 $0xFFFFD800  }
0x187: {  	[spmem:s2] =	stream.indirect.scatter.add.f32 [tilespmem:s16], [sflag:$0x5], $0x80, s26, s15, $0xb8;
	[tilespmem:$0x1F380] =	vst v63  }
0x188: {  	_ =	swait.ge [sflag:s8], $0x2800  }
0x189: {  	[sflag:s8] =	ssyncset.done $0x0  }
0x18a: {  	s1 =	rddreg [dreg:$0x11];
	[sflag:s8] =	ssyncadd.s32 $0xFFFFD800  }
0x18b: {  	[tilespmem:s22], [sflag:$0x4] =	stream.indirect.gather [hbm4b:s4+s15], $0x80, s1, s15, $0xb8;
	[tilespmem:$0x1F380] =	vst v63  }
0x18c: {  	_ =	swait.ge [sflag:s23], $0x2800  }
0x18d: {  	[sflag:s23] =	ssyncset.done $0x0  }
0x18e: {  	s6 =	rddreg [dreg:$0x12];
	[sflag:s23] =	ssyncadd.s32 $0xFFFFD800  }
0x18f: {  	[spmem:s2] =	stream.indirect.scatter.add.f32 [tilespmem:s17], [sflag:$0x6], $0x80, s6, s15, $0xb8;
	[tilespmem:$0x1F380] =	vst v63  }
0x190: {  	_ =	swait.ge [sflag:s25], $0x2800  }
0x191: {  	[sflag:s25] =	ssyncset.done $0x0  }
0x192: {  	s7 =	rddreg [dreg:$0x13];
	[sflag:s25] =	ssyncadd.s32 $0xFFFFD800  }
0x193: {  	[tilespmem:s16], [sflag:$0x1] =	stream.indirect.gather [hbm4b:s4+s15], $0x80, s7, s15, $0xb8;
	[tilespmem:$0x1F380] =	vst v63  }
0x194: {  	_ =	swait.ge [sflag:s28], $0x2800  }
0x195: {  	[sflag:s28] =	ssyncset.done $0x0  }
0x196: {  	s9 =	rddreg [dreg:$0x14];
	[sflag:s28] =	ssyncadd.s32 $0xFFFFD800  }
0x197: {  	[spmem:s2] =	stream.indirect.scatter.add.f32 [tilespmem:s19], [sflag:$0x7], $0x80, s9, s15, $0xb8;
	[tilespmem:$0x1F380] =	vst v63  }
0x198: {  	_ =	swait.ge [sflag:s30], $0x2800  }
0x199: {  	[sflag:s30] =	ssyncset.done $0x0  }
0x19a: {  	s10 =	rddreg [dreg:$0x15];
	[sflag:s30] =	ssyncadd.s32 $0xFFFFD800  }
0x19b: {  	[tilespmem:s17], [sflag:$0x2] =	stream.indirect.gather [hbm4b:s4+s15], $0x80, s10, s15, $0xb8;
	[tilespmem:$0x1F380] =	vst v63  }
0x19c: {  	_ =	swait.ge [sflag:s0], $0x2800  }
0x19d: {  	[sflag:s0] =	ssyncset.done $0x0  }
0x19e: {  	s11 =	rddreg [dreg:$0x16];
	[sflag:s0] =	ssyncadd.s32 $0xFFFFD800  }
0x19f: {  	[spmem:s2] =	stream.indirect.scatter.add.f32 [tilespmem:s22], [sflag:$0x8], $0x80, s11, s15, $0xb8;
	[tilespmem:$0x1F380] =	vst v63  }
0x1a0: {  	_ =	swait.ge [sflag:s5], $0x2800  }
0x1a1: {  	[sflag:s5] =	ssyncset.done $0x0  }
0x1a2: {  	s12 =	rddreg [dreg:$0x17];
	[sflag:s5] =	ssyncadd.s32 $0xFFFFD800  }
0x1a3: {  	[tilespmem:s19], [sflag:$0x3] =	stream.indirect.gather [hbm4b:s4+s15], $0x80, s12, s15, $0xb8;
	[tilespmem:$0x1F380] =	vst v63  }
0x1a4: {  	_ =	swait.ge [sflag:s20], $0x2800  }
0x1a5: {  	[sflag:s20] =	ssyncset.done $0x0  }
0x1a6: {  	s21 =	rddreg [dreg:$0x18];
	[sflag:s20] =	ssyncadd.s32 $0xFFFFD800  }
0x1a7: {  	[spmem:s2] =	stream.indirect.scatter.add.f32 [tilespmem:s16], [sflag:$0x5], $0x80, s21, s15, $0xb8;
	[tilespmem:$0x1F380] =	vst v63  }
0x1a8: {  	_ =	swait.ge [sflag:s8], $0x2800  }
0x1a9: {  	[sflag:s8] =	ssyncset.done $0x0  }
0x1aa: {  	s24 =	rddreg [dreg:$0x19];
	[sflag:s8] =	ssyncadd.s32 $0xFFFFD800  }
0x1ab: {  	[tilespmem:s22], [sflag:$0x4] =	stream.indirect.gather [hbm4b:s4+s15], $0x80, s24, s15, $0xb8;
	[tilespmem:$0x1F380] =	vst v63  }
0x1ac: {  	_ =	swait.ge [sflag:s23], $0x2800  }
0x1ad: {  	[sflag:s23] =	ssyncset.done $0x0  }
0x1ae: {  	s26 =	rddreg [dreg:$0x1a];
	[sflag:s23] =	ssyncadd.s32 $0xFFFFD800  }
0x1af: {  	[spmem:s2] =	stream.indirect.scatter.add.f32 [tilespmem:s17], [sflag:$0x6], $0x80, s26, s15, $0xb8;
	[tilespmem:$0x1F380] =	vst v63  }
0x1b0: {  	_ =	swait.ge [sflag:s25], $0x2800  }
0x1b1: {  	[sflag:s25] =	ssyncset.done $0x0  }
0x1b2: {  	s1 =	rddreg [dreg:$0x1b];
	[sflag:s25] =	ssyncadd.s32 $0xFFFFD800  }
0x1b3: {  	[tilespmem:s16], [sflag:$0x1] =	stream.indirect.gather [hbm4b:s4+s15], $0x80, s1, s15, $0xb8;
	[tilespmem:$0x1F380] =	vst v63  }
0x1b4: {  	_ =	swait.ge [sflag:s28], $0x2800  }
0x1b5: {  	[sflag:s28] =	ssyncset.done $0x0  }
0x1b6: {  	s6 =	rddreg [dreg:$0x1c];
	[sflag:s28] =	ssyncadd.s32 $0xFFFFD800  }
0x1b7: {  	[spmem:s2] =	stream.indirect.scatter.add.f32 [tilespmem:s19], [sflag:$0x7], $0x80, s6, s15, $0xb8;
	[tilespmem:$0x1F380] =	vst v63  }
0x1b8: {  	_ =	swait.ge [sflag:s30], $0x2800  }
0x1b9: {  	[sflag:s30] =	ssyncset.done $0x0  }
0x1ba: {  	s7 =	rddreg [dreg:$0x1d];
	[sflag:s30] =	ssyncadd.s32 $0xFFFFD800  }
0x1bb: {  	[tilespmem:s17], [sflag:$0x2] =	stream.indirect.gather [hbm4b:s4+s15], $0x80, s7, s15, $0xb8;
	[tilespmem:$0x1F380] =	vst v63  }
0x1bc: {  	_ =	swait.ge [sflag:s0], $0x2800  }
0x1bd: {  	[sflag:s0] =	ssyncset.done $0x0  }
0x1be: {  	s9 =	rddreg [dreg:$0x1e];
	[sflag:s0] =	ssyncadd.s32 $0xFFFFD800  }
0x1bf: {  	[spmem:s2] =	stream.indirect.scatter.add.f32 [tilespmem:s22], [sflag:$0x8], $0x80, s9, s15, $0xb8;
	[tilespmem:$0x1F380] =	vst v63  }
0x1c0: {  	_ =	swait.ge [sflag:s5], $0x2800  }
0x1c1: {  	[sflag:s5] =	ssyncset.done $0x0  }
0x1c2: {  	s10 =	rddreg [dreg:$0x1f];
	[sflag:s5] =	ssyncadd.s32 $0xFFFFD800  }
0x1c3: {  	[tilespmem:s19], [sflag:$0x3] =	stream.indirect.gather [hbm4b:s4+s15], $0x80, s10, s15, $0xb8;
	[tilespmem:$0x1F380] =	vst v63  }
0x1c4: {  	_ =	swait.ge [sflag:s20], $0x2800  }
0x1c5: {  	s11 =	sld [smem:$0x7F7]  }
0x1c6: {  	[sflag:s20] =	ssyncset.done $0x0  }
0x1c7: {  	[sflag:s20] =	ssyncadd.s32 $0xFFFFD800  }
0x1c8: {  	[spmem:s2] =	stream.indirect.scatter.add.f32 [tilespmem:s16], [sflag:$0x5], $0x80, s11, s15, $0xb8;
	[tilespmem:$0x1F380] =	vst v63  }
0x1c9: {  	_ =	swait.ge [sflag:s8], $0x2800  }
0x1ca: {  	s12 =	sld [smem:$0x7F8]  }
0x1cb: {  	[sflag:s8] =	ssyncset.done $0x0  }
0x1cc: {  	[sflag:s8] =	ssyncadd.s32 $0xFFFFD800  }
0x1cd: {  	[tilespmem:s22], [sflag:$0x4] =	stream.indirect.gather [hbm4b:s4+s15], $0x80, s12, s15, $0xb8;
	[tilespmem:$0x1F380] =	vst v63  }
0x1ce: {  	_ =	swait.ge [sflag:s23], $0x2800  }
0x1cf: {  	s21 =	sld [smem:$0x7F9]  }
0x1d0: {  	[sflag:s23] =	ssyncset.done $0x0  }
0x1d1: {  	[sflag:s23] =	ssyncadd.s32 $0xFFFFD800  }
0x1d2: {  	[spmem:s2] =	stream.indirect.scatter.add.f32 [tilespmem:s17], [sflag:$0x6], $0x80, s21, s15, $0xb8;
	[tilespmem:$0x1F380] =	vst v63  }
0x1d3: {  	_ =	swait.ge [sflag:s25], $0x2800  }
0x1d4: {  	[sflag:s25] =	ssyncset.done $0x0  }
0x1d5: {  	[sflag:s25] =	ssyncadd.s32 $0xFFFFD800  }
0x1d6: {  	_ =	swait.ge [sflag:s28], $0x2800  }
0x1d7: {  	s24 =	sld [smem:$0x7FA]  }
0x1d8: {  	[sflag:s28] =	ssyncset.done $0x0  }
0x1d9: {  	[sflag:s28] =	ssyncadd.s32 $0xFFFFD800  }
0x1da: {  	[spmem:s2] =	stream.indirect.scatter.add.f32 [tilespmem:s19], [sflag:$0x7], $0x80, s24, s15, $0xb8;
	[tilespmem:$0x1F380] =	vst v63  }
0x1db: {  	_ =	swait.ge [sflag:s30], $0x2800  }
0x1dc: {  	[sflag:s30] =	ssyncset.done $0x0  }
0x1dd: {  	[sflag:s30] =	ssyncadd.s32 $0xFFFFD800  }
0x1de: {  	_ =	swait.ge [sflag:s0], $0x2800  }
0x1df: {  	s26 =	sld [smem:$0x7FB]  }
0x1e0: {  	[sflag:s0] =	ssyncset.done $0x0  }
0x1e1: {  	s18 =	smov.u32 s29;
	s31 =	simm.s32 $0xA0;
	[sflag:s0] =	ssyncadd.s32 $0xFFFFD800  }
0x1e2: {  	[spmem:s2] =	stream.indirect.scatter.add.f32 [tilespmem:s22], [sflag:$0x8], $0x80, s26, s15, $0xb8;
	[tilespmem:$0x1F380] =	vst v63  }
0x1e3: {  	s1 =	simm.s32 $0xF0;
	s6 =	simm.s32 $0x800;
	_ =	swait.ge [sflag:s5], $0x2800  }
0x1e4: {  	s7 =	simm.s32 $0x140;
	s9 =	simm.s32 $0x880;
	[sflag:s5] =	ssyncset.done $0x0  }
0x1e5: {  	s10 =	simm.s32 $0x190;
	s11 =	simm.s32 $0x900;
	[sflag:s5] =	ssyncadd.s32 $0xFFFFD800  }
0x1e6: {  	s12 =	simm.s32 $0x1E0;
	s21 =	simm.s32 $0xF0;
	_ =	swait.ge [sflag:s8], $0x2800  }
0x1e7: {  	s24 =	simm.s32 $0x1E0;
	s26 =	rddreg [dreg:$0x4];
	[sflag:s8] =	ssyncset.done $0x0  }
.LBB2_6:
0x1e8: {  	[sflag:s8] =	ssyncadd.s32 $0xFFFFD800;
	s26 =	sadd.s32 s21, s26  }
0x1e9: {  	[tilespmem:s3], [sflag:$0x9] =	stream.linear.gather [hbm4b:s26+s3], $0x780, $0x38;
	[tilespmem:$0x1F380] =	vst v63  }
0x1ea: {  	_ =	swait.ge [sflag:s13], $0x780  }
0x1eb: {  	[sflag:s13] =	ssyncset.done $0x0  }
0x1ec: {  	s18 =	sadd.s32 $0x180, s18;
	[sflag:s13] =	ssyncadd.s32 $0xFFFFF880  }
0x1ed: {  	[tilespmem:s14], [sflag:$0x9] =	stream.linear.gather [hbm4b:s18+s3], $0xC00, $0x38;
	[tilespmem:$0x1F380] =	vst v63  }
0x1ee: {  	_ =	swait.ge [sflag:s13], $0xC00  }
0x1ef: {  	[sflag:s13] =	ssyncset.done $0x0  }
0x1f0: {  	[sflag:s13] =	ssyncadd.s32 $0xFFFFF400  }
0x1f1: {  	[tilespmem:s16], [sflag:$0x1] =	stream.indirect.gather [hbm4b:s4+s15], $0x80, s3, s15, $0xb8;
	[tilespmem:$0x1F380] =	vst v63  }
0x1f2: {  	_ = 	snop  }
0x1f3: {  	[tilespmem:s17], [sflag:$0x2] =	stream.indirect.gather [hbm4b:s4+s15], $0x80, s15, s15, $0xb8;
	[tilespmem:$0x1F380] =	vst v63  }
0x1f4: {  	_ = 	snop  }
0x1f5: {  	[tilespmem:s19], [sflag:$0x3] =	stream.indirect.gather [hbm4b:s4+s15], $0x80, s31, s15, $0xb8;
	[tilespmem:$0x1F380] =	vst v63  }
0x1f6: {  	_ =	swait.ge [sflag:s20], $0x2800  }
0x1f7: {  	[sflag:s20] =	ssyncset.done $0x0  }
0x1f8: {  	[sflag:s20] =	ssyncadd.s32 $0xFFFFD800  }
0x1f9: {  	[spmem:s2] =	stream.indirect.scatter.add.f32 [tilespmem:s16], [sflag:$0x5], $0x80, s14, s15, $0xb8;
	[tilespmem:$0x1F380] =	vst v63  }
0x1fa: {  	_ = 	snop  }
0x1fb: {  	[tilespmem:s22], [sflag:$0x4] =	stream.indirect.gather [hbm4b:s4+s15], $0x80, s1, s15, $0xb8;
	[tilespmem:$0x1F380] =	vst v63  }
0x1fc: {  	_ =	swait.ge [sflag:s23], $0x2800  }
0x1fd: {  	[sflag:s23] =	ssyncset.done $0x0  }
0x1fe: {  	[sflag:s23] =	ssyncadd.s32 $0xFFFFD800  }
0x1ff: {  	[spmem:s2] =	stream.indirect.scatter.add.f32 [tilespmem:s17], [sflag:$0x6], $0x80, s6, s15, $0xb8;
	[tilespmem:$0x1F380] =	vst v63  }
0x200: {  	_ =	swait.ge [sflag:s25], $0x2800  }
0x201: {  	[sflag:s25] =	ssyncset.done $0x0  }
0x202: {  	[sflag:s25] =	ssyncadd.s32 $0xFFFFD800  }
0x203: {  	[tilespmem:s16], [sflag:$0x1] =	stream.indirect.gather [hbm4b:s4+s15], $0x80, s7, s15, $0xb8;
	[tilespmem:$0x1F380] =	vst v63  }
0x204: {  	_ =	swait.ge [sflag:s28], $0x2800  }
0x205: {  	[sflag:s28] =	ssyncset.done $0x0  }
0x206: {  	[sflag:s28] =	ssyncadd.s32 $0xFFFFD800  }
0x207: {  	[spmem:s2] =	stream.indirect.scatter.add.f32 [tilespmem:s19], [sflag:$0x7], $0x80, s9, s15, $0xb8;
	[tilespmem:$0x1F380] =	vst v63  }
0x208: {  	_ =	swait.ge [sflag:s30], $0x2800  }
0x209: {  	[sflag:s30] =	ssyncset.done $0x0  }
0x20a: {  	[sflag:s30] =	ssyncadd.s32 $0xFFFFD800  }
0x20b: {  	[tilespmem:s17], [sflag:$0x2] =	stream.indirect.gather [hbm4b:s4+s15], $0x80, s10, s15, $0xb8;
	[tilespmem:$0x1F380] =	vst v63  }
0x20c: {  	_ =	swait.ge [sflag:s0], $0x2800  }
0x20d: {  	[sflag:s0] =	ssyncset.done $0x0  }
0x20e: {  	[sflag:s0] =	ssyncadd.s32 $0xFFFFD800  }
0x20f: {  	[spmem:s2] =	stream.indirect.scatter.add.f32 [tilespmem:s22], [sflag:$0x8], $0x80, s11, s15, $0xb8;
	[tilespmem:$0x1F380] =	vst v63  }
0x210: {  	_ =	swait.ge [sflag:s5], $0x2800  }
0x211: {  	[sflag:s5] =	ssyncset.done $0x0  }
0x212: {  	[sflag:s5] =	ssyncadd.s32 $0xFFFFD800  }
0x213: {  	[tilespmem:s19], [sflag:$0x3] =	stream.indirect.gather [hbm4b:s4+s15], $0x80, s12, s15, $0xb8;
	[tilespmem:$0x1F380] =	vst v63  }
0x214: {  	_ =	swait.ge [sflag:s20], $0x2800  }
0x215: {  	s29 =	smov.u32 s24;
	[sflag:s20] =	ssyncset.done $0x0  }
0x216: {  	s21 =	smov.u32 s29;
	s29 =	simm.s32 $0x980;
	[sflag:s20] =	ssyncadd.s32 $0xFFFFD800  }
0x217: {  	[spmem:s2] =	stream.indirect.scatter.add.f32 [tilespmem:s16], [sflag:$0x5], $0x80, s29, s15, $0xb8;
	[tilespmem:$0x1F380] =	vst v63  }
0x218: {  	_ =	swait.ge [sflag:s8], $0x2800  }
0x219: {  	[sflag:s8] =	ssyncset.done $0x0  }
0x21a: {  	s29 =	simm.s32 $0x230;
	[sflag:s8] =	ssyncadd.s32 $0xFFFFD800  }
0x21b: {  	[tilespmem:s22], [sflag:$0x4] =	stream.indirect.gather [hbm4b:s4+s15], $0x80, s29, s15, $0xb8;
	[tilespmem:$0x1F380] =	vst v63  }
0x21c: {  	_ =	swait.ge [sflag:s23], $0x2800  }
0x21d: {  	[sflag:s23] =	ssyncset.done $0x0  }
0x21e: {  	s29 =	simm.s32 $0xA00;
	[sflag:s23] =	ssyncadd.s32 $0xFFFFD800  }
0x21f: {  	[spmem:s2] =	stream.indirect.scatter.add.f32 [tilespmem:s17], [sflag:$0x6], $0x80, s29, s15, $0xb8;
	[tilespmem:$0x1F380] =	vst v63  }
0x220: {  	_ =	swait.ge [sflag:s25], $0x2800  }
0x221: {  	[sflag:s25] =	ssyncset.done $0x0  }
0x222: {  	s29 =	rddreg [dreg:$0x5];
	[sflag:s25] =	ssyncadd.s32 $0xFFFFD800  }
0x223: {  	[tilespmem:s16], [sflag:$0x1] =	stream.indirect.gather [hbm4b:s4+s15], $0x80, s29, s15, $0xb8;
	[tilespmem:$0x1F380] =	vst v63  }
0x224: {  	_ =	swait.ge [sflag:s28], $0x2800  }
0x225: {  	[sflag:s28] =	ssyncset.done $0x0  }
0x226: {  	s29 =	simm.s32 $0xA80;
	[sflag:s28] =	ssyncadd.s32 $0xFFFFD800  }
0x227: {  	[spmem:s2] =	stream.indirect.scatter.add.f32 [tilespmem:s19], [sflag:$0x7], $0x80, s29, s15, $0xb8;
	[tilespmem:$0x1F380] =	vst v63  }
0x228: {  	_ =	swait.ge [sflag:s30], $0x2800  }
0x229: {  	[sflag:s30] =	ssyncset.done $0x0  }
0x22a: {  	s29 =	rddreg [dreg:$0x6];
	[sflag:s30] =	ssyncadd.s32 $0xFFFFD800  }
0x22b: {  	[tilespmem:s17], [sflag:$0x2] =	stream.indirect.gather [hbm4b:s4+s15], $0x80, s29, s15, $0xb8;
	[tilespmem:$0x1F380] =	vst v63  }
0x22c: {  	_ =	swait.ge [sflag:s0], $0x2800  }
0x22d: {  	[sflag:s0] =	ssyncset.done $0x0  }
0x22e: {  	s29 =	simm.s32 $0xB00;
	[sflag:s0] =	ssyncadd.s32 $0xFFFFD800  }
0x22f: {  	[spmem:s2] =	stream.indirect.scatter.add.f32 [tilespmem:s22], [sflag:$0x8], $0x80, s29, s15, $0xb8;
	[tilespmem:$0x1F380] =	vst v63  }
0x230: {  	_ =	swait.ge [sflag:s5], $0x2800  }
0x231: {  	[sflag:s5] =	ssyncset.done $0x0  }
0x232: {  	s29 =	rddreg [dreg:$0x7];
	[sflag:s5] =	ssyncadd.s32 $0xFFFFD800  }
0x233: {  	[tilespmem:s19], [sflag:$0x3] =	stream.indirect.gather [hbm4b:s4+s15], $0x80, s29, s15, $0xb8;
	[tilespmem:$0x1F380] =	vst v63  }
0x234: {  	_ =	swait.ge [sflag:s20], $0x2800  }
0x235: {  	[sflag:s20] =	ssyncset.done $0x0  }
0x236: {  	s29 =	rddreg [dreg:$0x8];
	[sflag:s20] =	ssyncadd.s32 $0xFFFFD800  }
0x237: {  	[spmem:s2] =	stream.indirect.scatter.add.f32 [tilespmem:s16], [sflag:$0x5], $0x80, s29, s15, $0xb8;
	[tilespmem:$0x1F380] =	vst v63  }
0x238: {  	_ =	swait.ge [sflag:s8], $0x2800  }
0x239: {  	[sflag:s8] =	ssyncset.done $0x0  }
0x23a: {  	s29 =	rddreg [dreg:$0x9];
	[sflag:s8] =	ssyncadd.s32 $0xFFFFD800  }
0x23b: {  	[tilespmem:s22], [sflag:$0x4] =	stream.indirect.gather [hbm4b:s4+s15], $0x80, s29, s15, $0xb8;
	[tilespmem:$0x1F380] =	vst v63  }
0x23c: {  	_ =	swait.ge [sflag:s23], $0x2800  }
0x23d: {  	[sflag:s23] =	ssyncset.done $0x0  }
0x23e: {  	s29 =	rddreg [dreg:$0xa];
	[sflag:s23] =	ssyncadd.s32 $0xFFFFD800  }
0x23f: {  	[spmem:s2] =	stream.indirect.scatter.add.f32 [tilespmem:s17], [sflag:$0x6], $0x80, s29, s15, $0xb8;
	[tilespmem:$0x1F380] =	vst v63  }
0x240: {  	_ =	swait.ge [sflag:s25], $0x2800  }
0x241: {  	[sflag:s25] =	ssyncset.done $0x0  }
0x242: {  	s29 =	rddreg [dreg:$0xb];
	[sflag:s25] =	ssyncadd.s32 $0xFFFFD800  }
0x243: {  	[tilespmem:s16], [sflag:$0x1] =	stream.indirect.gather [hbm4b:s4+s15], $0x80, s29, s15, $0xb8;
	[tilespmem:$0x1F380] =	vst v63  }
0x244: {  	_ =	swait.ge [sflag:s28], $0x2800  }
0x245: {  	[sflag:s28] =	ssyncset.done $0x0  }
0x246: {  	s29 =	rddreg [dreg:$0xc];
	[sflag:s28] =	ssyncadd.s32 $0xFFFFD800  }
0x247: {  	[spmem:s2] =	stream.indirect.scatter.add.f32 [tilespmem:s19], [sflag:$0x7], $0x80, s29, s15, $0xb8;
	[tilespmem:$0x1F380] =	vst v63  }
0x248: {  	_ =	swait.ge [sflag:s30], $0x2800  }
0x249: {  	[sflag:s30] =	ssyncset.done $0x0  }
0x24a: {  	s29 =	rddreg [dreg:$0xd];
	[sflag:s30] =	ssyncadd.s32 $0xFFFFD800  }
0x24b: {  	[tilespmem:s17], [sflag:$0x2] =	stream.indirect.gather [hbm4b:s4+s15], $0x80, s29, s15, $0xb8;
	[tilespmem:$0x1F380] =	vst v63  }
0x24c: {  	_ =	swait.ge [sflag:s0], $0x2800  }
0x24d: {  	[sflag:s0] =	ssyncset.done $0x0  }
0x24e: {  	s29 =	rddreg [dreg:$0xe];
	[sflag:s0] =	ssyncadd.s32 $0xFFFFD800  }
0x24f: {  	[spmem:s2] =	stream.indirect.scatter.add.f32 [tilespmem:s22], [sflag:$0x8], $0x80, s29, s15, $0xb8;
	[tilespmem:$0x1F380] =	vst v63  }
0x250: {  	_ =	swait.ge [sflag:s5], $0x2800  }
0x251: {  	[sflag:s5] =	ssyncset.done $0x0  }
0x252: {  	s29 =	rddreg [dreg:$0xf];
	[sflag:s5] =	ssyncadd.s32 $0xFFFFD800  }
0x253: {  	[tilespmem:s19], [sflag:$0x3] =	stream.indirect.gather [hbm4b:s4+s15], $0x80, s29, s15, $0xb8;
	[tilespmem:$0x1F380] =	vst v63  }
0x254: {  	_ =	swait.ge [sflag:s20], $0x2800  }
0x255: {  	[sflag:s20] =	ssyncset.done $0x0  }
0x256: {  	s29 =	rddreg [dreg:$0x10];
	[sflag:s20] =	ssyncadd.s32 $0xFFFFD800  }
0x257: {  	[spmem:s2] =	stream.indirect.scatter.add.f32 [tilespmem:s16], [sflag:$0x5], $0x80, s29, s15, $0xb8;
	[tilespmem:$0x1F380] =	vst v63  }
0x258: {  	_ =	swait.ge [sflag:s8], $0x2800  }
0x259: {  	[sflag:s8] =	ssyncset.done $0x0  }
0x25a: {  	s29 =	rddreg [dreg:$0x11];
	[sflag:s8] =	ssyncadd.s32 $0xFFFFD800  }
0x25b: {  	[tilespmem:s22], [sflag:$0x4] =	stream.indirect.gather [hbm4b:s4+s15], $0x80, s29, s15, $0xb8;
	[tilespmem:$0x1F380] =	vst v63  }
0x25c: {  	_ =	swait.ge [sflag:s23], $0x2800  }
0x25d: {  	[sflag:s23] =	ssyncset.done $0x0  }
0x25e: {  	s29 =	rddreg [dreg:$0x12];
	[sflag:s23] =	ssyncadd.s32 $0xFFFFD800  }
0x25f: {  	[spmem:s2] =	stream.indirect.scatter.add.f32 [tilespmem:s17], [sflag:$0x6], $0x80, s29, s15, $0xb8;
	[tilespmem:$0x1F380] =	vst v63  }
0x260: {  	_ =	swait.ge [sflag:s25], $0x2800  }
0x261: {  	[sflag:s25] =	ssyncset.done $0x0  }
0x262: {  	s29 =	rddreg [dreg:$0x13];
	[sflag:s25] =	ssyncadd.s32 $0xFFFFD800  }
0x263: {  	[tilespmem:s16], [sflag:$0x1] =	stream.indirect.gather [hbm4b:s4+s15], $0x80, s29, s15, $0xb8;
	[tilespmem:$0x1F380] =	vst v63  }
0x264: {  	_ =	swait.ge [sflag:s28], $0x2800  }
0x265: {  	[sflag:s28] =	ssyncset.done $0x0  }
0x266: {  	s29 =	rddreg [dreg:$0x14];
	[sflag:s28] =	ssyncadd.s32 $0xFFFFD800  }
0x267: {  	[spmem:s2] =	stream.indirect.scatter.add.f32 [tilespmem:s19], [sflag:$0x7], $0x80, s29, s15, $0xb8;
	[tilespmem:$0x1F380] =	vst v63  }
0x268: {  	_ =	swait.ge [sflag:s30], $0x2800  }
0x269: {  	[sflag:s30] =	ssyncset.done $0x0  }
0x26a: {  	s29 =	rddreg [dreg:$0x15];
	[sflag:s30] =	ssyncadd.s32 $0xFFFFD800  }
0x26b: {  	[tilespmem:s17], [sflag:$0x2] =	stream.indirect.gather [hbm4b:s4+s15], $0x80, s29, s15, $0xb8;
	[tilespmem:$0x1F380] =	vst v63  }
0x26c: {  	_ =	swait.ge [sflag:s0], $0x2800  }
0x26d: {  	[sflag:s0] =	ssyncset.done $0x0  }
0x26e: {  	s29 =	rddreg [dreg:$0x16];
	[sflag:s0] =	ssyncadd.s32 $0xFFFFD800  }
0x26f: {  	[spmem:s2] =	stream.indirect.scatter.add.f32 [tilespmem:s22], [sflag:$0x8], $0x80, s29, s15, $0xb8;
	[tilespmem:$0x1F380] =	vst v63  }
0x270: {  	_ =	swait.ge [sflag:s5], $0x2800  }
0x271: {  	[sflag:s5] =	ssyncset.done $0x0  }
0x272: {  	s29 =	rddreg [dreg:$0x17];
	[sflag:s5] =	ssyncadd.s32 $0xFFFFD800  }
0x273: {  	[tilespmem:s19], [sflag:$0x3] =	stream.indirect.gather [hbm4b:s4+s15], $0x80, s29, s15, $0xb8;
	[tilespmem:$0x1F380] =	vst v63  }
0x274: {  	_ =	swait.ge [sflag:s20], $0x2800  }
0x275: {  	[sflag:s20] =	ssyncset.done $0x0  }
0x276: {  	s29 =	rddreg [dreg:$0x18];
	[sflag:s20] =	ssyncadd.s32 $0xFFFFD800  }
0x277: {  	[spmem:s2] =	stream.indirect.scatter.add.f32 [tilespmem:s16], [sflag:$0x5], $0x80, s29, s15, $0xb8;
	[tilespmem:$0x1F380] =	vst v63  }
0x278: {  	_ =	swait.ge [sflag:s8], $0x2800  }
0x279: {  	[sflag:s8] =	ssyncset.done $0x0  }
0x27a: {  	s29 =	rddreg [dreg:$0x19];
	[sflag:s8] =	ssyncadd.s32 $0xFFFFD800  }
0x27b: {  	[tilespmem:s22], [sflag:$0x4] =	stream.indirect.gather [hbm4b:s4+s15], $0x80, s29, s15, $0xb8;
	[tilespmem:$0x1F380] =	vst v63  }
0x27c: {  	_ =	swait.ge [sflag:s23], $0x2800  }
0x27d: {  	[sflag:s23] =	ssyncset.done $0x0  }
0x27e: {  	s29 =	rddreg [dreg:$0x1a];
	[sflag:s23] =	ssyncadd.s32 $0xFFFFD800  }
0x27f: {  	[spmem:s2] =	stream.indirect.scatter.add.f32 [tilespmem:s17], [sflag:$0x6], $0x80, s29, s15, $0xb8;
	[tilespmem:$0x1F380] =	vst v63  }
0x280: {  	_ =	swait.ge [sflag:s25], $0x2800  }
0x281: {  	[sflag:s25] =	ssyncset.done $0x0  }
0x282: {  	s29 =	rddreg [dreg:$0x1b];
	[sflag:s25] =	ssyncadd.s32 $0xFFFFD800  }
0x283: {  	[tilespmem:s16], [sflag:$0x1] =	stream.indirect.gather [hbm4b:s4+s15], $0x80, s29, s15, $0xb8;
	[tilespmem:$0x1F380] =	vst v63  }
0x284: {  	_ =	swait.ge [sflag:s28], $0x2800  }
0x285: {  	[sflag:s28] =	ssyncset.done $0x0  }
0x286: {  	s29 =	rddreg [dreg:$0x1c];
	[sflag:s28] =	ssyncadd.s32 $0xFFFFD800  }
0x287: {  	[spmem:s2] =	stream.indirect.scatter.add.f32 [tilespmem:s19], [sflag:$0x7], $0x80, s29, s15, $0xb8;
	[tilespmem:$0x1F380] =	vst v63  }
0x288: {  	_ =	swait.ge [sflag:s30], $0x2800  }
0x289: {  	[sflag:s30] =	ssyncset.done $0x0  }
0x28a: {  	s29 =	rddreg [dreg:$0x1d];
	[sflag:s30] =	ssyncadd.s32 $0xFFFFD800  }
0x28b: {  	[tilespmem:s17], [sflag:$0x2] =	stream.indirect.gather [hbm4b:s4+s15], $0x80, s29, s15, $0xb8;
	[tilespmem:$0x1F380] =	vst v63  }
0x28c: {  	_ =	swait.ge [sflag:s0], $0x2800  }
0x28d: {  	[sflag:s0] =	ssyncset.done $0x0  }
0x28e: {  	s29 =	rddreg [dreg:$0x1e];
	[sflag:s0] =	ssyncadd.s32 $0xFFFFD800  }
0x28f: {  	[spmem:s2] =	stream.indirect.scatter.add.f32 [tilespmem:s22], [sflag:$0x8], $0x80, s29, s15, $0xb8;
	[tilespmem:$0x1F380] =	vst v63  }
0x290: {  	_ =	swait.ge [sflag:s5], $0x2800  }
0x291: {  	[sflag:s5] =	ssyncset.done $0x0  }
0x292: {  	s29 =	rddreg [dreg:$0x1f];
	[sflag:s5] =	ssyncadd.s32 $0xFFFFD800  }
0x293: {  	[tilespmem:s19], [sflag:$0x3] =	stream.indirect.gather [hbm4b:s4+s15], $0x80, s29, s15, $0xb8;
	[tilespmem:$0x1F380] =	vst v63  }
0x294: {  	_ =	swait.ge [sflag:s20], $0x2800  }
0x295: {  	s29 =	sld [smem:$0x7F7]  }
0x296: {  	[sflag:s20] =	ssyncset.done $0x0  }
0x297: {  	[sflag:s20] =	ssyncadd.s32 $0xFFFFD800  }
0x298: {  	[spmem:s2] =	stream.indirect.scatter.add.f32 [tilespmem:s16], [sflag:$0x5], $0x80, s29, s15, $0xb8;
	[tilespmem:$0x1F380] =	vst v63  }
0x299: {  	_ =	swait.ge [sflag:s8], $0x2800  }
0x29a: {  	s29 =	sld [smem:$0x7F8]  }
0x29b: {  	[sflag:s8] =	ssyncset.done $0x0  }
0x29c: {  	[sflag:s8] =	ssyncadd.s32 $0xFFFFD800  }
0x29d: {  	[tilespmem:s22], [sflag:$0x4] =	stream.indirect.gather [hbm4b:s4+s15], $0x80, s29, s15, $0xb8;
	[tilespmem:$0x1F380] =	vst v63  }
0x29e: {  	_ =	swait.ge [sflag:s23], $0x2800  }
0x29f: {  	s29 =	sld [smem:$0x7F9]  }
0x2a0: {  	[sflag:s23] =	ssyncset.done $0x0  }
0x2a1: {  	[sflag:s23] =	ssyncadd.s32 $0xFFFFD800  }
0x2a2: {  	[spmem:s2] =	stream.indirect.scatter.add.f32 [tilespmem:s17], [sflag:$0x6], $0x80, s29, s15, $0xb8;
	[tilespmem:$0x1F380] =	vst v63  }
0x2a3: {  	_ =	swait.ge [sflag:s25], $0x2800  }
0x2a4: {  	[sflag:s25] =	ssyncset.done $0x0  }
0x2a5: {  	[sflag:s25] =	ssyncadd.s32 $0xFFFFD800  }
0x2a6: {  	_ =	swait.ge [sflag:s28], $0x2800  }
0x2a7: {  	s29 =	sld [smem:$0x7FA]  }
0x2a8: {  	[sflag:s28] =	ssyncset.done $0x0  }
0x2a9: {  	[sflag:s28] =	ssyncadd.s32 $0xFFFFD800  }
0x2aa: {  	[spmem:s2] =	stream.indirect.scatter.add.f32 [tilespmem:s19], [sflag:$0x7], $0x80, s29, s15, $0xb8;
	[tilespmem:$0x1F380] =	vst v63  }
0x2ab: {  	_ =	swait.ge [sflag:s30], $0x2800  }
0x2ac: {  	[sflag:s30] =	ssyncset.done $0x0  }
0x2ad: {  	[sflag:s30] =	ssyncadd.s32 $0xFFFFD800  }
0x2ae: {  	_ =	swait.ge [sflag:s0], $0x2800  }
0x2af: {  	s29 =	sld [smem:$0x7FB]  }
0x2b0: {  	[sflag:s0] =	ssyncset.done $0x0  }
0x2b1: {  	p1 =	seq.s32 s24, $0x690;
	[sflag:s0] =	ssyncadd.s32 $0xFFFFD800  }
0x2b2: {  	[spmem:s2] =	stream.indirect.scatter.add.f32 [tilespmem:s22], [sflag:$0x8], $0x80, s29, s15, $0xb8;
	[tilespmem:$0x1F380] =	vst v63  }
.Ltmp3:
0x2b3: {  	_ =	swait.ge [sflag:s5], $0x2800;
	(pc) =	sbr.rel @!p1 .LBB2_6-.Ltmp3, $4  }
0x2b4: {  	[sflag:s5] =	ssyncset.done $0x0  }
0x2b5: {  	[sflag:s5] =	ssyncadd.s32 $0xFFFFD800  }
0x2b6: {  	_ =	swait.ge [sflag:s8], $0x2800  }
0x2b7: {  	s24 =	sadd.s32 $0xF0, s24;
	s26 =	rddreg [dreg:$0x4];
	[sflag:s8] =	ssyncset.done $0x0  }
.Ltmp4:
0x2b8: {  	_ = 	snop;
	(pc) =	sbr.rel .LBB2_7-.Ltmp4, $1  }
0x2b9: {  	_ =	sdelay $0x3  }
.LBB2_2:
0x2ba: {  	s18 =	sld [smem:$0x7F1];
	_ =	sdelay $0x2  }
0x2bb: {  	[spmem:s24], [sflag:s21] =	dma.local [hbm:s18], $0x2800  }
0x2bc: {  	_ =	swait.ge [sflag:s13], $0x2800  }
0x2bd: {  	[sflag:s13] =	ssyncset.done $0x0  }
0x2be: {  	[sflag:s13] =	ssyncadd.s32 $0xFFFFD800  }
0x2bf: {  	[bflag:$0x0] =	sbarrier.arrive $0xFFFF  }
0x2c0: {  	s24 =	rddreg [dreg:$0x3]  }
0x2c1: {  	s18 =	sadd.s32 $0x0, s24  }
0x2c2: {  	[tilespmem:s3], [sflag:$0x9] =	stream.linear.gather [hbm4b:s18+s3], $0x280, $0x38;
	[tilespmem:$0x1F380] =	vst v63  }
0x2c3: {  	_ =	swait.ge [sflag:s13], $0x280  }
0x2c4: {  	s21 =	sld [smem:$0x7F6]  }
0x2c5: {  	[sflag:s13] =	ssyncset.done $0x0  }
0x2c6: {  	[sflag:s13] =	ssyncadd.s32 $0xFFFFFD80  }
0x2c7: {  	[tilespmem:s14], [sflag:$0x9] =	stream.linear.gather [hbm4b:s21+s3], $0x400, $0x38;
	[tilespmem:$0x1F380] =	vst v63  }
0x2c8: {  	_ =	swait.ge [sflag:s13], $0x400  }
0x2c9: {  	[sflag:s13] =	ssyncset.done $0x0  }
0x2ca: {  	[sflag:s13] =	ssyncadd.s32 $0xFFFFFC00  }
0x2cb: {  	[tilespmem:s16], [sflag:$0x1] =	stream.indirect.gather [hbm4b:s4+s15], $0x80, s3, s15, $0xb8;
	[tilespmem:$0x1F380] =	vst v63  }
0x2cc: {  	_ = 	snop  }
0x2cd: {  	[tilespmem:s17], [sflag:$0x2] =	stream.indirect.gather [hbm4b:s4+s15], $0x80, s15, s15, $0xb8;
	[tilespmem:$0x1F380] =	vst v63  }
0x2ce: {  	_ = 	snop  }
0x2cf: {  	[tilespmem:s19], [sflag:$0x3] =	stream.indirect.gather [hbm4b:s4+s15], $0x80, s26, s15, $0xb8;
	[tilespmem:$0x1F380] =	vst v63  }
0x2d0: {  	_ =	swait.ge [sflag:s20], $0x2800  }
0x2d1: {  	[sflag:s20] =	ssyncset.done $0x0  }
0x2d2: {  	[sflag:s20] =	ssyncadd.s32 $0xFFFFD800  }
0x2d3: {  	[spmem:s2] =	stream.indirect.scatter.add.f32 [tilespmem:s16], [sflag:$0x5], $0x80, s14, s15, $0xb8;
	[tilespmem:$0x1F380] =	vst v63  }
0x2d4: {  	_ = 	snop  }
0x2d5: {  	[tilespmem:s22], [sflag:$0x4] =	stream.indirect.gather [hbm4b:s4+s15], $0x80, s1, s15, $0xb8;
	[tilespmem:$0x1F380] =	vst v63  }
0x2d6: {  	_ =	swait.ge [sflag:s23], $0x2800  }
0x2d7: {  	[sflag:s23] =	ssyncset.done $0x0  }
0x2d8: {  	[sflag:s23] =	ssyncadd.s32 $0xFFFFD800  }
0x2d9: {  	[spmem:s2] =	stream.indirect.scatter.add.f32 [tilespmem:s17], [sflag:$0x6], $0x80, s6, s15, $0xb8;
	[tilespmem:$0x1F380] =	vst v63  }
0x2da: {  	_ =	swait.ge [sflag:s25], $0x2800  }
0x2db: {  	[sflag:s25] =	ssyncset.done $0x0  }
0x2dc: {  	[sflag:s25] =	ssyncadd.s32 $0xFFFFD800  }
0x2dd: {  	[tilespmem:s16], [sflag:$0x1] =	stream.indirect.gather [hbm4b:s4+s15], $0x80, s7, s15, $0xb8;
	[tilespmem:$0x1F380] =	vst v63  }
0x2de: {  	_ =	swait.ge [sflag:s28], $0x2800  }
0x2df: {  	[sflag:s28] =	ssyncset.done $0x0  }
0x2e0: {  	[sflag:s28] =	ssyncadd.s32 $0xFFFFD800  }
0x2e1: {  	[spmem:s2] =	stream.indirect.scatter.add.f32 [tilespmem:s19], [sflag:$0x7], $0x80, s9, s15, $0xb8;
	[tilespmem:$0x1F380] =	vst v63  }
0x2e2: {  	_ =	swait.ge [sflag:s30], $0x2800  }
0x2e3: {  	[sflag:s30] =	ssyncset.done $0x0  }
0x2e4: {  	[sflag:s30] =	ssyncadd.s32 $0xFFFFD800  }
0x2e5: {  	[tilespmem:s17], [sflag:$0x2] =	stream.indirect.gather [hbm4b:s4+s15], $0x80, s10, s15, $0xb8;
	[tilespmem:$0x1F380] =	vst v63  }
0x2e6: {  	_ =	swait.ge [sflag:s0], $0x2800  }
0x2e7: {  	[sflag:s0] =	ssyncset.done $0x0  }
0x2e8: {  	[sflag:s0] =	ssyncadd.s32 $0xFFFFD800  }
0x2e9: {  	[spmem:s2] =	stream.indirect.scatter.add.f32 [tilespmem:s22], [sflag:$0x8], $0x80, s11, s15, $0xb8;
	[tilespmem:$0x1F380] =	vst v63  }
0x2ea: {  	_ =	swait.ge [sflag:s5], $0x2800  }
0x2eb: {  	[sflag:s5] =	ssyncset.done $0x0  }
0x2ec: {  	[sflag:s5] =	ssyncadd.s32 $0xFFFFD800  }
0x2ed: {  	[tilespmem:s19], [sflag:$0x3] =	stream.indirect.gather [hbm4b:s4+s15], $0x80, s12, s15, $0xb8;
	[tilespmem:$0x1F380] =	vst v63  }
0x2ee: {  	_ =	swait.ge [sflag:s20], $0x2800  }
0x2ef: {  	[sflag:s20] =	ssyncset.done $0x0  }
0x2f0: {  	[sflag:s20] =	ssyncadd.s32 $0xFFFFD800  }
0x2f1: {  	[spmem:s2] =	stream.indirect.scatter.add.f32 [tilespmem:s16], [sflag:$0x5], $0x80, s31, s15, $0xb8;
	[tilespmem:$0x1F380] =	vst v63  }
0x2f2: {  	_ =	swait.ge [sflag:s8], $0x2800  }
0x2f3: {  	[sflag:s8] =	ssyncset.done $0x0  }
0x2f4: {  	s29 =	simm.s32 $0x230;
	[sflag:s8] =	ssyncadd.s32 $0xFFFFD800  }
0x2f5: {  	[tilespmem:s22], [sflag:$0x4] =	stream.indirect.gather [hbm4b:s4+s15], $0x80, s29, s15, $0xb8;
	[tilespmem:$0x1F380] =	vst v63  }
0x2f6: {  	_ =	swait.ge [sflag:s23], $0x2800  }
0x2f7: {  	[sflag:s23] =	ssyncset.done $0x0  }
0x2f8: {  	s24 =	simm.s32 $0xA00;
	[sflag:s23] =	ssyncadd.s32 $0xFFFFD800  }
0x2f9: {  	[spmem:s2] =	stream.indirect.scatter.add.f32 [tilespmem:s17], [sflag:$0x6], $0x80, s24, s15, $0xb8;
	[tilespmem:$0x1F380] =	vst v63  }
0x2fa: {  	_ =	swait.ge [sflag:s25], $0x2800  }
0x2fb: {  	[sflag:s25] =	ssyncset.done $0x0  }
0x2fc: {  	[sflag:s25] =	ssyncadd.s32 $0xFFFFD800  }
0x2fd: {  	_ =	swait.ge [sflag:s28], $0x2800  }
0x2fe: {  	[sflag:s28] =	ssyncset.done $0x0  }
0x2ff: {  	s26 =	simm.s32 $0xA80;
	[sflag:s28] =	ssyncadd.s32 $0xFFFFD800  }
0x300: {  	[spmem:s2] =	stream.indirect.scatter.add.f32 [tilespmem:s19], [sflag:$0x7], $0x80, s26, s15, $0xb8;
	[tilespmem:$0x1F380] =	vst v63  }
0x301: {  	_ =	swait.ge [sflag:s30], $0x2800  }
0x302: {  	[sflag:s30] =	ssyncset.done $0x0  }
0x303: {  	[sflag:s30] =	ssyncadd.s32 $0xFFFFD800  }
0x304: {  	_ =	swait.ge [sflag:s0], $0x2800  }
0x305: {  	[sflag:s0] =	ssyncset.done $0x0  }
0x306: {  	s29 =	simm.s32 $0xB00;
	[sflag:s0] =	ssyncadd.s32 $0xFFFFD800  }
0x307: {  	[spmem:s2] =	stream.indirect.scatter.add.f32 [tilespmem:s22], [sflag:$0x8], $0x80, s29, s15, $0xb8;
	[tilespmem:$0x1F380] =	vst v63  }
0x308: {  	_ =	swait.ge [sflag:s5], $0x2800  }
0x309: {  	[sflag:s5] =	ssyncset.done $0x0  }
0x30a: {  	[sflag:s5] =	ssyncadd.s32 $0xFFFFD800  }
0x30b: {  	_ =	swait.ge [sflag:s8], $0x2800  }
0x30c: {  	s18 =	simm.s32 $0x50;
	[sflag:s8] =	ssyncset.done $0x0  }
.LBB2_3:
0x30d: {  	s24 =	rddreg [dreg:$0x3];
	s26 =	smov.u32 s18  }
0x30e: {  	[sflag:s8] =	ssyncadd.s32 $0xFFFFD800;
	s24 =	sadd.s32 s26, s24  }
0x30f: {  	[tilespmem:s3], [sflag:$0x9] =	stream.linear.gather [hbm4b:s24+s3], $0x280, $0x38;
	[tilespmem:$0x1F380] =	vst v63  }
0x310: {  	_ =	swait.ge [sflag:s13], $0x280  }
0x311: {  	[sflag:s13] =	ssyncset.done $0x0  }
0x312: {  	s21 =	sadd.s32 $0x80, s21;
	[sflag:s13] =	ssyncadd.s32 $0xFFFFFD80  }
0x313: {  	[tilespmem:s14], [sflag:$0x9] =	stream.linear.gather [hbm4b:s21+s3], $0x400, $0x38;
	[tilespmem:$0x1F380] =	vst v63  }
0x314: {  	_ =	swait.ge [sflag:s13], $0x400  }
0x315: {  	[sflag:s13] =	ssyncset.done $0x0  }
0x316: {  	[sflag:s13] =	ssyncadd.s32 $0xFFFFFC00  }
0x317: {  	[tilespmem:s16], [sflag:$0x1] =	stream.indirect.gather [hbm4b:s4+s15], $0x80, s3, s15, $0xb8;
	[tilespmem:$0x1F380] =	vst v63  }
0x318: {  	_ = 	snop  }
0x319: {  	[tilespmem:s17], [sflag:$0x2] =	stream.indirect.gather [hbm4b:s4+s15], $0x80, s15, s15, $0xb8;
	[tilespmem:$0x1F380] =	vst v63  }
0x31a: {  	s26 =	simm.s32 $0xA0  }
0x31b: {  	[tilespmem:s19], [sflag:$0x3] =	stream.indirect.gather [hbm4b:s4+s15], $0x80, s26, s15, $0xb8;
	[tilespmem:$0x1F380] =	vst v63  }
0x31c: {  	_ =	swait.ge [sflag:s20], $0x2800  }
0x31d: {  	[sflag:s20] =	ssyncset.done $0x0  }
0x31e: {  	[sflag:s20] =	ssyncadd.s32 $0xFFFFD800  }
0x31f: {  	[spmem:s2] =	stream.indirect.scatter.add.f32 [tilespmem:s16], [sflag:$0x5], $0x80, s14, s15, $0xb8;
	[tilespmem:$0x1F380] =	vst v63  }
0x320: {  	_ = 	snop  }
0x321: {  	[tilespmem:s22], [sflag:$0x4] =	stream.indirect.gather [hbm4b:s4+s15], $0x80, s1, s15, $0xb8;
	[tilespmem:$0x1F380] =	vst v63  }
0x322: {  	_ =	swait.ge [sflag:s23], $0x2800  }
0x323: {  	[sflag:s23] =	ssyncset.done $0x0  }
0x324: {  	[sflag:s23] =	ssyncadd.s32 $0xFFFFD800  }
0x325: {  	[spmem:s2] =	stream.indirect.scatter.add.f32 [tilespmem:s17], [sflag:$0x6], $0x80, s6, s15, $0xb8;
	[tilespmem:$0x1F380] =	vst v63  }
0x326: {  	_ =	swait.ge [sflag:s25], $0x2800  }
0x327: {  	[sflag:s25] =	ssyncset.done $0x0  }
0x328: {  	[sflag:s25] =	ssyncadd.s32 $0xFFFFD800  }
0x329: {  	[tilespmem:s16], [sflag:$0x1] =	stream.indirect.gather [hbm4b:s4+s15], $0x80, s7, s15, $0xb8;
	[tilespmem:$0x1F380] =	vst v63  }
0x32a: {  	_ =	swait.ge [sflag:s28], $0x2800  }
0x32b: {  	[sflag:s28] =	ssyncset.done $0x0  }
0x32c: {  	[sflag:s28] =	ssyncadd.s32 $0xFFFFD800  }
0x32d: {  	[spmem:s2] =	stream.indirect.scatter.add.f32 [tilespmem:s19], [sflag:$0x7], $0x80, s9, s15, $0xb8;
	[tilespmem:$0x1F380] =	vst v63  }
0x32e: {  	_ =	swait.ge [sflag:s30], $0x2800  }
0x32f: {  	[sflag:s30] =	ssyncset.done $0x0  }
0x330: {  	[sflag:s30] =	ssyncadd.s32 $0xFFFFD800  }
0x331: {  	[tilespmem:s17], [sflag:$0x2] =	stream.indirect.gather [hbm4b:s4+s15], $0x80, s10, s15, $0xb8;
	[tilespmem:$0x1F380] =	vst v63  }
0x332: {  	_ =	swait.ge [sflag:s0], $0x2800  }
0x333: {  	[sflag:s0] =	ssyncset.done $0x0  }
0x334: {  	[sflag:s0] =	ssyncadd.s32 $0xFFFFD800  }
0x335: {  	[spmem:s2] =	stream.indirect.scatter.add.f32 [tilespmem:s22], [sflag:$0x8], $0x80, s11, s15, $0xb8;
	[tilespmem:$0x1F380] =	vst v63  }
0x336: {  	_ =	swait.ge [sflag:s5], $0x2800  }
0x337: {  	[sflag:s5] =	ssyncset.done $0x0  }
0x338: {  	[sflag:s5] =	ssyncadd.s32 $0xFFFFD800  }
0x339: {  	[tilespmem:s19], [sflag:$0x3] =	stream.indirect.gather [hbm4b:s4+s15], $0x80, s12, s15, $0xb8;
	[tilespmem:$0x1F380] =	vst v63  }
0x33a: {  	_ =	swait.ge [sflag:s20], $0x2800  }
0x33b: {  	[sflag:s20] =	ssyncset.done $0x0  }
0x33c: {  	[sflag:s20] =	ssyncadd.s32 $0xFFFFD800  }
0x33d: {  	[spmem:s2] =	stream.indirect.scatter.add.f32 [tilespmem:s16], [sflag:$0x5], $0x80, s31, s15, $0xb8;
	[tilespmem:$0x1F380] =	vst v63  }
0x33e: {  	_ =	swait.ge [sflag:s8], $0x2800  }
0x33f: {  	[sflag:s8] =	ssyncset.done $0x0  }
0x340: {  	s29 =	simm.s32 $0x230;
	[sflag:s8] =	ssyncadd.s32 $0xFFFFD800  }
0x341: {  	[tilespmem:s22], [sflag:$0x4] =	stream.indirect.gather [hbm4b:s4+s15], $0x80, s29, s15, $0xb8;
	[tilespmem:$0x1F380] =	vst v63  }
0x342: {  	_ =	swait.ge [sflag:s23], $0x2800  }
0x343: {  	[sflag:s23] =	ssyncset.done $0x0  }
0x344: {  	s29 =	simm.s32 $0xA00;
	[sflag:s23] =	ssyncadd.s32 $0xFFFFD800  }
0x345: {  	[spmem:s2] =	stream.indirect.scatter.add.f32 [tilespmem:s17], [sflag:$0x6], $0x80, s29, s15, $0xb8;
	[tilespmem:$0x1F380] =	vst v63  }
0x346: {  	_ =	swait.ge [sflag:s25], $0x2800  }
0x347: {  	[sflag:s25] =	ssyncset.done $0x0  }
0x348: {  	[sflag:s25] =	ssyncadd.s32 $0xFFFFD800  }
0x349: {  	_ =	swait.ge [sflag:s28], $0x2800  }
0x34a: {  	[sflag:s28] =	ssyncset.done $0x0  }
0x34b: {  	s29 =	simm.s32 $0xA80;
	[sflag:s28] =	ssyncadd.s32 $0xFFFFD800  }
0x34c: {  	[spmem:s2] =	stream.indirect.scatter.add.f32 [tilespmem:s19], [sflag:$0x7], $0x80, s29, s15, $0xb8;
	[tilespmem:$0x1F380] =	vst v63  }
0x34d: {  	_ =	swait.ge [sflag:s30], $0x2800  }
0x34e: {  	[sflag:s30] =	ssyncset.done $0x0  }
0x34f: {  	[sflag:s30] =	ssyncadd.s32 $0xFFFFD800  }
0x350: {  	_ =	swait.ge [sflag:s0], $0x2800  }
0x351: {  	[sflag:s0] =	ssyncset.done $0x0  }
0x352: {  	p1 =	sne.s32 s18, $0x230;
	s29 =	simm.s32 $0xB00;
	[sflag:s0] =	ssyncadd.s32 $0xFFFFD800  }
0x353: {  	[spmem:s2] =	stream.indirect.scatter.add.f32 [tilespmem:s22], [sflag:$0x8], $0x80, s29, s15, $0xb8;
	[tilespmem:$0x1F380] =	vst v63  }
.Ltmp5:
0x354: {  	_ =	swait.ge [sflag:s5], $0x2800;
	(pc) =	sbr.rel @p1 .LBB2_3-.Ltmp5, $4  }
0x355: {  	[sflag:s5] =	ssyncset.done $0x0  }
0x356: {  	[sflag:s5] =	ssyncadd.s32 $0xFFFFD800  }
0x357: {  	_ =	swait.ge [sflag:s8], $0x2800  }
0x358: {  	s18 =	sadd.s32 $0x50, s18;
	[sflag:s8] =	ssyncset.done $0x0  }
.Ltmp6:
0x359: {  	(pc) =	sbr.rel .LBB2_8-.Ltmp6, $3  }
0x35a: {  	_ =	sdelay $0x1  }
0x35b: {  	s29 =	sld [smem:$0x7F0]  }
0x35c: {  	[sflag:s8] =	ssyncadd.s32 $0xFFFFD800;
	s18 =	sld [smem:$0x7F3]  }
.LBB2_9:
0x35d: {  	_ =	sfence.sel $0x180000  }
0x35e: {  	[bflag:$0x0] =	sbarrier.arrive $0xFFFF  }
0x35f: {  	_ =	strace $0x90000047  }
0x360: {  	s0 =	stileid.u32;
	[bflag:$0x2] =	sbarrier.arrive $0xFFFF  }
0x361: {  	p0 =	sne.s32 s0, $0x0;
	s0 =	rddreg [dreg:$0x2]  }
0x362: {  	s0 =	sadd.s32 @!p0 $0x100000, s0  }
0x363: {  	[sflag:s0] =	ssyncadd.tile.s32 @!p0 $0x1;
	_ =	shalt  }
.Lfunc_end2:
_tile_overlayer_lowered:
.L_overlay_start_2:
0x364: {  	(tag) =	ssettag $0x2  }
0x365: {  	s0 =	rddreg [dreg:$0x0];
	s2 =	stileid.u32  }
0x366: {  	s1 =	rddreg [dreg:$0x1];
	p0 =	sne.s32 s2, $0x0  }
0x367: {  	s3 =	rddreg [dreg:$0x2];
	[bflag:$0x3] =	sbarrier.arrive $0xFFFF;
	s2 =	simm.s32 @!p0 $0x1C09  }
0x368: {  	[timem:s3], [sflag:s2] =	dma.local @!p0 [hbm:s0], s1  }
0x369: {  	s0 =	simm.s32 @!p0 $0x9  }
0x36a: {  	_ =	swait.ge @!p0 [sflag:s0], s1  }
0x36b: {  	s1 =	ssub.s32 @!p0 $0x0, s1;
	[sflag:s0] =	ssyncset.done @!p0 $0x0  }
0x36c: {  	[sflag:s0] =	ssyncadd.s32 @!p0 s1  }
0x36d: {  	[bflag:$0x3] =	sbarrier.arrive $0xFFFF  }
0x36e: {  	_ =	shalt  }

</sc_bundles>
